<compile_context>
chip_gen: v7x
topology: tpu7x:2x2x1
jax: 0.10.2.dev20260603
libtpu: 0.0.44.dev20260713+nightly
codegen_flags: <defaults>
</compile_context>

<pallas_src>
import functools

import jax
import jax.numpy as jnp
from jax import lax
from jax.experimental import pallas as pl
from jax.experimental.pallas import tpu as pltpu
from jax.experimental.pallas import tpu_sc as plsc

K = 1024
D = 1024
DDEC = 256
HALF = DDEC // 2
B = 16384

NC, NS = 2, 16
NW = NC * NS
B_PER_W = B // NW
CH = 128
L = 16


def _table_body(emb_ref, w_ref, b_ref, out_ref):
    acc = jnp.dot(emb_ref[...].astype(jnp.bfloat16),
                  w_ref[...].astype(jnp.bfloat16),
                  preferred_element_type=jnp.float32)
    t = jnp.tanh(acc + b_ref[...])
    lo = lax.bitcast_convert_type(t[:, :HALF].astype(jnp.bfloat16),
                                  jnp.uint16).astype(jnp.uint32)
    hi = lax.bitcast_convert_type(t[:, HALF:].astype(jnp.bfloat16),
                                  jnp.uint16).astype(jnp.uint32)
    out_ref[...] = lax.bitcast_convert_type(lo | (hi << 16), jnp.int32)


def _build_table(embedding, W_dec, b_dec):
    return pl.pallas_call(
        _table_body,
        out_shape=jax.ShapeDtypeStruct((K, HALF), jnp.int32),
    )(embedding, W_dec, b_dec.reshape(1, DDEC))


CHUNKS = (32, 96, 128, 128, 96, 32)
OFFS = tuple(sum(CHUNKS[:i]) for i in range(len(CHUNKS)))
NCHUNK = len(CHUNKS)


def _gather_body(table_hbm, idx_hbm, out_hbm, idx_v, gb, fb, gsem, osem):
    wid = lax.axis_index("s") * NC + lax.axis_index("c")
    base = wid * B_PER_W
    pltpu.sync_copy(idx_hbm.at[pl.ds(base, B_PER_W)], idx_v)

    NGB = len(gb)

    def idx_slice(ci):
        return idx_v.at[pl.ds(OFFS[ci], CHUNKS[ci])]

    def fire_gather(ci, buf):
        pltpu.async_copy(
            table_hbm.at[idx_slice(ci)],
            gb[buf].at[pl.ds(0, CHUNKS[ci])], gsem[buf])

    def wait_gather(ci, buf):
        pltpu.make_async_copy(
            table_hbm.at[idx_slice(ci)],
            gb[buf].at[pl.ds(0, CHUNKS[ci])], gsem[buf]).wait()

    def fire_store(ci, buf):
        pltpu.async_copy(fb[buf].at[pl.ds(0, CHUNKS[ci])],
                         out_hbm.at[pl.ds(base + OFFS[ci], CHUNKS[ci])],
                         osem[buf])

    def wait_store(ci, buf):
        pltpu.make_async_copy(fb[buf].at[pl.ds(0, CHUNKS[ci])],
                              out_hbm.at[pl.ds(base + OFFS[ci], CHUNKS[ci])],
                              osem[buf]).wait()

    def convert(ci, gbuf, fbuf):
        g, f = gb[gbuf], fb[fbuf]

        @plsc.parallel_loop(0, CHUNKS[ci], 1, unroll=8)
        def row(r):
            for k in range(HALF // L):
                w = lax.bitcast_convert_type(g[r, pl.ds(k * L, L)],
                                             jnp.uint32)
                f[r, pl.ds(k * L, L)] = lax.bitcast_convert_type(
                    w << 16, jnp.float32)
                f[r, pl.ds(HALF + k * L, L)] = lax.bitcast_convert_type(
                    w & jnp.uint32(0xFFFF0000), jnp.float32)

    for ci in range(min(NGB, NCHUNK)):
        fire_gather(ci, ci % NGB)
    for ci in range(NCHUNK):
        g, f = ci % NGB, ci % 2
        wait_gather(ci, g)
        if ci >= 2:
            wait_store(ci - 2, f)
        convert(ci, g, f)
        fire_store(ci, f)
        if ci + NGB < NCHUNK:
            fire_gather(ci + NGB, g)
    for ci in range(NCHUNK - 2, NCHUNK):
        wait_store(ci, ci % 2)


@functools.partial(
    pl.kernel,
    mesh=plsc.VectorSubcoreMesh(core_axis_name="c", subcore_axis_name="s"),
    out_type=jax.ShapeDtypeStruct((B, DDEC), jnp.float32),
    scratch_types=[
        pltpu.VMEM((B_PER_W,), jnp.int32),
        pltpu.VMEM((CH, HALF), jnp.int32),
        pltpu.VMEM((CH, HALF), jnp.int32),
        pltpu.VMEM((CH, HALF), jnp.int32),
        pltpu.VMEM((CH, DDEC), jnp.float32),
        pltpu.VMEM((CH, DDEC), jnp.float32),
        pltpu.SemaphoreType.DMA,
        pltpu.SemaphoreType.DMA,
        pltpu.SemaphoreType.DMA,
        pltpu.SemaphoreType.DMA,
        pltpu.SemaphoreType.DMA,
    ],
)
def _gather_rows(table_hbm, idx_hbm, out_hbm, idx_v, gb0, gb1, gb2, fb0, fb1,
                 g0, g1, g2, o0, o1):
    _gather_body(table_hbm, idx_hbm, out_hbm, idx_v,
                 (gb0, gb1, gb2), (fb0, fb1), (g0, g1, g2), (o0, o1))


def kernel(encoding_indices, embedding, W_dec, b_dec):
    bs, m = encoding_indices.shape
    table = _build_table(embedding, W_dec, b_dec)
    flat_idx = encoding_indices.reshape(-1)
    out = _gather_rows(table, flat_idx)
    return out.reshape(bs, m, DDEC)

# --- scband reference (transcript-rebuilt; emitter-appended) ---
"""Pipeline reference for scband-rvaemodel-69252052681266 (READ-ONLY COPY).

The authoritative reference and input builder live on the scoring server;
editing this copy changes nothing except your own understanding.
"""

import jax, jax.numpy as jnp
import numpy as np

BS = 256
M = 64
K = 1024          # num_embeddings
D = 1024          # latent_channel (== K, forced by the view in forward)
DDEC = 256        # decoder output channel


def setup_inputs(seed: int = 0) -> dict:
    key = jax.random.key(seed)
    k1, k2, k3 = jax.random.split(key, 3)
    encoding_indices = jax.random.randint(k1, (BS, M), 0, K, dtype=jnp.int32)
    embedding = jax.random.normal(k2, (K, D), dtype=jnp.float32) * 0.02
    W_dec = jax.random.normal(k3, (K, DDEC), dtype=jnp.float32) * 0.02
    b_dec = jnp.zeros((DDEC,), dtype=jnp.float32)
    return {"encoding_indices": encoding_indices, "embedding": embedding, "W_dec": W_dec, "b_dec": b_dec}


def reference(encoding_indices, embedding, W_dec, b_dec):
    bs, m = encoding_indices.shape
    num_embeddings = embedding.shape[0]
    # flatten and build one-hot via scatter-overwrite (mirrors torch scatter_)
    flat = encoding_indices.reshape(-1)
    n = flat.shape[0]
    encodings = jnp.zeros((n, num_embeddings), dtype=jnp.float32)
    encodings = encodings.at[jnp.arange(n), flat].set(1.0)
    # quantize: one-hot @ codebook (an embedding gather expressed as matmul, kept faithful)
    quantized = jnp.matmul(encodings, embedding).reshape(bs, 8, 8, num_embeddings)
    quantized = jnp.transpose(quantized, (0, 3, 1, 2))  # [bs, K, 8, 8]
    # RVAEVectorDecoder stand-in: pointwise (1x1) linear decode per latent-grid token
    tokens = jnp.transpose(quantized.reshape(bs, num_embeddings, 64), (0, 2, 1))  # [bs, 64, K]
    sledge_vector = jnp.tanh(jnp.matmul(tokens, W_dec) + b_dec)  # [bs, 64, DDEC]
    return sledge_vector

if __name__ == "__main__":
    import jax
    _d = setup_inputs()
    print(jax.jit(kernel)(*tuple(_d.values())))

</pallas_src>

<mosaic_0001>
#map = affine_map<(d0, d1) -> (0, 0)>
#map1 = affine_map<(d0, d1) -> (0)>
module attributes {stable_mosaic.version = 14 : i64} {
  func.func @_gather_rows(%arg0: i32, %arg1: i32, %arg2: memref<1024x128xi32, #tpu.memory_space<hbm>>, %arg3: memref<16384xi32, #tpu.memory_space<hbm>>, %arg4: memref<16384x256xf32, #tpu.memory_space<hbm>>, %arg5: memref<512xi32, #tpu.memory_space<vmem>>, %arg6: memref<128x128xi32, #tpu.memory_space<vmem>>, %arg7: memref<128x128xi32, #tpu.memory_space<vmem>>, %arg8: memref<128x128xi32, #tpu.memory_space<vmem>>, %arg9: memref<128x256xf32, #tpu.memory_space<vmem>>, %arg10: memref<128x256xf32, #tpu.memory_space<vmem>>, %arg11: memref<!tpu.dma_semaphore, #tpu.memory_space<semaphore_mem>>, %arg12: memref<!tpu.dma_semaphore, #tpu.memory_space<semaphore_mem>>, %arg13: memref<!tpu.dma_semaphore, #tpu.memory_space<semaphore_mem>>, %arg14: memref<!tpu.dma_semaphore, #tpu.memory_space<semaphore_mem>>, %arg15: memref<!tpu.dma_semaphore, #tpu.memory_space<semaphore_mem>>) attributes {dimension_semantics = [#tpu.dimension_semantics<core_parallel>, #tpu.dimension_semantics<subcore_parallel>], iteration_bounds = array<i64: 2, 16>, scalar_prefetch = 0 : i64, scratch_operands = 11 : i64, tpu.core_type = #tpu.core_type<sc_vector_subcore>, window_params = [{transform_indices = #map}, {transform_indices = #map1}, {transform_indices = #map}]} {
    %mul3A = arith.constant 2 : i32
    %mul3A_0 = arith.muli %arg1, %mul3A : i32
    %add3A = arith.addi %mul3A_0, %arg0 : i32
    %mul3A_1 = arith.constant 512 : i32
    %mul3A_2 = arith.muli %add3A, %mul3A_1 : i32
    "tpu.region"() ({
      %run_scoped3A = tpu.sem_alloc : memref<!tpu.dma_semaphore, #tpu.memory_space<semaphore_mem>>
      %dma_start3A_258 = tpu.memref_slice %arg3[%mul3A_2] : memref<16384xi32, #tpu.memory_space<hbm>> -> memref<512xi32, #tpu.memory_space<hbm>>
      %dma_start3A_259 = tpu.memref_slice %arg3[%mul3A_2] : memref<16384xi32, #tpu.memory_space<hbm>> -> memref<512xi32, #tpu.memory_space<hbm>>
      tpu.enqueue_dma source(%dma_start3A_259 : memref<512xi32, #tpu.memory_space<hbm>>) target(%arg5 : memref<512xi32, #tpu.memory_space<vmem>>) target_semaphore(%run_scoped3A : memref<!tpu.dma_semaphore, #tpu.memory_space<semaphore_mem>>)
      %dma_wait3A_260 = tpu.memref_slice %arg3[%mul3A_2] : memref<16384xi32, #tpu.memory_space<hbm>> -> memref<512xi32, #tpu.memory_space<hbm>>
      %dma_wait3A_261 = tpu.memref_slice %arg3[%mul3A_2] : memref<16384xi32, #tpu.memory_space<hbm>> -> memref<512xi32, #tpu.memory_space<hbm>>
      tpu.wait_dma2 semaphore(%run_scoped3A : memref<!tpu.dma_semaphore, #tpu.memory_space<semaphore_mem>>) src(%dma_wait3A_261 : memref<512xi32, #tpu.memory_space<hbm>>) dst(%arg5 : memref<512xi32, #tpu.memory_space<vmem>>)
      tpu.yield
    }) : () -> ()
    %dma_start3A = arith.constant 0 : i32
    %dma_start3A_3 = arith.constant 0 : i32
    %dma_start3A_4 = tpu.memref_slice %arg6[%dma_start3A, %dma_start3A_3] : memref<128x128xi32, #tpu.memory_space<vmem>> -> memref<32x128xi32, #tpu.memory_space<vmem>>
    %dma_start3A_5 = arith.constant 0 : i32
    %dma_start3A_6 = tpu.memref_slice %arg5[%dma_start3A_5] : memref<512xi32, #tpu.memory_space<vmem>> -> memref<32xi32, #tpu.memory_space<vmem>>
    %dma_start3A_7 = arith.constant 0 : i32
    %dma_start3A_8 = arith.constant 0 : i32
    %dma_start3A_9 = tpu.memref_slice %arg2[%dma_start3A_7, %dma_start3A_8] : memref<1024x128xi32, #tpu.memory_space<hbm>> -> memref<1024x128xi32, #tpu.memory_space<hbm>>
    tpu.enqueue_indirect_dma source(%dma_start3A_9 : memref<1024x128xi32, #tpu.memory_space<hbm>>) target(%dma_start3A_4 : memref<32x128xi32, #tpu.memory_space<vmem>>) offsets(%dma_start3A_6 : memref<32xi32, #tpu.memory_space<vmem>>) semaphore(%arg11 : memref<!tpu.dma_semaphore, #tpu.memory_space<semaphore_mem>>)
    %dma_start3A_10 = arith.constant 0 : i32
    %dma_start3A_11 = arith.constant 0 : i32
    %dma_start3A_12 = tpu.memref_slice %arg7[%dma_start3A_10, %dma_start3A_11] : memref<128x128xi32, #tpu.memory_space<vmem>> -> memref<96x128xi32, #tpu.memory_space<vmem>>
    %dma_start3A_13 = arith.constant 32 : i32
    %dma_start3A_14 = tpu.memref_slice %arg5[%dma_start3A_13] : memref<512xi32, #tpu.memory_space<vmem>> -> memref<96xi32, #tpu.memory_space<vmem>>
    %dma_start3A_15 = arith.constant 0 : i32
    %dma_start3A_16 = arith.constant 0 : i32
    %dma_start3A_17 = tpu.memref_slice %arg2[%dma_start3A_15, %dma_start3A_16] : memref<1024x128xi32, #tpu.memory_space<hbm>> -> memref<1024x128xi32, #tpu.memory_space<hbm>>
    tpu.enqueue_indirect_dma source(%dma_start3A_17 : memref<1024x128xi32, #tpu.memory_space<hbm>>) target(%dma_start3A_12 : memref<96x128xi32, #tpu.memory_space<vmem>>) offsets(%dma_start3A_14 : memref<96xi32, #tpu.memory_space<vmem>>) semaphore(%arg12 : memref<!tpu.dma_semaphore, #tpu.memory_space<semaphore_mem>>)
    %dma_start3A_18 = arith.constant 0 : i32
    %dma_start3A_19 = arith.constant 0 : i32
    %dma_start3A_20 = tpu.memref_slice %arg8[%dma_start3A_18, %dma_start3A_19] : memref<128x128xi32, #tpu.memory_space<vmem>> -> memref<128x128xi32, #tpu.memory_space<vmem>>
    %dma_start3A_21 = arith.constant 128 : i32
    %dma_start3A_22 = tpu.memref_slice %arg5[%dma_start3A_21] : memref<512xi32, #tpu.memory_space<vmem>> -> memref<128xi32, #tpu.memory_space<vmem>>
    %dma_start3A_23 = arith.constant 0 : i32
    %dma_start3A_24 = arith.constant 0 : i32
    %dma_start3A_25 = tpu.memref_slice %arg2[%dma_start3A_23, %dma_start3A_24] : memref<1024x128xi32, #tpu.memory_space<hbm>> -> memref<1024x128xi32, #tpu.memory_space<hbm>>
    tpu.enqueue_indirect_dma source(%dma_start3A_25 : memref<1024x128xi32, #tpu.memory_space<hbm>>) target(%dma_start3A_20 : memref<128x128xi32, #tpu.memory_space<vmem>>) offsets(%dma_start3A_22 : memref<128xi32, #tpu.memory_space<vmem>>) semaphore(%arg13 : memref<!tpu.dma_semaphore, #tpu.memory_space<semaphore_mem>>)
    %dma_wait3A = arith.constant 0 : i32
    %dma_wait3A_26 = arith.constant 0 : i32
    %dma_wait3A_27 = tpu.memref_slice %arg6[%dma_wait3A, %dma_wait3A_26] : memref<128x128xi32, #tpu.memory_space<vmem>> -> memref<32x128xi32, #tpu.memory_space<vmem>>
    %dma_wait3A_28 = arith.constant 0 : i32
    %dma_wait3A_29 = tpu.memref_slice %arg5[%dma_wait3A_28] : memref<512xi32, #tpu.memory_space<vmem>> -> memref<32xi32, #tpu.memory_space<vmem>>
    %dma_wait3A_30 = arith.constant 0 : i32
    %dma_wait3A_31 = arith.constant 0 : i32
    %dma_wait3A_32 = tpu.memref_slice %arg2[%dma_wait3A_30, %dma_wait3A_31] : memref<1024x128xi32, #tpu.memory_space<hbm>> -> memref<1024x128xi32, #tpu.memory_space<hbm>>
    tpu.wait_indirect_dma semaphore(%arg11 : memref<!tpu.dma_semaphore, #tpu.memory_space<semaphore_mem>>) src(%dma_wait3A_32 : memref<1024x128xi32, #tpu.memory_space<hbm>>) dst(%dma_wait3A_27 : memref<32x128xi32, #tpu.memory_space<vmem>>)
    %parallel_loop3A = arith.constant 0 : i32
    %parallel_loop3A_33 = arith.constant 32 : i32
    %parallel_loop3A_34 = arith.constant 1 : i32
    scf.for %parallel_loop3A_258 = %parallel_loop3A to %parallel_loop3A_33 step %parallel_loop3A_34  : i32 {
      %parallel_loop3A_259 = arith.index_cast %parallel_loop3A_258 : i32 to index
      %parallel_loop3A_260 = arith.constant 0 : index
      %parallel_loop3A_261 = tpu.vector_load %arg6[%parallel_loop3A_259, %parallel_loop3A_260] {strides = array<i32>} : memref<128x128xi32, #tpu.memory_space<vmem>>, vector<1x16xi32>,
      %parallel_loop3A_262 = vector.shape_cast %parallel_loop3A_261 : vector<1x16xi32> to vector<16xi32>
      %parallel_loop3A_263 = tpu.bitcast %parallel_loop3A_262 : vector<16xi32> -> vector<16xi32>
      %parallel_loop3A_264 = arith.constant 16 : i32
      %parallel_loop3A_265 = vector.broadcast %parallel_loop3A_264 : i32 to vector<16xi32>
      %parallel_loop3A_266 = arith.shli %parallel_loop3A_263, %parallel_loop3A_265 : vector<16xi32>
      %parallel_loop3A_267 = tpu.bitcast %parallel_loop3A_266 : vector<16xi32> -> vector<16xf32>
      %parallel_loop3A_268 = arith.index_cast %parallel_loop3A_258 : i32 to index
      %parallel_loop3A_269 = arith.constant 0 : index
      %parallel_loop3A_270 = tpu.vector_load %arg9[%parallel_loop3A_268, %parallel_loop3A_269] {strides = array<i32>} : memref<128x256xf32, #tpu.memory_space<vmem>>, vector<1x16xf32>,
      %parallel_loop3A_271 = vector.shape_cast %parallel_loop3A_270 : vector<1x16xf32> to vector<16xf32>
      %parallel_loop3A_272 = vector.shape_cast %parallel_loop3A_267 : vector<16xf32> to vector<1x16xf32>
      tpu.vector_store %arg9[%parallel_loop3A_268, %parallel_loop3A_269], %parallel_loop3A_272 {strides = array<i32>} : memref<128x256xf32, #tpu.memory_space<vmem>>, vector<1x16xf32>,
      %parallel_loop3A_273 = arith.constant -65536 : i32
      %parallel_loop3A_274 = vector.broadcast %parallel_loop3A_273 : i32 to vector<16xi32>
      %parallel_loop3A_275 = arith.andi %parallel_loop3A_263, %parallel_loop3A_274 : vector<16xi32>
      %parallel_loop3A_276 = tpu.bitcast %parallel_loop3A_275 : vector<16xi32> -> vector<16xf32>
      %parallel_loop3A_277 = arith.index_cast %parallel_loop3A_258 : i32 to index
      %parallel_loop3A_278 = arith.constant 128 : index
      %parallel_loop3A_279 = tpu.vector_load %arg9[%parallel_loop3A_277, %parallel_loop3A_278] {strides = array<i32>} : memref<128x256xf32, #tpu.memory_space<vmem>>, vector<1x16xf32>,
      %parallel_loop3A_280 = vector.shape_cast %parallel_loop3A_279 : vector<1x16xf32> to vector<16xf32>
      %parallel_loop3A_281 = vector.shape_cast %parallel_loop3A_276 : vector<16xf32> to vector<1x16xf32>
      tpu.vector_store %arg9[%parallel_loop3A_277, %parallel_loop3A_278], %parallel_loop3A_281 {strides = array<i32>} : memref<128x256xf32, #tpu.memory_space<vmem>>, vector<1x16xf32>,
      %parallel_loop3A_282 = arith.index_cast %parallel_loop3A_258 : i32 to index
      %parallel_loop3A_283 = arith.constant 16 : index
      %parallel_loop3A_284 = tpu.vector_load %arg6[%parallel_loop3A_282, %parallel_loop3A_283] {strides = array<i32>} : memref<128x128xi32, #tpu.memory_space<vmem>>, vector<1x16xi32>,
      %parallel_loop3A_285 = vector.shape_cast %parallel_loop3A_284 : vector<1x16xi32> to vector<16xi32>
      %parallel_loop3A_286 = tpu.bitcast %parallel_loop3A_285 : vector<16xi32> -> vector<16xi32>
      %parallel_loop3A_287 = arith.constant 16 : i32
      %parallel_loop3A_288 = vector.broadcast %parallel_loop3A_287 : i32 to vector<16xi32>
      %parallel_loop3A_289 = arith.shli %parallel_loop3A_286, %parallel_loop3A_288 : vector<16xi32>
      %parallel_loop3A_290 = tpu.bitcast %parallel_loop3A_289 : vector<16xi32> -> vector<16xf32>
      %parallel_loop3A_291 = arith.index_cast %parallel_loop3A_258 : i32 to index
      %parallel_loop3A_292 = arith.constant 16 : index
      %parallel_loop3A_293 = tpu.vector_load %arg9[%parallel_loop3A_291, %parallel_loop3A_292] {strides = array<i32>} : memref<128x256xf32, #tpu.memory_space<vmem>>, vector<1x16xf32>,
      %parallel_loop3A_294 = vector.shape_cast %parallel_loop3A_293 : vector<1x16xf32> to vector<16xf32>
      %parallel_loop3A_295 = vector.shape_cast %parallel_loop3A_290 : vector<16xf32> to vector<1x16xf32>
      tpu.vector_store %arg9[%parallel_loop3A_291, %parallel_loop3A_292], %parallel_loop3A_295 {strides = array<i32>} : memref<128x256xf32, #tpu.memory_space<vmem>>, vector<1x16xf32>,
      %parallel_loop3A_296 = arith.constant -65536 : i32
      %parallel_loop3A_297 = vector.broadcast %parallel_loop3A_296 : i32 to vector<16xi32>
      %parallel_loop3A_298 = arith.andi %parallel_loop3A_286, %parallel_loop3A_297 : vector<16xi32>
      %parallel_loop3A_299 = tpu.bitcast %parallel_loop3A_298 : vector<16xi32> -> vector<16xf32>
      %parallel_loop3A_300 = arith.index_cast %parallel_loop3A_258 : i32 to index
      %parallel_loop3A_301 = arith.constant 144 : index
      %parallel_loop3A_302 = tpu.vector_load %arg9[%parallel_loop3A_300, %parallel_loop3A_301] {strides = array<i32>} : memref<128x256xf32, #tpu.memory_space<vmem>>, vector<1x16xf32>,
      %parallel_loop3A_303 = vector.shape_cast %parallel_loop3A_302 : vector<1x16xf32> to vector<16xf32>
      %parallel_loop3A_304 = vector.shape_cast %parallel_loop3A_299 : vector<16xf32> to vector<1x16xf32>
      tpu.vector_store %arg9[%parallel_loop3A_300, %parallel_loop3A_301], %parallel_loop3A_304 {strides = array<i32>} : memref<128x256xf32, #tpu.memory_space<vmem>>, vector<1x16xf32>,
      %parallel_loop3A_305 = arith.index_cast %parallel_loop3A_258 : i32 to index
      %parallel_loop3A_306 = arith.constant 32 : index
      %parallel_loop3A_307 = tpu.vector_load %arg6[%parallel_loop3A_305, %parallel_loop3A_306] {strides = array<i32>} : memref<128x128xi32, #tpu.memory_space<vmem>>, vector<1x16xi32>,
      %parallel_loop3A_308 = vector.shape_cast %parallel_loop3A_307 : vector<1x16xi32> to vector<16xi32>
      %parallel_loop3A_309 = tpu.bitcast %parallel_loop3A_308 : vector<16xi32> -> vector<16xi32>
      %parallel_loop3A_310 = arith.constant 16 : i32
      %parallel_loop3A_311 = vector.broadcast %parallel_loop3A_310 : i32 to vector<16xi32>
      %parallel_loop3A_312 = arith.shli %parallel_loop3A_309, %parallel_loop3A_311 : vector<16xi32>
      %parallel_loop3A_313 = tpu.bitcast %parallel_loop3A_312 : vector<16xi32> -> vector<16xf32>
      %parallel_loop3A_314 = arith.index_cast %parallel_loop3A_258 : i32 to index
      %parallel_loop3A_315 = arith.constant 32 : index
      %parallel_loop3A_316 = tpu.vector_load %arg9[%parallel_loop3A_314, %parallel_loop3A_315] {strides = array<i32>} : memref<128x256xf32, #tpu.memory_space<vmem>>, vector<1x16xf32>,
      %parallel_loop3A_317 = vector.shape_cast %parallel_loop3A_316 : vector<1x16xf32> to vector<16xf32>
      %parallel_loop3A_318 = vector.shape_cast %parallel_loop3A_313 : vector<16xf32> to vector<1x16xf32>
      tpu.vector_store %arg9[%parallel_loop3A_314, %parallel_loop3A_315], %parallel_loop3A_318 {strides = array<i32>} : memref<128x256xf32, #tpu.memory_space<vmem>>, vector<1x16xf32>,
      %parallel_loop3A_319 = arith.constant -65536 : i32
      %parallel_loop3A_320 = vector.broadcast %parallel_loop3A_319 : i32 to vector<16xi32>
      %parallel_loop3A_321 = arith.andi %parallel_loop3A_309, %parallel_loop3A_320 : vector<16xi32>
      %parallel_loop3A_322 = tpu.bitcast %parallel_loop3A_321 : vector<16xi32> -> vector<16xf32>
      %parallel_loop3A_323 = arith.index_cast %parallel_loop3A_258 : i32 to index
      %parallel_loop3A_324 = arith.constant 160 : index
      %parallel_loop3A_325 = tpu.vector_load %arg9[%parallel_loop3A_323, %parallel_loop3A_324] {strides = array<i32>} : memref<128x256xf32, #tpu.memory_space<vmem>>, vector<1x16xf32>,
      %parallel_loop3A_326 = vector.shape_cast %parallel_loop3A_325 : vector<1x16xf32> to vector<16xf32>
      %parallel_loop3A_327 = vector.shape_cast %parallel_loop3A_322 : vector<16xf32> to vector<1x16xf32>
      tpu.vector_store %arg9[%parallel_loop3A_323, %parallel_loop3A_324], %parallel_loop3A_327 {strides = array<i32>} : memref<128x256xf32, #tpu.memory_space<vmem>>, vector<1x16xf32>,
      %parallel_loop3A_328 = arith.index_cast %parallel_loop3A_258 : i32 to index
      %parallel_loop3A_329 = arith.constant 48 : index
      %parallel_loop3A_330 = tpu.vector_load %arg6[%parallel_loop3A_328, %parallel_loop3A_329] {strides = array<i32>} : memref<128x128xi32, #tpu.memory_space<vmem>>, vector<1x16xi32>,
      %parallel_loop3A_331 = vector.shape_cast %parallel_loop3A_330 : vector<1x16xi32> to vector<16xi32>
      %parallel_loop3A_332 = tpu.bitcast %parallel_loop3A_331 : vector<16xi32> -> vector<16xi32>
      %parallel_loop3A_333 = arith.constant 16 : i32
      %parallel_loop3A_334 = vector.broadcast %parallel_loop3A_333 : i32 to vector<16xi32>
      %parallel_loop3A_335 = arith.shli %parallel_loop3A_332, %parallel_loop3A_334 : vector<16xi32>
      %parallel_loop3A_336 = tpu.bitcast %parallel_loop3A_335 : vector<16xi32> -> vector<16xf32>
      %parallel_loop3A_337 = arith.index_cast %parallel_loop3A_258 : i32 to index
      %parallel_loop3A_338 = arith.constant 48 : index
      %parallel_loop3A_339 = tpu.vector_load %arg9[%parallel_loop3A_337, %parallel_loop3A_338] {strides = array<i32>} : memref<128x256xf32, #tpu.memory_space<vmem>>, vector<1x16xf32>,
      %parallel_loop3A_340 = vector.shape_cast %parallel_loop3A_339 : vector<1x16xf32> to vector<16xf32>
      %parallel_loop3A_341 = vector.shape_cast %parallel_loop3A_336 : vector<16xf32> to vector<1x16xf32>
      tpu.vector_store %arg9[%parallel_loop3A_337, %parallel_loop3A_338], %parallel_loop3A_341 {strides = array<i32>} : memref<128x256xf32, #tpu.memory_space<vmem>>, vector<1x16xf32>,
      %parallel_loop3A_342 = arith.constant -65536 : i32
      %parallel_loop3A_343 = vector.broadcast %parallel_loop3A_342 : i32 to vector<16xi32>
      %parallel_loop3A_344 = arith.andi %parallel_loop3A_332, %parallel_loop3A_343 : vector<16xi32>
      %parallel_loop3A_345 = tpu.bitcast %parallel_loop3A_344 : vector<16xi32> -> vector<16xf32>
      %parallel_loop3A_346 = arith.index_cast %parallel_loop3A_258 : i32 to index
      %parallel_loop3A_347 = arith.constant 176 : index
      %parallel_loop3A_348 = tpu.vector_load %arg9[%parallel_loop3A_346, %parallel_loop3A_347] {strides = array<i32>} : memref<128x256xf32, #tpu.memory_space<vmem>>, vector<1x16xf32>,
      %parallel_loop3A_349 = vector.shape_cast %parallel_loop3A_348 : vector<1x16xf32> to vector<16xf32>
      %parallel_loop3A_350 = vector.shape_cast %parallel_loop3A_345 : vector<16xf32> to vector<1x16xf32>
      tpu.vector_store %arg9[%parallel_loop3A_346, %parallel_loop3A_347], %parallel_loop3A_350 {strides = array<i32>} : memref<128x256xf32, #tpu.memory_space<vmem>>, vector<1x16xf32>,
      %parallel_loop3A_351 = arith.index_cast %parallel_loop3A_258 : i32 to index
      %parallel_loop3A_352 = arith.constant 64 : index
      %parallel_loop3A_353 = tpu.vector_load %arg6[%parallel_loop3A_351, %parallel_loop3A_352] {strides = array<i32>} : memref<128x128xi32, #tpu.memory_space<vmem>>, vector<1x16xi32>,
      %parallel_loop3A_354 = vector.shape_cast %parallel_loop3A_353 : vector<1x16xi32> to vector<16xi32>
      %parallel_loop3A_355 = tpu.bitcast %parallel_loop3A_354 : vector<16xi32> -> vector<16xi32>
      %parallel_loop3A_356 = arith.constant 16 : i32
      %parallel_loop3A_357 = vector.broadcast %parallel_loop3A_356 : i32 to vector<16xi32>
      %parallel_loop3A_358 = arith.shli %parallel_loop3A_355, %parallel_loop3A_357 : vector<16xi32>
      %parallel_loop3A_359 = tpu.bitcast %parallel_loop3A_358 : vector<16xi32> -> vector<16xf32>
      %parallel_loop3A_360 = arith.index_cast %parallel_loop3A_258 : i32 to index
      %parallel_loop3A_361 = arith.constant 64 : index
      %parallel_loop3A_362 = tpu.vector_load %arg9[%parallel_loop3A_360, %parallel_loop3A_361] {strides = array<i32>} : memref<128x256xf32, #tpu.memory_space<vmem>>, vector<1x16xf32>,
      %parallel_loop3A_363 = vector.shape_cast %parallel_loop3A_362 : vector<1x16xf32> to vector<16xf32>
      %parallel_loop3A_364 = vector.shape_cast %parallel_loop3A_359 : vector<16xf32> to vector<1x16xf32>
      tpu.vector_store %arg9[%parallel_loop3A_360, %parallel_loop3A_361], %parallel_loop3A_364 {strides = array<i32>} : memref<128x256xf32, #tpu.memory_space<vmem>>, vector<1x16xf32>,
      %parallel_loop3A_365 = arith.constant -65536 : i32
      %parallel_loop3A_366 = vector.broadcast %parallel_loop3A_365 : i32 to vector<16xi32>
      %parallel_loop3A_367 = arith.andi %parallel_loop3A_355, %parallel_loop3A_366 : vector<16xi32>
      %parallel_loop3A_368 = tpu.bitcast %parallel_loop3A_367 : vector<16xi32> -> vector<16xf32>
      %parallel_loop3A_369 = arith.index_cast %parallel_loop3A_258 : i32 to index
      %parallel_loop3A_370 = arith.constant 192 : index
      %parallel_loop3A_371 = tpu.vector_load %arg9[%parallel_loop3A_369, %parallel_loop3A_370] {strides = array<i32>} : memref<128x256xf32, #tpu.memory_space<vmem>>, vector<1x16xf32>,
      %parallel_loop3A_372 = vector.shape_cast %parallel_loop3A_371 : vector<1x16xf32> to vector<16xf32>
      %parallel_loop3A_373 = vector.shape_cast %parallel_loop3A_368 : vector<16xf32> to vector<1x16xf32>
      tpu.vector_store %arg9[%parallel_loop3A_369, %parallel_loop3A_370], %parallel_loop3A_373 {strides = array<i32>} : memref<128x256xf32, #tpu.memory_space<vmem>>, vector<1x16xf32>,
      %parallel_loop3A_374 = arith.index_cast %parallel_loop3A_258 : i32 to index
      %parallel_loop3A_375 = arith.constant 80 : index
      %parallel_loop3A_376 = tpu.vector_load %arg6[%parallel_loop3A_374, %parallel_loop3A_375] {strides = array<i32>} : memref<128x128xi32, #tpu.memory_space<vmem>>, vector<1x16xi32>,
      %parallel_loop3A_377 = vector.shape_cast %parallel_loop3A_376 : vector<1x16xi32> to vector<16xi32>
      %parallel_loop3A_378 = tpu.bitcast %parallel_loop3A_377 : vector<16xi32> -> vector<16xi32>
      %parallel_loop3A_379 = arith.constant 16 : i32
      %parallel_loop3A_380 = vector.broadcast %parallel_loop3A_379 : i32 to vector<16xi32>
      %parallel_loop3A_381 = arith.shli %parallel_loop3A_378, %parallel_loop3A_380 : vector<16xi32>
      %parallel_loop3A_382 = tpu.bitcast %parallel_loop3A_381 : vector<16xi32> -> vector<16xf32>
      %parallel_loop3A_383 = arith.index_cast %parallel_loop3A_258 : i32 to index
      %parallel_loop3A_384 = arith.constant 80 : index
      %parallel_loop3A_385 = tpu.vector_load %arg9[%parallel_loop3A_383, %parallel_loop3A_384] {strides = array<i32>} : memref<128x256xf32, #tpu.memory_space<vmem>>, vector<1x16xf32>,
      %parallel_loop3A_386 = vector.shape_cast %parallel_loop3A_385 : vector<1x16xf32> to vector<16xf32>
      %parallel_loop3A_387 = vector.shape_cast %parallel_loop3A_382 : vector<16xf32> to vector<1x16xf32>
      tpu.vector_store %arg9[%parallel_loop3A_383, %parallel_loop3A_384], %parallel_loop3A_387 {strides = array<i32>} : memref<128x256xf32, #tpu.memory_space<vmem>>, vector<1x16xf32>,
      %parallel_loop3A_388 = arith.constant -65536 : i32
      %parallel_loop3A_389 = vector.broadcast %parallel_loop3A_388 : i32 to vector<16xi32>
      %parallel_loop3A_390 = arith.andi %parallel_loop3A_378, %parallel_loop3A_389 : vector<16xi32>
      %parallel_loop3A_391 = tpu.bitcast %parallel_loop3A_390 : vector<16xi32> -> vector<16xf32>
      %parallel_loop3A_392 = arith.index_cast %parallel_loop3A_258 : i32 to index
      %parallel_loop3A_393 = arith.constant 208 : index
      %parallel_loop3A_394 = tpu.vector_load %arg9[%parallel_loop3A_392, %parallel_loop3A_393] {strides = array<i32>} : memref<128x256xf32, #tpu.memory_space<vmem>>, vector<1x16xf32>,
      %parallel_loop3A_395 = vector.shape_cast %parallel_loop3A_394 : vector<1x16xf32> to vector<16xf32>
      %parallel_loop3A_396 = vector.shape_cast %parallel_loop3A_391 : vector<16xf32> to vector<1x16xf32>
      tpu.vector_store %arg9[%parallel_loop3A_392, %parallel_loop3A_393], %parallel_loop3A_396 {strides = array<i32>} : memref<128x256xf32, #tpu.memory_space<vmem>>, vector<1x16xf32>,
      %parallel_loop3A_397 = arith.index_cast %parallel_loop3A_258 : i32 to index
      %parallel_loop3A_398 = arith.constant 96 : index
      %parallel_loop3A_399 = tpu.vector_load %arg6[%parallel_loop3A_397, %parallel_loop3A_398] {strides = array<i32>} : memref<128x128xi32, #tpu.memory_space<vmem>>, vector<1x16xi32>,
      %parallel_loop3A_400 = vector.shape_cast %parallel_loop3A_399 : vector<1x16xi32> to vector<16xi32>
      %parallel_loop3A_401 = tpu.bitcast %parallel_loop3A_400 : vector<16xi32> -> vector<16xi32>
      %parallel_loop3A_402 = arith.constant 16 : i32
      %parallel_loop3A_403 = vector.broadcast %parallel_loop3A_402 : i32 to vector<16xi32>
      %parallel_loop3A_404 = arith.shli %parallel_loop3A_401, %parallel_loop3A_403 : vector<16xi32>
      %parallel_loop3A_405 = tpu.bitcast %parallel_loop3A_404 : vector<16xi32> -> vector<16xf32>
      %parallel_loop3A_406 = arith.index_cast %parallel_loop3A_258 : i32 to index
      %parallel_loop3A_407 = arith.constant 96 : index
      %parallel_loop3A_408 = tpu.vector_load %arg9[%parallel_loop3A_406, %parallel_loop3A_407] {strides = array<i32>} : memref<128x256xf32, #tpu.memory_space<vmem>>, vector<1x16xf32>,
      %parallel_loop3A_409 = vector.shape_cast %parallel_loop3A_408 : vector<1x16xf32> to vector<16xf32>
      %parallel_loop3A_410 = vector.shape_cast %parallel_loop3A_405 : vector<16xf32> to vector<1x16xf32>
      tpu.vector_store %arg9[%parallel_loop3A_406, %parallel_loop3A_407], %parallel_loop3A_410 {strides = array<i32>} : memref<128x256xf32, #tpu.memory_space<vmem>>, vector<1x16xf32>,
      %parallel_loop3A_411 = arith.constant -65536 : i32
      %parallel_loop3A_412 = vector.broadcast %parallel_loop3A_411 : i32 to vector<16xi32>
      %parallel_loop3A_413 = arith.andi %parallel_loop3A_401, %parallel_loop3A_412 : vector<16xi32>
      %parallel_loop3A_414 = tpu.bitcast %parallel_loop3A_413 : vector<16xi32> -> vector<16xf32>
      %parallel_loop3A_415 = arith.index_cast %parallel_loop3A_258 : i32 to index
      %parallel_loop3A_416 = arith.constant 224 : index
      %parallel_loop3A_417 = tpu.vector_load %arg9[%parallel_loop3A_415, %parallel_loop3A_416] {strides = array<i32>} : memref<128x256xf32, #tpu.memory_space<vmem>>, vector<1x16xf32>,
      %parallel_loop3A_418 = vector.shape_cast %parallel_loop3A_417 : vector<1x16xf32> to vector<16xf32>
      %parallel_loop3A_419 = vector.shape_cast %parallel_loop3A_414 : vector<16xf32> to vector<1x16xf32>
      tpu.vector_store %arg9[%parallel_loop3A_415, %parallel_loop3A_416], %parallel_loop3A_419 {strides = array<i32>} : memref<128x256xf32, #tpu.memory_space<vmem>>, vector<1x16xf32>,
      %parallel_loop3A_420 = arith.index_cast %parallel_loop3A_258 : i32 to index
      %parallel_loop3A_421 = arith.constant 112 : index
      %parallel_loop3A_422 = tpu.vector_load %arg6[%parallel_loop3A_420, %parallel_loop3A_421] {strides = array<i32>} : memref<128x128xi32, #tpu.memory_space<vmem>>, vector<1x16xi32>,
      %parallel_loop3A_423 = vector.shape_cast %parallel_loop3A_422 : vector<1x16xi32> to vector<16xi32>
      %parallel_loop3A_424 = tpu.bitcast %parallel_loop3A_423 : vector<16xi32> -> vector<16xi32>
      %parallel_loop3A_425 = arith.constant 16 : i32
      %parallel_loop3A_426 = vector.broadcast %parallel_loop3A_425 : i32 to vector<16xi32>
      %parallel_loop3A_427 = arith.shli %parallel_loop3A_424, %parallel_loop3A_426 : vector<16xi32>
      %parallel_loop3A_428 = tpu.bitcast %parallel_loop3A_427 : vector<16xi32> -> vector<16xf32>
      %parallel_loop3A_429 = arith.index_cast %parallel_loop3A_258 : i32 to index
      %parallel_loop3A_430 = arith.constant 112 : index
      %parallel_loop3A_431 = tpu.vector_load %arg9[%parallel_loop3A_429, %parallel_loop3A_430] {strides = array<i32>} : memref<128x256xf32, #tpu.memory_space<vmem>>, vector<1x16xf32>,
      %parallel_loop3A_432 = vector.shape_cast %parallel_loop3A_431 : vector<1x16xf32> to vector<16xf32>
      %parallel_loop3A_433 = vector.shape_cast %parallel_loop3A_428 : vector<16xf32> to vector<1x16xf32>
      tpu.vector_store %arg9[%parallel_loop3A_429, %parallel_loop3A_430], %parallel_loop3A_433 {strides = array<i32>} : memref<128x256xf32, #tpu.memory_space<vmem>>, vector<1x16xf32>,
      %parallel_loop3A_434 = arith.constant -65536 : i32
      %parallel_loop3A_435 = vector.broadcast %parallel_loop3A_434 : i32 to vector<16xi32>
      %parallel_loop3A_436 = arith.andi %parallel_loop3A_424, %parallel_loop3A_435 : vector<16xi32>
      %parallel_loop3A_437 = tpu.bitcast %parallel_loop3A_436 : vector<16xi32> -> vector<16xf32>
      %parallel_loop3A_438 = arith.index_cast %parallel_loop3A_258 : i32 to index
      %parallel_loop3A_439 = arith.constant 240 : index
      %parallel_loop3A_440 = tpu.vector_load %arg9[%parallel_loop3A_438, %parallel_loop3A_439] {strides = array<i32>} : memref<128x256xf32, #tpu.memory_space<vmem>>, vector<1x16xf32>,
      %parallel_loop3A_441 = vector.shape_cast %parallel_loop3A_440 : vector<1x16xf32> to vector<16xf32>
      %parallel_loop3A_442 = vector.shape_cast %parallel_loop3A_437 : vector<16xf32> to vector<1x16xf32>
      tpu.vector_store %arg9[%parallel_loop3A_438, %parallel_loop3A_439], %parallel_loop3A_442 {strides = array<i32>} : memref<128x256xf32, #tpu.memory_space<vmem>>, vector<1x16xf32>,
    } {sc.loop_unroll_factor = 8 : i64, sc.parallel_access}
    %add3A_35 = arith.constant 0 : i32
    %add3A_36 = arith.addi %mul3A_2, %add3A_35 : i32
    %dma_start3A_37 = arith.constant 0 : i32
    %dma_start3A_38 = arith.constant 0 : i32
    %dma_start3A_39 = tpu.memref_slice %arg9[%dma_start3A_37, %dma_start3A_38] : memref<128x256xf32, #tpu.memory_space<vmem>> -> memref<32x256xf32, #tpu.memory_space<vmem>>
    %dma_start3A_40 = arith.constant 0 : i32
    %dma_start3A_41 = tpu.memref_slice %arg4[%add3A_36, %dma_start3A_40] : memref<16384x256xf32, #tpu.memory_space<hbm>> -> memref<32x256xf32, #tpu.memory_space<hbm>>
    %dma_start3A_42 = arith.constant 0 : i32
    %dma_start3A_43 = tpu.memref_slice %arg4[%add3A_36, %dma_start3A_42] : memref<16384x256xf32, #tpu.memory_space<hbm>> -> memref<32x256xf32, #tpu.memory_space<hbm>>
    %dma_start3A_44 = arith.constant 0 : i32
    %dma_start3A_45 = arith.constant 0 : i32
    %dma_start3A_46 = tpu.memref_slice %arg9[%dma_start3A_44, %dma_start3A_45] : memref<128x256xf32, #tpu.memory_space<vmem>> -> memref<32x256xf32, #tpu.memory_space<vmem>>
    tpu.enqueue_dma source(%dma_start3A_46 : memref<32x256xf32, #tpu.memory_space<vmem>>) target(%dma_start3A_43 : memref<32x256xf32, #tpu.memory_space<hbm>>) target_semaphore(%arg14 : memref<!tpu.dma_semaphore, #tpu.memory_space<semaphore_mem>>)
    %dma_start3A_47 = arith.constant 0 : i32
    %dma_start3A_48 = arith.constant 0 : i32
    %dma_start3A_49 = tpu.memref_slice %arg6[%dma_start3A_47, %dma_start3A_48] : memref<128x128xi32, #tpu.memory_space<vmem>> -> memref<128x128xi32, #tpu.memory_space<vmem>>
    %dma_start3A_50 = arith.constant 256 : i32
    %dma_start3A_51 = tpu.memref_slice %arg5[%dma_start3A_50] : memref<512xi32, #tpu.memory_space<vmem>> -> memref<128xi32, #tpu.memory_space<vmem>>
    %dma_start3A_52 = arith.constant 0 : i32
    %dma_start3A_53 = arith.constant 0 : i32
    %dma_start3A_54 = tpu.memref_slice %arg2[%dma_start3A_52, %dma_start3A_53] : memref<1024x128xi32, #tpu.memory_space<hbm>> -> memref<1024x128xi32, #tpu.memory_space<hbm>>
    tpu.enqueue_indirect_dma source(%dma_start3A_54 : memref<1024x128xi32, #tpu.memory_space<hbm>>) target(%dma_start3A_49 : memref<128x128xi32, #tpu.memory_space<vmem>>) offsets(%dma_start3A_51 : memref<128xi32, #tpu.memory_space<vmem>>) semaphore(%arg11 : memref<!tpu.dma_semaphore, #tpu.memory_space<semaphore_mem>>)
    %dma_wait3A_55 = arith.constant 0 : i32
    %dma_wait3A_56 = arith.constant 0 : i32
    %dma_wait3A_57 = tpu.memref_slice %arg7[%dma_wait3A_55, %dma_wait3A_56] : memref<128x128xi32, #tpu.memory_space<vmem>> -> memref<96x128xi32, #tpu.memory_space<vmem>>
    %dma_wait3A_58 = arith.constant 32 : i32
    %dma_wait3A_59 = tpu.memref_slice %arg5[%dma_wait3A_58] : memref<512xi32, #tpu.memory_space<vmem>> -> memref<96xi32, #tpu.memory_space<vmem>>
    %dma_wait3A_60 = arith.constant 0 : i32
    %dma_wait3A_61 = arith.constant 0 : i32
    %dma_wait3A_62 = tpu.memref_slice %arg2[%dma_wait3A_60, %dma_wait3A_61] : memref<1024x128xi32, #tpu.memory_space<hbm>> -> memref<1024x128xi32, #tpu.memory_space<hbm>>
    tpu.wait_indirect_dma semaphore(%arg12 : memref<!tpu.dma_semaphore, #tpu.memory_space<semaphore_mem>>) src(%dma_wait3A_62 : memref<1024x128xi32, #tpu.memory_space<hbm>>) dst(%dma_wait3A_57 : memref<96x128xi32, #tpu.memory_space<vmem>>)
    %parallel_loop3A_63 = arith.constant 0 : i32
    %parallel_loop3A_64 = arith.constant 96 : i32
    %parallel_loop3A_65 = arith.constant 1 : i32
    scf.for %parallel_loop3A_258 = %parallel_loop3A_63 to %parallel_loop3A_64 step %parallel_loop3A_65  : i32 {
      %parallel_loop3A_259 = arith.index_cast %parallel_loop3A_258 : i32 to index
      %parallel_loop3A_260 = arith.constant 0 : index
      %parallel_loop3A_261 = tpu.vector_load %arg7[%parallel_loop3A_259, %parallel_loop3A_260] {strides = array<i32>} : memref<128x128xi32, #tpu.memory_space<vmem>>, vector<1x16xi32>,
      %parallel_loop3A_262 = vector.shape_cast %parallel_loop3A_261 : vector<1x16xi32> to vector<16xi32>
      %parallel_loop3A_263 = tpu.bitcast %parallel_loop3A_262 : vector<16xi32> -> vector<16xi32>
      %parallel_loop3A_264 = arith.constant 16 : i32
      %parallel_loop3A_265 = vector.broadcast %parallel_loop3A_264 : i32 to vector<16xi32>
      %parallel_loop3A_266 = arith.shli %parallel_loop3A_263, %parallel_loop3A_265 : vector<16xi32>
      %parallel_loop3A_267 = tpu.bitcast %parallel_loop3A_266 : vector<16xi32> -> vector<16xf32>
      %parallel_loop3A_268 = arith.index_cast %parallel_loop3A_258 : i32 to index
      %parallel_loop3A_269 = arith.constant 0 : index
      %parallel_loop3A_270 = tpu.vector_load %arg10[%parallel_loop3A_268, %parallel_loop3A_269] {strides = array<i32>} : memref<128x256xf32, #tpu.memory_space<vmem>>, vector<1x16xf32>,
      %parallel_loop3A_271 = vector.shape_cast %parallel_loop3A_270 : vector<1x16xf32> to vector<16xf32>
      %parallel_loop3A_272 = vector.shape_cast %parallel_loop3A_267 : vector<16xf32> to vector<1x16xf32>
      tpu.vector_store %arg10[%parallel_loop3A_268, %parallel_loop3A_269], %parallel_loop3A_272 {strides = array<i32>} : memref<128x256xf32, #tpu.memory_space<vmem>>, vector<1x16xf32>,
      %parallel_loop3A_273 = arith.constant -65536 : i32
      %parallel_loop3A_274 = vector.broadcast %parallel_loop3A_273 : i32 to vector<16xi32>
      %parallel_loop3A_275 = arith.andi %parallel_loop3A_263, %parallel_loop3A_274 : vector<16xi32>
      %parallel_loop3A_276 = tpu.bitcast %parallel_loop3A_275 : vector<16xi32> -> vector<16xf32>
      %parallel_loop3A_277 = arith.index_cast %parallel_loop3A_258 : i32 to index
      %parallel_loop3A_278 = arith.constant 128 : index
      %parallel_loop3A_279 = tpu.vector_load %arg10[%parallel_loop3A_277, %parallel_loop3A_278] {strides = array<i32>} : memref<128x256xf32, #tpu.memory_space<vmem>>, vector<1x16xf32>,
      %parallel_loop3A_280 = vector.shape_cast %parallel_loop3A_279 : vector<1x16xf32> to vector<16xf32>
      %parallel_loop3A_281 = vector.shape_cast %parallel_loop3A_276 : vector<16xf32> to vector<1x16xf32>
      tpu.vector_store %arg10[%parallel_loop3A_277, %parallel_loop3A_278], %parallel_loop3A_281 {strides = array<i32>} : memref<128x256xf32, #tpu.memory_space<vmem>>, vector<1x16xf32>,
      %parallel_loop3A_282 = arith.index_cast %parallel_loop3A_258 : i32 to index
      %parallel_loop3A_283 = arith.constant 16 : index
      %parallel_loop3A_284 = tpu.vector_load %arg7[%parallel_loop3A_282, %parallel_loop3A_283] {strides = array<i32>} : memref<128x128xi32, #tpu.memory_space<vmem>>, vector<1x16xi32>,
      %parallel_loop3A_285 = vector.shape_cast %parallel_loop3A_284 : vector<1x16xi32> to vector<16xi32>
      %parallel_loop3A_286 = tpu.bitcast %parallel_loop3A_285 : vector<16xi32> -> vector<16xi32>
      %parallel_loop3A_287 = arith.constant 16 : i32
      %parallel_loop3A_288 = vector.broadcast %parallel_loop3A_287 : i32 to vector<16xi32>
      %parallel_loop3A_289 = arith.shli %parallel_loop3A_286, %parallel_loop3A_288 : vector<16xi32>
      %parallel_loop3A_290 = tpu.bitcast %parallel_loop3A_289 : vector<16xi32> -> vector<16xf32>
      %parallel_loop3A_291 = arith.index_cast %parallel_loop3A_258 : i32 to index
      %parallel_loop3A_292 = arith.constant 16 : index
      %parallel_loop3A_293 = tpu.vector_load %arg10[%parallel_loop3A_291, %parallel_loop3A_292] {strides = array<i32>} : memref<128x256xf32, #tpu.memory_space<vmem>>, vector<1x16xf32>,
      %parallel_loop3A_294 = vector.shape_cast %parallel_loop3A_293 : vector<1x16xf32> to vector<16xf32>
      %parallel_loop3A_295 = vector.shape_cast %parallel_loop3A_290 : vector<16xf32> to vector<1x16xf32>
      tpu.vector_store %arg10[%parallel_loop3A_291, %parallel_loop3A_292], %parallel_loop3A_295 {strides = array<i32>} : memref<128x256xf32, #tpu.memory_space<vmem>>, vector<1x16xf32>,
      %parallel_loop3A_296 = arith.constant -65536 : i32
      %parallel_loop3A_297 = vector.broadcast %parallel_loop3A_296 : i32 to vector<16xi32>
      %parallel_loop3A_298 = arith.andi %parallel_loop3A_286, %parallel_loop3A_297 : vector<16xi32>
      %parallel_loop3A_299 = tpu.bitcast %parallel_loop3A_298 : vector<16xi32> -> vector<16xf32>
      %parallel_loop3A_300 = arith.index_cast %parallel_loop3A_258 : i32 to index
      %parallel_loop3A_301 = arith.constant 144 : index
      %parallel_loop3A_302 = tpu.vector_load %arg10[%parallel_loop3A_300, %parallel_loop3A_301] {strides = array<i32>} : memref<128x256xf32, #tpu.memory_space<vmem>>, vector<1x16xf32>,
      %parallel_loop3A_303 = vector.shape_cast %parallel_loop3A_302 : vector<1x16xf32> to vector<16xf32>
      %parallel_loop3A_304 = vector.shape_cast %parallel_loop3A_299 : vector<16xf32> to vector<1x16xf32>
      tpu.vector_store %arg10[%parallel_loop3A_300, %parallel_loop3A_301], %parallel_loop3A_304 {strides = array<i32>} : memref<128x256xf32, #tpu.memory_space<vmem>>, vector<1x16xf32>,
      %parallel_loop3A_305 = arith.index_cast %parallel_loop3A_258 : i32 to index
      %parallel_loop3A_306 = arith.constant 32 : index
      %parallel_loop3A_307 = tpu.vector_load %arg7[%parallel_loop3A_305, %parallel_loop3A_306] {strides = array<i32>} : memref<128x128xi32, #tpu.memory_space<vmem>>, vector<1x16xi32>,
      %parallel_loop3A_308 = vector.shape_cast %parallel_loop3A_307 : vector<1x16xi32> to vector<16xi32>
      %parallel_loop3A_309 = tpu.bitcast %parallel_loop3A_308 : vector<16xi32> -> vector<16xi32>
      %parallel_loop3A_310 = arith.constant 16 : i32
      %parallel_loop3A_311 = vector.broadcast %parallel_loop3A_310 : i32 to vector<16xi32>
      %parallel_loop3A_312 = arith.shli %parallel_loop3A_309, %parallel_loop3A_311 : vector<16xi32>
      %parallel_loop3A_313 = tpu.bitcast %parallel_loop3A_312 : vector<16xi32> -> vector<16xf32>
      %parallel_loop3A_314 = arith.index_cast %parallel_loop3A_258 : i32 to index
      %parallel_loop3A_315 = arith.constant 32 : index
      %parallel_loop3A_316 = tpu.vector_load %arg10[%parallel_loop3A_314, %parallel_loop3A_315] {strides = array<i32>} : memref<128x256xf32, #tpu.memory_space<vmem>>, vector<1x16xf32>,
      %parallel_loop3A_317 = vector.shape_cast %parallel_loop3A_316 : vector<1x16xf32> to vector<16xf32>
      %parallel_loop3A_318 = vector.shape_cast %parallel_loop3A_313 : vector<16xf32> to vector<1x16xf32>
      tpu.vector_store %arg10[%parallel_loop3A_314, %parallel_loop3A_315], %parallel_loop3A_318 {strides = array<i32>} : memref<128x256xf32, #tpu.memory_space<vmem>>, vector<1x16xf32>,
      %parallel_loop3A_319 = arith.constant -65536 : i32
      %parallel_loop3A_320 = vector.broadcast %parallel_loop3A_319 : i32 to vector<16xi32>
      %parallel_loop3A_321 = arith.andi %parallel_loop3A_309, %parallel_loop3A_320 : vector<16xi32>
      %parallel_loop3A_322 = tpu.bitcast %parallel_loop3A_321 : vector<16xi32> -> vector<16xf32>
      %parallel_loop3A_323 = arith.index_cast %parallel_loop3A_258 : i32 to index
      %parallel_loop3A_324 = arith.constant 160 : index
      %parallel_loop3A_325 = tpu.vector_load %arg10[%parallel_loop3A_323, %parallel_loop3A_324] {strides = array<i32>} : memref<128x256xf32, #tpu.memory_space<vmem>>, vector<1x16xf32>,
      %parallel_loop3A_326 = vector.shape_cast %parallel_loop3A_325 : vector<1x16xf32> to vector<16xf32>
      %parallel_loop3A_327 = vector.shape_cast %parallel_loop3A_322 : vector<16xf32> to vector<1x16xf32>
      tpu.vector_store %arg10[%parallel_loop3A_323, %parallel_loop3A_324], %parallel_loop3A_327 {strides = array<i32>} : memref<128x256xf32, #tpu.memory_space<vmem>>, vector<1x16xf32>,
      %parallel_loop3A_328 = arith.index_cast %parallel_loop3A_258 : i32 to index
      %parallel_loop3A_329 = arith.constant 48 : index
      %parallel_loop3A_330 = tpu.vector_load %arg7[%parallel_loop3A_328, %parallel_loop3A_329] {strides = array<i32>} : memref<128x128xi32, #tpu.memory_space<vmem>>, vector<1x16xi32>,
      %parallel_loop3A_331 = vector.shape_cast %parallel_loop3A_330 : vector<1x16xi32> to vector<16xi32>
      %parallel_loop3A_332 = tpu.bitcast %parallel_loop3A_331 : vector<16xi32> -> vector<16xi32>
      %parallel_loop3A_333 = arith.constant 16 : i32
      %parallel_loop3A_334 = vector.broadcast %parallel_loop3A_333 : i32 to vector<16xi32>
      %parallel_loop3A_335 = arith.shli %parallel_loop3A_332, %parallel_loop3A_334 : vector<16xi32>
      %parallel_loop3A_336 = tpu.bitcast %parallel_loop3A_335 : vector<16xi32> -> vector<16xf32>
      %parallel_loop3A_337 = arith.index_cast %parallel_loop3A_258 : i32 to index
      %parallel_loop3A_338 = arith.constant 48 : index
      %parallel_loop3A_339 = tpu.vector_load %arg10[%parallel_loop3A_337, %parallel_loop3A_338] {strides = array<i32>} : memref<128x256xf32, #tpu.memory_space<vmem>>, vector<1x16xf32>,
      %parallel_loop3A_340 = vector.shape_cast %parallel_loop3A_339 : vector<1x16xf32> to vector<16xf32>
      %parallel_loop3A_341 = vector.shape_cast %parallel_loop3A_336 : vector<16xf32> to vector<1x16xf32>
      tpu.vector_store %arg10[%parallel_loop3A_337, %parallel_loop3A_338], %parallel_loop3A_341 {strides = array<i32>} : memref<128x256xf32, #tpu.memory_space<vmem>>, vector<1x16xf32>,
      %parallel_loop3A_342 = arith.constant -65536 : i32
      %parallel_loop3A_343 = vector.broadcast %parallel_loop3A_342 : i32 to vector<16xi32>
      %parallel_loop3A_344 = arith.andi %parallel_loop3A_332, %parallel_loop3A_343 : vector<16xi32>
      %parallel_loop3A_345 = tpu.bitcast %parallel_loop3A_344 : vector<16xi32> -> vector<16xf32>
      %parallel_loop3A_346 = arith.index_cast %parallel_loop3A_258 : i32 to index
      %parallel_loop3A_347 = arith.constant 176 : index
      %parallel_loop3A_348 = tpu.vector_load %arg10[%parallel_loop3A_346, %parallel_loop3A_347] {strides = array<i32>} : memref<128x256xf32, #tpu.memory_space<vmem>>, vector<1x16xf32>,
      %parallel_loop3A_349 = vector.shape_cast %parallel_loop3A_348 : vector<1x16xf32> to vector<16xf32>
      %parallel_loop3A_350 = vector.shape_cast %parallel_loop3A_345 : vector<16xf32> to vector<1x16xf32>
      tpu.vector_store %arg10[%parallel_loop3A_346, %parallel_loop3A_347], %parallel_loop3A_350 {strides = array<i32>} : memref<128x256xf32, #tpu.memory_space<vmem>>, vector<1x16xf32>,
      %parallel_loop3A_351 = arith.index_cast %parallel_loop3A_258 : i32 to index
      %parallel_loop3A_352 = arith.constant 64 : index
      %parallel_loop3A_353 = tpu.vector_load %arg7[%parallel_loop3A_351, %parallel_loop3A_352] {strides = array<i32>} : memref<128x128xi32, #tpu.memory_space<vmem>>, vector<1x16xi32>,
      %parallel_loop3A_354 = vector.shape_cast %parallel_loop3A_353 : vector<1x16xi32> to vector<16xi32>
      %parallel_loop3A_355 = tpu.bitcast %parallel_loop3A_354 : vector<16xi32> -> vector<16xi32>
      %parallel_loop3A_356 = arith.constant 16 : i32
      %parallel_loop3A_357 = vector.broadcast %parallel_loop3A_356 : i32 to vector<16xi32>
      %parallel_loop3A_358 = arith.shli %parallel_loop3A_355, %parallel_loop3A_357 : vector<16xi32>
      %parallel_loop3A_359 = tpu.bitcast %parallel_loop3A_358 : vector<16xi32> -> vector<16xf32>
      %parallel_loop3A_360 = arith.index_cast %parallel_loop3A_258 : i32 to index
      %parallel_loop3A_361 = arith.constant 64 : index
      %parallel_loop3A_362 = tpu.vector_load %arg10[%parallel_loop3A_360, %parallel_loop3A_361] {strides = array<i32>} : memref<128x256xf32, #tpu.memory_space<vmem>>, vector<1x16xf32>,
      %parallel_loop3A_363 = vector.shape_cast %parallel_loop3A_362 : vector<1x16xf32> to vector<16xf32>
      %parallel_loop3A_364 = vector.shape_cast %parallel_loop3A_359 : vector<16xf32> to vector<1x16xf32>
      tpu.vector_store %arg10[%parallel_loop3A_360, %parallel_loop3A_361], %parallel_loop3A_364 {strides = array<i32>} : memref<128x256xf32, #tpu.memory_space<vmem>>, vector<1x16xf32>,
      %parallel_loop3A_365 = arith.constant -65536 : i32
      %parallel_loop3A_366 = vector.broadcast %parallel_loop3A_365 : i32 to vector<16xi32>
      %parallel_loop3A_367 = arith.andi %parallel_loop3A_355, %parallel_loop3A_366 : vector<16xi32>
      %parallel_loop3A_368 = tpu.bitcast %parallel_loop3A_367 : vector<16xi32> -> vector<16xf32>
      %parallel_loop3A_369 = arith.index_cast %parallel_loop3A_258 : i32 to index
      %parallel_loop3A_370 = arith.constant 192 : index
      %parallel_loop3A_371 = tpu.vector_load %arg10[%parallel_loop3A_369, %parallel_loop3A_370] {strides = array<i32>} : memref<128x256xf32, #tpu.memory_space<vmem>>, vector<1x16xf32>,
      %parallel_loop3A_372 = vector.shape_cast %parallel_loop3A_371 : vector<1x16xf32> to vector<16xf32>
      %parallel_loop3A_373 = vector.shape_cast %parallel_loop3A_368 : vector<16xf32> to vector<1x16xf32>
      tpu.vector_store %arg10[%parallel_loop3A_369, %parallel_loop3A_370], %parallel_loop3A_373 {strides = array<i32>} : memref<128x256xf32, #tpu.memory_space<vmem>>, vector<1x16xf32>,
      %parallel_loop3A_374 = arith.index_cast %parallel_loop3A_258 : i32 to index
      %parallel_loop3A_375 = arith.constant 80 : index
      %parallel_loop3A_376 = tpu.vector_load %arg7[%parallel_loop3A_374, %parallel_loop3A_375] {strides = array<i32>} : memref<128x128xi32, #tpu.memory_space<vmem>>, vector<1x16xi32>,
      %parallel_loop3A_377 = vector.shape_cast %parallel_loop3A_376 : vector<1x16xi32> to vector<16xi32>
      %parallel_loop3A_378 = tpu.bitcast %parallel_loop3A_377 : vector<16xi32> -> vector<16xi32>
      %parallel_loop3A_379 = arith.constant 16 : i32
      %parallel_loop3A_380 = vector.broadcast %parallel_loop3A_379 : i32 to vector<16xi32>
      %parallel_loop3A_381 = arith.shli %parallel_loop3A_378, %parallel_loop3A_380 : vector<16xi32>
      %parallel_loop3A_382 = tpu.bitcast %parallel_loop3A_381 : vector<16xi32> -> vector<16xf32>
      %parallel_loop3A_383 = arith.index_cast %parallel_loop3A_258 : i32 to index
      %parallel_loop3A_384 = arith.constant 80 : index
      %parallel_loop3A_385 = tpu.vector_load %arg10[%parallel_loop3A_383, %parallel_loop3A_384] {strides = array<i32>} : memref<128x256xf32, #tpu.memory_space<vmem>>, vector<1x16xf32>,
      %parallel_loop3A_386 = vector.shape_cast %parallel_loop3A_385 : vector<1x16xf32> to vector<16xf32>
      %parallel_loop3A_387 = vector.shape_cast %parallel_loop3A_382 : vector<16xf32> to vector<1x16xf32>
      tpu.vector_store %arg10[%parallel_loop3A_383, %parallel_loop3A_384], %parallel_loop3A_387 {strides = array<i32>} : memref<128x256xf32, #tpu.memory_space<vmem>>, vector<1x16xf32>,
      %parallel_loop3A_388 = arith.constant -65536 : i32
      %parallel_loop3A_389 = vector.broadcast %parallel_loop3A_388 : i32 to vector<16xi32>
      %parallel_loop3A_390 = arith.andi %parallel_loop3A_378, %parallel_loop3A_389 : vector<16xi32>
      %parallel_loop3A_391 = tpu.bitcast %parallel_loop3A_390 : vector<16xi32> -> vector<16xf32>
      %parallel_loop3A_392 = arith.index_cast %parallel_loop3A_258 : i32 to index
      %parallel_loop3A_393 = arith.constant 208 : index
      %parallel_loop3A_394 = tpu.vector_load %arg10[%parallel_loop3A_392, %parallel_loop3A_393] {strides = array<i32>} : memref<128x256xf32, #tpu.memory_space<vmem>>, vector<1x16xf32>,
      %parallel_loop3A_395 = vector.shape_cast %parallel_loop3A_394 : vector<1x16xf32> to vector<16xf32>
      %parallel_loop3A_396 = vector.shape_cast %parallel_loop3A_391 : vector<16xf32> to vector<1x16xf32>
      tpu.vector_store %arg10[%parallel_loop3A_392, %parallel_loop3A_393], %parallel_loop3A_396 {strides = array<i32>} : memref<128x256xf32, #tpu.memory_space<vmem>>, vector<1x16xf32>,
      %parallel_loop3A_397 = arith.index_cast %parallel_loop3A_258 : i32 to index
      %parallel_loop3A_398 = arith.constant 96 : index
      %parallel_loop3A_399 = tpu.vector_load %arg7[%parallel_loop3A_397, %parallel_loop3A_398] {strides = array<i32>} : memref<128x128xi32, #tpu.memory_space<vmem>>, vector<1x16xi32>,
      %parallel_loop3A_400 = vector.shape_cast %parallel_loop3A_399 : vector<1x16xi32> to vector<16xi32>
      %parallel_loop3A_401 = tpu.bitcast %parallel_loop3A_400 : vector<16xi32> -> vector<16xi32>
      %parallel_loop3A_402 = arith.constant 16 : i32
      %parallel_loop3A_403 = vector.broadcast %parallel_loop3A_402 : i32 to vector<16xi32>
      %parallel_loop3A_404 = arith.shli %parallel_loop3A_401, %parallel_loop3A_403 : vector<16xi32>
      %parallel_loop3A_405 = tpu.bitcast %parallel_loop3A_404 : vector<16xi32> -> vector<16xf32>
      %parallel_loop3A_406 = arith.index_cast %parallel_loop3A_258 : i32 to index
      %parallel_loop3A_407 = arith.constant 96 : index
      %parallel_loop3A_408 = tpu.vector_load %arg10[%parallel_loop3A_406, %parallel_loop3A_407] {strides = array<i32>} : memref<128x256xf32, #tpu.memory_space<vmem>>, vector<1x16xf32>,
      %parallel_loop3A_409 = vector.shape_cast %parallel_loop3A_408 : vector<1x16xf32> to vector<16xf32>
      %parallel_loop3A_410 = vector.shape_cast %parallel_loop3A_405 : vector<16xf32> to vector<1x16xf32>
      tpu.vector_store %arg10[%parallel_loop3A_406, %parallel_loop3A_407], %parallel_loop3A_410 {strides = array<i32>} : memref<128x256xf32, #tpu.memory_space<vmem>>, vector<1x16xf32>,
      %parallel_loop3A_411 = arith.constant -65536 : i32
      %parallel_loop3A_412 = vector.broadcast %parallel_loop3A_411 : i32 to vector<16xi32>
      %parallel_loop3A_413 = arith.andi %parallel_loop3A_401, %parallel_loop3A_412 : vector<16xi32>
      %parallel_loop3A_414 = tpu.bitcast %parallel_loop3A_413 : vector<16xi32> -> vector<16xf32>
      %parallel_loop3A_415 = arith.index_cast %parallel_loop3A_258 : i32 to index
      %parallel_loop3A_416 = arith.constant 224 : index
      %parallel_loop3A_417 = tpu.vector_load %arg10[%parallel_loop3A_415, %parallel_loop3A_416] {strides = array<i32>} : memref<128x256xf32, #tpu.memory_space<vmem>>, vector<1x16xf32>,
      %parallel_loop3A_418 = vector.shape_cast %parallel_loop3A_417 : vector<1x16xf32> to vector<16xf32>
      %parallel_loop3A_419 = vector.shape_cast %parallel_loop3A_414 : vector<16xf32> to vector<1x16xf32>
      tpu.vector_store %arg10[%parallel_loop3A_415, %parallel_loop3A_416], %parallel_loop3A_419 {strides = array<i32>} : memref<128x256xf32, #tpu.memory_space<vmem>>, vector<1x16xf32>,
      %parallel_loop3A_420 = arith.index_cast %parallel_loop3A_258 : i32 to index
      %parallel_loop3A_421 = arith.constant 112 : index
      %parallel_loop3A_422 = tpu.vector_load %arg7[%parallel_loop3A_420, %parallel_loop3A_421] {strides = array<i32>} : memref<128x128xi32, #tpu.memory_space<vmem>>, vector<1x16xi32>,
      %parallel_loop3A_423 = vector.shape_cast %parallel_loop3A_422 : vector<1x16xi32> to vector<16xi32>
      %parallel_loop3A_424 = tpu.bitcast %parallel_loop3A_423 : vector<16xi32> -> vector<16xi32>
      %parallel_loop3A_425 = arith.constant 16 : i32
      %parallel_loop3A_426 = vector.broadcast %parallel_loop3A_425 : i32 to vector<16xi32>
      %parallel_loop3A_427 = arith.shli %parallel_loop3A_424, %parallel_loop3A_426 : vector<16xi32>
      %parallel_loop3A_428 = tpu.bitcast %parallel_loop3A_427 : vector<16xi32> -> vector<16xf32>
      %parallel_loop3A_429 = arith.index_cast %parallel_loop3A_258 : i32 to index
      %parallel_loop3A_430 = arith.constant 112 : index
      %parallel_loop3A_431 = tpu.vector_load %arg10[%parallel_loop3A_429, %parallel_loop3A_430] {strides = array<i32>} : memref<128x256xf32, #tpu.memory_space<vmem>>, vector<1x16xf32>,
      %parallel_loop3A_432 = vector.shape_cast %parallel_loop3A_431 : vector<1x16xf32> to vector<16xf32>
      %parallel_loop3A_433 = vector.shape_cast %parallel_loop3A_428 : vector<16xf32> to vector<1x16xf32>
      tpu.vector_store %arg10[%parallel_loop3A_429, %parallel_loop3A_430], %parallel_loop3A_433 {strides = array<i32>} : memref<128x256xf32, #tpu.memory_space<vmem>>, vector<1x16xf32>,
      %parallel_loop3A_434 = arith.constant -65536 : i32
      %parallel_loop3A_435 = vector.broadcast %parallel_loop3A_434 : i32 to vector<16xi32>
      %parallel_loop3A_436 = arith.andi %parallel_loop3A_424, %parallel_loop3A_435 : vector<16xi32>
      %parallel_loop3A_437 = tpu.bitcast %parallel_loop3A_436 : vector<16xi32> -> vector<16xf32>
      %parallel_loop3A_438 = arith.index_cast %parallel_loop3A_258 : i32 to index
      %parallel_loop3A_439 = arith.constant 240 : index
      %parallel_loop3A_440 = tpu.vector_load %arg10[%parallel_loop3A_438, %parallel_loop3A_439] {strides = array<i32>} : memref<128x256xf32, #tpu.memory_space<vmem>>, vector<1x16xf32>,
      %parallel_loop3A_441 = vector.shape_cast %parallel_loop3A_440 : vector<1x16xf32> to vector<16xf32>
      %parallel_loop3A_442 = vector.shape_cast %parallel_loop3A_437 : vector<16xf32> to vector<1x16xf32>
      tpu.vector_store %arg10[%parallel_loop3A_438, %parallel_loop3A_439], %parallel_loop3A_442 {strides = array<i32>} : memref<128x256xf32, #tpu.memory_space<vmem>>, vector<1x16xf32>,
    } {sc.loop_unroll_factor = 8 : i64, sc.parallel_access}
    %add3A_66 = arith.constant 32 : i32
    %add3A_67 = arith.addi %mul3A_2, %add3A_66 : i32
    %dma_start3A_68 = arith.constant 0 : i32
    %dma_start3A_69 = arith.constant 0 : i32
    %dma_start3A_70 = tpu.memref_slice %arg10[%dma_start3A_68, %dma_start3A_69] : memref<128x256xf32, #tpu.memory_space<vmem>> -> memref<96x256xf32, #tpu.memory_space<vmem>>
    %dma_start3A_71 = arith.constant 0 : i32
    %dma_start3A_72 = tpu.memref_slice %arg4[%add3A_67, %dma_start3A_71] : memref<16384x256xf32, #tpu.memory_space<hbm>> -> memref<96x256xf32, #tpu.memory_space<hbm>>
    %dma_start3A_73 = arith.constant 0 : i32
    %dma_start3A_74 = tpu.memref_slice %arg4[%add3A_67, %dma_start3A_73] : memref<16384x256xf32, #tpu.memory_space<hbm>> -> memref<96x256xf32, #tpu.memory_space<hbm>>
    %dma_start3A_75 = arith.constant 0 : i32
    %dma_start3A_76 = arith.constant 0 : i32
    %dma_start3A_77 = tpu.memref_slice %arg10[%dma_start3A_75, %dma_start3A_76] : memref<128x256xf32, #tpu.memory_space<vmem>> -> memref<96x256xf32, #tpu.memory_space<vmem>>
    tpu.enqueue_dma source(%dma_start3A_77 : memref<96x256xf32, #tpu.memory_space<vmem>>) target(%dma_start3A_74 : memref<96x256xf32, #tpu.memory_space<hbm>>) target_semaphore(%arg15 : memref<!tpu.dma_semaphore, #tpu.memory_space<semaphore_mem>>)
    %dma_start3A_78 = arith.constant 0 : i32
    %dma_start3A_79 = arith.constant 0 : i32
    %dma_start3A_80 = tpu.memref_slice %arg7[%dma_start3A_78, %dma_start3A_79] : memref<128x128xi32, #tpu.memory_space<vmem>> -> memref<96x128xi32, #tpu.memory_space<vmem>>
    %dma_start3A_81 = arith.constant 384 : i32
    %dma_start3A_82 = tpu.memref_slice %arg5[%dma_start3A_81] : memref<512xi32, #tpu.memory_space<vmem>> -> memref<96xi32, #tpu.memory_space<vmem>>
    %dma_start3A_83 = arith.constant 0 : i32
    %dma_start3A_84 = arith.constant 0 : i32
    %dma_start3A_85 = tpu.memref_slice %arg2[%dma_start3A_83, %dma_start3A_84] : memref<1024x128xi32, #tpu.memory_space<hbm>> -> memref<1024x128xi32, #tpu.memory_space<hbm>>
    tpu.enqueue_indirect_dma source(%dma_start3A_85 : memref<1024x128xi32, #tpu.memory_space<hbm>>) target(%dma_start3A_80 : memref<96x128xi32, #tpu.memory_space<vmem>>) offsets(%dma_start3A_82 : memref<96xi32, #tpu.memory_space<vmem>>) semaphore(%arg12 : memref<!tpu.dma_semaphore, #tpu.memory_space<semaphore_mem>>)
    %dma_wait3A_86 = arith.constant 0 : i32
    %dma_wait3A_87 = arith.constant 0 : i32
    %dma_wait3A_88 = tpu.memref_slice %arg8[%dma_wait3A_86, %dma_wait3A_87] : memref<128x128xi32, #tpu.memory_space<vmem>> -> memref<128x128xi32, #tpu.memory_space<vmem>>
    %dma_wait3A_89 = arith.constant 128 : i32
    %dma_wait3A_90 = tpu.memref_slice %arg5[%dma_wait3A_89] : memref<512xi32, #tpu.memory_space<vmem>> -> memref<128xi32, #tpu.memory_space<vmem>>
    %dma_wait3A_91 = arith.constant 0 : i32
    %dma_wait3A_92 = arith.constant 0 : i32
    %dma_wait3A_93 = tpu.memref_slice %arg2[%dma_wait3A_91, %dma_wait3A_92] : memref<1024x128xi32, #tpu.memory_space<hbm>> -> memref<1024x128xi32, #tpu.memory_space<hbm>>
    tpu.wait_indirect_dma semaphore(%arg13 : memref<!tpu.dma_semaphore, #tpu.memory_space<semaphore_mem>>) src(%dma_wait3A_93 : memref<1024x128xi32, #tpu.memory_space<hbm>>) dst(%dma_wait3A_88 : memref<128x128xi32, #tpu.memory_space<vmem>>)
    %add3A_94 = arith.constant 0 : i32
    %add3A_95 = arith.addi %mul3A_2, %add3A_94 : i32
    %dma_wait3A_96 = arith.constant 0 : i32
    %dma_wait3A_97 = arith.constant 0 : i32
    %dma_wait3A_98 = tpu.memref_slice %arg9[%dma_wait3A_96, %dma_wait3A_97] : memref<128x256xf32, #tpu.memory_space<vmem>> -> memref<32x256xf32, #tpu.memory_space<vmem>>
    %dma_wait3A_99 = arith.constant 0 : i32
    %dma_wait3A_100 = tpu.memref_slice %arg4[%add3A_95, %dma_wait3A_99] : memref<16384x256xf32, #tpu.memory_space<hbm>> -> memref<32x256xf32, #tpu.memory_space<hbm>>
    %dma_wait3A_101 = arith.constant 0 : i32
    %dma_wait3A_102 = tpu.memref_slice %arg4[%add3A_95, %dma_wait3A_101] : memref<16384x256xf32, #tpu.memory_space<hbm>> -> memref<32x256xf32, #tpu.memory_space<hbm>>
    %dma_wait3A_103 = arith.constant 0 : i32
    %dma_wait3A_104 = arith.constant 0 : i32
    %dma_wait3A_105 = tpu.memref_slice %arg9[%dma_wait3A_103, %dma_wait3A_104] : memref<128x256xf32, #tpu.memory_space<vmem>> -> memref<32x256xf32, #tpu.memory_space<vmem>>
    tpu.wait_dma2 semaphore(%arg14 : memref<!tpu.dma_semaphore, #tpu.memory_space<semaphore_mem>>) src(%dma_wait3A_105 : memref<32x256xf32, #tpu.memory_space<vmem>>) dst(%dma_wait3A_102 : memref<32x256xf32, #tpu.memory_space<hbm>>)
    %parallel_loop3A_106 = arith.constant 0 : i32
    %parallel_loop3A_107 = arith.constant 128 : i32
    %parallel_loop3A_108 = arith.constant 1 : i32
    scf.for %parallel_loop3A_258 = %parallel_loop3A_106 to %parallel_loop3A_107 step %parallel_loop3A_108  : i32 {
      %parallel_loop3A_259 = arith.index_cast %parallel_loop3A_258 : i32 to index
      %parallel_loop3A_260 = arith.constant 0 : index
      %parallel_loop3A_261 = tpu.vector_load %arg8[%parallel_loop3A_259, %parallel_loop3A_260] {strides = array<i32>} : memref<128x128xi32, #tpu.memory_space<vmem>>, vector<1x16xi32>,
      %parallel_loop3A_262 = vector.shape_cast %parallel_loop3A_261 : vector<1x16xi32> to vector<16xi32>
      %parallel_loop3A_263 = tpu.bitcast %parallel_loop3A_262 : vector<16xi32> -> vector<16xi32>
      %parallel_loop3A_264 = arith.constant 16 : i32
      %parallel_loop3A_265 = vector.broadcast %parallel_loop3A_264 : i32 to vector<16xi32>
      %parallel_loop3A_266 = arith.shli %parallel_loop3A_263, %parallel_loop3A_265 : vector<16xi32>
      %parallel_loop3A_267 = tpu.bitcast %parallel_loop3A_266 : vector<16xi32> -> vector<16xf32>
      %parallel_loop3A_268 = arith.index_cast %parallel_loop3A_258 : i32 to index
      %parallel_loop3A_269 = arith.constant 0 : index
      %parallel_loop3A_270 = tpu.vector_load %arg9[%parallel_loop3A_268, %parallel_loop3A_269] {strides = array<i32>} : memref<128x256xf32, #tpu.memory_space<vmem>>, vector<1x16xf32>,
      %parallel_loop3A_271 = vector.shape_cast %parallel_loop3A_270 : vector<1x16xf32> to vector<16xf32>
      %parallel_loop3A_272 = vector.shape_cast %parallel_loop3A_267 : vector<16xf32> to vector<1x16xf32>
      tpu.vector_store %arg9[%parallel_loop3A_268, %parallel_loop3A_269], %parallel_loop3A_272 {strides = array<i32>} : memref<128x256xf32, #tpu.memory_space<vmem>>, vector<1x16xf32>,
      %parallel_loop3A_273 = arith.constant -65536 : i32
      %parallel_loop3A_274 = vector.broadcast %parallel_loop3A_273 : i32 to vector<16xi32>
      %parallel_loop3A_275 = arith.andi %parallel_loop3A_263, %parallel_loop3A_274 : vector<16xi32>
      %parallel_loop3A_276 = tpu.bitcast %parallel_loop3A_275 : vector<16xi32> -> vector<16xf32>
      %parallel_loop3A_277 = arith.index_cast %parallel_loop3A_258 : i32 to index
      %parallel_loop3A_278 = arith.constant 128 : index
      %parallel_loop3A_279 = tpu.vector_load %arg9[%parallel_loop3A_277, %parallel_loop3A_278] {strides = array<i32>} : memref<128x256xf32, #tpu.memory_space<vmem>>, vector<1x16xf32>,
      %parallel_loop3A_280 = vector.shape_cast %parallel_loop3A_279 : vector<1x16xf32> to vector<16xf32>
      %parallel_loop3A_281 = vector.shape_cast %parallel_loop3A_276 : vector<16xf32> to vector<1x16xf32>
      tpu.vector_store %arg9[%parallel_loop3A_277, %parallel_loop3A_278], %parallel_loop3A_281 {strides = array<i32>} : memref<128x256xf32, #tpu.memory_space<vmem>>, vector<1x16xf32>,
      %parallel_loop3A_282 = arith.index_cast %parallel_loop3A_258 : i32 to index
      %parallel_loop3A_283 = arith.constant 16 : index
      %parallel_loop3A_284 = tpu.vector_load %arg8[%parallel_loop3A_282, %parallel_loop3A_283] {strides = array<i32>} : memref<128x128xi32, #tpu.memory_space<vmem>>, vector<1x16xi32>,
      %parallel_loop3A_285 = vector.shape_cast %parallel_loop3A_284 : vector<1x16xi32> to vector<16xi32>
      %parallel_loop3A_286 = tpu.bitcast %parallel_loop3A_285 : vector<16xi32> -> vector<16xi32>
      %parallel_loop3A_287 = arith.constant 16 : i32
      %parallel_loop3A_288 = vector.broadcast %parallel_loop3A_287 : i32 to vector<16xi32>
      %parallel_loop3A_289 = arith.shli %parallel_loop3A_286, %parallel_loop3A_288 : vector<16xi32>
      %parallel_loop3A_290 = tpu.bitcast %parallel_loop3A_289 : vector<16xi32> -> vector<16xf32>
      %parallel_loop3A_291 = arith.index_cast %parallel_loop3A_258 : i32 to index
      %parallel_loop3A_292 = arith.constant 16 : index
      %parallel_loop3A_293 = tpu.vector_load %arg9[%parallel_loop3A_291, %parallel_loop3A_292] {strides = array<i32>} : memref<128x256xf32, #tpu.memory_space<vmem>>, vector<1x16xf32>,
      %parallel_loop3A_294 = vector.shape_cast %parallel_loop3A_293 : vector<1x16xf32> to vector<16xf32>
      %parallel_loop3A_295 = vector.shape_cast %parallel_loop3A_290 : vector<16xf32> to vector<1x16xf32>
      tpu.vector_store %arg9[%parallel_loop3A_291, %parallel_loop3A_292], %parallel_loop3A_295 {strides = array<i32>} : memref<128x256xf32, #tpu.memory_space<vmem>>, vector<1x16xf32>,
      %parallel_loop3A_296 = arith.constant -65536 : i32
      %parallel_loop3A_297 = vector.broadcast %parallel_loop3A_296 : i32 to vector<16xi32>
      %parallel_loop3A_298 = arith.andi %parallel_loop3A_286, %parallel_loop3A_297 : vector<16xi32>
      %parallel_loop3A_299 = tpu.bitcast %parallel_loop3A_298 : vector<16xi32> -> vector<16xf32>
      %parallel_loop3A_300 = arith.index_cast %parallel_loop3A_258 : i32 to index
      %parallel_loop3A_301 = arith.constant 144 : index
      %parallel_loop3A_302 = tpu.vector_load %arg9[%parallel_loop3A_300, %parallel_loop3A_301] {strides = array<i32>} : memref<128x256xf32, #tpu.memory_space<vmem>>, vector<1x16xf32>,
      %parallel_loop3A_303 = vector.shape_cast %parallel_loop3A_302 : vector<1x16xf32> to vector<16xf32>
      %parallel_loop3A_304 = vector.shape_cast %parallel_loop3A_299 : vector<16xf32> to vector<1x16xf32>
      tpu.vector_store %arg9[%parallel_loop3A_300, %parallel_loop3A_301], %parallel_loop3A_304 {strides = array<i32>} : memref<128x256xf32, #tpu.memory_space<vmem>>, vector<1x16xf32>,
      %parallel_loop3A_305 = arith.index_cast %parallel_loop3A_258 : i32 to index
      %parallel_loop3A_306 = arith.constant 32 : index
      %parallel_loop3A_307 = tpu.vector_load %arg8[%parallel_loop3A_305, %parallel_loop3A_306] {strides = array<i32>} : memref<128x128xi32, #tpu.memory_space<vmem>>, vector<1x16xi32>,
      %parallel_loop3A_308 = vector.shape_cast %parallel_loop3A_307 : vector<1x16xi32> to vector<16xi32>
      %parallel_loop3A_309 = tpu.bitcast %parallel_loop3A_308 : vector<16xi32> -> vector<16xi32>
      %parallel_loop3A_310 = arith.constant 16 : i32
      %parallel_loop3A_311 = vector.broadcast %parallel_loop3A_310 : i32 to vector<16xi32>
      %parallel_loop3A_312 = arith.shli %parallel_loop3A_309, %parallel_loop3A_311 : vector<16xi32>
      %parallel_loop3A_313 = tpu.bitcast %parallel_loop3A_312 : vector<16xi32> -> vector<16xf32>
      %parallel_loop3A_314 = arith.index_cast %parallel_loop3A_258 : i32 to index
      %parallel_loop3A_315 = arith.constant 32 : index
      %parallel_loop3A_316 = tpu.vector_load %arg9[%parallel_loop3A_314, %parallel_loop3A_315] {strides = array<i32>} : memref<128x256xf32, #tpu.memory_space<vmem>>, vector<1x16xf32>,
      %parallel_loop3A_317 = vector.shape_cast %parallel_loop3A_316 : vector<1x16xf32> to vector<16xf32>
      %parallel_loop3A_318 = vector.shape_cast %parallel_loop3A_313 : vector<16xf32> to vector<1x16xf32>
      tpu.vector_store %arg9[%parallel_loop3A_314, %parallel_loop3A_315], %parallel_loop3A_318 {strides = array<i32>} : memref<128x256xf32, #tpu.memory_space<vmem>>, vector<1x16xf32>,
      %parallel_loop3A_319 = arith.constant -65536 : i32
      %parallel_loop3A_320 = vector.broadcast %parallel_loop3A_319 : i32 to vector<16xi32>
      %parallel_loop3A_321 = arith.andi %parallel_loop3A_309, %parallel_loop3A_320 : vector<16xi32>
      %parallel_loop3A_322 = tpu.bitcast %parallel_loop3A_321 : vector<16xi32> -> vector<16xf32>
      %parallel_loop3A_323 = arith.index_cast %parallel_loop3A_258 : i32 to index
      %parallel_loop3A_324 = arith.constant 160 : index
      %parallel_loop3A_325 = tpu.vector_load %arg9[%parallel_loop3A_323, %parallel_loop3A_324] {strides = array<i32>} : memref<128x256xf32, #tpu.memory_space<vmem>>, vector<1x16xf32>,
      %parallel_loop3A_326 = vector.shape_cast %parallel_loop3A_325 : vector<1x16xf32> to vector<16xf32>
      %parallel_loop3A_327 = vector.shape_cast %parallel_loop3A_322 : vector<16xf32> to vector<1x16xf32>
      tpu.vector_store %arg9[%parallel_loop3A_323, %parallel_loop3A_324], %parallel_loop3A_327 {strides = array<i32>} : memref<128x256xf32, #tpu.memory_space<vmem>>, vector<1x16xf32>,
      %parallel_loop3A_328 = arith.index_cast %parallel_loop3A_258 : i32 to index
      %parallel_loop3A_329 = arith.constant 48 : index
      %parallel_loop3A_330 = tpu.vector_load %arg8[%parallel_loop3A_328, %parallel_loop3A_329] {strides = array<i32>} : memref<128x128xi32, #tpu.memory_space<vmem>>, vector<1x16xi32>,
      %parallel_loop3A_331 = vector.shape_cast %parallel_loop3A_330 : vector<1x16xi32> to vector<16xi32>
      %parallel_loop3A_332 = tpu.bitcast %parallel_loop3A_331 : vector<16xi32> -> vector<16xi32>
      %parallel_loop3A_333 = arith.constant 16 : i32
      %parallel_loop3A_334 = vector.broadcast %parallel_loop3A_333 : i32 to vector<16xi32>
      %parallel_loop3A_335 = arith.shli %parallel_loop3A_332, %parallel_loop3A_334 : vector<16xi32>
      %parallel_loop3A_336 = tpu.bitcast %parallel_loop3A_335 : vector<16xi32> -> vector<16xf32>
      %parallel_loop3A_337 = arith.index_cast %parallel_loop3A_258 : i32 to index
      %parallel_loop3A_338 = arith.constant 48 : index
      %parallel_loop3A_339 = tpu.vector_load %arg9[%parallel_loop3A_337, %parallel_loop3A_338] {strides = array<i32>} : memref<128x256xf32, #tpu.memory_space<vmem>>, vector<1x16xf32>,
      %parallel_loop3A_340 = vector.shape_cast %parallel_loop3A_339 : vector<1x16xf32> to vector<16xf32>
      %parallel_loop3A_341 = vector.shape_cast %parallel_loop3A_336 : vector<16xf32> to vector<1x16xf32>
      tpu.vector_store %arg9[%parallel_loop3A_337, %parallel_loop3A_338], %parallel_loop3A_341 {strides = array<i32>} : memref<128x256xf32, #tpu.memory_space<vmem>>, vector<1x16xf32>,
      %parallel_loop3A_342 = arith.constant -65536 : i32
      %parallel_loop3A_343 = vector.broadcast %parallel_loop3A_342 : i32 to vector<16xi32>
      %parallel_loop3A_344 = arith.andi %parallel_loop3A_332, %parallel_loop3A_343 : vector<16xi32>
      %parallel_loop3A_345 = tpu.bitcast %parallel_loop3A_344 : vector<16xi32> -> vector<16xf32>
      %parallel_loop3A_346 = arith.index_cast %parallel_loop3A_258 : i32 to index
      %parallel_loop3A_347 = arith.constant 176 : index
      %parallel_loop3A_348 = tpu.vector_load %arg9[%parallel_loop3A_346, %parallel_loop3A_347] {strides = array<i32>} : memref<128x256xf32, #tpu.memory_space<vmem>>, vector<1x16xf32>,
      %parallel_loop3A_349 = vector.shape_cast %parallel_loop3A_348 : vector<1x16xf32> to vector<16xf32>
      %parallel_loop3A_350 = vector.shape_cast %parallel_loop3A_345 : vector<16xf32> to vector<1x16xf32>
      tpu.vector_store %arg9[%parallel_loop3A_346, %parallel_loop3A_347], %parallel_loop3A_350 {strides = array<i32>} : memref<128x256xf32, #tpu.memory_space<vmem>>, vector<1x16xf32>,
      %parallel_loop3A_351 = arith.index_cast %parallel_loop3A_258 : i32 to index
      %parallel_loop3A_352 = arith.constant 64 : index
      %parallel_loop3A_353 = tpu.vector_load %arg8[%parallel_loop3A_351, %parallel_loop3A_352] {strides = array<i32>} : memref<128x128xi32, #tpu.memory_space<vmem>>, vector<1x16xi32>,
      %parallel_loop3A_354 = vector.shape_cast %parallel_loop3A_353 : vector<1x16xi32> to vector<16xi32>
      %parallel_loop3A_355 = tpu.bitcast %parallel_loop3A_354 : vector<16xi32> -> vector<16xi32>
      %parallel_loop3A_356 = arith.constant 16 : i32
      %parallel_loop3A_357 = vector.broadcast %parallel_loop3A_356 : i32 to vector<16xi32>
      %parallel_loop3A_358 = arith.shli %parallel_loop3A_355, %parallel_loop3A_357 : vector<16xi32>
      %parallel_loop3A_359 = tpu.bitcast %parallel_loop3A_358 : vector<16xi32> -> vector<16xf32>
      %parallel_loop3A_360 = arith.index_cast %parallel_loop3A_258 : i32 to index
      %parallel_loop3A_361 = arith.constant 64 : index
      %parallel_loop3A_362 = tpu.vector_load %arg9[%parallel_loop3A_360, %parallel_loop3A_361] {strides = array<i32>} : memref<128x256xf32, #tpu.memory_space<vmem>>, vector<1x16xf32>,
      %parallel_loop3A_363 = vector.shape_cast %parallel_loop3A_362 : vector<1x16xf32> to vector<16xf32>
      %parallel_loop3A_364 = vector.shape_cast %parallel_loop3A_359 : vector<16xf32> to vector<1x16xf32>
      tpu.vector_store %arg9[%parallel_loop3A_360, %parallel_loop3A_361], %parallel_loop3A_364 {strides = array<i32>} : memref<128x256xf32, #tpu.memory_space<vmem>>, vector<1x16xf32>,
      %parallel_loop3A_365 = arith.constant -65536 : i32
      %parallel_loop3A_366 = vector.broadcast %parallel_loop3A_365 : i32 to vector<16xi32>
      %parallel_loop3A_367 = arith.andi %parallel_loop3A_355, %parallel_loop3A_366 : vector<16xi32>
      %parallel_loop3A_368 = tpu.bitcast %parallel_loop3A_367 : vector<16xi32> -> vector<16xf32>
      %parallel_loop3A_369 = arith.index_cast %parallel_loop3A_258 : i32 to index
      %parallel_loop3A_370 = arith.constant 192 : index
      %parallel_loop3A_371 = tpu.vector_load %arg9[%parallel_loop3A_369, %parallel_loop3A_370] {strides = array<i32>} : memref<128x256xf32, #tpu.memory_space<vmem>>, vector<1x16xf32>,
      %parallel_loop3A_372 = vector.shape_cast %parallel_loop3A_371 : vector<1x16xf32> to vector<16xf32>
      %parallel_loop3A_373 = vector.shape_cast %parallel_loop3A_368 : vector<16xf32> to vector<1x16xf32>
      tpu.vector_store %arg9[%parallel_loop3A_369, %parallel_loop3A_370], %parallel_loop3A_373 {strides = array<i32>} : memref<128x256xf32, #tpu.memory_space<vmem>>, vector<1x16xf32>,
      %parallel_loop3A_374 = arith.index_cast %parallel_loop3A_258 : i32 to index
      %parallel_loop3A_375 = arith.constant 80 : index
      %parallel_loop3A_376 = tpu.vector_load %arg8[%parallel_loop3A_374, %parallel_loop3A_375] {strides = array<i32>} : memref<128x128xi32, #tpu.memory_space<vmem>>, vector<1x16xi32>,
      %parallel_loop3A_377 = vector.shape_cast %parallel_loop3A_376 : vector<1x16xi32> to vector<16xi32>
      %parallel_loop3A_378 = tpu.bitcast %parallel_loop3A_377 : vector<16xi32> -> vector<16xi32>
      %parallel_loop3A_379 = arith.constant 16 : i32
      %parallel_loop3A_380 = vector.broadcast %parallel_loop3A_379 : i32 to vector<16xi32>
      %parallel_loop3A_381 = arith.shli %parallel_loop3A_378, %parallel_loop3A_380 : vector<16xi32>
      %parallel_loop3A_382 = tpu.bitcast %parallel_loop3A_381 : vector<16xi32> -> vector<16xf32>
      %parallel_loop3A_383 = arith.index_cast %parallel_loop3A_258 : i32 to index
      %parallel_loop3A_384 = arith.constant 80 : index
      %parallel_loop3A_385 = tpu.vector_load %arg9[%parallel_loop3A_383, %parallel_loop3A_384] {strides = array<i32>} : memref<128x256xf32, #tpu.memory_space<vmem>>, vector<1x16xf32>,
      %parallel_loop3A_386 = vector.shape_cast %parallel_loop3A_385 : vector<1x16xf32> to vector<16xf32>
      %parallel_loop3A_387 = vector.shape_cast %parallel_loop3A_382 : vector<16xf32> to vector<1x16xf32>
      tpu.vector_store %arg9[%parallel_loop3A_383, %parallel_loop3A_384], %parallel_loop3A_387 {strides = array<i32>} : memref<128x256xf32, #tpu.memory_space<vmem>>, vector<1x16xf32>,
      %parallel_loop3A_388 = arith.constant -65536 : i32
      %parallel_loop3A_389 = vector.broadcast %parallel_loop3A_388 : i32 to vector<16xi32>
      %parallel_loop3A_390 = arith.andi %parallel_loop3A_378, %parallel_loop3A_389 : vector<16xi32>
      %parallel_loop3A_391 = tpu.bitcast %parallel_loop3A_390 : vector<16xi32> -> vector<16xf32>
      %parallel_loop3A_392 = arith.index_cast %parallel_loop3A_258 : i32 to index
      %parallel_loop3A_393 = arith.constant 208 : index
      %parallel_loop3A_394 = tpu.vector_load %arg9[%parallel_loop3A_392, %parallel_loop3A_393] {strides = array<i32>} : memref<128x256xf32, #tpu.memory_space<vmem>>, vector<1x16xf32>,
      %parallel_loop3A_395 = vector.shape_cast %parallel_loop3A_394 : vector<1x16xf32> to vector<16xf32>
      %parallel_loop3A_396 = vector.shape_cast %parallel_loop3A_391 : vector<16xf32> to vector<1x16xf32>
      tpu.vector_store %arg9[%parallel_loop3A_392, %parallel_loop3A_393], %parallel_loop3A_396 {strides = array<i32>} : memref<128x256xf32, #tpu.memory_space<vmem>>, vector<1x16xf32>,
      %parallel_loop3A_397 = arith.index_cast %parallel_loop3A_258 : i32 to index
      %parallel_loop3A_398 = arith.constant 96 : index
      %parallel_loop3A_399 = tpu.vector_load %arg8[%parallel_loop3A_397, %parallel_loop3A_398] {strides = array<i32>} : memref<128x128xi32, #tpu.memory_space<vmem>>, vector<1x16xi32>,
      %parallel_loop3A_400 = vector.shape_cast %parallel_loop3A_399 : vector<1x16xi32> to vector<16xi32>
      %parallel_loop3A_401 = tpu.bitcast %parallel_loop3A_400 : vector<16xi32> -> vector<16xi32>
      %parallel_loop3A_402 = arith.constant 16 : i32
      %parallel_loop3A_403 = vector.broadcast %parallel_loop3A_402 : i32 to vector<16xi32>
      %parallel_loop3A_404 = arith.shli %parallel_loop3A_401, %parallel_loop3A_403 : vector<16xi32>
      %parallel_loop3A_405 = tpu.bitcast %parallel_loop3A_404 : vector<16xi32> -> vector<16xf32>
      %parallel_loop3A_406 = arith.index_cast %parallel_loop3A_258 : i32 to index
      %parallel_loop3A_407 = arith.constant 96 : index
      %parallel_loop3A_408 = tpu.vector_load %arg9[%parallel_loop3A_406, %parallel_loop3A_407] {strides = array<i32>} : memref<128x256xf32, #tpu.memory_space<vmem>>, vector<1x16xf32>,
      %parallel_loop3A_409 = vector.shape_cast %parallel_loop3A_408 : vector<1x16xf32> to vector<16xf32>
      %parallel_loop3A_410 = vector.shape_cast %parallel_loop3A_405 : vector<16xf32> to vector<1x16xf32>
      tpu.vector_store %arg9[%parallel_loop3A_406, %parallel_loop3A_407], %parallel_loop3A_410 {strides = array<i32>} : memref<128x256xf32, #tpu.memory_space<vmem>>, vector<1x16xf32>,
      %parallel_loop3A_411 = arith.constant -65536 : i32
      %parallel_loop3A_412 = vector.broadcast %parallel_loop3A_411 : i32 to vector<16xi32>
      %parallel_loop3A_413 = arith.andi %parallel_loop3A_401, %parallel_loop3A_412 : vector<16xi32>
      %parallel_loop3A_414 = tpu.bitcast %parallel_loop3A_413 : vector<16xi32> -> vector<16xf32>
      %parallel_loop3A_415 = arith.index_cast %parallel_loop3A_258 : i32 to index
      %parallel_loop3A_416 = arith.constant 224 : index
      %parallel_loop3A_417 = tpu.vector_load %arg9[%parallel_loop3A_415, %parallel_loop3A_416] {strides = array<i32>} : memref<128x256xf32, #tpu.memory_space<vmem>>, vector<1x16xf32>,
      %parallel_loop3A_418 = vector.shape_cast %parallel_loop3A_417 : vector<1x16xf32> to vector<16xf32>
      %parallel_loop3A_419 = vector.shape_cast %parallel_loop3A_414 : vector<16xf32> to vector<1x16xf32>
      tpu.vector_store %arg9[%parallel_loop3A_415, %parallel_loop3A_416], %parallel_loop3A_419 {strides = array<i32>} : memref<128x256xf32, #tpu.memory_space<vmem>>, vector<1x16xf32>,
      %parallel_loop3A_420 = arith.index_cast %parallel_loop3A_258 : i32 to index
      %parallel_loop3A_421 = arith.constant 112 : index
      %parallel_loop3A_422 = tpu.vector_load %arg8[%parallel_loop3A_420, %parallel_loop3A_421] {strides = array<i32>} : memref<128x128xi32, #tpu.memory_space<vmem>>, vector<1x16xi32>,
      %parallel_loop3A_423 = vector.shape_cast %parallel_loop3A_422 : vector<1x16xi32> to vector<16xi32>
      %parallel_loop3A_424 = tpu.bitcast %parallel_loop3A_423 : vector<16xi32> -> vector<16xi32>
      %parallel_loop3A_425 = arith.constant 16 : i32
      %parallel_loop3A_426 = vector.broadcast %parallel_loop3A_425 : i32 to vector<16xi32>
      %parallel_loop3A_427 = arith.shli %parallel_loop3A_424, %parallel_loop3A_426 : vector<16xi32>
      %parallel_loop3A_428 = tpu.bitcast %parallel_loop3A_427 : vector<16xi32> -> vector<16xf32>
      %parallel_loop3A_429 = arith.index_cast %parallel_loop3A_258 : i32 to index
      %parallel_loop3A_430 = arith.constant 112 : index
      %parallel_loop3A_431 = tpu.vector_load %arg9[%parallel_loop3A_429, %parallel_loop3A_430] {strides = array<i32>} : memref<128x256xf32, #tpu.memory_space<vmem>>, vector<1x16xf32>,
      %parallel_loop3A_432 = vector.shape_cast %parallel_loop3A_431 : vector<1x16xf32> to vector<16xf32>
      %parallel_loop3A_433 = vector.shape_cast %parallel_loop3A_428 : vector<16xf32> to vector<1x16xf32>
      tpu.vector_store %arg9[%parallel_loop3A_429, %parallel_loop3A_430], %parallel_loop3A_433 {strides = array<i32>} : memref<128x256xf32, #tpu.memory_space<vmem>>, vector<1x16xf32>,
      %parallel_loop3A_434 = arith.constant -65536 : i32
      %parallel_loop3A_435 = vector.broadcast %parallel_loop3A_434 : i32 to vector<16xi32>
      %parallel_loop3A_436 = arith.andi %parallel_loop3A_424, %parallel_loop3A_435 : vector<16xi32>
      %parallel_loop3A_437 = tpu.bitcast %parallel_loop3A_436 : vector<16xi32> -> vector<16xf32>
      %parallel_loop3A_438 = arith.index_cast %parallel_loop3A_258 : i32 to index
      %parallel_loop3A_439 = arith.constant 240 : index
      %parallel_loop3A_440 = tpu.vector_load %arg9[%parallel_loop3A_438, %parallel_loop3A_439] {strides = array<i32>} : memref<128x256xf32, #tpu.memory_space<vmem>>, vector<1x16xf32>,
      %parallel_loop3A_441 = vector.shape_cast %parallel_loop3A_440 : vector<1x16xf32> to vector<16xf32>
      %parallel_loop3A_442 = vector.shape_cast %parallel_loop3A_437 : vector<16xf32> to vector<1x16xf32>
      tpu.vector_store %arg9[%parallel_loop3A_438, %parallel_loop3A_439], %parallel_loop3A_442 {strides = array<i32>} : memref<128x256xf32, #tpu.memory_space<vmem>>, vector<1x16xf32>,
    } {sc.loop_unroll_factor = 8 : i64, sc.parallel_access}
    %add3A_109 = arith.constant 128 : i32
    %add3A_110 = arith.addi %mul3A_2, %add3A_109 : i32
    %dma_start3A_111 = arith.constant 0 : i32
    %dma_start3A_112 = arith.constant 0 : i32
    %dma_start3A_113 = tpu.memref_slice %arg9[%dma_start3A_111, %dma_start3A_112] : memref<128x256xf32, #tpu.memory_space<vmem>> -> memref<128x256xf32, #tpu.memory_space<vmem>>
    %dma_start3A_114 = arith.constant 0 : i32
    %dma_start3A_115 = tpu.memref_slice %arg4[%add3A_110, %dma_start3A_114] : memref<16384x256xf32, #tpu.memory_space<hbm>> -> memref<128x256xf32, #tpu.memory_space<hbm>>
    %dma_start3A_116 = arith.constant 0 : i32
    %dma_start3A_117 = tpu.memref_slice %arg4[%add3A_110, %dma_start3A_116] : memref<16384x256xf32, #tpu.memory_space<hbm>> -> memref<128x256xf32, #tpu.memory_space<hbm>>
    %dma_start3A_118 = arith.constant 0 : i32
    %dma_start3A_119 = arith.constant 0 : i32
    %dma_start3A_120 = tpu.memref_slice %arg9[%dma_start3A_118, %dma_start3A_119] : memref<128x256xf32, #tpu.memory_space<vmem>> -> memref<128x256xf32, #tpu.memory_space<vmem>>
    tpu.enqueue_dma source(%dma_start3A_120 : memref<128x256xf32, #tpu.memory_space<vmem>>) target(%dma_start3A_117 : memref<128x256xf32, #tpu.memory_space<hbm>>) target_semaphore(%arg14 : memref<!tpu.dma_semaphore, #tpu.memory_space<semaphore_mem>>)
    %dma_start3A_121 = arith.constant 0 : i32
    %dma_start3A_122 = arith.constant 0 : i32
    %dma_start3A_123 = tpu.memref_slice %arg8[%dma_start3A_121, %dma_start3A_122] : memref<128x128xi32, #tpu.memory_space<vmem>> -> memref<32x128xi32, #tpu.memory_space<vmem>>
    %dma_start3A_124 = arith.constant 480 : i32
    %dma_start3A_125 = tpu.memref_slice %arg5[%dma_start3A_124] : memref<512xi32, #tpu.memory_space<vmem>> -> memref<32xi32, #tpu.memory_space<vmem>>
    %dma_start3A_126 = arith.constant 0 : i32
    %dma_start3A_127 = arith.constant 0 : i32
    %dma_start3A_128 = tpu.memref_slice %arg2[%dma_start3A_126, %dma_start3A_127] : memref<1024x128xi32, #tpu.memory_space<hbm>> -> memref<1024x128xi32, #tpu.memory_space<hbm>>
    tpu.enqueue_indirect_dma source(%dma_start3A_128 : memref<1024x128xi32, #tpu.memory_space<hbm>>) target(%dma_start3A_123 : memref<32x128xi32, #tpu.memory_space<vmem>>) offsets(%dma_start3A_125 : memref<32xi32, #tpu.memory_space<vmem>>) semaphore(%arg13 : memref<!tpu.dma_semaphore, #tpu.memory_space<semaphore_mem>>)
    %dma_wait3A_129 = arith.constant 0 : i32
    %dma_wait3A_130 = arith.constant 0 : i32
    %dma_wait3A_131 = tpu.memref_slice %arg6[%dma_wait3A_129, %dma_wait3A_130] : memref<128x128xi32, #tpu.memory_space<vmem>> -> memref<128x128xi32, #tpu.memory_space<vmem>>
    %dma_wait3A_132 = arith.constant 256 : i32
    %dma_wait3A_133 = tpu.memref_slice %arg5[%dma_wait3A_132] : memref<512xi32, #tpu.memory_space<vmem>> -> memref<128xi32, #tpu.memory_space<vmem>>
    %dma_wait3A_134 = arith.constant 0 : i32
    %dma_wait3A_135 = arith.constant 0 : i32
    %dma_wait3A_136 = tpu.memref_slice %arg2[%dma_wait3A_134, %dma_wait3A_135] : memref<1024x128xi32, #tpu.memory_space<hbm>> -> memref<1024x128xi32, #tpu.memory_space<hbm>>
    tpu.wait_indirect_dma semaphore(%arg11 : memref<!tpu.dma_semaphore, #tpu.memory_space<semaphore_mem>>) src(%dma_wait3A_136 : memref<1024x128xi32, #tpu.memory_space<hbm>>) dst(%dma_wait3A_131 : memref<128x128xi32, #tpu.memory_space<vmem>>)
    %add3A_137 = arith.constant 32 : i32
    %add3A_138 = arith.addi %mul3A_2, %add3A_137 : i32
    %dma_wait3A_139 = arith.constant 0 : i32
    %dma_wait3A_140 = arith.constant 0 : i32
    %dma_wait3A_141 = tpu.memref_slice %arg10[%dma_wait3A_139, %dma_wait3A_140] : memref<128x256xf32, #tpu.memory_space<vmem>> -> memref<96x256xf32, #tpu.memory_space<vmem>>
    %dma_wait3A_142 = arith.constant 0 : i32
    %dma_wait3A_143 = tpu.memref_slice %arg4[%add3A_138, %dma_wait3A_142] : memref<16384x256xf32, #tpu.memory_space<hbm>> -> memref<96x256xf32, #tpu.memory_space<hbm>>
    %dma_wait3A_144 = arith.constant 0 : i32
    %dma_wait3A_145 = tpu.memref_slice %arg4[%add3A_138, %dma_wait3A_144] : memref<16384x256xf32, #tpu.memory_space<hbm>> -> memref<96x256xf32, #tpu.memory_space<hbm>>
    %dma_wait3A_146 = arith.constant 0 : i32
    %dma_wait3A_147 = arith.constant 0 : i32
    %dma_wait3A_148 = tpu.memref_slice %arg10[%dma_wait3A_146, %dma_wait3A_147] : memref<128x256xf32, #tpu.memory_space<vmem>> -> memref<96x256xf32, #tpu.memory_space<vmem>>
    tpu.wait_dma2 semaphore(%arg15 : memref<!tpu.dma_semaphore, #tpu.memory_space<semaphore_mem>>) src(%dma_wait3A_148 : memref<96x256xf32, #tpu.memory_space<vmem>>) dst(%dma_wait3A_145 : memref<96x256xf32, #tpu.memory_space<hbm>>)
    %parallel_loop3A_149 = arith.constant 0 : i32
    %parallel_loop3A_150 = arith.constant 128 : i32
    %parallel_loop3A_151 = arith.constant 1 : i32
    scf.for %parallel_loop3A_258 = %parallel_loop3A_149 to %parallel_loop3A_150 step %parallel_loop3A_151  : i32 {
      %parallel_loop3A_259 = arith.index_cast %parallel_loop3A_258 : i32 to index
      %parallel_loop3A_260 = arith.constant 0 : index
      %parallel_loop3A_261 = tpu.vector_load %arg6[%parallel_loop3A_259, %parallel_loop3A_260] {strides = array<i32>} : memref<128x128xi32, #tpu.memory_space<vmem>>, vector<1x16xi32>,
      %parallel_loop3A_262 = vector.shape_cast %parallel_loop3A_261 : vector<1x16xi32> to vector<16xi32>
      %parallel_loop3A_263 = tpu.bitcast %parallel_loop3A_262 : vector<16xi32> -> vector<16xi32>
      %parallel_loop3A_264 = arith.constant 16 : i32
      %parallel_loop3A_265 = vector.broadcast %parallel_loop3A_264 : i32 to vector<16xi32>
      %parallel_loop3A_266 = arith.shli %parallel_loop3A_263, %parallel_loop3A_265 : vector<16xi32>
      %parallel_loop3A_267 = tpu.bitcast %parallel_loop3A_266 : vector<16xi32> -> vector<16xf32>
      %parallel_loop3A_268 = arith.index_cast %parallel_loop3A_258 : i32 to index
      %parallel_loop3A_269 = arith.constant 0 : index
      %parallel_loop3A_270 = tpu.vector_load %arg10[%parallel_loop3A_268, %parallel_loop3A_269] {strides = array<i32>} : memref<128x256xf32, #tpu.memory_space<vmem>>, vector<1x16xf32>,
      %parallel_loop3A_271 = vector.shape_cast %parallel_loop3A_270 : vector<1x16xf32> to vector<16xf32>
      %parallel_loop3A_272 = vector.shape_cast %parallel_loop3A_267 : vector<16xf32> to vector<1x16xf32>
      tpu.vector_store %arg10[%parallel_loop3A_268, %parallel_loop3A_269], %parallel_loop3A_272 {strides = array<i32>} : memref<128x256xf32, #tpu.memory_space<vmem>>, vector<1x16xf32>,
      %parallel_loop3A_273 = arith.constant -65536 : i32
      %parallel_loop3A_274 = vector.broadcast %parallel_loop3A_273 : i32 to vector<16xi32>
      %parallel_loop3A_275 = arith.andi %parallel_loop3A_263, %parallel_loop3A_274 : vector<16xi32>
      %parallel_loop3A_276 = tpu.bitcast %parallel_loop3A_275 : vector<16xi32> -> vector<16xf32>
      %parallel_loop3A_277 = arith.index_cast %parallel_loop3A_258 : i32 to index
      %parallel_loop3A_278 = arith.constant 128 : index
      %parallel_loop3A_279 = tpu.vector_load %arg10[%parallel_loop3A_277, %parallel_loop3A_278] {strides = array<i32>} : memref<128x256xf32, #tpu.memory_space<vmem>>, vector<1x16xf32>,
      %parallel_loop3A_280 = vector.shape_cast %parallel_loop3A_279 : vector<1x16xf32> to vector<16xf32>
      %parallel_loop3A_281 = vector.shape_cast %parallel_loop3A_276 : vector<16xf32> to vector<1x16xf32>
      tpu.vector_store %arg10[%parallel_loop3A_277, %parallel_loop3A_278], %parallel_loop3A_281 {strides = array<i32>} : memref<128x256xf32, #tpu.memory_space<vmem>>, vector<1x16xf32>,
      %parallel_loop3A_282 = arith.index_cast %parallel_loop3A_258 : i32 to index
      %parallel_loop3A_283 = arith.constant 16 : index
      %parallel_loop3A_284 = tpu.vector_load %arg6[%parallel_loop3A_282, %parallel_loop3A_283] {strides = array<i32>} : memref<128x128xi32, #tpu.memory_space<vmem>>, vector<1x16xi32>,
      %parallel_loop3A_285 = vector.shape_cast %parallel_loop3A_284 : vector<1x16xi32> to vector<16xi32>
      %parallel_loop3A_286 = tpu.bitcast %parallel_loop3A_285 : vector<16xi32> -> vector<16xi32>
      %parallel_loop3A_287 = arith.constant 16 : i32
      %parallel_loop3A_288 = vector.broadcast %parallel_loop3A_287 : i32 to vector<16xi32>
      %parallel_loop3A_289 = arith.shli %parallel_loop3A_286, %parallel_loop3A_288 : vector<16xi32>
      %parallel_loop3A_290 = tpu.bitcast %parallel_loop3A_289 : vector<16xi32> -> vector<16xf32>
      %parallel_loop3A_291 = arith.index_cast %parallel_loop3A_258 : i32 to index
      %parallel_loop3A_292 = arith.constant 16 : index
      %parallel_loop3A_293 = tpu.vector_load %arg10[%parallel_loop3A_291, %parallel_loop3A_292] {strides = array<i32>} : memref<128x256xf32, #tpu.memory_space<vmem>>, vector<1x16xf32>,
      %parallel_loop3A_294 = vector.shape_cast %parallel_loop3A_293 : vector<1x16xf32> to vector<16xf32>
      %parallel_loop3A_295 = vector.shape_cast %parallel_loop3A_290 : vector<16xf32> to vector<1x16xf32>
      tpu.vector_store %arg10[%parallel_loop3A_291, %parallel_loop3A_292], %parallel_loop3A_295 {strides = array<i32>} : memref<128x256xf32, #tpu.memory_space<vmem>>, vector<1x16xf32>,
      %parallel_loop3A_296 = arith.constant -65536 : i32
      %parallel_loop3A_297 = vector.broadcast %parallel_loop3A_296 : i32 to vector<16xi32>
      %parallel_loop3A_298 = arith.andi %parallel_loop3A_286, %parallel_loop3A_297 : vector<16xi32>
      %parallel_loop3A_299 = tpu.bitcast %parallel_loop3A_298 : vector<16xi32> -> vector<16xf32>
      %parallel_loop3A_300 = arith.index_cast %parallel_loop3A_258 : i32 to index
      %parallel_loop3A_301 = arith.constant 144 : index
      %parallel_loop3A_302 = tpu.vector_load %arg10[%parallel_loop3A_300, %parallel_loop3A_301] {strides = array<i32>} : memref<128x256xf32, #tpu.memory_space<vmem>>, vector<1x16xf32>,
      %parallel_loop3A_303 = vector.shape_cast %parallel_loop3A_302 : vector<1x16xf32> to vector<16xf32>
      %parallel_loop3A_304 = vector.shape_cast %parallel_loop3A_299 : vector<16xf32> to vector<1x16xf32>
      tpu.vector_store %arg10[%parallel_loop3A_300, %parallel_loop3A_301], %parallel_loop3A_304 {strides = array<i32>} : memref<128x256xf32, #tpu.memory_space<vmem>>, vector<1x16xf32>,
      %parallel_loop3A_305 = arith.index_cast %parallel_loop3A_258 : i32 to index
      %parallel_loop3A_306 = arith.constant 32 : index
      %parallel_loop3A_307 = tpu.vector_load %arg6[%parallel_loop3A_305, %parallel_loop3A_306] {strides = array<i32>} : memref<128x128xi32, #tpu.memory_space<vmem>>, vector<1x16xi32>,
      %parallel_loop3A_308 = vector.shape_cast %parallel_loop3A_307 : vector<1x16xi32> to vector<16xi32>
      %parallel_loop3A_309 = tpu.bitcast %parallel_loop3A_308 : vector<16xi32> -> vector<16xi32>
      %parallel_loop3A_310 = arith.constant 16 : i32
      %parallel_loop3A_311 = vector.broadcast %parallel_loop3A_310 : i32 to vector<16xi32>
      %parallel_loop3A_312 = arith.shli %parallel_loop3A_309, %parallel_loop3A_311 : vector<16xi32>
      %parallel_loop3A_313 = tpu.bitcast %parallel_loop3A_312 : vector<16xi32> -> vector<16xf32>
      %parallel_loop3A_314 = arith.index_cast %parallel_loop3A_258 : i32 to index
      %parallel_loop3A_315 = arith.constant 32 : index
      %parallel_loop3A_316 = tpu.vector_load %arg10[%parallel_loop3A_314, %parallel_loop3A_315] {strides = array<i32>} : memref<128x256xf32, #tpu.memory_space<vmem>>, vector<1x16xf32>,
      %parallel_loop3A_317 = vector.shape_cast %parallel_loop3A_316 : vector<1x16xf32> to vector<16xf32>
      %parallel_loop3A_318 = vector.shape_cast %parallel_loop3A_313 : vector<16xf32> to vector<1x16xf32>
      tpu.vector_store %arg10[%parallel_loop3A_314, %parallel_loop3A_315], %parallel_loop3A_318 {strides = array<i32>} : memref<128x256xf32, #tpu.memory_space<vmem>>, vector<1x16xf32>,
      %parallel_loop3A_319 = arith.constant -65536 : i32
      %parallel_loop3A_320 = vector.broadcast %parallel_loop3A_319 : i32 to vector<16xi32>
      %parallel_loop3A_321 = arith.andi %parallel_loop3A_309, %parallel_loop3A_320 : vector<16xi32>
      %parallel_loop3A_322 = tpu.bitcast %parallel_loop3A_321 : vector<16xi32> -> vector<16xf32>
      %parallel_loop3A_323 = arith.index_cast %parallel_loop3A_258 : i32 to index
      %parallel_loop3A_324 = arith.constant 160 : index
      %parallel_loop3A_325 = tpu.vector_load %arg10[%parallel_loop3A_323, %parallel_loop3A_324] {strides = array<i32>} : memref<128x256xf32, #tpu.memory_space<vmem>>, vector<1x16xf32>,
      %parallel_loop3A_326 = vector.shape_cast %parallel_loop3A_325 : vector<1x16xf32> to vector<16xf32>
      %parallel_loop3A_327 = vector.shape_cast %parallel_loop3A_322 : vector<16xf32> to vector<1x16xf32>
      tpu.vector_store %arg10[%parallel_loop3A_323, %parallel_loop3A_324], %parallel_loop3A_327 {strides = array<i32>} : memref<128x256xf32, #tpu.memory_space<vmem>>, vector<1x16xf32>,
      %parallel_loop3A_328 = arith.index_cast %parallel_loop3A_258 : i32 to index
      %parallel_loop3A_329 = arith.constant 48 : index
      %parallel_loop3A_330 = tpu.vector_load %arg6[%parallel_loop3A_328, %parallel_loop3A_329] {strides = array<i32>} : memref<128x128xi32, #tpu.memory_space<vmem>>, vector<1x16xi32>,
      %parallel_loop3A_331 = vector.shape_cast %parallel_loop3A_330 : vector<1x16xi32> to vector<16xi32>
      %parallel_loop3A_332 = tpu.bitcast %parallel_loop3A_331 : vector<16xi32> -> vector<16xi32>
      %parallel_loop3A_333 = arith.constant 16 : i32
      %parallel_loop3A_334 = vector.broadcast %parallel_loop3A_333 : i32 to vector<16xi32>
      %parallel_loop3A_335 = arith.shli %parallel_loop3A_332, %parallel_loop3A_334 : vector<16xi32>
      %parallel_loop3A_336 = tpu.bitcast %parallel_loop3A_335 : vector<16xi32> -> vector<16xf32>
      %parallel_loop3A_337 = arith.index_cast %parallel_loop3A_258 : i32 to index
      %parallel_loop3A_338 = arith.constant 48 : index
      %parallel_loop3A_339 = tpu.vector_load %arg10[%parallel_loop3A_337, %parallel_loop3A_338] {strides = array<i32>} : memref<128x256xf32, #tpu.memory_space<vmem>>, vector<1x16xf32>,
      %parallel_loop3A_340 = vector.shape_cast %parallel_loop3A_339 : vector<1x16xf32> to vector<16xf32>
      %parallel_loop3A_341 = vector.shape_cast %parallel_loop3A_336 : vector<16xf32> to vector<1x16xf32>
      tpu.vector_store %arg10[%parallel_loop3A_337, %parallel_loop3A_338], %parallel_loop3A_341 {strides = array<i32>} : memref<128x256xf32, #tpu.memory_space<vmem>>, vector<1x16xf32>,
      %parallel_loop3A_342 = arith.constant -65536 : i32
      %parallel_loop3A_343 = vector.broadcast %parallel_loop3A_342 : i32 to vector<16xi32>
      %parallel_loop3A_344 = arith.andi %parallel_loop3A_332, %parallel_loop3A_343 : vector<16xi32>
      %parallel_loop3A_345 = tpu.bitcast %parallel_loop3A_344 : vector<16xi32> -> vector<16xf32>
      %parallel_loop3A_346 = arith.index_cast %parallel_loop3A_258 : i32 to index
      %parallel_loop3A_347 = arith.constant 176 : index
      %parallel_loop3A_348 = tpu.vector_load %arg10[%parallel_loop3A_346, %parallel_loop3A_347] {strides = array<i32>} : memref<128x256xf32, #tpu.memory_space<vmem>>, vector<1x16xf32>,
      %parallel_loop3A_349 = vector.shape_cast %parallel_loop3A_348 : vector<1x16xf32> to vector<16xf32>
      %parallel_loop3A_350 = vector.shape_cast %parallel_loop3A_345 : vector<16xf32> to vector<1x16xf32>
      tpu.vector_store %arg10[%parallel_loop3A_346, %parallel_loop3A_347], %parallel_loop3A_350 {strides = array<i32>} : memref<128x256xf32, #tpu.memory_space<vmem>>, vector<1x16xf32>,
      %parallel_loop3A_351 = arith.index_cast %parallel_loop3A_258 : i32 to index
      %parallel_loop3A_352 = arith.constant 64 : index
      %parallel_loop3A_353 = tpu.vector_load %arg6[%parallel_loop3A_351, %parallel_loop3A_352] {strides = array<i32>} : memref<128x128xi32, #tpu.memory_space<vmem>>, vector<1x16xi32>,
      %parallel_loop3A_354 = vector.shape_cast %parallel_loop3A_353 : vector<1x16xi32> to vector<16xi32>
      %parallel_loop3A_355 = tpu.bitcast %parallel_loop3A_354 : vector<16xi32> -> vector<16xi32>
      %parallel_loop3A_356 = arith.constant 16 : i32
      %parallel_loop3A_357 = vector.broadcast %parallel_loop3A_356 : i32 to vector<16xi32>
      %parallel_loop3A_358 = arith.shli %parallel_loop3A_355, %parallel_loop3A_357 : vector<16xi32>
      %parallel_loop3A_359 = tpu.bitcast %parallel_loop3A_358 : vector<16xi32> -> vector<16xf32>
      %parallel_loop3A_360 = arith.index_cast %parallel_loop3A_258 : i32 to index
      %parallel_loop3A_361 = arith.constant 64 : index
      %parallel_loop3A_362 = tpu.vector_load %arg10[%parallel_loop3A_360, %parallel_loop3A_361] {strides = array<i32>} : memref<128x256xf32, #tpu.memory_space<vmem>>, vector<1x16xf32>,
      %parallel_loop3A_363 = vector.shape_cast %parallel_loop3A_362 : vector<1x16xf32> to vector<16xf32>
      %parallel_loop3A_364 = vector.shape_cast %parallel_loop3A_359 : vector<16xf32> to vector<1x16xf32>
      tpu.vector_store %arg10[%parallel_loop3A_360, %parallel_loop3A_361], %parallel_loop3A_364 {strides = array<i32>} : memref<128x256xf32, #tpu.memory_space<vmem>>, vector<1x16xf32>,
      %parallel_loop3A_365 = arith.constant -65536 : i32
      %parallel_loop3A_366 = vector.broadcast %parallel_loop3A_365 : i32 to vector<16xi32>
      %parallel_loop3A_367 = arith.andi %parallel_loop3A_355, %parallel_loop3A_366 : vector<16xi32>
      %parallel_loop3A_368 = tpu.bitcast %parallel_loop3A_367 : vector<16xi32> -> vector<16xf32>
      %parallel_loop3A_369 = arith.index_cast %parallel_loop3A_258 : i32 to index
      %parallel_loop3A_370 = arith.constant 192 : index
      %parallel_loop3A_371 = tpu.vector_load %arg10[%parallel_loop3A_369, %parallel_loop3A_370] {strides = array<i32>} : memref<128x256xf32, #tpu.memory_space<vmem>>, vector<1x16xf32>,
      %parallel_loop3A_372 = vector.shape_cast %parallel_loop3A_371 : vector<1x16xf32> to vector<16xf32>
      %parallel_loop3A_373 = vector.shape_cast %parallel_loop3A_368 : vector<16xf32> to vector<1x16xf32>
      tpu.vector_store %arg10[%parallel_loop3A_369, %parallel_loop3A_370], %parallel_loop3A_373 {strides = array<i32>} : memref<128x256xf32, #tpu.memory_space<vmem>>, vector<1x16xf32>,
      %parallel_loop3A_374 = arith.index_cast %parallel_loop3A_258 : i32 to index
      %parallel_loop3A_375 = arith.constant 80 : index
      %parallel_loop3A_376 = tpu.vector_load %arg6[%parallel_loop3A_374, %parallel_loop3A_375] {strides = array<i32>} : memref<128x128xi32, #tpu.memory_space<vmem>>, vector<1x16xi32>,
      %parallel_loop3A_377 = vector.shape_cast %parallel_loop3A_376 : vector<1x16xi32> to vector<16xi32>
      %parallel_loop3A_378 = tpu.bitcast %parallel_loop3A_377 : vector<16xi32> -> vector<16xi32>
      %parallel_loop3A_379 = arith.constant 16 : i32
      %parallel_loop3A_380 = vector.broadcast %parallel_loop3A_379 : i32 to vector<16xi32>
      %parallel_loop3A_381 = arith.shli %parallel_loop3A_378, %parallel_loop3A_380 : vector<16xi32>
      %parallel_loop3A_382 = tpu.bitcast %parallel_loop3A_381 : vector<16xi32> -> vector<16xf32>
      %parallel_loop3A_383 = arith.index_cast %parallel_loop3A_258 : i32 to index
      %parallel_loop3A_384 = arith.constant 80 : index
      %parallel_loop3A_385 = tpu.vector_load %arg10[%parallel_loop3A_383, %parallel_loop3A_384] {strides = array<i32>} : memref<128x256xf32, #tpu.memory_space<vmem>>, vector<1x16xf32>,
      %parallel_loop3A_386 = vector.shape_cast %parallel_loop3A_385 : vector<1x16xf32> to vector<16xf32>
      %parallel_loop3A_387 = vector.shape_cast %parallel_loop3A_382 : vector<16xf32> to vector<1x16xf32>
      tpu.vector_store %arg10[%parallel_loop3A_383, %parallel_loop3A_384], %parallel_loop3A_387 {strides = array<i32>} : memref<128x256xf32, #tpu.memory_space<vmem>>, vector<1x16xf32>,
      %parallel_loop3A_388 = arith.constant -65536 : i32
      %parallel_loop3A_389 = vector.broadcast %parallel_loop3A_388 : i32 to vector<16xi32>
      %parallel_loop3A_390 = arith.andi %parallel_loop3A_378, %parallel_loop3A_389 : vector<16xi32>
      %parallel_loop3A_391 = tpu.bitcast %parallel_loop3A_390 : vector<16xi32> -> vector<16xf32>
      %parallel_loop3A_392 = arith.index_cast %parallel_loop3A_258 : i32 to index
      %parallel_loop3A_393 = arith.constant 208 : index
      %parallel_loop3A_394 = tpu.vector_load %arg10[%parallel_loop3A_392, %parallel_loop3A_393] {strides = array<i32>} : memref<128x256xf32, #tpu.memory_space<vmem>>, vector<1x16xf32>,
      %parallel_loop3A_395 = vector.shape_cast %parallel_loop3A_394 : vector<1x16xf32> to vector<16xf32>
      %parallel_loop3A_396 = vector.shape_cast %parallel_loop3A_391 : vector<16xf32> to vector<1x16xf32>
      tpu.vector_store %arg10[%parallel_loop3A_392, %parallel_loop3A_393], %parallel_loop3A_396 {strides = array<i32>} : memref<128x256xf32, #tpu.memory_space<vmem>>, vector<1x16xf32>,
      %parallel_loop3A_397 = arith.index_cast %parallel_loop3A_258 : i32 to index
      %parallel_loop3A_398 = arith.constant 96 : index
      %parallel_loop3A_399 = tpu.vector_load %arg6[%parallel_loop3A_397, %parallel_loop3A_398] {strides = array<i32>} : memref<128x128xi32, #tpu.memory_space<vmem>>, vector<1x16xi32>,
      %parallel_loop3A_400 = vector.shape_cast %parallel_loop3A_399 : vector<1x16xi32> to vector<16xi32>
      %parallel_loop3A_401 = tpu.bitcast %parallel_loop3A_400 : vector<16xi32> -> vector<16xi32>
      %parallel_loop3A_402 = arith.constant 16 : i32
      %parallel_loop3A_403 = vector.broadcast %parallel_loop3A_402 : i32 to vector<16xi32>
      %parallel_loop3A_404 = arith.shli %parallel_loop3A_401, %parallel_loop3A_403 : vector<16xi32>
      %parallel_loop3A_405 = tpu.bitcast %parallel_loop3A_404 : vector<16xi32> -> vector<16xf32>
      %parallel_loop3A_406 = arith.index_cast %parallel_loop3A_258 : i32 to index
      %parallel_loop3A_407 = arith.constant 96 : index
      %parallel_loop3A_408 = tpu.vector_load %arg10[%parallel_loop3A_406, %parallel_loop3A_407] {strides = array<i32>} : memref<128x256xf32, #tpu.memory_space<vmem>>, vector<1x16xf32>,
      %parallel_loop3A_409 = vector.shape_cast %parallel_loop3A_408 : vector<1x16xf32> to vector<16xf32>
      %parallel_loop3A_410 = vector.shape_cast %parallel_loop3A_405 : vector<16xf32> to vector<1x16xf32>
      tpu.vector_store %arg10[%parallel_loop3A_406, %parallel_loop3A_407], %parallel_loop3A_410 {strides = array<i32>} : memref<128x256xf32, #tpu.memory_space<vmem>>, vector<1x16xf32>,
      %parallel_loop3A_411 = arith.constant -65536 : i32
      %parallel_loop3A_412 = vector.broadcast %parallel_loop3A_411 : i32 to vector<16xi32>
      %parallel_loop3A_413 = arith.andi %parallel_loop3A_401, %parallel_loop3A_412 : vector<16xi32>
      %parallel_loop3A_414 = tpu.bitcast %parallel_loop3A_413 : vector<16xi32> -> vector<16xf32>
      %parallel_loop3A_415 = arith.index_cast %parallel_loop3A_258 : i32 to index
      %parallel_loop3A_416 = arith.constant 224 : index
      %parallel_loop3A_417 = tpu.vector_load %arg10[%parallel_loop3A_415, %parallel_loop3A_416] {strides = array<i32>} : memref<128x256xf32, #tpu.memory_space<vmem>>, vector<1x16xf32>,
      %parallel_loop3A_418 = vector.shape_cast %parallel_loop3A_417 : vector<1x16xf32> to vector<16xf32>
      %parallel_loop3A_419 = vector.shape_cast %parallel_loop3A_414 : vector<16xf32> to vector<1x16xf32>
      tpu.vector_store %arg10[%parallel_loop3A_415, %parallel_loop3A_416], %parallel_loop3A_419 {strides = array<i32>} : memref<128x256xf32, #tpu.memory_space<vmem>>, vector<1x16xf32>,
      %parallel_loop3A_420 = arith.index_cast %parallel_loop3A_258 : i32 to index
      %parallel_loop3A_421 = arith.constant 112 : index
      %parallel_loop3A_422 = tpu.vector_load %arg6[%parallel_loop3A_420, %parallel_loop3A_421] {strides = array<i32>} : memref<128x128xi32, #tpu.memory_space<vmem>>, vector<1x16xi32>,
      %parallel_loop3A_423 = vector.shape_cast %parallel_loop3A_422 : vector<1x16xi32> to vector<16xi32>
      %parallel_loop3A_424 = tpu.bitcast %parallel_loop3A_423 : vector<16xi32> -> vector<16xi32>
      %parallel_loop3A_425 = arith.constant 16 : i32
      %parallel_loop3A_426 = vector.broadcast %parallel_loop3A_425 : i32 to vector<16xi32>
      %parallel_loop3A_427 = arith.shli %parallel_loop3A_424, %parallel_loop3A_426 : vector<16xi32>
      %parallel_loop3A_428 = tpu.bitcast %parallel_loop3A_427 : vector<16xi32> -> vector<16xf32>
      %parallel_loop3A_429 = arith.index_cast %parallel_loop3A_258 : i32 to index
      %parallel_loop3A_430 = arith.constant 112 : index
      %parallel_loop3A_431 = tpu.vector_load %arg10[%parallel_loop3A_429, %parallel_loop3A_430] {strides = array<i32>} : memref<128x256xf32, #tpu.memory_space<vmem>>, vector<1x16xf32>,
      %parallel_loop3A_432 = vector.shape_cast %parallel_loop3A_431 : vector<1x16xf32> to vector<16xf32>
      %parallel_loop3A_433 = vector.shape_cast %parallel_loop3A_428 : vector<16xf32> to vector<1x16xf32>
      tpu.vector_store %arg10[%parallel_loop3A_429, %parallel_loop3A_430], %parallel_loop3A_433 {strides = array<i32>} : memref<128x256xf32, #tpu.memory_space<vmem>>, vector<1x16xf32>,
      %parallel_loop3A_434 = arith.constant -65536 : i32
      %parallel_loop3A_435 = vector.broadcast %parallel_loop3A_434 : i32 to vector<16xi32>
      %parallel_loop3A_436 = arith.andi %parallel_loop3A_424, %parallel_loop3A_435 : vector<16xi32>
      %parallel_loop3A_437 = tpu.bitcast %parallel_loop3A_436 : vector<16xi32> -> vector<16xf32>
      %parallel_loop3A_438 = arith.index_cast %parallel_loop3A_258 : i32 to index
      %parallel_loop3A_439 = arith.constant 240 : index
      %parallel_loop3A_440 = tpu.vector_load %arg10[%parallel_loop3A_438, %parallel_loop3A_439] {strides = array<i32>} : memref<128x256xf32, #tpu.memory_space<vmem>>, vector<1x16xf32>,
      %parallel_loop3A_441 = vector.shape_cast %parallel_loop3A_440 : vector<1x16xf32> to vector<16xf32>
      %parallel_loop3A_442 = vector.shape_cast %parallel_loop3A_437 : vector<16xf32> to vector<1x16xf32>
      tpu.vector_store %arg10[%parallel_loop3A_438, %parallel_loop3A_439], %parallel_loop3A_442 {strides = array<i32>} : memref<128x256xf32, #tpu.memory_space<vmem>>, vector<1x16xf32>,
    } {sc.loop_unroll_factor = 8 : i64, sc.parallel_access}
    %add3A_152 = arith.constant 256 : i32
    %add3A_153 = arith.addi %mul3A_2, %add3A_152 : i32
    %dma_start3A_154 = arith.constant 0 : i32
    %dma_start3A_155 = arith.constant 0 : i32
    %dma_start3A_156 = tpu.memref_slice %arg10[%dma_start3A_154, %dma_start3A_155] : memref<128x256xf32, #tpu.memory_space<vmem>> -> memref<128x256xf32, #tpu.memory_space<vmem>>
    %dma_start3A_157 = arith.constant 0 : i32
    %dma_start3A_158 = tpu.memref_slice %arg4[%add3A_153, %dma_start3A_157] : memref<16384x256xf32, #tpu.memory_space<hbm>> -> memref<128x256xf32, #tpu.memory_space<hbm>>
    %dma_start3A_159 = arith.constant 0 : i32
    %dma_start3A_160 = tpu.memref_slice %arg4[%add3A_153, %dma_start3A_159] : memref<16384x256xf32, #tpu.memory_space<hbm>> -> memref<128x256xf32, #tpu.memory_space<hbm>>
    %dma_start3A_161 = arith.constant 0 : i32
    %dma_start3A_162 = arith.constant 0 : i32
    %dma_start3A_163 = tpu.memref_slice %arg10[%dma_start3A_161, %dma_start3A_162] : memref<128x256xf32, #tpu.memory_space<vmem>> -> memref<128x256xf32, #tpu.memory_space<vmem>>
    tpu.enqueue_dma source(%dma_start3A_163 : memref<128x256xf32, #tpu.memory_space<vmem>>) target(%dma_start3A_160 : memref<128x256xf32, #tpu.memory_space<hbm>>) target_semaphore(%arg15 : memref<!tpu.dma_semaphore, #tpu.memory_space<semaphore_mem>>)
    %dma_wait3A_164 = arith.constant 0 : i32
    %dma_wait3A_165 = arith.constant 0 : i32
    %dma_wait3A_166 = tpu.memref_slice %arg7[%dma_wait3A_164, %dma_wait3A_165] : memref<128x128xi32, #tpu.memory_space<vmem>> -> memref<96x128xi32, #tpu.memory_space<vmem>>
    %dma_wait3A_167 = arith.constant 384 : i32
    %dma_wait3A_168 = tpu.memref_slice %arg5[%dma_wait3A_167] : memref<512xi32, #tpu.memory_space<vmem>> -> memref<96xi32, #tpu.memory_space<vmem>>
    %dma_wait3A_169 = arith.constant 0 : i32
    %dma_wait3A_170 = arith.constant 0 : i32
    %dma_wait3A_171 = tpu.memref_slice %arg2[%dma_wait3A_169, %dma_wait3A_170] : memref<1024x128xi32, #tpu.memory_space<hbm>> -> memref<1024x128xi32, #tpu.memory_space<hbm>>
    tpu.wait_indirect_dma semaphore(%arg12 : memref<!tpu.dma_semaphore, #tpu.memory_space<semaphore_mem>>) src(%dma_wait3A_171 : memref<1024x128xi32, #tpu.memory_space<hbm>>) dst(%dma_wait3A_166 : memref<96x128xi32, #tpu.memory_space<vmem>>)
    %add3A_172 = arith.constant 128 : i32
    %add3A_173 = arith.addi %mul3A_2, %add3A_172 : i32
    %dma_wait3A_174 = arith.constant 0 : i32
    %dma_wait3A_175 = arith.constant 0 : i32
    %dma_wait3A_176 = tpu.memref_slice %arg9[%dma_wait3A_174, %dma_wait3A_175] : memref<128x256xf32, #tpu.memory_space<vmem>> -> memref<128x256xf32, #tpu.memory_space<vmem>>
    %dma_wait3A_177 = arith.constant 0 : i32
    %dma_wait3A_178 = tpu.memref_slice %arg4[%add3A_173, %dma_wait3A_177] : memref<16384x256xf32, #tpu.memory_space<hbm>> -> memref<128x256xf32, #tpu.memory_space<hbm>>
    %dma_wait3A_179 = arith.constant 0 : i32
    %dma_wait3A_180 = tpu.memref_slice %arg4[%add3A_173, %dma_wait3A_179] : memref<16384x256xf32, #tpu.memory_space<hbm>> -> memref<128x256xf32, #tpu.memory_space<hbm>>
    %dma_wait3A_181 = arith.constant 0 : i32
    %dma_wait3A_182 = arith.constant 0 : i32
    %dma_wait3A_183 = tpu.memref_slice %arg9[%dma_wait3A_181, %dma_wait3A_182] : memref<128x256xf32, #tpu.memory_space<vmem>> -> memref<128x256xf32, #tpu.memory_space<vmem>>
    tpu.wait_dma2 semaphore(%arg14 : memref<!tpu.dma_semaphore, #tpu.memory_space<semaphore_mem>>) src(%dma_wait3A_183 : memref<128x256xf32, #tpu.memory_space<vmem>>) dst(%dma_wait3A_180 : memref<128x256xf32, #tpu.memory_space<hbm>>)
    %parallel_loop3A_184 = arith.constant 0 : i32
    %parallel_loop3A_185 = arith.constant 96 : i32
    %parallel_loop3A_186 = arith.constant 1 : i32
    scf.for %parallel_loop3A_258 = %parallel_loop3A_184 to %parallel_loop3A_185 step %parallel_loop3A_186  : i32 {
      %parallel_loop3A_259 = arith.index_cast %parallel_loop3A_258 : i32 to index
      %parallel_loop3A_260 = arith.constant 0 : index
      %parallel_loop3A_261 = tpu.vector_load %arg7[%parallel_loop3A_259, %parallel_loop3A_260] {strides = array<i32>} : memref<128x128xi32, #tpu.memory_space<vmem>>, vector<1x16xi32>,
      %parallel_loop3A_262 = vector.shape_cast %parallel_loop3A_261 : vector<1x16xi32> to vector<16xi32>
      %parallel_loop3A_263 = tpu.bitcast %parallel_loop3A_262 : vector<16xi32> -> vector<16xi32>
      %parallel_loop3A_264 = arith.constant 16 : i32
      %parallel_loop3A_265 = vector.broadcast %parallel_loop3A_264 : i32 to vector<16xi32>
      %parallel_loop3A_266 = arith.shli %parallel_loop3A_263, %parallel_loop3A_265 : vector<16xi32>
      %parallel_loop3A_267 = tpu.bitcast %parallel_loop3A_266 : vector<16xi32> -> vector<16xf32>
      %parallel_loop3A_268 = arith.index_cast %parallel_loop3A_258 : i32 to index
      %parallel_loop3A_269 = arith.constant 0 : index
      %parallel_loop3A_270 = tpu.vector_load %arg9[%parallel_loop3A_268, %parallel_loop3A_269] {strides = array<i32>} : memref<128x256xf32, #tpu.memory_space<vmem>>, vector<1x16xf32>,
      %parallel_loop3A_271 = vector.shape_cast %parallel_loop3A_270 : vector<1x16xf32> to vector<16xf32>
      %parallel_loop3A_272 = vector.shape_cast %parallel_loop3A_267 : vector<16xf32> to vector<1x16xf32>
      tpu.vector_store %arg9[%parallel_loop3A_268, %parallel_loop3A_269], %parallel_loop3A_272 {strides = array<i32>} : memref<128x256xf32, #tpu.memory_space<vmem>>, vector<1x16xf32>,
      %parallel_loop3A_273 = arith.constant -65536 : i32
      %parallel_loop3A_274 = vector.broadcast %parallel_loop3A_273 : i32 to vector<16xi32>
      %parallel_loop3A_275 = arith.andi %parallel_loop3A_263, %parallel_loop3A_274 : vector<16xi32>
      %parallel_loop3A_276 = tpu.bitcast %parallel_loop3A_275 : vector<16xi32> -> vector<16xf32>
      %parallel_loop3A_277 = arith.index_cast %parallel_loop3A_258 : i32 to index
      %parallel_loop3A_278 = arith.constant 128 : index
      %parallel_loop3A_279 = tpu.vector_load %arg9[%parallel_loop3A_277, %parallel_loop3A_278] {strides = array<i32>} : memref<128x256xf32, #tpu.memory_space<vmem>>, vector<1x16xf32>,
      %parallel_loop3A_280 = vector.shape_cast %parallel_loop3A_279 : vector<1x16xf32> to vector<16xf32>
      %parallel_loop3A_281 = vector.shape_cast %parallel_loop3A_276 : vector<16xf32> to vector<1x16xf32>
      tpu.vector_store %arg9[%parallel_loop3A_277, %parallel_loop3A_278], %parallel_loop3A_281 {strides = array<i32>} : memref<128x256xf32, #tpu.memory_space<vmem>>, vector<1x16xf32>,
      %parallel_loop3A_282 = arith.index_cast %parallel_loop3A_258 : i32 to index
      %parallel_loop3A_283 = arith.constant 16 : index
      %parallel_loop3A_284 = tpu.vector_load %arg7[%parallel_loop3A_282, %parallel_loop3A_283] {strides = array<i32>} : memref<128x128xi32, #tpu.memory_space<vmem>>, vector<1x16xi32>,
      %parallel_loop3A_285 = vector.shape_cast %parallel_loop3A_284 : vector<1x16xi32> to vector<16xi32>
      %parallel_loop3A_286 = tpu.bitcast %parallel_loop3A_285 : vector<16xi32> -> vector<16xi32>
      %parallel_loop3A_287 = arith.constant 16 : i32
      %parallel_loop3A_288 = vector.broadcast %parallel_loop3A_287 : i32 to vector<16xi32>
      %parallel_loop3A_289 = arith.shli %parallel_loop3A_286, %parallel_loop3A_288 : vector<16xi32>
      %parallel_loop3A_290 = tpu.bitcast %parallel_loop3A_289 : vector<16xi32> -> vector<16xf32>
      %parallel_loop3A_291 = arith.index_cast %parallel_loop3A_258 : i32 to index
      %parallel_loop3A_292 = arith.constant 16 : index
      %parallel_loop3A_293 = tpu.vector_load %arg9[%parallel_loop3A_291, %parallel_loop3A_292] {strides = array<i32>} : memref<128x256xf32, #tpu.memory_space<vmem>>, vector<1x16xf32>,
      %parallel_loop3A_294 = vector.shape_cast %parallel_loop3A_293 : vector<1x16xf32> to vector<16xf32>
      %parallel_loop3A_295 = vector.shape_cast %parallel_loop3A_290 : vector<16xf32> to vector<1x16xf32>
      tpu.vector_store %arg9[%parallel_loop3A_291, %parallel_loop3A_292], %parallel_loop3A_295 {strides = array<i32>} : memref<128x256xf32, #tpu.memory_space<vmem>>, vector<1x16xf32>,
      %parallel_loop3A_296 = arith.constant -65536 : i32
      %parallel_loop3A_297 = vector.broadcast %parallel_loop3A_296 : i32 to vector<16xi32>
      %parallel_loop3A_298 = arith.andi %parallel_loop3A_286, %parallel_loop3A_297 : vector<16xi32>
      %parallel_loop3A_299 = tpu.bitcast %parallel_loop3A_298 : vector<16xi32> -> vector<16xf32>
      %parallel_loop3A_300 = arith.index_cast %parallel_loop3A_258 : i32 to index
      %parallel_loop3A_301 = arith.constant 144 : index
      %parallel_loop3A_302 = tpu.vector_load %arg9[%parallel_loop3A_300, %parallel_loop3A_301] {strides = array<i32>} : memref<128x256xf32, #tpu.memory_space<vmem>>, vector<1x16xf32>,
      %parallel_loop3A_303 = vector.shape_cast %parallel_loop3A_302 : vector<1x16xf32> to vector<16xf32>
      %parallel_loop3A_304 = vector.shape_cast %parallel_loop3A_299 : vector<16xf32> to vector<1x16xf32>
      tpu.vector_store %arg9[%parallel_loop3A_300, %parallel_loop3A_301], %parallel_loop3A_304 {strides = array<i32>} : memref<128x256xf32, #tpu.memory_space<vmem>>, vector<1x16xf32>,
      %parallel_loop3A_305 = arith.index_cast %parallel_loop3A_258 : i32 to index
      %parallel_loop3A_306 = arith.constant 32 : index
      %parallel_loop3A_307 = tpu.vector_load %arg7[%parallel_loop3A_305, %parallel_loop3A_306] {strides = array<i32>} : memref<128x128xi32, #tpu.memory_space<vmem>>, vector<1x16xi32>,
      %parallel_loop3A_308 = vector.shape_cast %parallel_loop3A_307 : vector<1x16xi32> to vector<16xi32>
      %parallel_loop3A_309 = tpu.bitcast %parallel_loop3A_308 : vector<16xi32> -> vector<16xi32>
      %parallel_loop3A_310 = arith.constant 16 : i32
      %parallel_loop3A_311 = vector.broadcast %parallel_loop3A_310 : i32 to vector<16xi32>
      %parallel_loop3A_312 = arith.shli %parallel_loop3A_309, %parallel_loop3A_311 : vector<16xi32>
      %parallel_loop3A_313 = tpu.bitcast %parallel_loop3A_312 : vector<16xi32> -> vector<16xf32>
      %parallel_loop3A_314 = arith.index_cast %parallel_loop3A_258 : i32 to index
      %parallel_loop3A_315 = arith.constant 32 : index
      %parallel_loop3A_316 = tpu.vector_load %arg9[%parallel_loop3A_314, %parallel_loop3A_315] {strides = array<i32>} : memref<128x256xf32, #tpu.memory_space<vmem>>, vector<1x16xf32>,
      %parallel_loop3A_317 = vector.shape_cast %parallel_loop3A_316 : vector<1x16xf32> to vector<16xf32>
      %parallel_loop3A_318 = vector.shape_cast %parallel_loop3A_313 : vector<16xf32> to vector<1x16xf32>
      tpu.vector_store %arg9[%parallel_loop3A_314, %parallel_loop3A_315], %parallel_loop3A_318 {strides = array<i32>} : memref<128x256xf32, #tpu.memory_space<vmem>>, vector<1x16xf32>,
      %parallel_loop3A_319 = arith.constant -65536 : i32
      %parallel_loop3A_320 = vector.broadcast %parallel_loop3A_319 : i32 to vector<16xi32>
      %parallel_loop3A_321 = arith.andi %parallel_loop3A_309, %parallel_loop3A_320 : vector<16xi32>
      %parallel_loop3A_322 = tpu.bitcast %parallel_loop3A_321 : vector<16xi32> -> vector<16xf32>
      %parallel_loop3A_323 = arith.index_cast %parallel_loop3A_258 : i32 to index
      %parallel_loop3A_324 = arith.constant 160 : index
      %parallel_loop3A_325 = tpu.vector_load %arg9[%parallel_loop3A_323, %parallel_loop3A_324] {strides = array<i32>} : memref<128x256xf32, #tpu.memory_space<vmem>>, vector<1x16xf32>,
      %parallel_loop3A_326 = vector.shape_cast %parallel_loop3A_325 : vector<1x16xf32> to vector<16xf32>
      %parallel_loop3A_327 = vector.shape_cast %parallel_loop3A_322 : vector<16xf32> to vector<1x16xf32>
      tpu.vector_store %arg9[%parallel_loop3A_323, %parallel_loop3A_324], %parallel_loop3A_327 {strides = array<i32>} : memref<128x256xf32, #tpu.memory_space<vmem>>, vector<1x16xf32>,
      %parallel_loop3A_328 = arith.index_cast %parallel_loop3A_258 : i32 to index
      %parallel_loop3A_329 = arith.constant 48 : index
      %parallel_loop3A_330 = tpu.vector_load %arg7[%parallel_loop3A_328, %parallel_loop3A_329] {strides = array<i32>} : memref<128x128xi32, #tpu.memory_space<vmem>>, vector<1x16xi32>,
      %parallel_loop3A_331 = vector.shape_cast %parallel_loop3A_330 : vector<1x16xi32> to vector<16xi32>
      %parallel_loop3A_332 = tpu.bitcast %parallel_loop3A_331 : vector<16xi32> -> vector<16xi32>
      %parallel_loop3A_333 = arith.constant 16 : i32
      %parallel_loop3A_334 = vector.broadcast %parallel_loop3A_333 : i32 to vector<16xi32>
      %parallel_loop3A_335 = arith.shli %parallel_loop3A_332, %parallel_loop3A_334 : vector<16xi32>
      %parallel_loop3A_336 = tpu.bitcast %parallel_loop3A_335 : vector<16xi32> -> vector<16xf32>
      %parallel_loop3A_337 = arith.index_cast %parallel_loop3A_258 : i32 to index
      %parallel_loop3A_338 = arith.constant 48 : index
      %parallel_loop3A_339 = tpu.vector_load %arg9[%parallel_loop3A_337, %parallel_loop3A_338] {strides = array<i32>} : memref<128x256xf32, #tpu.memory_space<vmem>>, vector<1x16xf32>,
      %parallel_loop3A_340 = vector.shape_cast %parallel_loop3A_339 : vector<1x16xf32> to vector<16xf32>
      %parallel_loop3A_341 = vector.shape_cast %parallel_loop3A_336 : vector<16xf32> to vector<1x16xf32>
      tpu.vector_store %arg9[%parallel_loop3A_337, %parallel_loop3A_338], %parallel_loop3A_341 {strides = array<i32>} : memref<128x256xf32, #tpu.memory_space<vmem>>, vector<1x16xf32>,
      %parallel_loop3A_342 = arith.constant -65536 : i32
      %parallel_loop3A_343 = vector.broadcast %parallel_loop3A_342 : i32 to vector<16xi32>
      %parallel_loop3A_344 = arith.andi %parallel_loop3A_332, %parallel_loop3A_343 : vector<16xi32>
      %parallel_loop3A_345 = tpu.bitcast %parallel_loop3A_344 : vector<16xi32> -> vector<16xf32>
      %parallel_loop3A_346 = arith.index_cast %parallel_loop3A_258 : i32 to index
      %parallel_loop3A_347 = arith.constant 176 : index
      %parallel_loop3A_348 = tpu.vector_load %arg9[%parallel_loop3A_346, %parallel_loop3A_347] {strides = array<i32>} : memref<128x256xf32, #tpu.memory_space<vmem>>, vector<1x16xf32>,
      %parallel_loop3A_349 = vector.shape_cast %parallel_loop3A_348 : vector<1x16xf32> to vector<16xf32>
      %parallel_loop3A_350 = vector.shape_cast %parallel_loop3A_345 : vector<16xf32> to vector<1x16xf32>
      tpu.vector_store %arg9[%parallel_loop3A_346, %parallel_loop3A_347], %parallel_loop3A_350 {strides = array<i32>} : memref<128x256xf32, #tpu.memory_space<vmem>>, vector<1x16xf32>,
      %parallel_loop3A_351 = arith.index_cast %parallel_loop3A_258 : i32 to index
      %parallel_loop3A_352 = arith.constant 64 : index
      %parallel_loop3A_353 = tpu.vector_load %arg7[%parallel_loop3A_351, %parallel_loop3A_352] {strides = array<i32>} : memref<128x128xi32, #tpu.memory_space<vmem>>, vector<1x16xi32>,
      %parallel_loop3A_354 = vector.shape_cast %parallel_loop3A_353 : vector<1x16xi32> to vector<16xi32>
      %parallel_loop3A_355 = tpu.bitcast %parallel_loop3A_354 : vector<16xi32> -> vector<16xi32>
      %parallel_loop3A_356 = arith.constant 16 : i32
      %parallel_loop3A_357 = vector.broadcast %parallel_loop3A_356 : i32 to vector<16xi32>
      %parallel_loop3A_358 = arith.shli %parallel_loop3A_355, %parallel_loop3A_357 : vector<16xi32>
      %parallel_loop3A_359 = tpu.bitcast %parallel_loop3A_358 : vector<16xi32> -> vector<16xf32>
      %parallel_loop3A_360 = arith.index_cast %parallel_loop3A_258 : i32 to index
      %parallel_loop3A_361 = arith.constant 64 : index
      %parallel_loop3A_362 = tpu.vector_load %arg9[%parallel_loop3A_360, %parallel_loop3A_361] {strides = array<i32>} : memref<128x256xf32, #tpu.memory_space<vmem>>, vector<1x16xf32>,
      %parallel_loop3A_363 = vector.shape_cast %parallel_loop3A_362 : vector<1x16xf32> to vector<16xf32>
      %parallel_loop3A_364 = vector.shape_cast %parallel_loop3A_359 : vector<16xf32> to vector<1x16xf32>
      tpu.vector_store %arg9[%parallel_loop3A_360, %parallel_loop3A_361], %parallel_loop3A_364 {strides = array<i32>} : memref<128x256xf32, #tpu.memory_space<vmem>>, vector<1x16xf32>,
      %parallel_loop3A_365 = arith.constant -65536 : i32
      %parallel_loop3A_366 = vector.broadcast %parallel_loop3A_365 : i32 to vector<16xi32>
      %parallel_loop3A_367 = arith.andi %parallel_loop3A_355, %parallel_loop3A_366 : vector<16xi32>
      %parallel_loop3A_368 = tpu.bitcast %parallel_loop3A_367 : vector<16xi32> -> vector<16xf32>
      %parallel_loop3A_369 = arith.index_cast %parallel_loop3A_258 : i32 to index
      %parallel_loop3A_370 = arith.constant 192 : index
      %parallel_loop3A_371 = tpu.vector_load %arg9[%parallel_loop3A_369, %parallel_loop3A_370] {strides = array<i32>} : memref<128x256xf32, #tpu.memory_space<vmem>>, vector<1x16xf32>,
      %parallel_loop3A_372 = vector.shape_cast %parallel_loop3A_371 : vector<1x16xf32> to vector<16xf32>
      %parallel_loop3A_373 = vector.shape_cast %parallel_loop3A_368 : vector<16xf32> to vector<1x16xf32>
      tpu.vector_store %arg9[%parallel_loop3A_369, %parallel_loop3A_370], %parallel_loop3A_373 {strides = array<i32>} : memref<128x256xf32, #tpu.memory_space<vmem>>, vector<1x16xf32>,
      %parallel_loop3A_374 = arith.index_cast %parallel_loop3A_258 : i32 to index
      %parallel_loop3A_375 = arith.constant 80 : index
      %parallel_loop3A_376 = tpu.vector_load %arg7[%parallel_loop3A_374, %parallel_loop3A_375] {strides = array<i32>} : memref<128x128xi32, #tpu.memory_space<vmem>>, vector<1x16xi32>,
      %parallel_loop3A_377 = vector.shape_cast %parallel_loop3A_376 : vector<1x16xi32> to vector<16xi32>
      %parallel_loop3A_378 = tpu.bitcast %parallel_loop3A_377 : vector<16xi32> -> vector<16xi32>
      %parallel_loop3A_379 = arith.constant 16 : i32
      %parallel_loop3A_380 = vector.broadcast %parallel_loop3A_379 : i32 to vector<16xi32>
      %parallel_loop3A_381 = arith.shli %parallel_loop3A_378, %parallel_loop3A_380 : vector<16xi32>
      %parallel_loop3A_382 = tpu.bitcast %parallel_loop3A_381 : vector<16xi32> -> vector<16xf32>
      %parallel_loop3A_383 = arith.index_cast %parallel_loop3A_258 : i32 to index
      %parallel_loop3A_384 = arith.constant 80 : index
      %parallel_loop3A_385 = tpu.vector_load %arg9[%parallel_loop3A_383, %parallel_loop3A_384] {strides = array<i32>} : memref<128x256xf32, #tpu.memory_space<vmem>>, vector<1x16xf32>,
      %parallel_loop3A_386 = vector.shape_cast %parallel_loop3A_385 : vector<1x16xf32> to vector<16xf32>
      %parallel_loop3A_387 = vector.shape_cast %parallel_loop3A_382 : vector<16xf32> to vector<1x16xf32>
      tpu.vector_store %arg9[%parallel_loop3A_383, %parallel_loop3A_384], %parallel_loop3A_387 {strides = array<i32>} : memref<128x256xf32, #tpu.memory_space<vmem>>, vector<1x16xf32>,
      %parallel_loop3A_388 = arith.constant -65536 : i32
      %parallel_loop3A_389 = vector.broadcast %parallel_loop3A_388 : i32 to vector<16xi32>
      %parallel_loop3A_390 = arith.andi %parallel_loop3A_378, %parallel_loop3A_389 : vector<16xi32>
      %parallel_loop3A_391 = tpu.bitcast %parallel_loop3A_390 : vector<16xi32> -> vector<16xf32>
      %parallel_loop3A_392 = arith.index_cast %parallel_loop3A_258 : i32 to index
      %parallel_loop3A_393 = arith.constant 208 : index
      %parallel_loop3A_394 = tpu.vector_load %arg9[%parallel_loop3A_392, %parallel_loop3A_393] {strides = array<i32>} : memref<128x256xf32, #tpu.memory_space<vmem>>, vector<1x16xf32>,
      %parallel_loop3A_395 = vector.shape_cast %parallel_loop3A_394 : vector<1x16xf32> to vector<16xf32>
      %parallel_loop3A_396 = vector.shape_cast %parallel_loop3A_391 : vector<16xf32> to vector<1x16xf32>
      tpu.vector_store %arg9[%parallel_loop3A_392, %parallel_loop3A_393], %parallel_loop3A_396 {strides = array<i32>} : memref<128x256xf32, #tpu.memory_space<vmem>>, vector<1x16xf32>,
      %parallel_loop3A_397 = arith.index_cast %parallel_loop3A_258 : i32 to index
      %parallel_loop3A_398 = arith.constant 96 : index
      %parallel_loop3A_399 = tpu.vector_load %arg7[%parallel_loop3A_397, %parallel_loop3A_398] {strides = array<i32>} : memref<128x128xi32, #tpu.memory_space<vmem>>, vector<1x16xi32>,
      %parallel_loop3A_400 = vector.shape_cast %parallel_loop3A_399 : vector<1x16xi32> to vector<16xi32>
      %parallel_loop3A_401 = tpu.bitcast %parallel_loop3A_400 : vector<16xi32> -> vector<16xi32>
      %parallel_loop3A_402 = arith.constant 16 : i32
      %parallel_loop3A_403 = vector.broadcast %parallel_loop3A_402 : i32 to vector<16xi32>
      %parallel_loop3A_404 = arith.shli %parallel_loop3A_401, %parallel_loop3A_403 : vector<16xi32>
      %parallel_loop3A_405 = tpu.bitcast %parallel_loop3A_404 : vector<16xi32> -> vector<16xf32>
      %parallel_loop3A_406 = arith.index_cast %parallel_loop3A_258 : i32 to index
      %parallel_loop3A_407 = arith.constant 96 : index
      %parallel_loop3A_408 = tpu.vector_load %arg9[%parallel_loop3A_406, %parallel_loop3A_407] {strides = array<i32>} : memref<128x256xf32, #tpu.memory_space<vmem>>, vector<1x16xf32>,
      %parallel_loop3A_409 = vector.shape_cast %parallel_loop3A_408 : vector<1x16xf32> to vector<16xf32>
      %parallel_loop3A_410 = vector.shape_cast %parallel_loop3A_405 : vector<16xf32> to vector<1x16xf32>
      tpu.vector_store %arg9[%parallel_loop3A_406, %parallel_loop3A_407], %parallel_loop3A_410 {strides = array<i32>} : memref<128x256xf32, #tpu.memory_space<vmem>>, vector<1x16xf32>,
      %parallel_loop3A_411 = arith.constant -65536 : i32
      %parallel_loop3A_412 = vector.broadcast %parallel_loop3A_411 : i32 to vector<16xi32>
      %parallel_loop3A_413 = arith.andi %parallel_loop3A_401, %parallel_loop3A_412 : vector<16xi32>
      %parallel_loop3A_414 = tpu.bitcast %parallel_loop3A_413 : vector<16xi32> -> vector<16xf32>
      %parallel_loop3A_415 = arith.index_cast %parallel_loop3A_258 : i32 to index
      %parallel_loop3A_416 = arith.constant 224 : index
      %parallel_loop3A_417 = tpu.vector_load %arg9[%parallel_loop3A_415, %parallel_loop3A_416] {strides = array<i32>} : memref<128x256xf32, #tpu.memory_space<vmem>>, vector<1x16xf32>,
      %parallel_loop3A_418 = vector.shape_cast %parallel_loop3A_417 : vector<1x16xf32> to vector<16xf32>
      %parallel_loop3A_419 = vector.shape_cast %parallel_loop3A_414 : vector<16xf32> to vector<1x16xf32>
      tpu.vector_store %arg9[%parallel_loop3A_415, %parallel_loop3A_416], %parallel_loop3A_419 {strides = array<i32>} : memref<128x256xf32, #tpu.memory_space<vmem>>, vector<1x16xf32>,
      %parallel_loop3A_420 = arith.index_cast %parallel_loop3A_258 : i32 to index
      %parallel_loop3A_421 = arith.constant 112 : index
      %parallel_loop3A_422 = tpu.vector_load %arg7[%parallel_loop3A_420, %parallel_loop3A_421] {strides = array<i32>} : memref<128x128xi32, #tpu.memory_space<vmem>>, vector<1x16xi32>,
      %parallel_loop3A_423 = vector.shape_cast %parallel_loop3A_422 : vector<1x16xi32> to vector<16xi32>
      %parallel_loop3A_424 = tpu.bitcast %parallel_loop3A_423 : vector<16xi32> -> vector<16xi32>
      %parallel_loop3A_425 = arith.constant 16 : i32
      %parallel_loop3A_426 = vector.broadcast %parallel_loop3A_425 : i32 to vector<16xi32>
      %parallel_loop3A_427 = arith.shli %parallel_loop3A_424, %parallel_loop3A_426 : vector<16xi32>
      %parallel_loop3A_428 = tpu.bitcast %parallel_loop3A_427 : vector<16xi32> -> vector<16xf32>
      %parallel_loop3A_429 = arith.index_cast %parallel_loop3A_258 : i32 to index
      %parallel_loop3A_430 = arith.constant 112 : index
      %parallel_loop3A_431 = tpu.vector_load %arg9[%parallel_loop3A_429, %parallel_loop3A_430] {strides = array<i32>} : memref<128x256xf32, #tpu.memory_space<vmem>>, vector<1x16xf32>,
      %parallel_loop3A_432 = vector.shape_cast %parallel_loop3A_431 : vector<1x16xf32> to vector<16xf32>
      %parallel_loop3A_433 = vector.shape_cast %parallel_loop3A_428 : vector<16xf32> to vector<1x16xf32>
      tpu.vector_store %arg9[%parallel_loop3A_429, %parallel_loop3A_430], %parallel_loop3A_433 {strides = array<i32>} : memref<128x256xf32, #tpu.memory_space<vmem>>, vector<1x16xf32>,
      %parallel_loop3A_434 = arith.constant -65536 : i32
      %parallel_loop3A_435 = vector.broadcast %parallel_loop3A_434 : i32 to vector<16xi32>
      %parallel_loop3A_436 = arith.andi %parallel_loop3A_424, %parallel_loop3A_435 : vector<16xi32>
      %parallel_loop3A_437 = tpu.bitcast %parallel_loop3A_436 : vector<16xi32> -> vector<16xf32>
      %parallel_loop3A_438 = arith.index_cast %parallel_loop3A_258 : i32 to index
      %parallel_loop3A_439 = arith.constant 240 : index
      %parallel_loop3A_440 = tpu.vector_load %arg9[%parallel_loop3A_438, %parallel_loop3A_439] {strides = array<i32>} : memref<128x256xf32, #tpu.memory_space<vmem>>, vector<1x16xf32>,
      %parallel_loop3A_441 = vector.shape_cast %parallel_loop3A_440 : vector<1x16xf32> to vector<16xf32>
      %parallel_loop3A_442 = vector.shape_cast %parallel_loop3A_437 : vector<16xf32> to vector<1x16xf32>
      tpu.vector_store %arg9[%parallel_loop3A_438, %parallel_loop3A_439], %parallel_loop3A_442 {strides = array<i32>} : memref<128x256xf32, #tpu.memory_space<vmem>>, vector<1x16xf32>,
    } {sc.loop_unroll_factor = 8 : i64, sc.parallel_access}
    %add3A_187 = arith.constant 384 : i32
    %add3A_188 = arith.addi %mul3A_2, %add3A_187 : i32
    %dma_start3A_189 = arith.constant 0 : i32
    %dma_start3A_190 = arith.constant 0 : i32
    %dma_start3A_191 = tpu.memref_slice %arg9[%dma_start3A_189, %dma_start3A_190] : memref<128x256xf32, #tpu.memory_space<vmem>> -> memref<96x256xf32, #tpu.memory_space<vmem>>
    %dma_start3A_192 = arith.constant 0 : i32
    %dma_start3A_193 = tpu.memref_slice %arg4[%add3A_188, %dma_start3A_192] : memref<16384x256xf32, #tpu.memory_space<hbm>> -> memref<96x256xf32, #tpu.memory_space<hbm>>
    %dma_start3A_194 = arith.constant 0 : i32
    %dma_start3A_195 = tpu.memref_slice %arg4[%add3A_188, %dma_start3A_194] : memref<16384x256xf32, #tpu.memory_space<hbm>> -> memref<96x256xf32, #tpu.memory_space<hbm>>
    %dma_start3A_196 = arith.constant 0 : i32
    %dma_start3A_197 = arith.constant 0 : i32
    %dma_start3A_198 = tpu.memref_slice %arg9[%dma_start3A_196, %dma_start3A_197] : memref<128x256xf32, #tpu.memory_space<vmem>> -> memref<96x256xf32, #tpu.memory_space<vmem>>
    tpu.enqueue_dma source(%dma_start3A_198 : memref<96x256xf32, #tpu.memory_space<vmem>>) target(%dma_start3A_195 : memref<96x256xf32, #tpu.memory_space<hbm>>) target_semaphore(%arg14 : memref<!tpu.dma_semaphore, #tpu.memory_space<semaphore_mem>>)
    %dma_wait3A_199 = arith.constant 0 : i32
    %dma_wait3A_200 = arith.constant 0 : i32
    %dma_wait3A_201 = tpu.memref_slice %arg8[%dma_wait3A_199, %dma_wait3A_200] : memref<128x128xi32, #tpu.memory_space<vmem>> -> memref<32x128xi32, #tpu.memory_space<vmem>>
    %dma_wait3A_202 = arith.constant 480 : i32
    %dma_wait3A_203 = tpu.memref_slice %arg5[%dma_wait3A_202] : memref<512xi32, #tpu.memory_space<vmem>> -> memref<32xi32, #tpu.memory_space<vmem>>
    %dma_wait3A_204 = arith.constant 0 : i32
    %dma_wait3A_205 = arith.constant 0 : i32
    %dma_wait3A_206 = tpu.memref_slice %arg2[%dma_wait3A_204, %dma_wait3A_205] : memref<1024x128xi32, #tpu.memory_space<hbm>> -> memref<1024x128xi32, #tpu.memory_space<hbm>>
    tpu.wait_indirect_dma semaphore(%arg13 : memref<!tpu.dma_semaphore, #tpu.memory_space<semaphore_mem>>) src(%dma_wait3A_206 : memref<1024x128xi32, #tpu.memory_space<hbm>>) dst(%dma_wait3A_201 : memref<32x128xi32, #tpu.memory_space<vmem>>)
    %add3A_207 = arith.constant 256 : i32
    %add3A_208 = arith.addi %mul3A_2, %add3A_207 : i32
    %dma_wait3A_209 = arith.constant 0 : i32
    %dma_wait3A_210 = arith.constant 0 : i32
    %dma_wait3A_211 = tpu.memref_slice %arg10[%dma_wait3A_209, %dma_wait3A_210] : memref<128x256xf32, #tpu.memory_space<vmem>> -> memref<128x256xf32, #tpu.memory_space<vmem>>
    %dma_wait3A_212 = arith.constant 0 : i32
    %dma_wait3A_213 = tpu.memref_slice %arg4[%add3A_208, %dma_wait3A_212] : memref<16384x256xf32, #tpu.memory_space<hbm>> -> memref<128x256xf32, #tpu.memory_space<hbm>>
    %dma_wait3A_214 = arith.constant 0 : i32
    %dma_wait3A_215 = tpu.memref_slice %arg4[%add3A_208, %dma_wait3A_214] : memref<16384x256xf32, #tpu.memory_space<hbm>> -> memref<128x256xf32, #tpu.memory_space<hbm>>
    %dma_wait3A_216 = arith.constant 0 : i32
    %dma_wait3A_217 = arith.constant 0 : i32
    %dma_wait3A_218 = tpu.memref_slice %arg10[%dma_wait3A_216, %dma_wait3A_217] : memref<128x256xf32, #tpu.memory_space<vmem>> -> memref<128x256xf32, #tpu.memory_space<vmem>>
    tpu.wait_dma2 semaphore(%arg15 : memref<!tpu.dma_semaphore, #tpu.memory_space<semaphore_mem>>) src(%dma_wait3A_218 : memref<128x256xf32, #tpu.memory_space<vmem>>) dst(%dma_wait3A_215 : memref<128x256xf32, #tpu.memory_space<hbm>>)
    %parallel_loop3A_219 = arith.constant 0 : i32
    %parallel_loop3A_220 = arith.constant 32 : i32
    %parallel_loop3A_221 = arith.constant 1 : i32
    scf.for %parallel_loop3A_258 = %parallel_loop3A_219 to %parallel_loop3A_220 step %parallel_loop3A_221  : i32 {
      %parallel_loop3A_259 = arith.index_cast %parallel_loop3A_258 : i32 to index
      %parallel_loop3A_260 = arith.constant 0 : index
      %parallel_loop3A_261 = tpu.vector_load %arg8[%parallel_loop3A_259, %parallel_loop3A_260] {strides = array<i32>} : memref<128x128xi32, #tpu.memory_space<vmem>>, vector<1x16xi32>,
      %parallel_loop3A_262 = vector.shape_cast %parallel_loop3A_261 : vector<1x16xi32> to vector<16xi32>
      %parallel_loop3A_263 = tpu.bitcast %parallel_loop3A_262 : vector<16xi32> -> vector<16xi32>
      %parallel_loop3A_264 = arith.constant 16 : i32
      %parallel_loop3A_265 = vector.broadcast %parallel_loop3A_264 : i32 to vector<16xi32>
      %parallel_loop3A_266 = arith.shli %parallel_loop3A_263, %parallel_loop3A_265 : vector<16xi32>
      %parallel_loop3A_267 = tpu.bitcast %parallel_loop3A_266 : vector<16xi32> -> vector<16xf32>
      %parallel_loop3A_268 = arith.index_cast %parallel_loop3A_258 : i32 to index
      %parallel_loop3A_269 = arith.constant 0 : index
      %parallel_loop3A_270 = tpu.vector_load %arg10[%parallel_loop3A_268, %parallel_loop3A_269] {strides = array<i32>} : memref<128x256xf32, #tpu.memory_space<vmem>>, vector<1x16xf32>,
      %parallel_loop3A_271 = vector.shape_cast %parallel_loop3A_270 : vector<1x16xf32> to vector<16xf32>
      %parallel_loop3A_272 = vector.shape_cast %parallel_loop3A_267 : vector<16xf32> to vector<1x16xf32>
      tpu.vector_store %arg10[%parallel_loop3A_268, %parallel_loop3A_269], %parallel_loop3A_272 {strides = array<i32>} : memref<128x256xf32, #tpu.memory_space<vmem>>, vector<1x16xf32>,
      %parallel_loop3A_273 = arith.constant -65536 : i32
      %parallel_loop3A_274 = vector.broadcast %parallel_loop3A_273 : i32 to vector<16xi32>
      %parallel_loop3A_275 = arith.andi %parallel_loop3A_263, %parallel_loop3A_274 : vector<16xi32>
      %parallel_loop3A_276 = tpu.bitcast %parallel_loop3A_275 : vector<16xi32> -> vector<16xf32>
      %parallel_loop3A_277 = arith.index_cast %parallel_loop3A_258 : i32 to index
      %parallel_loop3A_278 = arith.constant 128 : index
      %parallel_loop3A_279 = tpu.vector_load %arg10[%parallel_loop3A_277, %parallel_loop3A_278] {strides = array<i32>} : memref<128x256xf32, #tpu.memory_space<vmem>>, vector<1x16xf32>,
      %parallel_loop3A_280 = vector.shape_cast %parallel_loop3A_279 : vector<1x16xf32> to vector<16xf32>
      %parallel_loop3A_281 = vector.shape_cast %parallel_loop3A_276 : vector<16xf32> to vector<1x16xf32>
      tpu.vector_store %arg10[%parallel_loop3A_277, %parallel_loop3A_278], %parallel_loop3A_281 {strides = array<i32>} : memref<128x256xf32, #tpu.memory_space<vmem>>, vector<1x16xf32>,
      %parallel_loop3A_282 = arith.index_cast %parallel_loop3A_258 : i32 to index
      %parallel_loop3A_283 = arith.constant 16 : index
      %parallel_loop3A_284 = tpu.vector_load %arg8[%parallel_loop3A_282, %parallel_loop3A_283] {strides = array<i32>} : memref<128x128xi32, #tpu.memory_space<vmem>>, vector<1x16xi32>,
      %parallel_loop3A_285 = vector.shape_cast %parallel_loop3A_284 : vector<1x16xi32> to vector<16xi32>
      %parallel_loop3A_286 = tpu.bitcast %parallel_loop3A_285 : vector<16xi32> -> vector<16xi32>
      %parallel_loop3A_287 = arith.constant 16 : i32
      %parallel_loop3A_288 = vector.broadcast %parallel_loop3A_287 : i32 to vector<16xi32>
      %parallel_loop3A_289 = arith.shli %parallel_loop3A_286, %parallel_loop3A_288 : vector<16xi32>
      %parallel_loop3A_290 = tpu.bitcast %parallel_loop3A_289 : vector<16xi32> -> vector<16xf32>
      %parallel_loop3A_291 = arith.index_cast %parallel_loop3A_258 : i32 to index
      %parallel_loop3A_292 = arith.constant 16 : index
      %parallel_loop3A_293 = tpu.vector_load %arg10[%parallel_loop3A_291, %parallel_loop3A_292] {strides = array<i32>} : memref<128x256xf32, #tpu.memory_space<vmem>>, vector<1x16xf32>,
      %parallel_loop3A_294 = vector.shape_cast %parallel_loop3A_293 : vector<1x16xf32> to vector<16xf32>
      %parallel_loop3A_295 = vector.shape_cast %parallel_loop3A_290 : vector<16xf32> to vector<1x16xf32>
      tpu.vector_store %arg10[%parallel_loop3A_291, %parallel_loop3A_292], %parallel_loop3A_295 {strides = array<i32>} : memref<128x256xf32, #tpu.memory_space<vmem>>, vector<1x16xf32>,
      %parallel_loop3A_296 = arith.constant -65536 : i32
      %parallel_loop3A_297 = vector.broadcast %parallel_loop3A_296 : i32 to vector<16xi32>
      %parallel_loop3A_298 = arith.andi %parallel_loop3A_286, %parallel_loop3A_297 : vector<16xi32>
      %parallel_loop3A_299 = tpu.bitcast %parallel_loop3A_298 : vector<16xi32> -> vector<16xf32>
      %parallel_loop3A_300 = arith.index_cast %parallel_loop3A_258 : i32 to index
      %parallel_loop3A_301 = arith.constant 144 : index
      %parallel_loop3A_302 = tpu.vector_load %arg10[%parallel_loop3A_300, %parallel_loop3A_301] {strides = array<i32>} : memref<128x256xf32, #tpu.memory_space<vmem>>, vector<1x16xf32>,
      %parallel_loop3A_303 = vector.shape_cast %parallel_loop3A_302 : vector<1x16xf32> to vector<16xf32>
      %parallel_loop3A_304 = vector.shape_cast %parallel_loop3A_299 : vector<16xf32> to vector<1x16xf32>
      tpu.vector_store %arg10[%parallel_loop3A_300, %parallel_loop3A_301], %parallel_loop3A_304 {strides = array<i32>} : memref<128x256xf32, #tpu.memory_space<vmem>>, vector<1x16xf32>,
      %parallel_loop3A_305 = arith.index_cast %parallel_loop3A_258 : i32 to index
      %parallel_loop3A_306 = arith.constant 32 : index
      %parallel_loop3A_307 = tpu.vector_load %arg8[%parallel_loop3A_305, %parallel_loop3A_306] {strides = array<i32>} : memref<128x128xi32, #tpu.memory_space<vmem>>, vector<1x16xi32>,
      %parallel_loop3A_308 = vector.shape_cast %parallel_loop3A_307 : vector<1x16xi32> to vector<16xi32>
      %parallel_loop3A_309 = tpu.bitcast %parallel_loop3A_308 : vector<16xi32> -> vector<16xi32>
      %parallel_loop3A_310 = arith.constant 16 : i32
      %parallel_loop3A_311 = vector.broadcast %parallel_loop3A_310 : i32 to vector<16xi32>
      %parallel_loop3A_312 = arith.shli %parallel_loop3A_309, %parallel_loop3A_311 : vector<16xi32>
      %parallel_loop3A_313 = tpu.bitcast %parallel_loop3A_312 : vector<16xi32> -> vector<16xf32>
      %parallel_loop3A_314 = arith.index_cast %parallel_loop3A_258 : i32 to index
      %parallel_loop3A_315 = arith.constant 32 : index
      %parallel_loop3A_316 = tpu.vector_load %arg10[%parallel_loop3A_314, %parallel_loop3A_315] {strides = array<i32>} : memref<128x256xf32, #tpu.memory_space<vmem>>, vector<1x16xf32>,
      %parallel_loop3A_317 = vector.shape_cast %parallel_loop3A_316 : vector<1x16xf32> to vector<16xf32>
      %parallel_loop3A_318 = vector.shape_cast %parallel_loop3A_313 : vector<16xf32> to vector<1x16xf32>
      tpu.vector_store %arg10[%parallel_loop3A_314, %parallel_loop3A_315], %parallel_loop3A_318 {strides = array<i32>} : memref<128x256xf32, #tpu.memory_space<vmem>>, vector<1x16xf32>,
      %parallel_loop3A_319 = arith.constant -65536 : i32
      %parallel_loop3A_320 = vector.broadcast %parallel_loop3A_319 : i32 to vector<16xi32>
      %parallel_loop3A_321 = arith.andi %parallel_loop3A_309, %parallel_loop3A_320 : vector<16xi32>
      %parallel_loop3A_322 = tpu.bitcast %parallel_loop3A_321 : vector<16xi32> -> vector<16xf32>
      %parallel_loop3A_323 = arith.index_cast %parallel_loop3A_258 : i32 to index
      %parallel_loop3A_324 = arith.constant 160 : index
      %parallel_loop3A_325 = tpu.vector_load %arg10[%parallel_loop3A_323, %parallel_loop3A_324] {strides = array<i32>} : memref<128x256xf32, #tpu.memory_space<vmem>>, vector<1x16xf32>,
      %parallel_loop3A_326 = vector.shape_cast %parallel_loop3A_325 : vector<1x16xf32> to vector<16xf32>
      %parallel_loop3A_327 = vector.shape_cast %parallel_loop3A_322 : vector<16xf32> to vector<1x16xf32>
      tpu.vector_store %arg10[%parallel_loop3A_323, %parallel_loop3A_324], %parallel_loop3A_327 {strides = array<i32>} : memref<128x256xf32, #tpu.memory_space<vmem>>, vector<1x16xf32>,
      %parallel_loop3A_328 = arith.index_cast %parallel_loop3A_258 : i32 to index
      %parallel_loop3A_329 = arith.constant 48 : index
      %parallel_loop3A_330 = tpu.vector_load %arg8[%parallel_loop3A_328, %parallel_loop3A_329] {strides = array<i32>} : memref<128x128xi32, #tpu.memory_space<vmem>>, vector<1x16xi32>,
      %parallel_loop3A_331 = vector.shape_cast %parallel_loop3A_330 : vector<1x16xi32> to vector<16xi32>
      %parallel_loop3A_332 = tpu.bitcast %parallel_loop3A_331 : vector<16xi32> -> vector<16xi32>
      %parallel_loop3A_333 = arith.constant 16 : i32
      %parallel_loop3A_334 = vector.broadcast %parallel_loop3A_333 : i32 to vector<16xi32>
      %parallel_loop3A_335 = arith.shli %parallel_loop3A_332, %parallel_loop3A_334 : vector<16xi32>
      %parallel_loop3A_336 = tpu.bitcast %parallel_loop3A_335 : vector<16xi32> -> vector<16xf32>
      %parallel_loop3A_337 = arith.index_cast %parallel_loop3A_258 : i32 to index
      %parallel_loop3A_338 = arith.constant 48 : index
      %parallel_loop3A_339 = tpu.vector_load %arg10[%parallel_loop3A_337, %parallel_loop3A_338] {strides = array<i32>} : memref<128x256xf32, #tpu.memory_space<vmem>>, vector<1x16xf32>,
      %parallel_loop3A_340 = vector.shape_cast %parallel_loop3A_339 : vector<1x16xf32> to vector<16xf32>
      %parallel_loop3A_341 = vector.shape_cast %parallel_loop3A_336 : vector<16xf32> to vector<1x16xf32>
      tpu.vector_store %arg10[%parallel_loop3A_337, %parallel_loop3A_338], %parallel_loop3A_341 {strides = array<i32>} : memref<128x256xf32, #tpu.memory_space<vmem>>, vector<1x16xf32>,
      %parallel_loop3A_342 = arith.constant -65536 : i32
      %parallel_loop3A_343 = vector.broadcast %parallel_loop3A_342 : i32 to vector<16xi32>
      %parallel_loop3A_344 = arith.andi %parallel_loop3A_332, %parallel_loop3A_343 : vector<16xi32>
      %parallel_loop3A_345 = tpu.bitcast %parallel_loop3A_344 : vector<16xi32> -> vector<16xf32>
      %parallel_loop3A_346 = arith.index_cast %parallel_loop3A_258 : i32 to index
      %parallel_loop3A_347 = arith.constant 176 : index
      %parallel_loop3A_348 = tpu.vector_load %arg10[%parallel_loop3A_346, %parallel_loop3A_347] {strides = array<i32>} : memref<128x256xf32, #tpu.memory_space<vmem>>, vector<1x16xf32>,
      %parallel_loop3A_349 = vector.shape_cast %parallel_loop3A_348 : vector<1x16xf32> to vector<16xf32>
      %parallel_loop3A_350 = vector.shape_cast %parallel_loop3A_345 : vector<16xf32> to vector<1x16xf32>
      tpu.vector_store %arg10[%parallel_loop3A_346, %parallel_loop3A_347], %parallel_loop3A_350 {strides = array<i32>} : memref<128x256xf32, #tpu.memory_space<vmem>>, vector<1x16xf32>,
      %parallel_loop3A_351 = arith.index_cast %parallel_loop3A_258 : i32 to index
      %parallel_loop3A_352 = arith.constant 64 : index
      %parallel_loop3A_353 = tpu.vector_load %arg8[%parallel_loop3A_351, %parallel_loop3A_352] {strides = array<i32>} : memref<128x128xi32, #tpu.memory_space<vmem>>, vector<1x16xi32>,
      %parallel_loop3A_354 = vector.shape_cast %parallel_loop3A_353 : vector<1x16xi32> to vector<16xi32>
      %parallel_loop3A_355 = tpu.bitcast %parallel_loop3A_354 : vector<16xi32> -> vector<16xi32>
      %parallel_loop3A_356 = arith.constant 16 : i32
      %parallel_loop3A_357 = vector.broadcast %parallel_loop3A_356 : i32 to vector<16xi32>
      %parallel_loop3A_358 = arith.shli %parallel_loop3A_355, %parallel_loop3A_357 : vector<16xi32>
      %parallel_loop3A_359 = tpu.bitcast %parallel_loop3A_358 : vector<16xi32> -> vector<16xf32>
      %parallel_loop3A_360 = arith.index_cast %parallel_loop3A_258 : i32 to index
      %parallel_loop3A_361 = arith.constant 64 : index
      %parallel_loop3A_362 = tpu.vector_load %arg10[%parallel_loop3A_360, %parallel_loop3A_361] {strides = array<i32>} : memref<128x256xf32, #tpu.memory_space<vmem>>, vector<1x16xf32>,
      %parallel_loop3A_363 = vector.shape_cast %parallel_loop3A_362 : vector<1x16xf32> to vector<16xf32>
      %parallel_loop3A_364 = vector.shape_cast %parallel_loop3A_359 : vector<16xf32> to vector<1x16xf32>
      tpu.vector_store %arg10[%parallel_loop3A_360, %parallel_loop3A_361], %parallel_loop3A_364 {strides = array<i32>} : memref<128x256xf32, #tpu.memory_space<vmem>>, vector<1x16xf32>,
      %parallel_loop3A_365 = arith.constant -65536 : i32
      %parallel_loop3A_366 = vector.broadcast %parallel_loop3A_365 : i32 to vector<16xi32>
      %parallel_loop3A_367 = arith.andi %parallel_loop3A_355, %parallel_loop3A_366 : vector<16xi32>
      %parallel_loop3A_368 = tpu.bitcast %parallel_loop3A_367 : vector<16xi32> -> vector<16xf32>
      %parallel_loop3A_369 = arith.index_cast %parallel_loop3A_258 : i32 to index
      %parallel_loop3A_370 = arith.constant 192 : index
      %parallel_loop3A_371 = tpu.vector_load %arg10[%parallel_loop3A_369, %parallel_loop3A_370] {strides = array<i32>} : memref<128x256xf32, #tpu.memory_space<vmem>>, vector<1x16xf32>,
      %parallel_loop3A_372 = vector.shape_cast %parallel_loop3A_371 : vector<1x16xf32> to vector<16xf32>
      %parallel_loop3A_373 = vector.shape_cast %parallel_loop3A_368 : vector<16xf32> to vector<1x16xf32>
      tpu.vector_store %arg10[%parallel_loop3A_369, %parallel_loop3A_370], %parallel_loop3A_373 {strides = array<i32>} : memref<128x256xf32, #tpu.memory_space<vmem>>, vector<1x16xf32>,
      %parallel_loop3A_374 = arith.index_cast %parallel_loop3A_258 : i32 to index
      %parallel_loop3A_375 = arith.constant 80 : index
      %parallel_loop3A_376 = tpu.vector_load %arg8[%parallel_loop3A_374, %parallel_loop3A_375] {strides = array<i32>} : memref<128x128xi32, #tpu.memory_space<vmem>>, vector<1x16xi32>,
      %parallel_loop3A_377 = vector.shape_cast %parallel_loop3A_376 : vector<1x16xi32> to vector<16xi32>
      %parallel_loop3A_378 = tpu.bitcast %parallel_loop3A_377 : vector<16xi32> -> vector<16xi32>
      %parallel_loop3A_379 = arith.constant 16 : i32
      %parallel_loop3A_380 = vector.broadcast %parallel_loop3A_379 : i32 to vector<16xi32>
      %parallel_loop3A_381 = arith.shli %parallel_loop3A_378, %parallel_loop3A_380 : vector<16xi32>
      %parallel_loop3A_382 = tpu.bitcast %parallel_loop3A_381 : vector<16xi32> -> vector<16xf32>
      %parallel_loop3A_383 = arith.index_cast %parallel_loop3A_258 : i32 to index
      %parallel_loop3A_384 = arith.constant 80 : index
      %parallel_loop3A_385 = tpu.vector_load %arg10[%parallel_loop3A_383, %parallel_loop3A_384] {strides = array<i32>} : memref<128x256xf32, #tpu.memory_space<vmem>>, vector<1x16xf32>,
      %parallel_loop3A_386 = vector.shape_cast %parallel_loop3A_385 : vector<1x16xf32> to vector<16xf32>
      %parallel_loop3A_387 = vector.shape_cast %parallel_loop3A_382 : vector<16xf32> to vector<1x16xf32>
      tpu.vector_store %arg10[%parallel_loop3A_383, %parallel_loop3A_384], %parallel_loop3A_387 {strides = array<i32>} : memref<128x256xf32, #tpu.memory_space<vmem>>, vector<1x16xf32>,
      %parallel_loop3A_388 = arith.constant -65536 : i32
      %parallel_loop3A_389 = vector.broadcast %parallel_loop3A_388 : i32 to vector<16xi32>
      %parallel_loop3A_390 = arith.andi %parallel_loop3A_378, %parallel_loop3A_389 : vector<16xi32>
      %parallel_loop3A_391 = tpu.bitcast %parallel_loop3A_390 : vector<16xi32> -> vector<16xf32>
      %parallel_loop3A_392 = arith.index_cast %parallel_loop3A_258 : i32 to index
      %parallel_loop3A_393 = arith.constant 208 : index
      %parallel_loop3A_394 = tpu.vector_load %arg10[%parallel_loop3A_392, %parallel_loop3A_393] {strides = array<i32>} : memref<128x256xf32, #tpu.memory_space<vmem>>, vector<1x16xf32>,
      %parallel_loop3A_395 = vector.shape_cast %parallel_loop3A_394 : vector<1x16xf32> to vector<16xf32>
      %parallel_loop3A_396 = vector.shape_cast %parallel_loop3A_391 : vector<16xf32> to vector<1x16xf32>
      tpu.vector_store %arg10[%parallel_loop3A_392, %parallel_loop3A_393], %parallel_loop3A_396 {strides = array<i32>} : memref<128x256xf32, #tpu.memory_space<vmem>>, vector<1x16xf32>,
      %parallel_loop3A_397 = arith.index_cast %parallel_loop3A_258 : i32 to index
      %parallel_loop3A_398 = arith.constant 96 : index
      %parallel_loop3A_399 = tpu.vector_load %arg8[%parallel_loop3A_397, %parallel_loop3A_398] {strides = array<i32>} : memref<128x128xi32, #tpu.memory_space<vmem>>, vector<1x16xi32>,
      %parallel_loop3A_400 = vector.shape_cast %parallel_loop3A_399 : vector<1x16xi32> to vector<16xi32>
      %parallel_loop3A_401 = tpu.bitcast %parallel_loop3A_400 : vector<16xi32> -> vector<16xi32>
      %parallel_loop3A_402 = arith.constant 16 : i32
      %parallel_loop3A_403 = vector.broadcast %parallel_loop3A_402 : i32 to vector<16xi32>
      %parallel_loop3A_404 = arith.shli %parallel_loop3A_401, %parallel_loop3A_403 : vector<16xi32>
      %parallel_loop3A_405 = tpu.bitcast %parallel_loop3A_404 : vector<16xi32> -> vector<16xf32>
      %parallel_loop3A_406 = arith.index_cast %parallel_loop3A_258 : i32 to index
      %parallel_loop3A_407 = arith.constant 96 : index
      %parallel_loop3A_408 = tpu.vector_load %arg10[%parallel_loop3A_406, %parallel_loop3A_407] {strides = array<i32>} : memref<128x256xf32, #tpu.memory_space<vmem>>, vector<1x16xf32>,
      %parallel_loop3A_409 = vector.shape_cast %parallel_loop3A_408 : vector<1x16xf32> to vector<16xf32>
      %parallel_loop3A_410 = vector.shape_cast %parallel_loop3A_405 : vector<16xf32> to vector<1x16xf32>
      tpu.vector_store %arg10[%parallel_loop3A_406, %parallel_loop3A_407], %parallel_loop3A_410 {strides = array<i32>} : memref<128x256xf32, #tpu.memory_space<vmem>>, vector<1x16xf32>,
      %parallel_loop3A_411 = arith.constant -65536 : i32
      %parallel_loop3A_412 = vector.broadcast %parallel_loop3A_411 : i32 to vector<16xi32>
      %parallel_loop3A_413 = arith.andi %parallel_loop3A_401, %parallel_loop3A_412 : vector<16xi32>
      %parallel_loop3A_414 = tpu.bitcast %parallel_loop3A_413 : vector<16xi32> -> vector<16xf32>
      %parallel_loop3A_415 = arith.index_cast %parallel_loop3A_258 : i32 to index
      %parallel_loop3A_416 = arith.constant 224 : index
      %parallel_loop3A_417 = tpu.vector_load %arg10[%parallel_loop3A_415, %parallel_loop3A_416] {strides = array<i32>} : memref<128x256xf32, #tpu.memory_space<vmem>>, vector<1x16xf32>,
      %parallel_loop3A_418 = vector.shape_cast %parallel_loop3A_417 : vector<1x16xf32> to vector<16xf32>
      %parallel_loop3A_419 = vector.shape_cast %parallel_loop3A_414 : vector<16xf32> to vector<1x16xf32>
      tpu.vector_store %arg10[%parallel_loop3A_415, %parallel_loop3A_416], %parallel_loop3A_419 {strides = array<i32>} : memref<128x256xf32, #tpu.memory_space<vmem>>, vector<1x16xf32>,
      %parallel_loop3A_420 = arith.index_cast %parallel_loop3A_258 : i32 to index
      %parallel_loop3A_421 = arith.constant 112 : index
      %parallel_loop3A_422 = tpu.vector_load %arg8[%parallel_loop3A_420, %parallel_loop3A_421] {strides = array<i32>} : memref<128x128xi32, #tpu.memory_space<vmem>>, vector<1x16xi32>,
      %parallel_loop3A_423 = vector.shape_cast %parallel_loop3A_422 : vector<1x16xi32> to vector<16xi32>
      %parallel_loop3A_424 = tpu.bitcast %parallel_loop3A_423 : vector<16xi32> -> vector<16xi32>
      %parallel_loop3A_425 = arith.constant 16 : i32
      %parallel_loop3A_426 = vector.broadcast %parallel_loop3A_425 : i32 to vector<16xi32>
      %parallel_loop3A_427 = arith.shli %parallel_loop3A_424, %parallel_loop3A_426 : vector<16xi32>
      %parallel_loop3A_428 = tpu.bitcast %parallel_loop3A_427 : vector<16xi32> -> vector<16xf32>
      %parallel_loop3A_429 = arith.index_cast %parallel_loop3A_258 : i32 to index
      %parallel_loop3A_430 = arith.constant 112 : index
      %parallel_loop3A_431 = tpu.vector_load %arg10[%parallel_loop3A_429, %parallel_loop3A_430] {strides = array<i32>} : memref<128x256xf32, #tpu.memory_space<vmem>>, vector<1x16xf32>,
      %parallel_loop3A_432 = vector.shape_cast %parallel_loop3A_431 : vector<1x16xf32> to vector<16xf32>
      %parallel_loop3A_433 = vector.shape_cast %parallel_loop3A_428 : vector<16xf32> to vector<1x16xf32>
      tpu.vector_store %arg10[%parallel_loop3A_429, %parallel_loop3A_430], %parallel_loop3A_433 {strides = array<i32>} : memref<128x256xf32, #tpu.memory_space<vmem>>, vector<1x16xf32>,
      %parallel_loop3A_434 = arith.constant -65536 : i32
      %parallel_loop3A_435 = vector.broadcast %parallel_loop3A_434 : i32 to vector<16xi32>
      %parallel_loop3A_436 = arith.andi %parallel_loop3A_424, %parallel_loop3A_435 : vector<16xi32>
      %parallel_loop3A_437 = tpu.bitcast %parallel_loop3A_436 : vector<16xi32> -> vector<16xf32>
      %parallel_loop3A_438 = arith.index_cast %parallel_loop3A_258 : i32 to index
      %parallel_loop3A_439 = arith.constant 240 : index
      %parallel_loop3A_440 = tpu.vector_load %arg10[%parallel_loop3A_438, %parallel_loop3A_439] {strides = array<i32>} : memref<128x256xf32, #tpu.memory_space<vmem>>, vector<1x16xf32>,
      %parallel_loop3A_441 = vector.shape_cast %parallel_loop3A_440 : vector<1x16xf32> to vector<16xf32>
      %parallel_loop3A_442 = vector.shape_cast %parallel_loop3A_437 : vector<16xf32> to vector<1x16xf32>
      tpu.vector_store %arg10[%parallel_loop3A_438, %parallel_loop3A_439], %parallel_loop3A_442 {strides = array<i32>} : memref<128x256xf32, #tpu.memory_space<vmem>>, vector<1x16xf32>,
    } {sc.loop_unroll_factor = 8 : i64, sc.parallel_access}
    %add3A_222 = arith.constant 480 : i32
    %add3A_223 = arith.addi %mul3A_2, %add3A_222 : i32
    %dma_start3A_224 = arith.constant 0 : i32
    %dma_start3A_225 = arith.constant 0 : i32
    %dma_start3A_226 = tpu.memref_slice %arg10[%dma_start3A_224, %dma_start3A_225] : memref<128x256xf32, #tpu.memory_space<vmem>> -> memref<32x256xf32, #tpu.memory_space<vmem>>
    %dma_start3A_227 = arith.constant 0 : i32
    %dma_start3A_228 = tpu.memref_slice %arg4[%add3A_223, %dma_start3A_227] : memref<16384x256xf32, #tpu.memory_space<hbm>> -> memref<32x256xf32, #tpu.memory_space<hbm>>
    %dma_start3A_229 = arith.constant 0 : i32
    %dma_start3A_230 = tpu.memref_slice %arg4[%add3A_223, %dma_start3A_229] : memref<16384x256xf32, #tpu.memory_space<hbm>> -> memref<32x256xf32, #tpu.memory_space<hbm>>
    %dma_start3A_231 = arith.constant 0 : i32
    %dma_start3A_232 = arith.constant 0 : i32
    %dma_start3A_233 = tpu.memref_slice %arg10[%dma_start3A_231, %dma_start3A_232] : memref<128x256xf32, #tpu.memory_space<vmem>> -> memref<32x256xf32, #tpu.memory_space<vmem>>
    tpu.enqueue_dma source(%dma_start3A_233 : memref<32x256xf32, #tpu.memory_space<vmem>>) target(%dma_start3A_230 : memref<32x256xf32, #tpu.memory_space<hbm>>) target_semaphore(%arg15 : memref<!tpu.dma_semaphore, #tpu.memory_space<semaphore_mem>>)
    %add3A_234 = arith.constant 384 : i32
    %add3A_235 = arith.addi %mul3A_2, %add3A_234 : i32
    %dma_wait3A_236 = arith.constant 0 : i32
    %dma_wait3A_237 = arith.constant 0 : i32
    %dma_wait3A_238 = tpu.memref_slice %arg9[%dma_wait3A_236, %dma_wait3A_237] : memref<128x256xf32, #tpu.memory_space<vmem>> -> memref<96x256xf32, #tpu.memory_space<vmem>>
    %dma_wait3A_239 = arith.constant 0 : i32
    %dma_wait3A_240 = tpu.memref_slice %arg4[%add3A_235, %dma_wait3A_239] : memref<16384x256xf32, #tpu.memory_space<hbm>> -> memref<96x256xf32, #tpu.memory_space<hbm>>
    %dma_wait3A_241 = arith.constant 0 : i32
    %dma_wait3A_242 = tpu.memref_slice %arg4[%add3A_235, %dma_wait3A_241] : memref<16384x256xf32, #tpu.memory_space<hbm>> -> memref<96x256xf32, #tpu.memory_space<hbm>>
    %dma_wait3A_243 = arith.constant 0 : i32
    %dma_wait3A_244 = arith.constant 0 : i32
    %dma_wait3A_245 = tpu.memref_slice %arg9[%dma_wait3A_243, %dma_wait3A_244] : memref<128x256xf32, #tpu.memory_space<vmem>> -> memref<96x256xf32, #tpu.memory_space<vmem>>
    tpu.wait_dma2 semaphore(%arg14 : memref<!tpu.dma_semaphore, #tpu.memory_space<semaphore_mem>>) src(%dma_wait3A_245 : memref<96x256xf32, #tpu.memory_space<vmem>>) dst(%dma_wait3A_242 : memref<96x256xf32, #tpu.memory_space<hbm>>)
    %add3A_246 = arith.constant 480 : i32
    %add3A_247 = arith.addi %mul3A_2, %add3A_246 : i32
    %dma_wait3A_248 = arith.constant 0 : i32
    %dma_wait3A_249 = arith.constant 0 : i32
    %dma_wait3A_250 = tpu.memref_slice %arg10[%dma_wait3A_248, %dma_wait3A_249] : memref<128x256xf32, #tpu.memory_space<vmem>> -> memref<32x256xf32, #tpu.memory_space<vmem>>
    %dma_wait3A_251 = arith.constant 0 : i32
    %dma_wait3A_252 = tpu.memref_slice %arg4[%add3A_247, %dma_wait3A_251] : memref<16384x256xf32, #tpu.memory_space<hbm>> -> memref<32x256xf32, #tpu.memory_space<hbm>>
    %dma_wait3A_253 = arith.constant 0 : i32
    %dma_wait3A_254 = tpu.memref_slice %arg4[%add3A_247, %dma_wait3A_253] : memref<16384x256xf32, #tpu.memory_space<hbm>> -> memref<32x256xf32, #tpu.memory_space<hbm>>
    %dma_wait3A_255 = arith.constant 0 : i32
    %dma_wait3A_256 = arith.constant 0 : i32
    %dma_wait3A_257 = tpu.memref_slice %arg10[%dma_wait3A_255, %dma_wait3A_256] : memref<128x256xf32, #tpu.memory_space<vmem>> -> memref<32x256xf32, #tpu.memory_space<vmem>>
    tpu.wait_dma2 semaphore(%arg15 : memref<!tpu.dma_semaphore, #tpu.memory_space<semaphore_mem>>) src(%dma_wait3A_257 : memref<32x256xf32, #tpu.memory_space<vmem>>) dst(%dma_wait3A_254 : memref<32x256xf32, #tpu.memory_space<hbm>>)
    return
  }
}

module attributes {stable_mosaic.version = 14 : i64} {
  func.func @_table_body(%arg0: memref<1024x1024xf32, #tpu.memory_space<vmem>>, %arg1: memref<1024x256xf32, #tpu.memory_space<vmem>>, %arg2: memref<1x256xf32, #tpu.memory_space<vmem>>, %arg3: memref<1024x128xi32, #tpu.memory_space<vmem>>) attributes {dimension_semantics = [], scalar_prefetch = 0 : i64, scratch_operands = 0 : i64, tpu.core_type = #tpu.core_type<tc>} {
    %get3A = arith.constant 0 : index
    %get3A_0 = arith.constant 0 : index
    %get3A_1 = vector.load %arg0[%get3A, %get3A_0] : memref<1024x1024xf32, #tpu.memory_space<vmem>>, vector<1024x1024xf32>
    %convert_element_type3A = arith.truncf %get3A_1 : vector<1024x1024xf32> to vector<1024x1024xbf16>
    %get3A_2 = arith.constant 0 : index
    %get3A_3 = arith.constant 0 : index
    %get3A_4 = vector.load %arg1[%get3A_2, %get3A_3] : memref<1024x256xf32, #tpu.memory_space<vmem>>, vector<1024x256xf32>
    %convert_element_type3A_5 = arith.truncf %get3A_4 : vector<1024x256xf32> to vector<1024x256xbf16>
    %dot_general3A = arith.constant dense<0.000000e+00> : vector<1024x256xf32>
    %dot_general3A_6 = tpu.matmul %convert_element_type3A, %convert_element_type3A_5, %dot_general3A {dimension_numbers = #tpu.dot_dimension_numbers<[1], [0], [0], [1], [0, 0, 1, 1], [], []>, transpose_lhs_hint = false} : vector<1024x1024xbf16>, vector<1024x256xbf16>, vector<1024x256xf32> -> vector<1024x256xf32>
    %get3A_7 = arith.constant 0 : index
    %get3A_8 = arith.constant 0 : index
    %get3A_9 = vector.load %arg2[%get3A_7, %get3A_8] : memref<1x256xf32, #tpu.memory_space<vmem>>, vector<1x256xf32>
    %add3A = vector.broadcast %get3A_9 : vector<1x256xf32> to vector<1024x256xf32>
    %add3A_10 = arith.addf %dot_general3A_6, %add3A : vector<1024x256xf32>
    %tanh3A = math.tanh %add3A_10 : vector<1024x256xf32>
    %slice3A = vector.extract_strided_slice %tanh3A {offsets = [0, 0], sizes = [1024, 128], strides = [1, 1]} : vector<1024x256xf32> to vector<1024x128xf32>
    %convert_element_type3A_11 = arith.truncf %slice3A : vector<1024x128xf32> to vector<1024x128xbf16>
    %bitcast_convert_type3A = tpu.bitcast %convert_element_type3A_11 : vector<1024x128xbf16> -> vector<1024x128xi16>
    %convert_element_type3A_12 = arith.extui %bitcast_convert_type3A : vector<1024x128xi16> to vector<1024x128xi32>
    %slice3A_13 = vector.extract_strided_slice %tanh3A {offsets = [0, 128], sizes = [1024, 128], strides = [1, 1]} : vector<1024x256xf32> to vector<1024x128xf32>
    %convert_element_type3A_14 = arith.truncf %slice3A_13 : vector<1024x128xf32> to vector<1024x128xbf16>
    %bitcast_convert_type3A_15 = tpu.bitcast %convert_element_type3A_14 : vector<1024x128xbf16> -> vector<1024x128xi16>
    %convert_element_type3A_16 = arith.extui %bitcast_convert_type3A_15 : vector<1024x128xi16> to vector<1024x128xi32>
    %shift_left3A = arith.constant 16 : i32
    %shift_left3A_17 = vector.broadcast %shift_left3A : i32 to vector<1024x128xi32>
    %shift_left3A_18 = arith.shli %convert_element_type3A_16, %shift_left3A_17 : vector<1024x128xi32>
    %or3A = arith.ori %convert_element_type3A_12, %shift_left3A_18 : vector<1024x128xi32>
    %bitcast_convert_type3A_19 = tpu.bitcast %or3A : vector<1024x128xi32> -> vector<1024x128xi32>
    %swap3A = arith.constant 0 : index
    %swap3A_20 = arith.constant 0 : index
    %swap3A_21 = vector.load %arg3[%swap3A, %swap3A_20] : memref<1024x128xi32, #tpu.memory_space<vmem>>, vector<1024x128xi32>
    tpu.vector_store %arg3[%swap3A, %swap3A_20], %bitcast_convert_type3A_19 {strides = array<i32>} : memref<1024x128xi32, #tpu.memory_space<vmem>>, vector<1024x128xi32>,
    return
  }
}

</mosaic_0001>

<sc_bundles>
// kernel: kernel.4.cloned.1.call-start
scs
__scs_entry_jumppad:
0x0: {  	(pc) =	sbr.rel $0x88, $3  }
0x1: {  	(tag) =	ssettag $0x0;
	lr =	simm.s32 $0x1  }
0x2: {  	[smem:$0x3F9D] =	sst lr;
	_ =	strace $0xD0000000  }
0x3: {  	_ = 	snop  }
0x4: {  	_ = 	snop  }
0x5: {  	_ = 	snop  }
0x6: {  	_ = 	snop  }
0x7: {  	_ = 	snop  }
__scs_overlays_trampoline_lowered:
0x8: {  	[smem:$0x3FAC] =	sst s0  }
0x9: {  	[smem:$0x3FAD] =	sst s1  }
0xa: {  	[smem:$0x3FAE] =	sst s2  }
0xb: {  	[smem:$0x3FAF] =	sst s3  }
0xc: {  	[smem:$0x3FB0] =	sst s4  }
0xd: {  	[smem:$0x3FB1] =	sst s5  }
0xe: {  	[smem:$0x3FB2] =	sst s6  }
0xf: {  	[smem:$0x3FB3] =	sst s7  }
0x10: {  	[smem:$0x3FB4] =	sst s8  }
0x11: {  	[smem:$0x3FB5] =	sst s9;
	s0 =	simm.s32 @!p0 $0x0  }
0x12: {  	s1 =	sld [smem:$0x3F9B];
	s0 =	simm.s32 @p0 $0x1  }
0x13: {  	[smem:$0x3FB6] =	sst s0;
	s0 =	simm.s32 @!p1 $0x0  }
0x14: {  	s2 =	sld [smem:$0x3F9A];
	s0 =	simm.s32 @p1 $0x1  }
0x15: {  	[smem:$0x3FB7] =	sst s0;
	s0 =	simm.s32 @!p2 $0x0  }
0x16: {  	s3 =	sld [smem:$0x3FDB];
	s0 =	simm.s32 @p2 $0x1  }
0x17: {  	s4 =	simm.s32 $0x1BF5;
	[smem:$0x3FB9] =	sst s0  }
0x18: {  	s0 =	sld [smem:$0x3F9C];
	_ =	swait.ge [sflag:s4], $0x0  }
0x19: {  	s7 =	sld [smem:$0x3F9D]  }
0x1a: {  	s8 =	sadd.s32 $0xFFFFE003, lr  }
0x1b: {  	s9 =	sadd.s32 $0xFFFFFEF7, lr;
	s5 =	simm.s32 $0xFFFFFFFF;
	p2 =	slt.u32 s8, $0xFFFFF086  }
0x1c: {  	p1 =	slt.u32 s9, $0xF7A;
	s5 =	simm.s32 @!p2 $0x0  }
0x1d: {  	s5 =	simm.s32 @p1 $0x1;
	p0 =	seq.s32 s7, s2  }
0x1e: {  	s7 =	smul.u32 @!p0 $0xF7A, s2;
	p2 =	seq.s32 @!p0 s5, $0x0  }
0x1f: {  	s9 =	smul.u32 $0xF7A, s1;
	s8 =	simm.s32 @!p0 $0x1BF5;
	p2 =	por !p2, p0  }
0x20: {  	[sflag:s8] =	ssyncset.s32 @!p0 $0xFFFFF086;
	s6 =	sadd.s32 @!p0 s3, s7;
	s7 =	simm.s32 @!p0 $0x108  }
0x21: {  	s3 =	sadd.s32 s3, s9;
	s6 =	sadd.s32 @!p0 $0x88, s6;
	s7 =	simm.s32 @p2 $0x1082  }
0x22: {  	[simem:s7], [sflag:s8] =	dma.local @!p0 [hbm:s6], $0xF7A  }
0x23: {  	s9 =	sor.u32 $0xD0000000, s2;
	s6 =	simm.s32 $0x108;
	_ =	swait.ge @!p0 [sflag:s8], $0x0  }
0x24: {  	s3 =	sadd.s32 $0x88, s3;
	s6 =	simm.s32 @!p1 $0x1082;
	[sflag:s4] =	ssyncset.s32 $0xFFFFF086  }
0x25: {  	[simem:s6], [sflag:s4] =	dma.local [hbm:s3], $0xF7A  }
0x26: {  	[smem:$0x3F9D] =	sst s1;
	(tag) =	ssettag s2;
	_ =	strace s9  }
0x27: {  	s1 =	sld [smem:$0x3FAD]  }
0x28: {  	s2 =	sld [smem:$0x3FAE]  }
0x29: {  	s4 =	sld [smem:$0x3FB0]  }
0x2a: {  	p0 =	seq.s32 s5, $0x0;
	s5 =	sld [smem:$0x3FB1]  }
0x2b: {  	s6 =	sld [smem:$0x3FB2]  }
0x2c: {  	s7 =	sld [smem:$0x3FB3]  }
0x2d: {  	s3 =	simm.s32 $0x108;
	s8 =	sld [smem:$0x3FB4]  }
0x2e: {  	s3 =	simm.s32 @!p0 $0x1082;
	s9 =	sld [smem:$0x3FB5]  }
0x2f: {  	lr =	sadd.s32 s0, s3;
	s0 =	sld [smem:$0x3FAC]  }
0x30: {  	s3 =	sld [smem:$0x3FAF]  }
0x31: {  	[smem:$0x3FB8] =	sst s10  }
0x32: {  	s10 =	sld [smem:$0x3FB6];
	_ =	sdelay $0x3  }
0x33: {  	p0 =	seq.s32 s10, $0x1;
	s10 =	sld [smem:$0x3FB8];
	_ =	sdelay $0x3  }
0x34: {  	[smem:$0x3FB8] =	sst s10  }
0x35: {  	s10 =	sld [smem:$0x3FB7];
	_ =	sdelay $0x3  }
0x36: {  	p1 =	seq.s32 s10, $0x1;
	s10 =	sld [smem:$0x3FB8];
	_ =	sdelay $0x3  }
0x37: {  	[smem:$0x3FB8] =	sst s10  }
0x38: {  	s10 =	sld [smem:$0x3FB9]  }
0x39: {  	_ = 	snop;
	(pc) =	sbr.ind lr, $3  }
0x3a: {  	_ = 	snop  }
0x3b: {  	_ = 	snop  }
0x3c: {  	p2 =	seq.s32 s10, $0x1;
	s10 =	sld [smem:$0x3FB8]  }
0x3d: {  	_ =	shalt  }
0x3e: {  	_ =	shalt  }
0x3f: {  	_ =	shalt  }
0x40: {  	_ =	shalt  }
0x41: {  	_ =	shalt  }
0x42: {  	_ =	shalt  }
0x43: {  	_ =	shalt  }
0x44: {  	_ =	shalt  }
0x45: {  	_ =	shalt  }
0x46: {  	_ =	shalt  }
0x47: {  	_ =	shalt  }
0x48: {  	_ =	shalt  }
0x49: {  	_ =	shalt  }
0x4a: {  	_ =	shalt  }
0x4b: {  	_ =	shalt  }
0x4c: {  	_ =	shalt  }
0x4d: {  	_ =	shalt  }
0x4e: {  	_ =	shalt  }
0x4f: {  	_ =	shalt  }
0x50: {  	_ =	shalt  }
0x51: {  	_ =	shalt  }
0x52: {  	_ =	shalt  }
0x53: {  	_ =	shalt  }
0x54: {  	_ =	shalt  }
0x55: {  	_ =	shalt  }
0x56: {  	_ =	shalt  }
0x57: {  	_ =	shalt  }
0x58: {  	_ =	shalt  }
0x59: {  	_ =	shalt  }
0x5a: {  	_ =	shalt  }
0x5b: {  	_ =	shalt  }
0x5c: {  	_ =	shalt  }
0x5d: {  	_ =	shalt  }
0x5e: {  	_ =	shalt  }
0x5f: {  	_ =	shalt  }
0x60: {  	_ =	shalt  }
0x61: {  	_ =	shalt  }
0x62: {  	_ =	shalt  }
0x63: {  	_ =	shalt  }
0x64: {  	_ =	shalt  }
0x65: {  	_ =	shalt  }
0x66: {  	_ =	shalt  }
0x67: {  	_ =	shalt  }
0x68: {  	_ =	shalt  }
0x69: {  	_ =	shalt  }
0x6a: {  	_ =	shalt  }
0x6b: {  	_ =	shalt  }
0x6c: {  	_ =	shalt  }
0x6d: {  	_ =	shalt  }
0x6e: {  	_ =	shalt  }
0x6f: {  	_ =	shalt  }
0x70: {  	_ =	shalt  }
0x71: {  	_ =	shalt  }
0x72: {  	_ =	shalt  }
0x73: {  	_ =	shalt  }
0x74: {  	_ =	shalt  }
0x75: {  	_ =	shalt  }
0x76: {  	_ =	shalt  }
0x77: {  	_ =	shalt  }
0x78: {  	_ =	shalt  }
0x79: {  	_ =	shalt  }
0x7a: {  	_ =	shalt  }
0x7b: {  	_ =	shalt  }
0x7c: {  	_ =	shalt  }
0x7d: {  	_ =	shalt  }
0x7e: {  	_ =	shalt  }
0x7f: {  	_ =	shalt  }
0x80: {  	_ =	shalt  }
0x81: {  	_ =	shalt  }
0x82: {  	_ =	shalt  }
0x83: {  	_ =	shalt  }
0x84: {  	_ =	shalt  }
0x85: {  	_ =	shalt  }
0x86: {  	_ =	shalt  }
0x87: {  	_ =	shalt  }
.Lfunc_end0:
.L_simem_size_0:
called_computation_lowered:
.L_overlay_start_0:
0x88: {  	s2 =	sld [smem:$0x3FD9]  }
0x89: {  	s3 =	sld [smem:$0x3FFE];
	_ =	sdelay $0x1  }
0x8a: {  	s1 =	srdreg.scid  }
0x8b: {  	s0 =	sand.u32 $0x1, s1  }
0x8c: {  	s17 =	sshll.u32 s0, $0xA;
	s2 =	sadd.s32 s3, s2  }
0x8d: {  	s2 =	sadd.s32 s2, s17  }
0x8e: {  	[smem:$0x3FC4] =	sst s2  }
0x8f: {  	_ = 	snop  }
0x90: {  	s2 =	sld [smem:$0x3FD0];
	(tm) =	ssettm $0x1  }
0x91: {  	s18 =	sld [smem:$0x3FFB];
	_ =	sdelay $0x3  }
0x92: {  	_ =	strace s18  }
0x93: {  	s3 =	sld [smem:$0x3FFC];
	_ =	sdelay $0x3  }
0x94: {  	_ =	strace s3  }
0x95: {  	s3 =	sld [smem:$0x3FFD];
	_ =	sdelay $0x3  }
0x96: {  	_ =	strace s3  }
0x97: {  	_ =	strace $0x8FFFFFFF  }
0x98: {  	s19 =	sld [smem:$0x3FDB];
	_ =	sdelay $0x1  }
0x99: {  	s4 =	simm.s32 $_scs_section_size  }
0x9a: {  	s5 =	simm.s32 $_size__tile_overlayer_lowered;
	s6 =	simm.s32 $_tile_overlayer_lowered  }
0x9b: {  	s22 =	simm.s32 $0x1BFF;
	s21 =	sshll.u32 s6, $0x1;
	s3 =	sadd.s32 s4, s19  }
0x9c: {  	s7 =	simm.s32 $0x0;
	s20 =	sshll.u32 s5, $0x1;
	s5 =	sadd.s32 s21, s3  }
0x9d: {  	[timem:s7], [sflag:s22] =	dma.local [hbm:s5], s20  }
0x9e: {  	_ =	swait.ge [sflag:s22], s20  }
0x9f: {  	s4 =	ssub.s32 $0x0, s20;
	[sflag:s22] =	ssyncset.done $0x0  }
0xa0: {  	[sflag:s22] =	ssyncadd.s32 s4;
	_ =	sdelay $0x1  }
0xa1: {  	s23 =	simm.s32 $0x1B8B  }
0xa2: {  	_ =	swait.ge [sflag:s23], $0x1  }
0xa3: {  	[sflag:s23] =	ssyncset.done $0x0  }
0xa4: {  	s25 =	simm.s32 $0x1B8E;
	s24 =	sld [smem:$0x3FFE];
	[sflag:s23] =	ssyncadd.s32 $0xFFFFFFFF  }
0xa5: {  	s26 =	simm.s32 $execute0_lowered;
	[smem:$0x3FD2] =	sst s25  }
0xa6: {  	s5 =	sshll.u32 s26, $0x1;
	_ =	strace $0x80000046;
	[dreg:$0x1] =	wrdreg $0xFFFFFFFF  }
0xa7: {  	s28 =	simm.s32 $_size_execute0_lowered;
	s3 =	sadd.s32 s3, s5;
	[dreg:$0x0] =	wrdreg $0x0  }
0xa8: {  	s5 =	sshll.u32 s28, $0x1;
	[dreg:$0x2] =	wrdreg s3  }
0xa9: {  	[dreg:$0x3] =	wrdreg s5  }
0xaa: {  	[dreg:$0x4] =	wrdreg $0xC0  }
0xab: {  	_ =	task [dreg:s7], $0x5FFFF  }
0xac: {  	[dreg:$0x1] =	wrdreg $0xFFFFFFFF  }
0xad: {  	[dreg:$0x0] =	wrdreg $0x60  }
0xae: {  	[dreg:$0x2] =	wrdreg s24  }
0xaf: {  	[dreg:$0x3] =	wrdreg s2  }
0xb0: {  	[dreg:$0x4] =	wrdreg $0x9  }
0xb1: {  	_ =	task.clear_ibuf [dreg:s7], $0x5FFFF;
	_ =	strace $0x90000046  }
0xb2: {  	s29 =	simm.s32 $0x9;
	_ =	strace $0x80000048  }
0xb3: {  	_ =	swait.ge [sflag:s29], $0x1  }
0xb4: {  	[sflag:s29] =	ssyncadd.s32 $0xFFFFFFFF  }
0xb5: {  	_ =	strace $0x90000048  }
0xb6: {  	_ =	sfence  }
0xb7: {  	s30 =	sld [smem:$0x0];
	_ =	sdelay $0x2  }
0xb8: {  	s31 =	sshll.u32 s1, $0xD;
	s1 =	sshrl.u32 s1, $0x2  }
0xb9: {  	s3 =	sand.u32 $0x4000, s31;
	s1 =	sadd.s32 s1, s30  }
0xba: {  	s0 =	sor.u32 s3, s0;
	s1 =	sshll.u32 s1, $0x11  }
0xbb: {  	s0 =	sor.u32 s1, s0  }
0xbc: {  	s0 =	sadd.s32 $0x8F2B, s0  }
0xbd: {  	[sflag:s0] =	ssyncadd.remote.s32 $0x1  }
0xbe: {  	_ =	sfence.sel $0xFFFF  }
0xbf: {  	[dreg:$0x0] =	wrdreg $0xFFFFFFFF;
	(pc) =	sbr.abs _section_cstart, $3  }
0xc0: {  	[dreg:$0x1] =	wrdreg $0xFFFFFFFF  }
0xc1: {  	_ =	task.clear_ibuf [dreg:s7], $0x2FFFF;
	_ =	strace $0x9FFFFFFF  }
0xc2: {  	(tm) =	ssettm $0x7FFFFFFF  }
0xc3: {  	_ =	shalt  }
tec
execute0_lowered:
.L_overlay_start_1:
0x0: {  	(tag) =	ssettag $0x1  }
0x1: {  	s0 =	rddreg [dreg:$0x0]  }
0x2: {  	s1 =	rddreg [dreg:$0x1]  }
0x3: {  	s3 =	srdreg.scid;
	s2 =	simm.s32 $0x0;
	s5 =	stileid.u32  }
0x4: {  	s12 =	simm.s32 $0x6;
	s13 =	simm.s32 $0x20;
	s14 =	simm.s32 $0x200  }
0x5: {  	s15 =	simm.s32 $0x60;
	s16 =	simm.s32 $0x4200;
	s17 =	simm.s32 $0x80  }
0x6: {  	s18 =	simm.s32 $0x8200;
	s19 =	simm.s32 $0x1;
	s20 =	simm.s32 $0xC200  }
0x7: {  	s21 =	simm.s32 $0x100;
	s22 =	simm.s32 $0x2;
	s23 =	simm.s32 $0x14200  }
0x8: {  	s24 =	simm.s32 $0x180;
	s28 =	simm.s32 $0x1E0;
	s29 =	simm.s32 $0x5  }
0x9: {  	s30 =	simm.s32 $0x0;
	s4 =	sand.u32 $0x1, s3;
	[smem:$0x7FF] =	sst s2  }
0xa: {  	s25 =	sshll.u32 s5, $0xA;
	s3 =	sadd.s32 $0x1400, s0;
	s26 =	sshll.u32 s4, $0x9  }
0xb: {  	_ =	strace $0x80000047;
	s4 =	ssub.s32 $0x2, s4;
	s5 =	sor.u32 s26, s25  }
0xc: {  	s31 =	sshrl.u32 s4, $0x1;
	s25 =	simm.s32 $0x3;
	s26 =	simm.s32 $0x4  }
0xd: {  	s6 =	sshrl.u32 s5, $0x3;
	s5 =	sshll.u32 s5, $0x5;
	s11 =	ssub.s32 s4, s31  }
0xe: {  	s0 =	sadd.s32 s6, s0;
	s5 =	sadd.s32 s1, s5;
	s11 =	smax.u32 s11, $0x1  }
0xf: {  	s4 =	sadd.s32 $0xC00, s0;
	s6 =	sadd.s32 $0x400, s5;
	s7 =	sadd.s32 $0x1000, s5  }
0x10: {  	s8 =	sadd.s32 $0x2000, s5;
	s9 =	sadd.s32 $0x3000, s5;
	s10 =	sadd.s32 $0x3C00, s5  }
.LBB2_1:
0x11: {  	[tilespmem:s2], [sflag:$0x6] =	stream.linear.gather [hbm4b:s4+s2], $0x200, $0x38;
	[tilespmem:$0x1C200] =	vst v63  }
0x12: {  	_ =	swait.ge [sflag:s12], $0x200  }
0x13: {  	[sflag:s12] =	ssyncset.done $0x0  }
0x14: {  	[sflag:s12] =	ssyncadd.s32 $0xFFFFFE00  }
0x15: {  	[tilespmem:s14], [sflag:$0x1] =	stream.indirect.gather [hbm4b:s3+s13], $0x80, s2, s13, $0xb8;
	[tilespmem:$0x1C200] =	vst v63  }
0x16: {  	_ = 	snop  }
0x17: {  	[tilespmem:s16], [sflag:$0x2] =	stream.indirect.gather [hbm4b:s3+s15], $0x80, s13, s15, $0xb8;
	[tilespmem:$0x1C200] =	vst v63  }
0x18: {  	_ = 	snop  }
0x19: {  	[tilespmem:s18], [sflag:$0x3] =	stream.indirect.gather [hbm4b:s3+s17], $0x80, s17, s17, $0xb8;
	[tilespmem:$0x1C200] =	vst v63  }
0x1a: {  	_ =	swait.ge [sflag:s19], $0x1000  }
0x1b: {  	[sflag:s19] =	ssyncset.done $0x0  }
0x1c: {  	s0 =	simm.s32 $0x400;
	[sflag:s19] =	ssyncadd.s32 $0xFFFFF000  }
0x1d: {  	v0 =	vld [tilespmem:s0+$0x180];
	_ =	sdelay $0x1  }
0x1e: {  	v1 =	vld [tilespmem:s0+$0xFFFFFE80];
	_ =	sdelay $0x1  }
0x1f: {  	v2 =	vld [tilespmem:s0+$0xFFFFFF00]  }
0x20: {  	s31 =	simm.s32 $0xC600;
	v3 =	vshll.u32 v0, $0x10  }
0x21: {  	v4 =	vld [tilespmem:s0+$0xFFFFFF80];
	v0 =	vand.u32 $0xFFFF0000, v0;
	[tilespmem:s31+$0xFFFFFF80] =	vst v3  }
0x22: {  	v5 =	vld [tilespmem:s0+$0xFFFFFE00];
	v3 =	vshll.u32 v1, $0x10;
	[tilespmem:s31+$0x380] =	vst v0  }
0x23: {  	v0 =	vand.u32 $0xFFFF0000, v1;
	[tilespmem:s31+$0xFFFFFC80] =	vst v3;
	v1 =	vld [tilespmem:s0+$0x190]  }
0x24: {  	v3 =	vshll.u32 v2, $0x10;
	[tilespmem:s31+$0x80] =	vst v0  }
0x25: {  	v0 =	vand.u32 $0xFFFF0000, v2;
	[tilespmem:s31+$0xFFFFFD00] =	vst v3  }
0x26: {  	v2 =	vshll.u32 v4, $0x10;
	[tilespmem:s31+$0x100] =	vst v0  }
0x27: {  	v0 =	vld [tilespmem:s0+$0x0];
	v3 =	vshll.u32 v5, $0x10;
	[tilespmem:s31+$0xFFFFFD80] =	vst v2  }
0x28: {  	[tilespmem:s31+$0xFFFFFC00] =	vst v3;
	v2 =	vshll.u32 v1, $0x10  }
0x29: {  	v3 =	vld [tilespmem:s0+$0x80];
	v1 =	vand.u32 $0xFFFF0000, v1;
	[tilespmem:s31+$0xFFFFFF90] =	vst v2  }
0x2a: {  	v2 =	vand.u32 $0xFFFF0000, v5;
	[tilespmem:s31+$0x390] =	vst v1  }
0x2b: {  	v1 =	vand.u32 $0xFFFF0000, v4;
	[tilespmem:s31+$0x0] =	vst v2;
	v2 =	vld [tilespmem:s0+$0x1A0]  }
0x2c: {  	v4 =	vshll.u32 v0, $0x10;
	[tilespmem:s31+$0x180] =	vst v1  }
0x2d: {  	v0 =	vand.u32 $0xFFFF0000, v0;
	v1 =	vld [tilespmem:s0+$0x100];
	[tilespmem:s31+$0xFFFFFE00] =	vst v4  }
0x2e: {  	v4 =	vshll.u32 v3, $0x10;
	[tilespmem:s31+$0x200] =	vst v0  }
0x2f: {  	v0 =	vand.u32 $0xFFFF0000, v3;
	v3 =	vld [tilespmem:s0+$0xFFFFFE10];
	[tilespmem:s31+$0xFFFFFE80] =	vst v4  }
0x30: {  	[tilespmem:s31+$0x280] =	vst v0;
	v0 =	vshll.u32 v2, $0x10  }
0x31: {  	v4 =	vld [tilespmem:s0+$0xFFFFFE90];
	[tilespmem:s31+$0xFFFFFFA0] =	vst v0;
	v0 =	vand.u32 $0xFFFF0000, v2  }
0x32: {  	v2 =	vshll.u32 v1, $0x10;
	[tilespmem:s31+$0x3A0] =	vst v0  }
0x33: {  	v0 =	vand.u32 $0xFFFF0000, v1;
	[tilespmem:s31+$0xFFFFFF00] =	vst v2;
	v1 =	vld [tilespmem:s0+$0x1B0]  }
0x34: {  	v2 =	vshll.u32 v3, $0x10;
	[tilespmem:s31+$0x300] =	vst v0  }
0x35: {  	v3 =	vand.u32 $0xFFFF0000, v3;
	v0 =	vld [tilespmem:s0+$0xFFFFFF10];
	[tilespmem:s31+$0xFFFFFC10] =	vst v2  }
0x36: {  	v2 =	vshll.u32 v4, $0x10;
	[tilespmem:s31+$0x10] =	vst v3  }
0x37: {  	v3 =	vand.u32 $0xFFFF0000, v4;
	v4 =	vld [tilespmem:s0+$0xFFFFFF90];
	[tilespmem:s31+$0xFFFFFC90] =	vst v2  }
0x38: {  	[tilespmem:s31+$0x90] =	vst v3;
	v2 =	vshll.u32 v1, $0x10  }
0x39: {  	v3 =	vld [tilespmem:s0+$0x10];
	v1 =	vand.u32 $0xFFFF0000, v1;
	[tilespmem:s31+$0xFFFFFFB0] =	vst v2  }
0x3a: {  	v2 =	vshll.u32 v0, $0x10;
	[tilespmem:s31+$0x3B0] =	vst v1  }
0x3b: {  	v0 =	vand.u32 $0xFFFF0000, v0;
	[tilespmem:s31+$0xFFFFFD10] =	vst v2;
	v1 =	vld [tilespmem:s0+$0x1C0]  }
0x3c: {  	v2 =	vshll.u32 v4, $0x10;
	[tilespmem:s31+$0x110] =	vst v0  }
0x3d: {  	v0 =	vld [tilespmem:s0+$0x90];
	v4 =	vand.u32 $0xFFFF0000, v4;
	[tilespmem:s31+$0xFFFFFD90] =	vst v2  }
0x3e: {  	v2 =	vshll.u32 v3, $0x10;
	[tilespmem:s31+$0x190] =	vst v4  }
0x3f: {  	v3 =	vand.u32 $0xFFFF0000, v3;
	v4 =	vld [tilespmem:s0+$0x110];
	[tilespmem:s31+$0xFFFFFE10] =	vst v2  }
0x40: {  	[tilespmem:s31+$0x210] =	vst v3;
	v2 =	vshll.u32 v1, $0x10  }
0x41: {  	v3 =	vld [tilespmem:s0+$0xFFFFFE20];
	v1 =	vand.u32 $0xFFFF0000, v1;
	[tilespmem:s31+$0xFFFFFFC0] =	vst v2  }
0x42: {  	v2 =	vshll.u32 v0, $0x10;
	[tilespmem:s31+$0x3C0] =	vst v1  }
0x43: {  	v0 =	vand.u32 $0xFFFF0000, v0;
	[tilespmem:s31+$0xFFFFFE90] =	vst v2;
	v1 =	vld [tilespmem:s0+$0x1D0]  }
0x44: {  	v2 =	vshll.u32 v4, $0x10;
	[tilespmem:s31+$0x290] =	vst v0  }
0x45: {  	v0 =	vld [tilespmem:s0+$0xFFFFFEA0];
	v4 =	vand.u32 $0xFFFF0000, v4;
	[tilespmem:s31+$0xFFFFFF10] =	vst v2  }
0x46: {  	v2 =	vshll.u32 v3, $0x10;
	[tilespmem:s31+$0x310] =	vst v4  }
0x47: {  	v3 =	vand.u32 $0xFFFF0000, v3;
	v4 =	vld [tilespmem:s0+$0xFFFFFF20];
	[tilespmem:s31+$0xFFFFFC20] =	vst v2  }
0x48: {  	[tilespmem:s31+$0x20] =	vst v3;
	v2 =	vshll.u32 v1, $0x10  }
0x49: {  	v3 =	vld [tilespmem:s0+$0xFFFFFFA0];
	v1 =	vand.u32 $0xFFFF0000, v1;
	[tilespmem:s31+$0xFFFFFFD0] =	vst v2  }
0x4a: {  	v2 =	vshll.u32 v0, $0x10;
	[tilespmem:s31+$0x3D0] =	vst v1  }
0x4b: {  	v0 =	vand.u32 $0xFFFF0000, v0;
	[tilespmem:s31+$0xFFFFFCA0] =	vst v2;
	v1 =	vld [tilespmem:s0+$0x1E0]  }
0x4c: {  	v2 =	vshll.u32 v4, $0x10;
	[tilespmem:s31+$0xA0] =	vst v0  }
0x4d: {  	v0 =	vld [tilespmem:s0+$0x20];
	v4 =	vand.u32 $0xFFFF0000, v4;
	[tilespmem:s31+$0xFFFFFD20] =	vst v2  }
0x4e: {  	v2 =	vshll.u32 v3, $0x10;
	[tilespmem:s31+$0x120] =	vst v4  }
0x4f: {  	v3 =	vand.u32 $0xFFFF0000, v3;
	v4 =	vld [tilespmem:s0+$0xA0];
	[tilespmem:s31+$0xFFFFFDA0] =	vst v2  }
0x50: {  	[tilespmem:s31+$0x1A0] =	vst v3;
	v2 =	vshll.u32 v1, $0x10  }
0x51: {  	v3 =	vld [tilespmem:s0+$0x120];
	v1 =	vand.u32 $0xFFFF0000, v1;
	[tilespmem:s31+$0xFFFFFFE0] =	vst v2  }
0x52: {  	v2 =	vshll.u32 v0, $0x10;
	[tilespmem:s31+$0x3E0] =	vst v1  }
0x53: {  	v1 =	vand.u32 $0xFFFF0000, v0;
	[tilespmem:s31+$0xFFFFFE20] =	vst v2;
	v0 =	vld [tilespmem:s0+$0x1F0]  }
0x54: {  	v5 =	vshll.u32 v4, $0x10;
	v2 =	vld [tilespmem:s0+$0xFFFFFE30];
	[tilespmem:s31+$0x220] =	vst v1  }
0x55: {  	v1 =	vand.u32 $0xFFFF0000, v4;
	[tilespmem:s31+$0xFFFFFEA0] =	vst v5  }
0x56: {  	v4 =	vshll.u32 v3, $0x10;
	v5 =	vld [tilespmem:s0+$0xFFFFFEB0];
	[tilespmem:s31+$0x2A0] =	vst v1  }
0x57: {  	v1 =	vand.u32 $0xFFFF0000, v3;
	[tilespmem:s31+$0xFFFFFF20] =	vst v4  }
0x58: {  	v3 =	vld [tilespmem:s0+$0xFFFFFF30];
	[tilespmem:s31+$0x320] =	vst v1;
	v1 =	vand.u32 $0xFFFF0000, v0  }
0x59: {  	v4 =	vshll.u32 v2, $0x10;
	[tilespmem:s31+$0x3F0] =	vst v1  }
0x5a: {  	v1 =	vand.u32 $0xFFFF0000, v2;
	v2 =	vld [tilespmem:s0+$0xFFFFFFB0];
	[tilespmem:s31+$0xFFFFFC30] =	vst v4  }
0x5b: {  	v4 =	vshll.u32 v5, $0x10;
	[tilespmem:s31+$0x30] =	vst v1  }
0x5c: {  	v1 =	vand.u32 $0xFFFF0000, v5;
	v5 =	vld [tilespmem:s0+$0x30];
	[tilespmem:s31+$0xFFFFFCB0] =	vst v4  }
0x5d: {  	v4 =	vshll.u32 v3, $0x10;
	[tilespmem:s31+$0xB0] =	vst v1  }
0x5e: {  	v1 =	vand.u32 $0xFFFF0000, v3;
	v3 =	vld [tilespmem:s0+$0xB0];
	[tilespmem:s31+$0xFFFFFD30] =	vst v4  }
0x5f: {  	[tilespmem:s31+$0x130] =	vst v1;
	v4 =	vshll.u32 v2, $0x10  }
0x60: {  	v1 =	vand.u32 $0xFFFF0000, v2;
	v2 =	vld [tilespmem:s0+$0x130];
	[tilespmem:s31+$0xFFFFFDB0] =	vst v4  }
0x61: {  	v4 =	vshll.u32 v5, $0x10;
	[tilespmem:s31+$0x1B0] =	vst v1  }
0x62: {  	v1 =	vand.u32 $0xFFFF0000, v5;
	v5 =	vld [tilespmem:s0+$0xFFFFFE40];
	[tilespmem:s31+$0xFFFFFE30] =	vst v4  }
0x63: {  	v4 =	vshll.u32 v3, $0x10;
	[tilespmem:s31+$0x230] =	vst v1  }
0x64: {  	v1 =	vand.u32 $0xFFFF0000, v3;
	v3 =	vld [tilespmem:s0+$0xFFFFFEC0];
	[tilespmem:s31+$0xFFFFFEB0] =	vst v4  }
0x65: {  	[tilespmem:s31+$0x2B0] =	vst v1;
	v4 =	vshll.u32 v2, $0x10  }
0x66: {  	v1 =	vand.u32 $0xFFFF0000, v2;
	v2 =	vld [tilespmem:s0+$0xFFFFFF40];
	[tilespmem:s31+$0xFFFFFF30] =	vst v4  }
0x67: {  	v4 =	vshll.u32 v5, $0x10;
	[tilespmem:s31+$0x330] =	vst v1  }
0x68: {  	v1 =	vand.u32 $0xFFFF0000, v5;
	v5 =	vld [tilespmem:s0+$0xFFFFFFC0];
	[tilespmem:s31+$0xFFFFFC40] =	vst v4  }
0x69: {  	v4 =	vshll.u32 v3, $0x10;
	[tilespmem:s31+$0x40] =	vst v1  }
0x6a: {  	v1 =	vand.u32 $0xFFFF0000, v3;
	v3 =	vld [tilespmem:s0+$0x40];
	[tilespmem:s31+$0xFFFFFCC0] =	vst v4  }
0x6b: {  	[tilespmem:s31+$0xC0] =	vst v1;
	v4 =	vshll.u32 v2, $0x10  }
0x6c: {  	v1 =	vand.u32 $0xFFFF0000, v2;
	v2 =	vld [tilespmem:s0+$0xC0];
	[tilespmem:s31+$0xFFFFFD40] =	vst v4  }
0x6d: {  	v4 =	vshll.u32 v5, $0x10;
	[tilespmem:s31+$0x140] =	vst v1  }
0x6e: {  	v1 =	vand.u32 $0xFFFF0000, v5;
	v5 =	vld [tilespmem:s0+$0x140];
	[tilespmem:s31+$0xFFFFFDC0] =	vst v4  }
0x6f: {  	v4 =	vshll.u32 v3, $0x10;
	[tilespmem:s31+$0x1C0] =	vst v1  }
0x70: {  	v1 =	vand.u32 $0xFFFF0000, v3;
	v3 =	vld [tilespmem:s0+$0xFFFFFE50];
	[tilespmem:s31+$0xFFFFFE40] =	vst v4  }
0x71: {  	[tilespmem:s31+$0x240] =	vst v1;
	v4 =	vshll.u32 v2, $0x10  }
0x72: {  	v1 =	vand.u32 $0xFFFF0000, v2;
	v2 =	vld [tilespmem:s0+$0xFFFFFED0];
	[tilespmem:s31+$0xFFFFFEC0] =	vst v4  }
0x73: {  	v4 =	vshll.u32 v5, $0x10;
	[tilespmem:s31+$0x2C0] =	vst v1  }
0x74: {  	v1 =	vand.u32 $0xFFFF0000, v5;
	v5 =	vld [tilespmem:s0+$0xFFFFFF50];
	[tilespmem:s31+$0xFFFFFF40] =	vst v4  }
0x75: {  	v4 =	vshll.u32 v3, $0x10;
	[tilespmem:s31+$0x340] =	vst v1  }
0x76: {  	v1 =	vand.u32 $0xFFFF0000, v3;
	v3 =	vld [tilespmem:s0+$0xFFFFFFD0];
	[tilespmem:s31+$0xFFFFFC50] =	vst v4  }
0x77: {  	[tilespmem:s31+$0x50] =	vst v1;
	v4 =	vshll.u32 v2, $0x10  }
0x78: {  	v1 =	vand.u32 $0xFFFF0000, v2;
	v2 =	vld [tilespmem:s0+$0x50];
	[tilespmem:s31+$0xFFFFFCD0] =	vst v4  }
0x79: {  	v4 =	vshll.u32 v5, $0x10;
	[tilespmem:s31+$0xD0] =	vst v1  }
0x7a: {  	v1 =	vand.u32 $0xFFFF0000, v5;
	v5 =	vld [tilespmem:s0+$0xD0];
	[tilespmem:s31+$0xFFFFFD50] =	vst v4  }
0x7b: {  	v4 =	vshll.u32 v3, $0x10;
	[tilespmem:s31+$0x150] =	vst v1  }
0x7c: {  	v1 =	vand.u32 $0xFFFF0000, v3;
	v3 =	vld [tilespmem:s0+$0x150];
	[tilespmem:s31+$0xFFFFFDD0] =	vst v4  }
0x7d: {  	[tilespmem:s31+$0x1D0] =	vst v1;
	v4 =	vshll.u32 v2, $0x10  }
0x7e: {  	v1 =	vand.u32 $0xFFFF0000, v2;
	v2 =	vld [tilespmem:s0+$0xFFFFFE60];
	[tilespmem:s31+$0xFFFFFE50] =	vst v4  }
0x7f: {  	v4 =	vshll.u32 v5, $0x10;
	[tilespmem:s31+$0x250] =	vst v1  }
0x80: {  	v1 =	vand.u32 $0xFFFF0000, v5;
	v5 =	vld [tilespmem:s0+$0xFFFFFEE0];
	[tilespmem:s31+$0xFFFFFED0] =	vst v4  }
0x81: {  	v4 =	vshll.u32 v3, $0x10;
	[tilespmem:s31+$0x2D0] =	vst v1  }
0x82: {  	v1 =	vand.u32 $0xFFFF0000, v3;
	v3 =	vld [tilespmem:s0+$0xFFFFFF60];
	[tilespmem:s31+$0xFFFFFF50] =	vst v4  }
0x83: {  	[tilespmem:s31+$0x350] =	vst v1;
	v4 =	vshll.u32 v2, $0x10  }
0x84: {  	v1 =	vand.u32 $0xFFFF0000, v2;
	v2 =	vld [tilespmem:s0+$0xFFFFFFE0];
	[tilespmem:s31+$0xFFFFFC60] =	vst v4  }
0x85: {  	v4 =	vshll.u32 v5, $0x10;
	[tilespmem:s31+$0x60] =	vst v1  }
0x86: {  	v1 =	vand.u32 $0xFFFF0000, v5;
	v5 =	vld [tilespmem:s0+$0x60];
	[tilespmem:s31+$0xFFFFFCE0] =	vst v4  }
0x87: {  	v4 =	vshll.u32 v3, $0x10;
	[tilespmem:s31+$0xE0] =	vst v1  }
0x88: {  	v1 =	vand.u32 $0xFFFF0000, v3;
	v3 =	vld [tilespmem:s0+$0xE0];
	[tilespmem:s31+$0xFFFFFD60] =	vst v4  }
0x89: {  	[tilespmem:s31+$0x160] =	vst v1;
	v4 =	vshll.u32 v2, $0x10  }
0x8a: {  	v1 =	vand.u32 $0xFFFF0000, v2;
	v2 =	vld [tilespmem:s0+$0x160];
	[tilespmem:s31+$0xFFFFFDE0] =	vst v4  }
0x8b: {  	v4 =	vshll.u32 v5, $0x10;
	[tilespmem:s31+$0x1E0] =	vst v1  }
0x8c: {  	v1 =	vand.u32 $0xFFFF0000, v5;
	v5 =	vld [tilespmem:s0+$0xFFFFFE70];
	[tilespmem:s31+$0xFFFFFE60] =	vst v4  }
0x8d: {  	v4 =	vshll.u32 v3, $0x10;
	[tilespmem:s31+$0x260] =	vst v1  }
0x8e: {  	v1 =	vand.u32 $0xFFFF0000, v3;
	v3 =	vld [tilespmem:s0+$0xFFFFFEF0];
	[tilespmem:s31+$0xFFFFFEE0] =	vst v4  }
0x8f: {  	[tilespmem:s31+$0x2E0] =	vst v1;
	v4 =	vshll.u32 v2, $0x10  }
0x90: {  	v6 =	vld [tilespmem:s0+$0x70];
	v1 =	vand.u32 $0xFFFF0000, v2;
	[tilespmem:s31+$0xFFFFFF60] =	vst v4  }
0x91: {  	v2 =	vld [tilespmem:s0+$0xFFFFFF70];
	v4 =	vshll.u32 v5, $0x10;
	[tilespmem:s31+$0x360] =	vst v1  }
0x92: {  	v1 =	vand.u32 $0xFFFF0000, v5;
	[tilespmem:s31+$0xFFFFFC70] =	vst v4  }
0x93: {  	v5 =	vld [tilespmem:s0+$0xFFFFFFF0];
	v4 =	vshll.u32 v3, $0x10;
	[tilespmem:s31+$0x70] =	vst v1  }
0x94: {  	v1 =	vand.u32 $0xFFFF0000, v3;
	v3 =	vld [tilespmem:s0+$0xF0];
	[tilespmem:s31+$0xFFFFFCF0] =	vst v4  }
0x95: {  	v7 =	vld [tilespmem:s0+$0x170];
	[tilespmem:s31+$0xF0] =	vst v1;
	v8 =	vshll.u32 v6, $0x10  }
0x96: {  	[tilespmem:s31+$0xFFFFFE70] =	vst v8;
	v4 =	vshll.u32 v2, $0x10  }
0x97: {  	v1 =	vand.u32 $0xFFFF0000, v2;
	[tilespmem:s31+$0xFFFFFD70] =	vst v4  }
0x98: {  	v0 =	vshll.u32 v0, $0x10;
	v2 =	vshll.u32 v5, $0x10;
	[tilespmem:s31+$0x170] =	vst v1  }
0x99: {  	v4 =	vand.u32 $0xFFFF0000, v5;
	v1 =	vand.u32 $0xFFFF0000, v6;
	[tilespmem:s31+$0xFFFFFDF0] =	vst v2;
	v2 =	vshll.u32 v3, $0x10  }
0x9a: {  	s1 =	simm.s32 $0x800;
	s0 =	simm.s32 $0x0;
	[tilespmem:s31+$0x1F0] =	vst v4;
	v3 =	vand.u32 $0xFFFF0000, v3;
	v5 =	vshll.u32 v7, $0x10;
	v4 =	vand.u32 $0xFFFF0000, v7  }
.LBB2_2:
0x9b: {  	v6 =	vld [tilespmem:s1+$0x180];
	[tilespmem:s31+$0x270] =	vst v1  }
0x9c: {  	v1 =	vld [tilespmem:s1+$0xFFFFFE80];
	[tilespmem:s31+$0xFFFFFEF0] =	vst v2  }
0x9d: {  	v2 =	vld [tilespmem:s1+$0xFFFFFF00];
	[tilespmem:s31+$0x2F0] =	vst v3  }
0x9e: {  	v3 =	vld [tilespmem:s1+$0xFFFFFF80];
	[tilespmem:s31+$0xFFFFFF70] =	vst v5  }
0x9f: {  	v5 =	vld [tilespmem:s1+$0x0];
	[tilespmem:s31+$0x370] =	vst v4  }
0xa0: {  	v4 =	vld [tilespmem:s1+$0x80];
	v7 =	vshll.u32 v6, $0x10;
	[tilespmem:s31+$0xFFFFFFF0] =	vst v0;
	s31 =	sadd.s32 $0x800, s31  }
0xa1: {  	v6 =	vand.u32 $0xFFFF0000, v6;
	v0 =	vshll.u32 v1, $0x10;
	v1 =	vand.u32 $0xFFFF0000, v1;
	v8 =	vld [tilespmem:s1+$0x100];
	[tilespmem:s31+$0xFFFFFF80] =	vst v7  }
0xa2: {  	s0 =	sadd.s32 $0x8, s0;
	v7 =	vld [tilespmem:s1+$0xFFFFFE00];
	v9 =	vshll.u32 v2, $0x10;
	v2 =	vand.u32 $0xFFFF0000, v2;
	[tilespmem:s31+$0x380] =	vst v6  }
0xa3: {  	p0 =	slt.u32 s0, $0x18;
	[tilespmem:s31+$0xFFFFFC80] =	vst v0;
	v0 =	vshll.u32 v3, $0x10;
	v3 =	vand.u32 $0xFFFF0000, v3;
	v6 =	vld [tilespmem:s1+$0x190]  }
0xa4: {  	[tilespmem:s31+$0x80] =	vst v1;
	v1 =	vshll.u32 v5, $0x10;
	v5 =	vand.u32 $0xFFFF0000, v5  }
0xa5: {  	v10 =	vld [tilespmem:s1+$0xFFFFFE90];
	[tilespmem:s31+$0xFFFFFD00] =	vst v9;
	v9 =	vshll.u32 v4, $0x10;
	v4 =	vand.u32 $0xFFFF0000, v4  }
0xa6: {  	[tilespmem:s31+$0x100] =	vst v2;
	v2 =	vshll.u32 v8, $0x10;
	v8 =	vand.u32 $0xFFFF0000, v8  }
0xa7: {  	v11 =	vshll.u32 v7, $0x10;
	v7 =	vand.u32 $0xFFFF0000, v7;
	v12 =	vld [tilespmem:s1+$0xFFFFFF10];
	[tilespmem:s31+$0xFFFFFD80] =	vst v0  }
0xa8: {  	[tilespmem:s31+$0xFFFFFC00] =	vst v11;
	v0 =	vshll.u32 v6, $0x10  }
0xa9: {  	[tilespmem:s31+$0xFFFFFF90] =	vst v0;
	v0 =	vand.u32 $0xFFFF0000, v6  }
0xaa: {  	v6 =	vshll.u32 v10, $0x10;
	v10 =	vand.u32 $0xFFFF0000, v10;
	[tilespmem:s31+$0x390] =	vst v0  }
0xab: {  	[tilespmem:s31+$0x0] =	vst v7;
	v0 =	vld [tilespmem:s1+$0x1A0]  }
0xac: {  	v7 =	vld [tilespmem:s1+$0xFFFFFE10];
	v11 =	vshll.u32 v12, $0x10;
	v12 =	vand.u32 $0xFFFF0000, v12;
	[tilespmem:s31+$0x180] =	vst v3  }
0xad: {  	v3 =	vld [tilespmem:s1+$0xFFFFFF90];
	[tilespmem:s31+$0xFFFFFE00] =	vst v1  }
0xae: {  	[tilespmem:s31+$0x200] =	vst v5  }
0xaf: {  	v1 =	vld [tilespmem:s1+$0x10];
	[tilespmem:s31+$0xFFFFFE80] =	vst v9  }
0xb0: {  	[tilespmem:s31+$0x280] =	vst v4;
	v4 =	vshll.u32 v0, $0x10  }
0xb1: {  	v0 =	vand.u32 $0xFFFF0000, v0;
	v5 =	vshll.u32 v7, $0x10;
	v7 =	vand.u32 $0xFFFF0000, v7;
	v9 =	vld [tilespmem:s1+$0x90];
	[tilespmem:s31+$0xFFFFFFA0] =	vst v4  }
0xb2: {  	v4 =	vshll.u32 v3, $0x10;
	v3 =	vand.u32 $0xFFFF0000, v3;
	[tilespmem:s31+$0x3A0] =	vst v0  }
0xb3: {  	[tilespmem:s31+$0xFFFFFF00] =	vst v2;
	v0 =	vld [tilespmem:s1+$0x1B0]  }
0xb4: {  	v2 =	vshll.u32 v1, $0x10;
	v1 =	vand.u32 $0xFFFF0000, v1;
	[tilespmem:s31+$0x300] =	vst v8  }
0xb5: {  	[tilespmem:s31+$0xFFFFFC10] =	vst v5;
	v5 =	vld [tilespmem:s1+$0x110]  }
0xb6: {  	[tilespmem:s31+$0x10] =	vst v7;
	v7 =	vshll.u32 v9, $0x10;
	v8 =	vand.u32 $0xFFFF0000, v9  }
0xb7: {  	v9 =	vld [tilespmem:s1+$0xFFFFFE20];
	[tilespmem:s31+$0xFFFFFC90] =	vst v6  }
0xb8: {  	[tilespmem:s31+$0x90] =	vst v10;
	v6 =	vshll.u32 v0, $0x10  }
0xb9: {  	v0 =	vand.u32 $0xFFFF0000, v0;
	v10 =	vld [tilespmem:s1+$0xFFFFFEA0];
	[tilespmem:s31+$0xFFFFFFB0] =	vst v6  }
0xba: {  	v6 =	vshll.u32 v5, $0x10;
	v5 =	vand.u32 $0xFFFF0000, v5;
	[tilespmem:s31+$0x3B0] =	vst v0  }
0xbb: {  	[tilespmem:s31+$0xFFFFFD10] =	vst v11;
	v0 =	vld [tilespmem:s1+$0x1C0]  }
0xbc: {  	v11 =	vshll.u32 v9, $0x10;
	v9 =	vand.u32 $0xFFFF0000, v9;
	[tilespmem:s31+$0x110] =	vst v12  }
0xbd: {  	v12 =	vld [tilespmem:s1+$0xFFFFFF20];
	[tilespmem:s31+$0xFFFFFD90] =	vst v4  }
0xbe: {  	v4 =	vshll.u32 v10, $0x10;
	v10 =	vand.u32 $0xFFFF0000, v10;
	[tilespmem:s31+$0x190] =	vst v3  }
0xbf: {  	v3 =	vld [tilespmem:s1+$0xFFFFFFA0];
	[tilespmem:s31+$0xFFFFFE10] =	vst v2  }
0xc0: {  	[tilespmem:s31+$0x210] =	vst v1;
	v1 =	vshll.u32 v0, $0x10  }
0xc1: {  	v0 =	vand.u32 $0xFFFF0000, v0;
	v2 =	vld [tilespmem:s1+$0x20];
	[tilespmem:s31+$0xFFFFFFC0] =	vst v1  }
0xc2: {  	v1 =	vshll.u32 v12, $0x10;
	v12 =	vand.u32 $0xFFFF0000, v12;
	[tilespmem:s31+$0x3C0] =	vst v0  }
0xc3: {  	[tilespmem:s31+$0xFFFFFE90] =	vst v7;
	v0 =	vld [tilespmem:s1+$0x1D0]  }
0xc4: {  	v7 =	vshll.u32 v3, $0x10;
	v3 =	vand.u32 $0xFFFF0000, v3;
	[tilespmem:s31+$0x290] =	vst v8  }
0xc5: {  	v8 =	vld [tilespmem:s1+$0xA0];
	[tilespmem:s31+$0xFFFFFF10] =	vst v6  }
0xc6: {  	v6 =	vshll.u32 v2, $0x10;
	v2 =	vand.u32 $0xFFFF0000, v2;
	[tilespmem:s31+$0x310] =	vst v5  }
0xc7: {  	[tilespmem:s31+$0xFFFFFC20] =	vst v11;
	v5 =	vld [tilespmem:s1+$0x120]  }
0xc8: {  	[tilespmem:s31+$0x20] =	vst v9;
	v9 =	vshll.u32 v0, $0x10  }
0xc9: {  	v0 =	vand.u32 $0xFFFF0000, v0;
	v11 =	vld [tilespmem:s1+$0xFFFFFE30];
	[tilespmem:s31+$0xFFFFFFD0] =	vst v9  }
0xca: {  	v9 =	vshll.u32 v8, $0x10;
	v8 =	vand.u32 $0xFFFF0000, v8;
	[tilespmem:s31+$0x3D0] =	vst v0  }
0xcb: {  	[tilespmem:s31+$0xFFFFFCA0] =	vst v4;
	v0 =	vld [tilespmem:s1+$0x1E0]  }
0xcc: {  	[tilespmem:s31+$0xA0] =	vst v10;
	v4 =	vshll.u32 v5, $0x10;
	v5 =	vand.u32 $0xFFFF0000, v5  }
0xcd: {  	v10 =	vld [tilespmem:s1+$0xFFFFFEB0];
	[tilespmem:s31+$0xFFFFFD20] =	vst v1  }
0xce: {  	v1 =	vshll.u32 v11, $0x10;
	v11 =	vand.u32 $0xFFFF0000, v11;
	[tilespmem:s31+$0x120] =	vst v12  }
0xcf: {  	v12 =	vld [tilespmem:s1+$0xFFFFFF30];
	[tilespmem:s31+$0xFFFFFDA0] =	vst v7  }
0xd0: {  	[tilespmem:s31+$0x1A0] =	vst v3;
	v3 =	vshll.u32 v0, $0x10  }
0xd1: {  	v0 =	vand.u32 $0xFFFF0000, v0;
	v7 =	vld [tilespmem:s1+$0xFFFFFFB0];
	[tilespmem:s31+$0xFFFFFFE0] =	vst v3  }
0xd2: {  	v3 =	vshll.u32 v10, $0x10;
	v10 =	vand.u32 $0xFFFF0000, v10;
	[tilespmem:s31+$0x3E0] =	vst v0  }
0xd3: {  	[tilespmem:s31+$0xFFFFFE20] =	vst v6;
	v6 =	vld [tilespmem:s1+$0x1F0]  }
0xd4: {  	v13 =	vshll.u32 v12, $0x10;
	v12 =	vand.u32 $0xFFFF0000, v12;
	[tilespmem:s31+$0x220] =	vst v2  }
0xd5: {  	v2 =	vld [tilespmem:s1+$0x30];
	[tilespmem:s31+$0xFFFFFEA0] =	vst v9  }
0xd6: {  	v9 =	vshll.u32 v7, $0x10;
	v7 =	vand.u32 $0xFFFF0000, v7;
	[tilespmem:s31+$0x2A0] =	vst v8  }
0xd7: {  	v8 =	vld [tilespmem:s1+$0xB0];
	[tilespmem:s31+$0xFFFFFF20] =	vst v4  }
0xd8: {  	[tilespmem:s31+$0x320] =	vst v5;
	v0 =	vshll.u32 v6, $0x10;
	v4 =	vand.u32 $0xFFFF0000, v6  }
0xd9: {  	v5 =	vld [tilespmem:s1+$0x130];
	[tilespmem:s31+$0x3F0] =	vst v4  }
0xda: {  	[tilespmem:s31+$0xFFFFFC30] =	vst v1;
	v1 =	vshll.u32 v2, $0x10;
	v2 =	vand.u32 $0xFFFF0000, v2  }
0xdb: {  	[tilespmem:s31+$0x30] =	vst v11  }
0xdc: {  	v4 =	vld [tilespmem:s1+$0xFFFFFE40];
	[tilespmem:s31+$0xFFFFFCB0] =	vst v3;
	v3 =	vshll.u32 v8, $0x10;
	v6 =	vand.u32 $0xFFFF0000, v8  }
0xdd: {  	[tilespmem:s31+$0xB0] =	vst v10  }
0xde: {  	v8 =	vld [tilespmem:s1+$0xFFFFFEC0];
	[tilespmem:s31+$0xFFFFFD30] =	vst v13;
	v10 =	vshll.u32 v5, $0x10;
	v5 =	vand.u32 $0xFFFF0000, v5  }
0xdf: {  	[tilespmem:s31+$0x130] =	vst v12  }
0xe0: {  	v11 =	vld [tilespmem:s1+$0xFFFFFF40];
	[tilespmem:s31+$0xFFFFFDB0] =	vst v9  }
0xe1: {  	v9 =	vshll.u32 v4, $0x10;
	v4 =	vand.u32 $0xFFFF0000, v4;
	[tilespmem:s31+$0x1B0] =	vst v7  }
0xe2: {  	v7 =	vld [tilespmem:s1+$0xFFFFFFC0];
	[tilespmem:s31+$0xFFFFFE30] =	vst v1  }
0xe3: {  	v1 =	vshll.u32 v8, $0x10;
	v8 =	vand.u32 $0xFFFF0000, v8;
	[tilespmem:s31+$0x230] =	vst v2  }
0xe4: {  	v2 =	vld [tilespmem:s1+$0x40];
	[tilespmem:s31+$0xFFFFFEB0] =	vst v3  }
0xe5: {  	v3 =	vshll.u32 v11, $0x10;
	v11 =	vand.u32 $0xFFFF0000, v11;
	[tilespmem:s31+$0x2B0] =	vst v6  }
0xe6: {  	v6 =	vld [tilespmem:s1+$0xC0];
	[tilespmem:s31+$0xFFFFFF30] =	vst v10  }
0xe7: {  	v10 =	vshll.u32 v7, $0x10;
	v7 =	vand.u32 $0xFFFF0000, v7;
	[tilespmem:s31+$0x330] =	vst v5  }
0xe8: {  	[tilespmem:s31+$0xFFFFFC40] =	vst v9;
	v5 =	vld [tilespmem:s1+$0x140]  }
0xe9: {  	[tilespmem:s31+$0x40] =	vst v4;
	v4 =	vshll.u32 v2, $0x10;
	v2 =	vand.u32 $0xFFFF0000, v2  }
0xea: {  	v9 =	vld [tilespmem:s1+$0xFFFFFE50];
	[tilespmem:s31+$0xFFFFFCC0] =	vst v1  }
0xeb: {  	[tilespmem:s31+$0xC0] =	vst v8;
	v1 =	vshll.u32 v6, $0x10;
	v6 =	vand.u32 $0xFFFF0000, v6  }
0xec: {  	v8 =	vld [tilespmem:s1+$0xFFFFFED0];
	[tilespmem:s31+$0xFFFFFD40] =	vst v3  }
0xed: {  	[tilespmem:s31+$0x140] =	vst v11;
	v3 =	vshll.u32 v5, $0x10;
	v5 =	vand.u32 $0xFFFF0000, v5  }
0xee: {  	v11 =	vld [tilespmem:s1+$0xFFFFFF50];
	[tilespmem:s31+$0xFFFFFDC0] =	vst v10  }
0xef: {  	v10 =	vshll.u32 v9, $0x10;
	v9 =	vand.u32 $0xFFFF0000, v9;
	[tilespmem:s31+$0x1C0] =	vst v7  }
0xf0: {  	v7 =	vld [tilespmem:s1+$0xFFFFFFD0];
	[tilespmem:s31+$0xFFFFFE40] =	vst v4  }
0xf1: {  	v4 =	vshll.u32 v8, $0x10;
	v8 =	vand.u32 $0xFFFF0000, v8;
	[tilespmem:s31+$0x240] =	vst v2  }
0xf2: {  	v2 =	vld [tilespmem:s1+$0x50];
	[tilespmem:s31+$0xFFFFFEC0] =	vst v1  }
0xf3: {  	v1 =	vshll.u32 v11, $0x10;
	v11 =	vand.u32 $0xFFFF0000, v11;
	[tilespmem:s31+$0x2C0] =	vst v6  }
0xf4: {  	v6 =	vld [tilespmem:s1+$0xD0];
	[tilespmem:s31+$0xFFFFFF40] =	vst v3  }
0xf5: {  	v3 =	vshll.u32 v7, $0x10;
	v7 =	vand.u32 $0xFFFF0000, v7;
	[tilespmem:s31+$0x340] =	vst v5  }
0xf6: {  	[tilespmem:s31+$0xFFFFFC50] =	vst v10;
	v5 =	vld [tilespmem:s1+$0x150]  }
0xf7: {  	[tilespmem:s31+$0x50] =	vst v9;
	v9 =	vshll.u32 v2, $0x10;
	v2 =	vand.u32 $0xFFFF0000, v2  }
0xf8: {  	v10 =	vld [tilespmem:s1+$0xFFFFFE60];
	[tilespmem:s31+$0xFFFFFCD0] =	vst v4  }
0xf9: {  	[tilespmem:s31+$0xD0] =	vst v8;
	v4 =	vshll.u32 v6, $0x10;
	v6 =	vand.u32 $0xFFFF0000, v6  }
0xfa: {  	v8 =	vld [tilespmem:s1+$0xFFFFFEE0];
	[tilespmem:s31+$0xFFFFFD50] =	vst v1  }
0xfb: {  	[tilespmem:s31+$0x150] =	vst v11;
	v1 =	vshll.u32 v5, $0x10;
	v5 =	vand.u32 $0xFFFF0000, v5  }
0xfc: {  	v11 =	vld [tilespmem:s1+$0xFFFFFF60];
	[tilespmem:s31+$0xFFFFFDD0] =	vst v3  }
0xfd: {  	v3 =	vshll.u32 v10, $0x10;
	v10 =	vand.u32 $0xFFFF0000, v10;
	[tilespmem:s31+$0x1D0] =	vst v7  }
0xfe: {  	v7 =	vld [tilespmem:s1+$0xFFFFFFE0];
	[tilespmem:s31+$0xFFFFFE50] =	vst v9  }
0xff: {  	v9 =	vshll.u32 v8, $0x10;
	v8 =	vand.u32 $0xFFFF0000, v8;
	[tilespmem:s31+$0x250] =	vst v2  }
0x100: {  	v2 =	vld [tilespmem:s1+$0x60];
	[tilespmem:s31+$0xFFFFFED0] =	vst v4  }
0x101: {  	v4 =	vshll.u32 v11, $0x10;
	v11 =	vand.u32 $0xFFFF0000, v11;
	[tilespmem:s31+$0x2D0] =	vst v6  }
0x102: {  	v6 =	vld [tilespmem:s1+$0xE0];
	[tilespmem:s31+$0xFFFFFF50] =	vst v1  }
0x103: {  	v1 =	vshll.u32 v7, $0x10;
	v7 =	vand.u32 $0xFFFF0000, v7;
	[tilespmem:s31+$0x350] =	vst v5  }
0x104: {  	[tilespmem:s31+$0xFFFFFC60] =	vst v3;
	v3 =	vld [tilespmem:s1+$0x160]  }
0x105: {  	[tilespmem:s31+$0x60] =	vst v10;
	v5 =	vshll.u32 v2, $0x10;
	v2 =	vand.u32 $0xFFFF0000, v2  }
0x106: {  	v10 =	vld [tilespmem:s1+$0xFFFFFE70];
	[tilespmem:s31+$0xFFFFFCE0] =	vst v9  }
0x107: {  	[tilespmem:s31+$0xE0] =	vst v8;
	v8 =	vshll.u32 v6, $0x10;
	v6 =	vand.u32 $0xFFFF0000, v6  }
0x108: {  	v9 =	vld [tilespmem:s1+$0xFFFFFEF0];
	[tilespmem:s31+$0xFFFFFD60] =	vst v4  }
0x109: {  	[tilespmem:s31+$0x160] =	vst v11;
	v4 =	vshll.u32 v3, $0x10;
	v3 =	vand.u32 $0xFFFF0000, v3  }
0x10a: {  	v11 =	vld [tilespmem:s1+$0xFFFFFF70];
	[tilespmem:s31+$0xFFFFFDE0] =	vst v1  }
0x10b: {  	v1 =	vshll.u32 v10, $0x10;
	v10 =	vand.u32 $0xFFFF0000, v10;
	[tilespmem:s31+$0x1E0] =	vst v7  }
0x10c: {  	v7 =	vld [tilespmem:s1+$0xFFFFFFF0];
	[tilespmem:s31+$0xFFFFFE60] =	vst v5  }
0x10d: {  	v5 =	vshll.u32 v9, $0x10;
	v9 =	vand.u32 $0xFFFF0000, v9;
	[tilespmem:s31+$0x260] =	vst v2  }
0x10e: {  	v2 =	vld [tilespmem:s1+$0x70];
	[tilespmem:s31+$0xFFFFFEE0] =	vst v8  }
0x10f: {  	v8 =	vshll.u32 v11, $0x10;
	v11 =	vand.u32 $0xFFFF0000, v11;
	[tilespmem:s31+$0x2E0] =	vst v6  }
0x110: {  	v6 =	vld [tilespmem:s1+$0xF0];
	[tilespmem:s31+$0xFFFFFF60] =	vst v4  }
0x111: {  	v12 =	vshll.u32 v7, $0x10;
	v7 =	vand.u32 $0xFFFF0000, v7;
	[tilespmem:s31+$0x360] =	vst v3  }
0x112: {  	[tilespmem:s31+$0xFFFFFC70] =	vst v1;
	v4 =	vld [tilespmem:s1+$0x170]  }
0x113: {  	[tilespmem:s31+$0x70] =	vst v10;
	v10 =	vshll.u32 v2, $0x10;
	v1 =	vand.u32 $0xFFFF0000, v2  }
0x114: {  	[tilespmem:s31+$0xFFFFFCF0] =	vst v5  }
0x115: {  	[tilespmem:s31+$0xF0] =	vst v9;
	v2 =	vshll.u32 v6, $0x10;
	v3 =	vand.u32 $0xFFFF0000, v6  }
.Ltmp0:
0x116: {  	[tilespmem:s31+$0xFFFFFD70] =	vst v8;
	(pc) =	sbr.rel @p0 .LBB2_2-.Ltmp0, $4  }
0x117: {  	[tilespmem:s31+$0x170] =	vst v11;
	v5 =	vshll.u32 v4, $0x10;
	v4 =	vand.u32 $0xFFFF0000, v4  }
0x118: {  	[tilespmem:s31+$0xFFFFFDF0] =	vst v12  }
0x119: {  	[tilespmem:s31+$0x1F0] =	vst v7  }
0x11a: {  	s1 =	sadd.s32 $0x400, s1;
	[tilespmem:s31+$0xFFFFFE70] =	vst v10  }
0x11b: {  	[tilespmem:s31+$0x270] =	vst v1  }
0x11c: {  	[tilespmem:s31+$0xFFFFFEF0] =	vst v2  }
0x11d: {  	[tilespmem:s31+$0x2F0] =	vst v3  }
0x11e: {  	[tilespmem:s31+$0xFFFFFF70] =	vst v5  }
0x11f: {  	[tilespmem:s31+$0x370] =	vst v4  }
0x120: {  	[tilespmem:s31+$0xFFFFFFF0] =	vst v0  }
0x121: {  	[hbm4b:s5+s2] =	stream.linear.scatter [tilespmem:s20], [sflag:$0x4], $0x2000, $0x38;
	[tilespmem:$0x1C200] =	vst v63  }
0x122: {  	_ = 	snop  }
0x123: {  	[tilespmem:s14], [sflag:$0x1] =	stream.indirect.gather [hbm4b:s3+s17], $0x80, s21, s17, $0xb8;
	[tilespmem:$0x1C200] =	vst v63  }
0x124: {  	_ =	swait.ge [sflag:s22], $0x3000  }
0x125: {  	[sflag:s22] =	ssyncset.done $0x0  }
0x126: {  	s0 =	simm.s32 $0x4400;
	[sflag:s22] =	ssyncadd.s32 $0xFFFFD000  }
0x127: {  	v0 =	vld [tilespmem:s0+$0x180];
	_ =	sdelay $0x1  }
0x128: {  	v1 =	vld [tilespmem:s0+$0xFFFFFE80];
	_ =	sdelay $0x1  }
0x129: {  	v2 =	vld [tilespmem:s0+$0xFFFFFF00]  }
0x12a: {  	s31 =	simm.s32 $0x14600;
	v3 =	vshll.u32 v0, $0x10  }
0x12b: {  	v4 =	vld [tilespmem:s0+$0xFFFFFF80];
	v0 =	vand.u32 $0xFFFF0000, v0;
	[tilespmem:s31+$0xFFFFFF80] =	vst v3  }
0x12c: {  	v5 =	vld [tilespmem:s0+$0xFFFFFE00];
	v3 =	vshll.u32 v1, $0x10;
	[tilespmem:s31+$0x380] =	vst v0  }
0x12d: {  	v0 =	vand.u32 $0xFFFF0000, v1;
	[tilespmem:s31+$0xFFFFFC80] =	vst v3;
	v1 =	vld [tilespmem:s0+$0x190]  }
0x12e: {  	v3 =	vshll.u32 v2, $0x10;
	[tilespmem:s31+$0x80] =	vst v0  }
0x12f: {  	v0 =	vand.u32 $0xFFFF0000, v2;
	[tilespmem:s31+$0xFFFFFD00] =	vst v3  }
0x130: {  	v2 =	vshll.u32 v4, $0x10;
	[tilespmem:s31+$0x100] =	vst v0  }
0x131: {  	v0 =	vld [tilespmem:s0+$0x0];
	v3 =	vshll.u32 v5, $0x10;
	[tilespmem:s31+$0xFFFFFD80] =	vst v2  }
0x132: {  	[tilespmem:s31+$0xFFFFFC00] =	vst v3;
	v2 =	vshll.u32 v1, $0x10  }
0x133: {  	v3 =	vld [tilespmem:s0+$0x80];
	v1 =	vand.u32 $0xFFFF0000, v1;
	[tilespmem:s31+$0xFFFFFF90] =	vst v2  }
0x134: {  	v2 =	vand.u32 $0xFFFF0000, v5;
	[tilespmem:s31+$0x390] =	vst v1  }
0x135: {  	v1 =	vand.u32 $0xFFFF0000, v4;
	[tilespmem:s31+$0x0] =	vst v2;
	v2 =	vld [tilespmem:s0+$0x1A0]  }
0x136: {  	v4 =	vshll.u32 v0, $0x10;
	[tilespmem:s31+$0x180] =	vst v1  }
0x137: {  	v0 =	vand.u32 $0xFFFF0000, v0;
	v1 =	vld [tilespmem:s0+$0x100];
	[tilespmem:s31+$0xFFFFFE00] =	vst v4  }
0x138: {  	v4 =	vshll.u32 v3, $0x10;
	[tilespmem:s31+$0x200] =	vst v0  }
0x139: {  	v0 =	vand.u32 $0xFFFF0000, v3;
	v3 =	vld [tilespmem:s0+$0xFFFFFE10];
	[tilespmem:s31+$0xFFFFFE80] =	vst v4  }
0x13a: {  	[tilespmem:s31+$0x280] =	vst v0;
	v0 =	vshll.u32 v2, $0x10  }
0x13b: {  	v4 =	vld [tilespmem:s0+$0xFFFFFE90];
	[tilespmem:s31+$0xFFFFFFA0] =	vst v0;
	v0 =	vand.u32 $0xFFFF0000, v2  }
0x13c: {  	v2 =	vshll.u32 v1, $0x10;
	[tilespmem:s31+$0x3A0] =	vst v0  }
0x13d: {  	v0 =	vand.u32 $0xFFFF0000, v1;
	[tilespmem:s31+$0xFFFFFF00] =	vst v2;
	v1 =	vld [tilespmem:s0+$0x1B0]  }
0x13e: {  	v2 =	vshll.u32 v3, $0x10;
	[tilespmem:s31+$0x300] =	vst v0  }
0x13f: {  	v3 =	vand.u32 $0xFFFF0000, v3;
	v0 =	vld [tilespmem:s0+$0xFFFFFF10];
	[tilespmem:s31+$0xFFFFFC10] =	vst v2  }
0x140: {  	v2 =	vshll.u32 v4, $0x10;
	[tilespmem:s31+$0x10] =	vst v3  }
0x141: {  	v3 =	vand.u32 $0xFFFF0000, v4;
	v4 =	vld [tilespmem:s0+$0xFFFFFF90];
	[tilespmem:s31+$0xFFFFFC90] =	vst v2  }
0x142: {  	[tilespmem:s31+$0x90] =	vst v3;
	v2 =	vshll.u32 v1, $0x10  }
0x143: {  	v3 =	vld [tilespmem:s0+$0x10];
	v1 =	vand.u32 $0xFFFF0000, v1;
	[tilespmem:s31+$0xFFFFFFB0] =	vst v2  }
0x144: {  	v2 =	vshll.u32 v0, $0x10;
	[tilespmem:s31+$0x3B0] =	vst v1  }
0x145: {  	v0 =	vand.u32 $0xFFFF0000, v0;
	[tilespmem:s31+$0xFFFFFD10] =	vst v2;
	v1 =	vld [tilespmem:s0+$0x1C0]  }
0x146: {  	v2 =	vshll.u32 v4, $0x10;
	[tilespmem:s31+$0x110] =	vst v0  }
0x147: {  	v0 =	vld [tilespmem:s0+$0x90];
	v4 =	vand.u32 $0xFFFF0000, v4;
	[tilespmem:s31+$0xFFFFFD90] =	vst v2  }
0x148: {  	v2 =	vshll.u32 v3, $0x10;
	[tilespmem:s31+$0x190] =	vst v4  }
0x149: {  	v3 =	vand.u32 $0xFFFF0000, v3;
	v4 =	vld [tilespmem:s0+$0x110];
	[tilespmem:s31+$0xFFFFFE10] =	vst v2  }
0x14a: {  	[tilespmem:s31+$0x210] =	vst v3;
	v2 =	vshll.u32 v1, $0x10  }
0x14b: {  	v3 =	vld [tilespmem:s0+$0xFFFFFE20];
	v1 =	vand.u32 $0xFFFF0000, v1;
	[tilespmem:s31+$0xFFFFFFC0] =	vst v2  }
0x14c: {  	v2 =	vshll.u32 v0, $0x10;
	[tilespmem:s31+$0x3C0] =	vst v1  }
0x14d: {  	v0 =	vand.u32 $0xFFFF0000, v0;
	[tilespmem:s31+$0xFFFFFE90] =	vst v2;
	v1 =	vld [tilespmem:s0+$0x1D0]  }
0x14e: {  	v2 =	vshll.u32 v4, $0x10;
	[tilespmem:s31+$0x290] =	vst v0  }
0x14f: {  	v0 =	vld [tilespmem:s0+$0xFFFFFEA0];
	v4 =	vand.u32 $0xFFFF0000, v4;
	[tilespmem:s31+$0xFFFFFF10] =	vst v2  }
0x150: {  	v2 =	vshll.u32 v3, $0x10;
	[tilespmem:s31+$0x310] =	vst v4  }
0x151: {  	v3 =	vand.u32 $0xFFFF0000, v3;
	v4 =	vld [tilespmem:s0+$0xFFFFFF20];
	[tilespmem:s31+$0xFFFFFC20] =	vst v2  }
0x152: {  	[tilespmem:s31+$0x20] =	vst v3;
	v2 =	vshll.u32 v1, $0x10  }
0x153: {  	v3 =	vld [tilespmem:s0+$0xFFFFFFA0];
	v1 =	vand.u32 $0xFFFF0000, v1;
	[tilespmem:s31+$0xFFFFFFD0] =	vst v2  }
0x154: {  	v2 =	vshll.u32 v0, $0x10;
	[tilespmem:s31+$0x3D0] =	vst v1  }
0x155: {  	v0 =	vand.u32 $0xFFFF0000, v0;
	[tilespmem:s31+$0xFFFFFCA0] =	vst v2;
	v1 =	vld [tilespmem:s0+$0x1E0]  }
0x156: {  	v2 =	vshll.u32 v4, $0x10;
	[tilespmem:s31+$0xA0] =	vst v0  }
0x157: {  	v0 =	vld [tilespmem:s0+$0x20];
	v4 =	vand.u32 $0xFFFF0000, v4;
	[tilespmem:s31+$0xFFFFFD20] =	vst v2  }
0x158: {  	v2 =	vshll.u32 v3, $0x10;
	[tilespmem:s31+$0x120] =	vst v4  }
0x159: {  	v3 =	vand.u32 $0xFFFF0000, v3;
	v4 =	vld [tilespmem:s0+$0xA0];
	[tilespmem:s31+$0xFFFFFDA0] =	vst v2  }
0x15a: {  	[tilespmem:s31+$0x1A0] =	vst v3;
	v2 =	vshll.u32 v1, $0x10  }
0x15b: {  	v3 =	vld [tilespmem:s0+$0x120];
	v1 =	vand.u32 $0xFFFF0000, v1;
	[tilespmem:s31+$0xFFFFFFE0] =	vst v2  }
0x15c: {  	v2 =	vshll.u32 v0, $0x10;
	[tilespmem:s31+$0x3E0] =	vst v1  }
0x15d: {  	v1 =	vand.u32 $0xFFFF0000, v0;
	[tilespmem:s31+$0xFFFFFE20] =	vst v2;
	v0 =	vld [tilespmem:s0+$0x1F0]  }
0x15e: {  	v5 =	vshll.u32 v4, $0x10;
	v2 =	vld [tilespmem:s0+$0xFFFFFE30];
	[tilespmem:s31+$0x220] =	vst v1  }
0x15f: {  	v1 =	vand.u32 $0xFFFF0000, v4;
	[tilespmem:s31+$0xFFFFFEA0] =	vst v5  }
0x160: {  	v4 =	vshll.u32 v3, $0x10;
	v5 =	vld [tilespmem:s0+$0xFFFFFEB0];
	[tilespmem:s31+$0x2A0] =	vst v1  }
0x161: {  	v1 =	vand.u32 $0xFFFF0000, v3;
	[tilespmem:s31+$0xFFFFFF20] =	vst v4  }
0x162: {  	v3 =	vld [tilespmem:s0+$0xFFFFFF30];
	[tilespmem:s31+$0x320] =	vst v1;
	v1 =	vand.u32 $0xFFFF0000, v0  }
0x163: {  	v4 =	vshll.u32 v2, $0x10;
	[tilespmem:s31+$0x3F0] =	vst v1  }
0x164: {  	v1 =	vand.u32 $0xFFFF0000, v2;
	v2 =	vld [tilespmem:s0+$0xFFFFFFB0];
	[tilespmem:s31+$0xFFFFFC30] =	vst v4  }
0x165: {  	v4 =	vshll.u32 v5, $0x10;
	[tilespmem:s31+$0x30] =	vst v1  }
0x166: {  	v1 =	vand.u32 $0xFFFF0000, v5;
	v5 =	vld [tilespmem:s0+$0x30];
	[tilespmem:s31+$0xFFFFFCB0] =	vst v4  }
0x167: {  	v4 =	vshll.u32 v3, $0x10;
	[tilespmem:s31+$0xB0] =	vst v1  }
0x168: {  	v1 =	vand.u32 $0xFFFF0000, v3;
	v3 =	vld [tilespmem:s0+$0xB0];
	[tilespmem:s31+$0xFFFFFD30] =	vst v4  }
0x169: {  	[tilespmem:s31+$0x130] =	vst v1;
	v4 =	vshll.u32 v2, $0x10  }
0x16a: {  	v1 =	vand.u32 $0xFFFF0000, v2;
	v2 =	vld [tilespmem:s0+$0x130];
	[tilespmem:s31+$0xFFFFFDB0] =	vst v4  }
0x16b: {  	v4 =	vshll.u32 v5, $0x10;
	[tilespmem:s31+$0x1B0] =	vst v1  }
0x16c: {  	v1 =	vand.u32 $0xFFFF0000, v5;
	v5 =	vld [tilespmem:s0+$0xFFFFFE40];
	[tilespmem:s31+$0xFFFFFE30] =	vst v4  }
0x16d: {  	v4 =	vshll.u32 v3, $0x10;
	[tilespmem:s31+$0x230] =	vst v1  }
0x16e: {  	v1 =	vand.u32 $0xFFFF0000, v3;
	v3 =	vld [tilespmem:s0+$0xFFFFFEC0];
	[tilespmem:s31+$0xFFFFFEB0] =	vst v4  }
0x16f: {  	[tilespmem:s31+$0x2B0] =	vst v1;
	v4 =	vshll.u32 v2, $0x10  }
0x170: {  	v1 =	vand.u32 $0xFFFF0000, v2;
	v2 =	vld [tilespmem:s0+$0xFFFFFF40];
	[tilespmem:s31+$0xFFFFFF30] =	vst v4  }
0x171: {  	v4 =	vshll.u32 v5, $0x10;
	[tilespmem:s31+$0x330] =	vst v1  }
0x172: {  	v1 =	vand.u32 $0xFFFF0000, v5;
	v5 =	vld [tilespmem:s0+$0xFFFFFFC0];
	[tilespmem:s31+$0xFFFFFC40] =	vst v4  }
0x173: {  	v4 =	vshll.u32 v3, $0x10;
	[tilespmem:s31+$0x40] =	vst v1  }
0x174: {  	v1 =	vand.u32 $0xFFFF0000, v3;
	v3 =	vld [tilespmem:s0+$0x40];
	[tilespmem:s31+$0xFFFFFCC0] =	vst v4  }
0x175: {  	[tilespmem:s31+$0xC0] =	vst v1;
	v4 =	vshll.u32 v2, $0x10  }
0x176: {  	v1 =	vand.u32 $0xFFFF0000, v2;
	v2 =	vld [tilespmem:s0+$0xC0];
	[tilespmem:s31+$0xFFFFFD40] =	vst v4  }
0x177: {  	v4 =	vshll.u32 v5, $0x10;
	[tilespmem:s31+$0x140] =	vst v1  }
0x178: {  	v1 =	vand.u32 $0xFFFF0000, v5;
	v5 =	vld [tilespmem:s0+$0x140];
	[tilespmem:s31+$0xFFFFFDC0] =	vst v4  }
0x179: {  	v4 =	vshll.u32 v3, $0x10;
	[tilespmem:s31+$0x1C0] =	vst v1  }
0x17a: {  	v1 =	vand.u32 $0xFFFF0000, v3;
	v3 =	vld [tilespmem:s0+$0xFFFFFE50];
	[tilespmem:s31+$0xFFFFFE40] =	vst v4  }
0x17b: {  	[tilespmem:s31+$0x240] =	vst v1;
	v4 =	vshll.u32 v2, $0x10  }
0x17c: {  	v1 =	vand.u32 $0xFFFF0000, v2;
	v2 =	vld [tilespmem:s0+$0xFFFFFED0];
	[tilespmem:s31+$0xFFFFFEC0] =	vst v4  }
0x17d: {  	v4 =	vshll.u32 v5, $0x10;
	[tilespmem:s31+$0x2C0] =	vst v1  }
0x17e: {  	v1 =	vand.u32 $0xFFFF0000, v5;
	v5 =	vld [tilespmem:s0+$0xFFFFFF50];
	[tilespmem:s31+$0xFFFFFF40] =	vst v4  }
0x17f: {  	v4 =	vshll.u32 v3, $0x10;
	[tilespmem:s31+$0x340] =	vst v1  }
0x180: {  	v1 =	vand.u32 $0xFFFF0000, v3;
	v3 =	vld [tilespmem:s0+$0xFFFFFFD0];
	[tilespmem:s31+$0xFFFFFC50] =	vst v4  }
0x181: {  	[tilespmem:s31+$0x50] =	vst v1;
	v4 =	vshll.u32 v2, $0x10  }
0x182: {  	v1 =	vand.u32 $0xFFFF0000, v2;
	v2 =	vld [tilespmem:s0+$0x50];
	[tilespmem:s31+$0xFFFFFCD0] =	vst v4  }
0x183: {  	v4 =	vshll.u32 v5, $0x10;
	[tilespmem:s31+$0xD0] =	vst v1  }
0x184: {  	v1 =	vand.u32 $0xFFFF0000, v5;
	v5 =	vld [tilespmem:s0+$0xD0];
	[tilespmem:s31+$0xFFFFFD50] =	vst v4  }
0x185: {  	v4 =	vshll.u32 v3, $0x10;
	[tilespmem:s31+$0x150] =	vst v1  }
0x186: {  	v1 =	vand.u32 $0xFFFF0000, v3;
	v3 =	vld [tilespmem:s0+$0x150];
	[tilespmem:s31+$0xFFFFFDD0] =	vst v4  }
0x187: {  	[tilespmem:s31+$0x1D0] =	vst v1;
	v4 =	vshll.u32 v2, $0x10  }
0x188: {  	v1 =	vand.u32 $0xFFFF0000, v2;
	v2 =	vld [tilespmem:s0+$0xFFFFFE60];
	[tilespmem:s31+$0xFFFFFE50] =	vst v4  }
0x189: {  	v4 =	vshll.u32 v5, $0x10;
	[tilespmem:s31+$0x250] =	vst v1  }
0x18a: {  	v1 =	vand.u32 $0xFFFF0000, v5;
	v5 =	vld [tilespmem:s0+$0xFFFFFEE0];
	[tilespmem:s31+$0xFFFFFED0] =	vst v4  }
0x18b: {  	v4 =	vshll.u32 v3, $0x10;
	[tilespmem:s31+$0x2D0] =	vst v1  }
0x18c: {  	v1 =	vand.u32 $0xFFFF0000, v3;
	v3 =	vld [tilespmem:s0+$0xFFFFFF60];
	[tilespmem:s31+$0xFFFFFF50] =	vst v4  }
0x18d: {  	[tilespmem:s31+$0x350] =	vst v1;
	v4 =	vshll.u32 v2, $0x10  }
0x18e: {  	v1 =	vand.u32 $0xFFFF0000, v2;
	v2 =	vld [tilespmem:s0+$0xFFFFFFE0];
	[tilespmem:s31+$0xFFFFFC60] =	vst v4  }
0x18f: {  	v4 =	vshll.u32 v5, $0x10;
	[tilespmem:s31+$0x60] =	vst v1  }
0x190: {  	v1 =	vand.u32 $0xFFFF0000, v5;
	v5 =	vld [tilespmem:s0+$0x60];
	[tilespmem:s31+$0xFFFFFCE0] =	vst v4  }
0x191: {  	v4 =	vshll.u32 v3, $0x10;
	[tilespmem:s31+$0xE0] =	vst v1  }
0x192: {  	v1 =	vand.u32 $0xFFFF0000, v3;
	v3 =	vld [tilespmem:s0+$0xE0];
	[tilespmem:s31+$0xFFFFFD60] =	vst v4  }
0x193: {  	[tilespmem:s31+$0x160] =	vst v1;
	v4 =	vshll.u32 v2, $0x10  }
0x194: {  	v1 =	vand.u32 $0xFFFF0000, v2;
	v2 =	vld [tilespmem:s0+$0x160];
	[tilespmem:s31+$0xFFFFFDE0] =	vst v4  }
0x195: {  	v4 =	vshll.u32 v5, $0x10;
	[tilespmem:s31+$0x1E0] =	vst v1  }
0x196: {  	v1 =	vand.u32 $0xFFFF0000, v5;
	v5 =	vld [tilespmem:s0+$0xFFFFFE70];
	[tilespmem:s31+$0xFFFFFE60] =	vst v4  }
0x197: {  	v4 =	vshll.u32 v3, $0x10;
	[tilespmem:s31+$0x260] =	vst v1  }
0x198: {  	v1 =	vand.u32 $0xFFFF0000, v3;
	v3 =	vld [tilespmem:s0+$0xFFFFFEF0];
	[tilespmem:s31+$0xFFFFFEE0] =	vst v4  }
0x199: {  	[tilespmem:s31+$0x2E0] =	vst v1;
	v4 =	vshll.u32 v2, $0x10  }
0x19a: {  	v6 =	vld [tilespmem:s0+$0x70];
	v1 =	vand.u32 $0xFFFF0000, v2;
	[tilespmem:s31+$0xFFFFFF60] =	vst v4  }
0x19b: {  	v2 =	vld [tilespmem:s0+$0xFFFFFF70];
	v4 =	vshll.u32 v5, $0x10;
	[tilespmem:s31+$0x360] =	vst v1  }
0x19c: {  	v1 =	vand.u32 $0xFFFF0000, v5;
	[tilespmem:s31+$0xFFFFFC70] =	vst v4  }
0x19d: {  	v5 =	vld [tilespmem:s0+$0xFFFFFFF0];
	v4 =	vshll.u32 v3, $0x10;
	[tilespmem:s31+$0x70] =	vst v1  }
0x19e: {  	v1 =	vand.u32 $0xFFFF0000, v3;
	v3 =	vld [tilespmem:s0+$0xF0];
	[tilespmem:s31+$0xFFFFFCF0] =	vst v4  }
0x19f: {  	v7 =	vld [tilespmem:s0+$0x170];
	[tilespmem:s31+$0xF0] =	vst v1;
	v8 =	vshll.u32 v6, $0x10  }
0x1a0: {  	[tilespmem:s31+$0xFFFFFE70] =	vst v8;
	v4 =	vshll.u32 v2, $0x10  }
0x1a1: {  	v1 =	vand.u32 $0xFFFF0000, v2;
	[tilespmem:s31+$0xFFFFFD70] =	vst v4  }
0x1a2: {  	v0 =	vshll.u32 v0, $0x10;
	v2 =	vshll.u32 v5, $0x10;
	[tilespmem:s31+$0x170] =	vst v1  }
0x1a3: {  	v4 =	vand.u32 $0xFFFF0000, v5;
	v1 =	vand.u32 $0xFFFF0000, v6;
	[tilespmem:s31+$0xFFFFFDF0] =	vst v2;
	v2 =	vshll.u32 v3, $0x10  }
0x1a4: {  	s1 =	simm.s32 $0x4800;
	s0 =	simm.s32 $0x0;
	[tilespmem:s31+$0x1F0] =	vst v4;
	v3 =	vand.u32 $0xFFFF0000, v3;
	v5 =	vshll.u32 v7, $0x10;
	v4 =	vand.u32 $0xFFFF0000, v7  }
.LBB2_4:
0x1a5: {  	v6 =	vld [tilespmem:s1+$0x180];
	[tilespmem:s31+$0x270] =	vst v1  }
0x1a6: {  	v1 =	vld [tilespmem:s1+$0xFFFFFE80];
	[tilespmem:s31+$0xFFFFFEF0] =	vst v2  }
0x1a7: {  	v2 =	vld [tilespmem:s1+$0xFFFFFF00];
	[tilespmem:s31+$0x2F0] =	vst v3  }
0x1a8: {  	v3 =	vld [tilespmem:s1+$0xFFFFFF80];
	[tilespmem:s31+$0xFFFFFF70] =	vst v5  }
0x1a9: {  	v5 =	vld [tilespmem:s1+$0x0];
	[tilespmem:s31+$0x370] =	vst v4  }
0x1aa: {  	v4 =	vld [tilespmem:s1+$0x80];
	v7 =	vshll.u32 v6, $0x10;
	[tilespmem:s31+$0xFFFFFFF0] =	vst v0;
	s31 =	sadd.s32 $0x800, s31  }
0x1ab: {  	v6 =	vand.u32 $0xFFFF0000, v6;
	v0 =	vshll.u32 v1, $0x10;
	v1 =	vand.u32 $0xFFFF0000, v1;
	v8 =	vld [tilespmem:s1+$0x100];
	[tilespmem:s31+$0xFFFFFF80] =	vst v7  }
0x1ac: {  	s0 =	sadd.s32 $0x8, s0;
	v7 =	vld [tilespmem:s1+$0xFFFFFE00];
	v9 =	vshll.u32 v2, $0x10;
	v2 =	vand.u32 $0xFFFF0000, v2;
	[tilespmem:s31+$0x380] =	vst v6  }
0x1ad: {  	p0 =	slt.u32 s0, $0x58;
	[tilespmem:s31+$0xFFFFFC80] =	vst v0;
	v0 =	vshll.u32 v3, $0x10;
	v3 =	vand.u32 $0xFFFF0000, v3;
	v6 =	vld [tilespmem:s1+$0x190]  }
0x1ae: {  	[tilespmem:s31+$0x80] =	vst v1;
	v1 =	vshll.u32 v5, $0x10;
	v5 =	vand.u32 $0xFFFF0000, v5  }
0x1af: {  	v10 =	vld [tilespmem:s1+$0xFFFFFE90];
	[tilespmem:s31+$0xFFFFFD00] =	vst v9;
	v9 =	vshll.u32 v4, $0x10;
	v4 =	vand.u32 $0xFFFF0000, v4  }
0x1b0: {  	[tilespmem:s31+$0x100] =	vst v2;
	v2 =	vshll.u32 v8, $0x10;
	v8 =	vand.u32 $0xFFFF0000, v8  }
0x1b1: {  	v11 =	vshll.u32 v7, $0x10;
	v7 =	vand.u32 $0xFFFF0000, v7;
	v12 =	vld [tilespmem:s1+$0xFFFFFF10];
	[tilespmem:s31+$0xFFFFFD80] =	vst v0  }
0x1b2: {  	[tilespmem:s31+$0xFFFFFC00] =	vst v11;
	v0 =	vshll.u32 v6, $0x10  }
0x1b3: {  	[tilespmem:s31+$0xFFFFFF90] =	vst v0;
	v0 =	vand.u32 $0xFFFF0000, v6  }
0x1b4: {  	v6 =	vshll.u32 v10, $0x10;
	v10 =	vand.u32 $0xFFFF0000, v10;
	[tilespmem:s31+$0x390] =	vst v0  }
0x1b5: {  	[tilespmem:s31+$0x0] =	vst v7;
	v0 =	vld [tilespmem:s1+$0x1A0]  }
0x1b6: {  	v7 =	vld [tilespmem:s1+$0xFFFFFE10];
	v11 =	vshll.u32 v12, $0x10;
	v12 =	vand.u32 $0xFFFF0000, v12;
	[tilespmem:s31+$0x180] =	vst v3  }
0x1b7: {  	v3 =	vld [tilespmem:s1+$0xFFFFFF90];
	[tilespmem:s31+$0xFFFFFE00] =	vst v1  }
0x1b8: {  	[tilespmem:s31+$0x200] =	vst v5  }
0x1b9: {  	v1 =	vld [tilespmem:s1+$0x10];
	[tilespmem:s31+$0xFFFFFE80] =	vst v9  }
0x1ba: {  	[tilespmem:s31+$0x280] =	vst v4;
	v4 =	vshll.u32 v0, $0x10  }
0x1bb: {  	v0 =	vand.u32 $0xFFFF0000, v0;
	v5 =	vshll.u32 v7, $0x10;
	v7 =	vand.u32 $0xFFFF0000, v7;
	v9 =	vld [tilespmem:s1+$0x90];
	[tilespmem:s31+$0xFFFFFFA0] =	vst v4  }
0x1bc: {  	v4 =	vshll.u32 v3, $0x10;
	v3 =	vand.u32 $0xFFFF0000, v3;
	[tilespmem:s31+$0x3A0] =	vst v0  }
0x1bd: {  	[tilespmem:s31+$0xFFFFFF00] =	vst v2;
	v0 =	vld [tilespmem:s1+$0x1B0]  }
0x1be: {  	v2 =	vshll.u32 v1, $0x10;
	v1 =	vand.u32 $0xFFFF0000, v1;
	[tilespmem:s31+$0x300] =	vst v8  }
0x1bf: {  	[tilespmem:s31+$0xFFFFFC10] =	vst v5;
	v5 =	vld [tilespmem:s1+$0x110]  }
0x1c0: {  	[tilespmem:s31+$0x10] =	vst v7;
	v7 =	vshll.u32 v9, $0x10;
	v8 =	vand.u32 $0xFFFF0000, v9  }
0x1c1: {  	v9 =	vld [tilespmem:s1+$0xFFFFFE20];
	[tilespmem:s31+$0xFFFFFC90] =	vst v6  }
0x1c2: {  	[tilespmem:s31+$0x90] =	vst v10;
	v6 =	vshll.u32 v0, $0x10  }
0x1c3: {  	v0 =	vand.u32 $0xFFFF0000, v0;
	v10 =	vld [tilespmem:s1+$0xFFFFFEA0];
	[tilespmem:s31+$0xFFFFFFB0] =	vst v6  }
0x1c4: {  	v6 =	vshll.u32 v5, $0x10;
	v5 =	vand.u32 $0xFFFF0000, v5;
	[tilespmem:s31+$0x3B0] =	vst v0  }
0x1c5: {  	[tilespmem:s31+$0xFFFFFD10] =	vst v11;
	v0 =	vld [tilespmem:s1+$0x1C0]  }
0x1c6: {  	v11 =	vshll.u32 v9, $0x10;
	v9 =	vand.u32 $0xFFFF0000, v9;
	[tilespmem:s31+$0x110] =	vst v12  }
0x1c7: {  	v12 =	vld [tilespmem:s1+$0xFFFFFF20];
	[tilespmem:s31+$0xFFFFFD90] =	vst v4  }
0x1c8: {  	v4 =	vshll.u32 v10, $0x10;
	v10 =	vand.u32 $0xFFFF0000, v10;
	[tilespmem:s31+$0x190] =	vst v3  }
0x1c9: {  	v3 =	vld [tilespmem:s1+$0xFFFFFFA0];
	[tilespmem:s31+$0xFFFFFE10] =	vst v2  }
0x1ca: {  	[tilespmem:s31+$0x210] =	vst v1;
	v1 =	vshll.u32 v0, $0x10  }
0x1cb: {  	v0 =	vand.u32 $0xFFFF0000, v0;
	v2 =	vld [tilespmem:s1+$0x20];
	[tilespmem:s31+$0xFFFFFFC0] =	vst v1  }
0x1cc: {  	v1 =	vshll.u32 v12, $0x10;
	v12 =	vand.u32 $0xFFFF0000, v12;
	[tilespmem:s31+$0x3C0] =	vst v0  }
0x1cd: {  	[tilespmem:s31+$0xFFFFFE90] =	vst v7;
	v0 =	vld [tilespmem:s1+$0x1D0]  }
0x1ce: {  	v7 =	vshll.u32 v3, $0x10;
	v3 =	vand.u32 $0xFFFF0000, v3;
	[tilespmem:s31+$0x290] =	vst v8  }
0x1cf: {  	v8 =	vld [tilespmem:s1+$0xA0];
	[tilespmem:s31+$0xFFFFFF10] =	vst v6  }
0x1d0: {  	v6 =	vshll.u32 v2, $0x10;
	v2 =	vand.u32 $0xFFFF0000, v2;
	[tilespmem:s31+$0x310] =	vst v5  }
0x1d1: {  	[tilespmem:s31+$0xFFFFFC20] =	vst v11;
	v5 =	vld [tilespmem:s1+$0x120]  }
0x1d2: {  	[tilespmem:s31+$0x20] =	vst v9;
	v9 =	vshll.u32 v0, $0x10  }
0x1d3: {  	v0 =	vand.u32 $0xFFFF0000, v0;
	v11 =	vld [tilespmem:s1+$0xFFFFFE30];
	[tilespmem:s31+$0xFFFFFFD0] =	vst v9  }
0x1d4: {  	v9 =	vshll.u32 v8, $0x10;
	v8 =	vand.u32 $0xFFFF0000, v8;
	[tilespmem:s31+$0x3D0] =	vst v0  }
0x1d5: {  	[tilespmem:s31+$0xFFFFFCA0] =	vst v4;
	v0 =	vld [tilespmem:s1+$0x1E0]  }
0x1d6: {  	[tilespmem:s31+$0xA0] =	vst v10;
	v4 =	vshll.u32 v5, $0x10;
	v5 =	vand.u32 $0xFFFF0000, v5  }
0x1d7: {  	v10 =	vld [tilespmem:s1+$0xFFFFFEB0];
	[tilespmem:s31+$0xFFFFFD20] =	vst v1  }
0x1d8: {  	v1 =	vshll.u32 v11, $0x10;
	v11 =	vand.u32 $0xFFFF0000, v11;
	[tilespmem:s31+$0x120] =	vst v12  }
0x1d9: {  	v12 =	vld [tilespmem:s1+$0xFFFFFF30];
	[tilespmem:s31+$0xFFFFFDA0] =	vst v7  }
0x1da: {  	[tilespmem:s31+$0x1A0] =	vst v3;
	v3 =	vshll.u32 v0, $0x10  }
0x1db: {  	v0 =	vand.u32 $0xFFFF0000, v0;
	v7 =	vld [tilespmem:s1+$0xFFFFFFB0];
	[tilespmem:s31+$0xFFFFFFE0] =	vst v3  }
0x1dc: {  	v3 =	vshll.u32 v10, $0x10;
	v10 =	vand.u32 $0xFFFF0000, v10;
	[tilespmem:s31+$0x3E0] =	vst v0  }
0x1dd: {  	[tilespmem:s31+$0xFFFFFE20] =	vst v6;
	v6 =	vld [tilespmem:s1+$0x1F0]  }
0x1de: {  	v13 =	vshll.u32 v12, $0x10;
	v12 =	vand.u32 $0xFFFF0000, v12;
	[tilespmem:s31+$0x220] =	vst v2  }
0x1df: {  	v2 =	vld [tilespmem:s1+$0x30];
	[tilespmem:s31+$0xFFFFFEA0] =	vst v9  }
0x1e0: {  	v9 =	vshll.u32 v7, $0x10;
	v7 =	vand.u32 $0xFFFF0000, v7;
	[tilespmem:s31+$0x2A0] =	vst v8  }
0x1e1: {  	v8 =	vld [tilespmem:s1+$0xB0];
	[tilespmem:s31+$0xFFFFFF20] =	vst v4  }
0x1e2: {  	[tilespmem:s31+$0x320] =	vst v5;
	v0 =	vshll.u32 v6, $0x10;
	v4 =	vand.u32 $0xFFFF0000, v6  }
0x1e3: {  	v5 =	vld [tilespmem:s1+$0x130];
	[tilespmem:s31+$0x3F0] =	vst v4  }
0x1e4: {  	[tilespmem:s31+$0xFFFFFC30] =	vst v1;
	v1 =	vshll.u32 v2, $0x10;
	v2 =	vand.u32 $0xFFFF0000, v2  }
0x1e5: {  	[tilespmem:s31+$0x30] =	vst v11  }
0x1e6: {  	v4 =	vld [tilespmem:s1+$0xFFFFFE40];
	[tilespmem:s31+$0xFFFFFCB0] =	vst v3;
	v3 =	vshll.u32 v8, $0x10;
	v6 =	vand.u32 $0xFFFF0000, v8  }
0x1e7: {  	[tilespmem:s31+$0xB0] =	vst v10  }
0x1e8: {  	v8 =	vld [tilespmem:s1+$0xFFFFFEC0];
	[tilespmem:s31+$0xFFFFFD30] =	vst v13;
	v10 =	vshll.u32 v5, $0x10;
	v5 =	vand.u32 $0xFFFF0000, v5  }
0x1e9: {  	[tilespmem:s31+$0x130] =	vst v12  }
0x1ea: {  	v11 =	vld [tilespmem:s1+$0xFFFFFF40];
	[tilespmem:s31+$0xFFFFFDB0] =	vst v9  }
0x1eb: {  	v9 =	vshll.u32 v4, $0x10;
	v4 =	vand.u32 $0xFFFF0000, v4;
	[tilespmem:s31+$0x1B0] =	vst v7  }
0x1ec: {  	v7 =	vld [tilespmem:s1+$0xFFFFFFC0];
	[tilespmem:s31+$0xFFFFFE30] =	vst v1  }
0x1ed: {  	v1 =	vshll.u32 v8, $0x10;
	v8 =	vand.u32 $0xFFFF0000, v8;
	[tilespmem:s31+$0x230] =	vst v2  }
0x1ee: {  	v2 =	vld [tilespmem:s1+$0x40];
	[tilespmem:s31+$0xFFFFFEB0] =	vst v3  }
0x1ef: {  	v3 =	vshll.u32 v11, $0x10;
	v11 =	vand.u32 $0xFFFF0000, v11;
	[tilespmem:s31+$0x2B0] =	vst v6  }
0x1f0: {  	v6 =	vld [tilespmem:s1+$0xC0];
	[tilespmem:s31+$0xFFFFFF30] =	vst v10  }
0x1f1: {  	v10 =	vshll.u32 v7, $0x10;
	v7 =	vand.u32 $0xFFFF0000, v7;
	[tilespmem:s31+$0x330] =	vst v5  }
0x1f2: {  	[tilespmem:s31+$0xFFFFFC40] =	vst v9;
	v5 =	vld [tilespmem:s1+$0x140]  }
0x1f3: {  	[tilespmem:s31+$0x40] =	vst v4;
	v4 =	vshll.u32 v2, $0x10;
	v2 =	vand.u32 $0xFFFF0000, v2  }
0x1f4: {  	v9 =	vld [tilespmem:s1+$0xFFFFFE50];
	[tilespmem:s31+$0xFFFFFCC0] =	vst v1  }
0x1f5: {  	[tilespmem:s31+$0xC0] =	vst v8;
	v1 =	vshll.u32 v6, $0x10;
	v6 =	vand.u32 $0xFFFF0000, v6  }
0x1f6: {  	v8 =	vld [tilespmem:s1+$0xFFFFFED0];
	[tilespmem:s31+$0xFFFFFD40] =	vst v3  }
0x1f7: {  	[tilespmem:s31+$0x140] =	vst v11;
	v3 =	vshll.u32 v5, $0x10;
	v5 =	vand.u32 $0xFFFF0000, v5  }
0x1f8: {  	v11 =	vld [tilespmem:s1+$0xFFFFFF50];
	[tilespmem:s31+$0xFFFFFDC0] =	vst v10  }
0x1f9: {  	v10 =	vshll.u32 v9, $0x10;
	v9 =	vand.u32 $0xFFFF0000, v9;
	[tilespmem:s31+$0x1C0] =	vst v7  }
0x1fa: {  	v7 =	vld [tilespmem:s1+$0xFFFFFFD0];
	[tilespmem:s31+$0xFFFFFE40] =	vst v4  }
0x1fb: {  	v4 =	vshll.u32 v8, $0x10;
	v8 =	vand.u32 $0xFFFF0000, v8;
	[tilespmem:s31+$0x240] =	vst v2  }
0x1fc: {  	v2 =	vld [tilespmem:s1+$0x50];
	[tilespmem:s31+$0xFFFFFEC0] =	vst v1  }
0x1fd: {  	v1 =	vshll.u32 v11, $0x10;
	v11 =	vand.u32 $0xFFFF0000, v11;
	[tilespmem:s31+$0x2C0] =	vst v6  }
0x1fe: {  	v6 =	vld [tilespmem:s1+$0xD0];
	[tilespmem:s31+$0xFFFFFF40] =	vst v3  }
0x1ff: {  	v3 =	vshll.u32 v7, $0x10;
	v7 =	vand.u32 $0xFFFF0000, v7;
	[tilespmem:s31+$0x340] =	vst v5  }
0x200: {  	[tilespmem:s31+$0xFFFFFC50] =	vst v10;
	v5 =	vld [tilespmem:s1+$0x150]  }
0x201: {  	[tilespmem:s31+$0x50] =	vst v9;
	v9 =	vshll.u32 v2, $0x10;
	v2 =	vand.u32 $0xFFFF0000, v2  }
0x202: {  	v10 =	vld [tilespmem:s1+$0xFFFFFE60];
	[tilespmem:s31+$0xFFFFFCD0] =	vst v4  }
0x203: {  	[tilespmem:s31+$0xD0] =	vst v8;
	v4 =	vshll.u32 v6, $0x10;
	v6 =	vand.u32 $0xFFFF0000, v6  }
0x204: {  	v8 =	vld [tilespmem:s1+$0xFFFFFEE0];
	[tilespmem:s31+$0xFFFFFD50] =	vst v1  }
0x205: {  	[tilespmem:s31+$0x150] =	vst v11;
	v1 =	vshll.u32 v5, $0x10;
	v5 =	vand.u32 $0xFFFF0000, v5  }
0x206: {  	v11 =	vld [tilespmem:s1+$0xFFFFFF60];
	[tilespmem:s31+$0xFFFFFDD0] =	vst v3  }
0x207: {  	v3 =	vshll.u32 v10, $0x10;
	v10 =	vand.u32 $0xFFFF0000, v10;
	[tilespmem:s31+$0x1D0] =	vst v7  }
0x208: {  	v7 =	vld [tilespmem:s1+$0xFFFFFFE0];
	[tilespmem:s31+$0xFFFFFE50] =	vst v9  }
0x209: {  	v9 =	vshll.u32 v8, $0x10;
	v8 =	vand.u32 $0xFFFF0000, v8;
	[tilespmem:s31+$0x250] =	vst v2  }
0x20a: {  	v2 =	vld [tilespmem:s1+$0x60];
	[tilespmem:s31+$0xFFFFFED0] =	vst v4  }
0x20b: {  	v4 =	vshll.u32 v11, $0x10;
	v11 =	vand.u32 $0xFFFF0000, v11;
	[tilespmem:s31+$0x2D0] =	vst v6  }
0x20c: {  	v6 =	vld [tilespmem:s1+$0xE0];
	[tilespmem:s31+$0xFFFFFF50] =	vst v1  }
0x20d: {  	v1 =	vshll.u32 v7, $0x10;
	v7 =	vand.u32 $0xFFFF0000, v7;
	[tilespmem:s31+$0x350] =	vst v5  }
0x20e: {  	[tilespmem:s31+$0xFFFFFC60] =	vst v3;
	v3 =	vld [tilespmem:s1+$0x160]  }
0x20f: {  	[tilespmem:s31+$0x60] =	vst v10;
	v5 =	vshll.u32 v2, $0x10;
	v2 =	vand.u32 $0xFFFF0000, v2  }
0x210: {  	v10 =	vld [tilespmem:s1+$0xFFFFFE70];
	[tilespmem:s31+$0xFFFFFCE0] =	vst v9  }
0x211: {  	[tilespmem:s31+$0xE0] =	vst v8;
	v8 =	vshll.u32 v6, $0x10;
	v6 =	vand.u32 $0xFFFF0000, v6  }
0x212: {  	v9 =	vld [tilespmem:s1+$0xFFFFFEF0];
	[tilespmem:s31+$0xFFFFFD60] =	vst v4  }
0x213: {  	[tilespmem:s31+$0x160] =	vst v11;
	v4 =	vshll.u32 v3, $0x10;
	v3 =	vand.u32 $0xFFFF0000, v3  }
0x214: {  	v11 =	vld [tilespmem:s1+$0xFFFFFF70];
	[tilespmem:s31+$0xFFFFFDE0] =	vst v1  }
0x215: {  	v1 =	vshll.u32 v10, $0x10;
	v10 =	vand.u32 $0xFFFF0000, v10;
	[tilespmem:s31+$0x1E0] =	vst v7  }
0x216: {  	v7 =	vld [tilespmem:s1+$0xFFFFFFF0];
	[tilespmem:s31+$0xFFFFFE60] =	vst v5  }
0x217: {  	v5 =	vshll.u32 v9, $0x10;
	v9 =	vand.u32 $0xFFFF0000, v9;
	[tilespmem:s31+$0x260] =	vst v2  }
0x218: {  	v2 =	vld [tilespmem:s1+$0x70];
	[tilespmem:s31+$0xFFFFFEE0] =	vst v8  }
0x219: {  	v8 =	vshll.u32 v11, $0x10;
	v11 =	vand.u32 $0xFFFF0000, v11;
	[tilespmem:s31+$0x2E0] =	vst v6  }
0x21a: {  	v6 =	vld [tilespmem:s1+$0xF0];
	[tilespmem:s31+$0xFFFFFF60] =	vst v4  }
0x21b: {  	v12 =	vshll.u32 v7, $0x10;
	v7 =	vand.u32 $0xFFFF0000, v7;
	[tilespmem:s31+$0x360] =	vst v3  }
0x21c: {  	[tilespmem:s31+$0xFFFFFC70] =	vst v1;
	v4 =	vld [tilespmem:s1+$0x170]  }
0x21d: {  	[tilespmem:s31+$0x70] =	vst v10;
	v10 =	vshll.u32 v2, $0x10;
	v1 =	vand.u32 $0xFFFF0000, v2  }
0x21e: {  	[tilespmem:s31+$0xFFFFFCF0] =	vst v5  }
0x21f: {  	[tilespmem:s31+$0xF0] =	vst v9;
	v2 =	vshll.u32 v6, $0x10;
	v3 =	vand.u32 $0xFFFF0000, v6  }
.Ltmp1:
0x220: {  	[tilespmem:s31+$0xFFFFFD70] =	vst v8;
	(pc) =	sbr.rel @p0 .LBB2_4-.Ltmp1, $4  }
0x221: {  	[tilespmem:s31+$0x170] =	vst v11;
	v5 =	vshll.u32 v4, $0x10;
	v4 =	vand.u32 $0xFFFF0000, v4  }
0x222: {  	[tilespmem:s31+$0xFFFFFDF0] =	vst v12  }
0x223: {  	[tilespmem:s31+$0x1F0] =	vst v7  }
0x224: {  	s1 =	sadd.s32 $0x400, s1;
	[tilespmem:s31+$0xFFFFFE70] =	vst v10  }
0x225: {  	[tilespmem:s31+$0x270] =	vst v1  }
0x226: {  	[tilespmem:s31+$0xFFFFFEF0] =	vst v2  }
0x227: {  	[tilespmem:s31+$0x2F0] =	vst v3  }
0x228: {  	[tilespmem:s31+$0xFFFFFF70] =	vst v5  }
0x229: {  	[tilespmem:s31+$0x370] =	vst v4  }
0x22a: {  	[tilespmem:s31+$0xFFFFFFF0] =	vst v0  }
0x22b: {  	[hbm4b:s6+s2] =	stream.linear.scatter [tilespmem:s23], [sflag:$0x5], $0x6000, $0x38;
	[tilespmem:$0x1C200] =	vst v63  }
0x22c: {  	_ = 	snop  }
0x22d: {  	[tilespmem:s16], [sflag:$0x2] =	stream.indirect.gather [hbm4b:s3+s15], $0x80, s24, s15, $0xb8;
	[tilespmem:$0x1C200] =	vst v63  }
0x22e: {  	_ =	swait.ge [sflag:s25], $0x4000  }
0x22f: {  	[sflag:s25] =	ssyncset.done $0x0  }
0x230: {  	[sflag:s25] =	ssyncadd.s32 $0xFFFFC000  }
0x231: {  	_ =	swait.ge [sflag:s26], $0x2000  }
0x232: {  	[sflag:s26] =	ssyncset.done $0x0  }
0x233: {  	s0 =	simm.s32 $0x8400;
	[sflag:s26] =	ssyncadd.s32 $0xFFFFE000  }
0x234: {  	v0 =	vld [tilespmem:s0+$0x180];
	_ =	sdelay $0x1  }
0x235: {  	v1 =	vld [tilespmem:s0+$0xFFFFFE80];
	_ =	sdelay $0x1  }
0x236: {  	v2 =	vld [tilespmem:s0+$0xFFFFFF00]  }
0x237: {  	s31 =	simm.s32 $0xC600;
	v3 =	vshll.u32 v0, $0x10  }
0x238: {  	v4 =	vld [tilespmem:s0+$0xFFFFFF80];
	v0 =	vand.u32 $0xFFFF0000, v0;
	[tilespmem:s31+$0xFFFFFF80] =	vst v3  }
0x239: {  	v5 =	vld [tilespmem:s0+$0xFFFFFE00];
	v3 =	vshll.u32 v1, $0x10;
	[tilespmem:s31+$0x380] =	vst v0  }
0x23a: {  	v0 =	vand.u32 $0xFFFF0000, v1;
	[tilespmem:s31+$0xFFFFFC80] =	vst v3;
	v1 =	vld [tilespmem:s0+$0x190]  }
0x23b: {  	v3 =	vshll.u32 v2, $0x10;
	[tilespmem:s31+$0x80] =	vst v0  }
0x23c: {  	v0 =	vand.u32 $0xFFFF0000, v2;
	[tilespmem:s31+$0xFFFFFD00] =	vst v3  }
0x23d: {  	v2 =	vshll.u32 v4, $0x10;
	[tilespmem:s31+$0x100] =	vst v0  }
0x23e: {  	v0 =	vld [tilespmem:s0+$0x0];
	v3 =	vshll.u32 v5, $0x10;
	[tilespmem:s31+$0xFFFFFD80] =	vst v2  }
0x23f: {  	[tilespmem:s31+$0xFFFFFC00] =	vst v3;
	v2 =	vshll.u32 v1, $0x10  }
0x240: {  	v3 =	vld [tilespmem:s0+$0x80];
	v1 =	vand.u32 $0xFFFF0000, v1;
	[tilespmem:s31+$0xFFFFFF90] =	vst v2  }
0x241: {  	v2 =	vand.u32 $0xFFFF0000, v5;
	[tilespmem:s31+$0x390] =	vst v1  }
0x242: {  	v1 =	vand.u32 $0xFFFF0000, v4;
	[tilespmem:s31+$0x0] =	vst v2;
	v2 =	vld [tilespmem:s0+$0x1A0]  }
0x243: {  	v4 =	vshll.u32 v0, $0x10;
	[tilespmem:s31+$0x180] =	vst v1  }
0x244: {  	v0 =	vand.u32 $0xFFFF0000, v0;
	v1 =	vld [tilespmem:s0+$0x100];
	[tilespmem:s31+$0xFFFFFE00] =	vst v4  }
0x245: {  	v4 =	vshll.u32 v3, $0x10;
	[tilespmem:s31+$0x200] =	vst v0  }
0x246: {  	v0 =	vand.u32 $0xFFFF0000, v3;
	v3 =	vld [tilespmem:s0+$0xFFFFFE10];
	[tilespmem:s31+$0xFFFFFE80] =	vst v4  }
0x247: {  	[tilespmem:s31+$0x280] =	vst v0;
	v0 =	vshll.u32 v2, $0x10  }
0x248: {  	v4 =	vld [tilespmem:s0+$0xFFFFFE90];
	[tilespmem:s31+$0xFFFFFFA0] =	vst v0;
	v0 =	vand.u32 $0xFFFF0000, v2  }
0x249: {  	v2 =	vshll.u32 v1, $0x10;
	[tilespmem:s31+$0x3A0] =	vst v0  }
0x24a: {  	v0 =	vand.u32 $0xFFFF0000, v1;
	[tilespmem:s31+$0xFFFFFF00] =	vst v2;
	v1 =	vld [tilespmem:s0+$0x1B0]  }
0x24b: {  	v2 =	vshll.u32 v3, $0x10;
	[tilespmem:s31+$0x300] =	vst v0  }
0x24c: {  	v3 =	vand.u32 $0xFFFF0000, v3;
	v0 =	vld [tilespmem:s0+$0xFFFFFF10];
	[tilespmem:s31+$0xFFFFFC10] =	vst v2  }
0x24d: {  	v2 =	vshll.u32 v4, $0x10;
	[tilespmem:s31+$0x10] =	vst v3  }
0x24e: {  	v3 =	vand.u32 $0xFFFF0000, v4;
	v4 =	vld [tilespmem:s0+$0xFFFFFF90];
	[tilespmem:s31+$0xFFFFFC90] =	vst v2  }
0x24f: {  	[tilespmem:s31+$0x90] =	vst v3;
	v2 =	vshll.u32 v1, $0x10  }
0x250: {  	v3 =	vld [tilespmem:s0+$0x10];
	v1 =	vand.u32 $0xFFFF0000, v1;
	[tilespmem:s31+$0xFFFFFFB0] =	vst v2  }
0x251: {  	v2 =	vshll.u32 v0, $0x10;
	[tilespmem:s31+$0x3B0] =	vst v1  }
0x252: {  	v0 =	vand.u32 $0xFFFF0000, v0;
	[tilespmem:s31+$0xFFFFFD10] =	vst v2;
	v1 =	vld [tilespmem:s0+$0x1C0]  }
0x253: {  	v2 =	vshll.u32 v4, $0x10;
	[tilespmem:s31+$0x110] =	vst v0  }
0x254: {  	v0 =	vld [tilespmem:s0+$0x90];
	v4 =	vand.u32 $0xFFFF0000, v4;
	[tilespmem:s31+$0xFFFFFD90] =	vst v2  }
0x255: {  	v2 =	vshll.u32 v3, $0x10;
	[tilespmem:s31+$0x190] =	vst v4  }
0x256: {  	v3 =	vand.u32 $0xFFFF0000, v3;
	v4 =	vld [tilespmem:s0+$0x110];
	[tilespmem:s31+$0xFFFFFE10] =	vst v2  }
0x257: {  	[tilespmem:s31+$0x210] =	vst v3;
	v2 =	vshll.u32 v1, $0x10  }
0x258: {  	v3 =	vld [tilespmem:s0+$0xFFFFFE20];
	v1 =	vand.u32 $0xFFFF0000, v1;
	[tilespmem:s31+$0xFFFFFFC0] =	vst v2  }
0x259: {  	v2 =	vshll.u32 v0, $0x10;
	[tilespmem:s31+$0x3C0] =	vst v1  }
0x25a: {  	v0 =	vand.u32 $0xFFFF0000, v0;
	[tilespmem:s31+$0xFFFFFE90] =	vst v2;
	v1 =	vld [tilespmem:s0+$0x1D0]  }
0x25b: {  	v2 =	vshll.u32 v4, $0x10;
	[tilespmem:s31+$0x290] =	vst v0  }
0x25c: {  	v0 =	vld [tilespmem:s0+$0xFFFFFEA0];
	v4 =	vand.u32 $0xFFFF0000, v4;
	[tilespmem:s31+$0xFFFFFF10] =	vst v2  }
0x25d: {  	v2 =	vshll.u32 v3, $0x10;
	[tilespmem:s31+$0x310] =	vst v4  }
0x25e: {  	v3 =	vand.u32 $0xFFFF0000, v3;
	v4 =	vld [tilespmem:s0+$0xFFFFFF20];
	[tilespmem:s31+$0xFFFFFC20] =	vst v2  }
0x25f: {  	[tilespmem:s31+$0x20] =	vst v3;
	v2 =	vshll.u32 v1, $0x10  }
0x260: {  	v3 =	vld [tilespmem:s0+$0xFFFFFFA0];
	v1 =	vand.u32 $0xFFFF0000, v1;
	[tilespmem:s31+$0xFFFFFFD0] =	vst v2  }
0x261: {  	v2 =	vshll.u32 v0, $0x10;
	[tilespmem:s31+$0x3D0] =	vst v1  }
0x262: {  	v0 =	vand.u32 $0xFFFF0000, v0;
	[tilespmem:s31+$0xFFFFFCA0] =	vst v2;
	v1 =	vld [tilespmem:s0+$0x1E0]  }
0x263: {  	v2 =	vshll.u32 v4, $0x10;
	[tilespmem:s31+$0xA0] =	vst v0  }
0x264: {  	v0 =	vld [tilespmem:s0+$0x20];
	v4 =	vand.u32 $0xFFFF0000, v4;
	[tilespmem:s31+$0xFFFFFD20] =	vst v2  }
0x265: {  	v2 =	vshll.u32 v3, $0x10;
	[tilespmem:s31+$0x120] =	vst v4  }
0x266: {  	v3 =	vand.u32 $0xFFFF0000, v3;
	v4 =	vld [tilespmem:s0+$0xA0];
	[tilespmem:s31+$0xFFFFFDA0] =	vst v2  }
0x267: {  	[tilespmem:s31+$0x1A0] =	vst v3;
	v2 =	vshll.u32 v1, $0x10  }
0x268: {  	v3 =	vld [tilespmem:s0+$0x120];
	v1 =	vand.u32 $0xFFFF0000, v1;
	[tilespmem:s31+$0xFFFFFFE0] =	vst v2  }
0x269: {  	v2 =	vshll.u32 v0, $0x10;
	[tilespmem:s31+$0x3E0] =	vst v1  }
0x26a: {  	v1 =	vand.u32 $0xFFFF0000, v0;
	[tilespmem:s31+$0xFFFFFE20] =	vst v2;
	v0 =	vld [tilespmem:s0+$0x1F0]  }
0x26b: {  	v5 =	vshll.u32 v4, $0x10;
	v2 =	vld [tilespmem:s0+$0xFFFFFE30];
	[tilespmem:s31+$0x220] =	vst v1  }
0x26c: {  	v1 =	vand.u32 $0xFFFF0000, v4;
	[tilespmem:s31+$0xFFFFFEA0] =	vst v5  }
0x26d: {  	v4 =	vshll.u32 v3, $0x10;
	v5 =	vld [tilespmem:s0+$0xFFFFFEB0];
	[tilespmem:s31+$0x2A0] =	vst v1  }
0x26e: {  	v1 =	vand.u32 $0xFFFF0000, v3;
	[tilespmem:s31+$0xFFFFFF20] =	vst v4  }
0x26f: {  	v3 =	vld [tilespmem:s0+$0xFFFFFF30];
	[tilespmem:s31+$0x320] =	vst v1;
	v1 =	vand.u32 $0xFFFF0000, v0  }
0x270: {  	v4 =	vshll.u32 v2, $0x10;
	[tilespmem:s31+$0x3F0] =	vst v1  }
0x271: {  	v1 =	vand.u32 $0xFFFF0000, v2;
	v2 =	vld [tilespmem:s0+$0xFFFFFFB0];
	[tilespmem:s31+$0xFFFFFC30] =	vst v4  }
0x272: {  	v4 =	vshll.u32 v5, $0x10;
	[tilespmem:s31+$0x30] =	vst v1  }
0x273: {  	v1 =	vand.u32 $0xFFFF0000, v5;
	v5 =	vld [tilespmem:s0+$0x30];
	[tilespmem:s31+$0xFFFFFCB0] =	vst v4  }
0x274: {  	v4 =	vshll.u32 v3, $0x10;
	[tilespmem:s31+$0xB0] =	vst v1  }
0x275: {  	v1 =	vand.u32 $0xFFFF0000, v3;
	v3 =	vld [tilespmem:s0+$0xB0];
	[tilespmem:s31+$0xFFFFFD30] =	vst v4  }
0x276: {  	[tilespmem:s31+$0x130] =	vst v1;
	v4 =	vshll.u32 v2, $0x10  }
0x277: {  	v1 =	vand.u32 $0xFFFF0000, v2;
	v2 =	vld [tilespmem:s0+$0x130];
	[tilespmem:s31+$0xFFFFFDB0] =	vst v4  }
0x278: {  	v4 =	vshll.u32 v5, $0x10;
	[tilespmem:s31+$0x1B0] =	vst v1  }
0x279: {  	v1 =	vand.u32 $0xFFFF0000, v5;
	v5 =	vld [tilespmem:s0+$0xFFFFFE40];
	[tilespmem:s31+$0xFFFFFE30] =	vst v4  }
0x27a: {  	v4 =	vshll.u32 v3, $0x10;
	[tilespmem:s31+$0x230] =	vst v1  }
0x27b: {  	v1 =	vand.u32 $0xFFFF0000, v3;
	v3 =	vld [tilespmem:s0+$0xFFFFFEC0];
	[tilespmem:s31+$0xFFFFFEB0] =	vst v4  }
0x27c: {  	[tilespmem:s31+$0x2B0] =	vst v1;
	v4 =	vshll.u32 v2, $0x10  }
0x27d: {  	v1 =	vand.u32 $0xFFFF0000, v2;
	v2 =	vld [tilespmem:s0+$0xFFFFFF40];
	[tilespmem:s31+$0xFFFFFF30] =	vst v4  }
0x27e: {  	v4 =	vshll.u32 v5, $0x10;
	[tilespmem:s31+$0x330] =	vst v1  }
0x27f: {  	v1 =	vand.u32 $0xFFFF0000, v5;
	v5 =	vld [tilespmem:s0+$0xFFFFFFC0];
	[tilespmem:s31+$0xFFFFFC40] =	vst v4  }
0x280: {  	v4 =	vshll.u32 v3, $0x10;
	[tilespmem:s31+$0x40] =	vst v1  }
0x281: {  	v1 =	vand.u32 $0xFFFF0000, v3;
	v3 =	vld [tilespmem:s0+$0x40];
	[tilespmem:s31+$0xFFFFFCC0] =	vst v4  }
0x282: {  	[tilespmem:s31+$0xC0] =	vst v1;
	v4 =	vshll.u32 v2, $0x10  }
0x283: {  	v1 =	vand.u32 $0xFFFF0000, v2;
	v2 =	vld [tilespmem:s0+$0xC0];
	[tilespmem:s31+$0xFFFFFD40] =	vst v4  }
0x284: {  	v4 =	vshll.u32 v5, $0x10;
	[tilespmem:s31+$0x140] =	vst v1  }
0x285: {  	v1 =	vand.u32 $0xFFFF0000, v5;
	v5 =	vld [tilespmem:s0+$0x140];
	[tilespmem:s31+$0xFFFFFDC0] =	vst v4  }
0x286: {  	v4 =	vshll.u32 v3, $0x10;
	[tilespmem:s31+$0x1C0] =	vst v1  }
0x287: {  	v1 =	vand.u32 $0xFFFF0000, v3;
	v3 =	vld [tilespmem:s0+$0xFFFFFE50];
	[tilespmem:s31+$0xFFFFFE40] =	vst v4  }
0x288: {  	[tilespmem:s31+$0x240] =	vst v1;
	v4 =	vshll.u32 v2, $0x10  }
0x289: {  	v1 =	vand.u32 $0xFFFF0000, v2;
	v2 =	vld [tilespmem:s0+$0xFFFFFED0];
	[tilespmem:s31+$0xFFFFFEC0] =	vst v4  }
0x28a: {  	v4 =	vshll.u32 v5, $0x10;
	[tilespmem:s31+$0x2C0] =	vst v1  }
0x28b: {  	v1 =	vand.u32 $0xFFFF0000, v5;
	v5 =	vld [tilespmem:s0+$0xFFFFFF50];
	[tilespmem:s31+$0xFFFFFF40] =	vst v4  }
0x28c: {  	v4 =	vshll.u32 v3, $0x10;
	[tilespmem:s31+$0x340] =	vst v1  }
0x28d: {  	v1 =	vand.u32 $0xFFFF0000, v3;
	v3 =	vld [tilespmem:s0+$0xFFFFFFD0];
	[tilespmem:s31+$0xFFFFFC50] =	vst v4  }
0x28e: {  	[tilespmem:s31+$0x50] =	vst v1;
	v4 =	vshll.u32 v2, $0x10  }
0x28f: {  	v1 =	vand.u32 $0xFFFF0000, v2;
	v2 =	vld [tilespmem:s0+$0x50];
	[tilespmem:s31+$0xFFFFFCD0] =	vst v4  }
0x290: {  	v4 =	vshll.u32 v5, $0x10;
	[tilespmem:s31+$0xD0] =	vst v1  }
0x291: {  	v1 =	vand.u32 $0xFFFF0000, v5;
	v5 =	vld [tilespmem:s0+$0xD0];
	[tilespmem:s31+$0xFFFFFD50] =	vst v4  }
0x292: {  	v4 =	vshll.u32 v3, $0x10;
	[tilespmem:s31+$0x150] =	vst v1  }
0x293: {  	v1 =	vand.u32 $0xFFFF0000, v3;
	v3 =	vld [tilespmem:s0+$0x150];
	[tilespmem:s31+$0xFFFFFDD0] =	vst v4  }
0x294: {  	[tilespmem:s31+$0x1D0] =	vst v1;
	v4 =	vshll.u32 v2, $0x10  }
0x295: {  	v1 =	vand.u32 $0xFFFF0000, v2;
	v2 =	vld [tilespmem:s0+$0xFFFFFE60];
	[tilespmem:s31+$0xFFFFFE50] =	vst v4  }
0x296: {  	v4 =	vshll.u32 v5, $0x10;
	[tilespmem:s31+$0x250] =	vst v1  }
0x297: {  	v1 =	vand.u32 $0xFFFF0000, v5;
	v5 =	vld [tilespmem:s0+$0xFFFFFEE0];
	[tilespmem:s31+$0xFFFFFED0] =	vst v4  }
0x298: {  	v4 =	vshll.u32 v3, $0x10;
	[tilespmem:s31+$0x2D0] =	vst v1  }
0x299: {  	v1 =	vand.u32 $0xFFFF0000, v3;
	v3 =	vld [tilespmem:s0+$0xFFFFFF60];
	[tilespmem:s31+$0xFFFFFF50] =	vst v4  }
0x29a: {  	[tilespmem:s31+$0x350] =	vst v1;
	v4 =	vshll.u32 v2, $0x10  }
0x29b: {  	v1 =	vand.u32 $0xFFFF0000, v2;
	v2 =	vld [tilespmem:s0+$0xFFFFFFE0];
	[tilespmem:s31+$0xFFFFFC60] =	vst v4  }
0x29c: {  	v4 =	vshll.u32 v5, $0x10;
	[tilespmem:s31+$0x60] =	vst v1  }
0x29d: {  	v1 =	vand.u32 $0xFFFF0000, v5;
	v5 =	vld [tilespmem:s0+$0x60];
	[tilespmem:s31+$0xFFFFFCE0] =	vst v4  }
0x29e: {  	v4 =	vshll.u32 v3, $0x10;
	[tilespmem:s31+$0xE0] =	vst v1  }
0x29f: {  	v1 =	vand.u32 $0xFFFF0000, v3;
	v3 =	vld [tilespmem:s0+$0xE0];
	[tilespmem:s31+$0xFFFFFD60] =	vst v4  }
0x2a0: {  	[tilespmem:s31+$0x160] =	vst v1;
	v4 =	vshll.u32 v2, $0x10  }
0x2a1: {  	v1 =	vand.u32 $0xFFFF0000, v2;
	v2 =	vld [tilespmem:s0+$0x160];
	[tilespmem:s31+$0xFFFFFDE0] =	vst v4  }
0x2a2: {  	v4 =	vshll.u32 v5, $0x10;
	[tilespmem:s31+$0x1E0] =	vst v1  }
0x2a3: {  	v1 =	vand.u32 $0xFFFF0000, v5;
	v5 =	vld [tilespmem:s0+$0xFFFFFE70];
	[tilespmem:s31+$0xFFFFFE60] =	vst v4  }
0x2a4: {  	v4 =	vshll.u32 v3, $0x10;
	[tilespmem:s31+$0x260] =	vst v1  }
0x2a5: {  	v1 =	vand.u32 $0xFFFF0000, v3;
	v3 =	vld [tilespmem:s0+$0xFFFFFEF0];
	[tilespmem:s31+$0xFFFFFEE0] =	vst v4  }
0x2a6: {  	[tilespmem:s31+$0x2E0] =	vst v1;
	v4 =	vshll.u32 v2, $0x10  }
0x2a7: {  	v6 =	vld [tilespmem:s0+$0x70];
	v1 =	vand.u32 $0xFFFF0000, v2;
	[tilespmem:s31+$0xFFFFFF60] =	vst v4  }
0x2a8: {  	v2 =	vld [tilespmem:s0+$0xFFFFFF70];
	v4 =	vshll.u32 v5, $0x10;
	[tilespmem:s31+$0x360] =	vst v1  }
0x2a9: {  	v1 =	vand.u32 $0xFFFF0000, v5;
	[tilespmem:s31+$0xFFFFFC70] =	vst v4  }
0x2aa: {  	v5 =	vld [tilespmem:s0+$0xFFFFFFF0];
	v4 =	vshll.u32 v3, $0x10;
	[tilespmem:s31+$0x70] =	vst v1  }
0x2ab: {  	v1 =	vand.u32 $0xFFFF0000, v3;
	v3 =	vld [tilespmem:s0+$0xF0];
	[tilespmem:s31+$0xFFFFFCF0] =	vst v4  }
0x2ac: {  	v7 =	vld [tilespmem:s0+$0x170];
	[tilespmem:s31+$0xF0] =	vst v1;
	v8 =	vshll.u32 v6, $0x10  }
0x2ad: {  	[tilespmem:s31+$0xFFFFFE70] =	vst v8;
	v4 =	vshll.u32 v2, $0x10  }
0x2ae: {  	v1 =	vand.u32 $0xFFFF0000, v2;
	[tilespmem:s31+$0xFFFFFD70] =	vst v4  }
0x2af: {  	v0 =	vshll.u32 v0, $0x10;
	v2 =	vshll.u32 v5, $0x10;
	[tilespmem:s31+$0x170] =	vst v1  }
0x2b0: {  	v4 =	vand.u32 $0xFFFF0000, v5;
	v1 =	vand.u32 $0xFFFF0000, v6;
	[tilespmem:s31+$0xFFFFFDF0] =	vst v2;
	v2 =	vshll.u32 v3, $0x10  }
0x2b1: {  	s1 =	simm.s32 $0x8800;
	s0 =	simm.s32 $0x0;
	[tilespmem:s31+$0x1F0] =	vst v4;
	v3 =	vand.u32 $0xFFFF0000, v3;
	v5 =	vshll.u32 v7, $0x10;
	v4 =	vand.u32 $0xFFFF0000, v7  }
.LBB2_6:
0x2b2: {  	v6 =	vld [tilespmem:s1+$0x180];
	[tilespmem:s31+$0x270] =	vst v1  }
0x2b3: {  	v1 =	vld [tilespmem:s1+$0xFFFFFE80];
	[tilespmem:s31+$0xFFFFFEF0] =	vst v2  }
0x2b4: {  	v2 =	vld [tilespmem:s1+$0xFFFFFF00];
	[tilespmem:s31+$0x2F0] =	vst v3  }
0x2b5: {  	v3 =	vld [tilespmem:s1+$0xFFFFFF80];
	[tilespmem:s31+$0xFFFFFF70] =	vst v5  }
0x2b6: {  	v5 =	vld [tilespmem:s1+$0x0];
	[tilespmem:s31+$0x370] =	vst v4  }
0x2b7: {  	v4 =	vld [tilespmem:s1+$0x80];
	v7 =	vshll.u32 v6, $0x10;
	[tilespmem:s31+$0xFFFFFFF0] =	vst v0;
	s31 =	sadd.s32 $0x800, s31  }
0x2b8: {  	v6 =	vand.u32 $0xFFFF0000, v6;
	v0 =	vshll.u32 v1, $0x10;
	v1 =	vand.u32 $0xFFFF0000, v1;
	v8 =	vld [tilespmem:s1+$0x100];
	[tilespmem:s31+$0xFFFFFF80] =	vst v7  }
0x2b9: {  	s0 =	sadd.s32 $0x8, s0;
	v7 =	vld [tilespmem:s1+$0xFFFFFE00];
	v9 =	vshll.u32 v2, $0x10;
	v2 =	vand.u32 $0xFFFF0000, v2;
	[tilespmem:s31+$0x380] =	vst v6  }
0x2ba: {  	p0 =	slt.u32 s0, $0x78;
	[tilespmem:s31+$0xFFFFFC80] =	vst v0;
	v0 =	vshll.u32 v3, $0x10;
	v3 =	vand.u32 $0xFFFF0000, v3;
	v6 =	vld [tilespmem:s1+$0x190]  }
0x2bb: {  	[tilespmem:s31+$0x80] =	vst v1;
	v1 =	vshll.u32 v5, $0x10;
	v5 =	vand.u32 $0xFFFF0000, v5  }
0x2bc: {  	v10 =	vld [tilespmem:s1+$0xFFFFFE90];
	[tilespmem:s31+$0xFFFFFD00] =	vst v9;
	v9 =	vshll.u32 v4, $0x10;
	v4 =	vand.u32 $0xFFFF0000, v4  }
0x2bd: {  	[tilespmem:s31+$0x100] =	vst v2;
	v2 =	vshll.u32 v8, $0x10;
	v8 =	vand.u32 $0xFFFF0000, v8  }
0x2be: {  	v11 =	vshll.u32 v7, $0x10;
	v7 =	vand.u32 $0xFFFF0000, v7;
	v12 =	vld [tilespmem:s1+$0xFFFFFF10];
	[tilespmem:s31+$0xFFFFFD80] =	vst v0  }
0x2bf: {  	[tilespmem:s31+$0xFFFFFC00] =	vst v11;
	v0 =	vshll.u32 v6, $0x10  }
0x2c0: {  	[tilespmem:s31+$0xFFFFFF90] =	vst v0;
	v0 =	vand.u32 $0xFFFF0000, v6  }
0x2c1: {  	v6 =	vshll.u32 v10, $0x10;
	v10 =	vand.u32 $0xFFFF0000, v10;
	[tilespmem:s31+$0x390] =	vst v0  }
0x2c2: {  	[tilespmem:s31+$0x0] =	vst v7;
	v0 =	vld [tilespmem:s1+$0x1A0]  }
0x2c3: {  	v7 =	vld [tilespmem:s1+$0xFFFFFE10];
	v11 =	vshll.u32 v12, $0x10;
	v12 =	vand.u32 $0xFFFF0000, v12;
	[tilespmem:s31+$0x180] =	vst v3  }
0x2c4: {  	v3 =	vld [tilespmem:s1+$0xFFFFFF90];
	[tilespmem:s31+$0xFFFFFE00] =	vst v1  }
0x2c5: {  	[tilespmem:s31+$0x200] =	vst v5  }
0x2c6: {  	v1 =	vld [tilespmem:s1+$0x10];
	[tilespmem:s31+$0xFFFFFE80] =	vst v9  }
0x2c7: {  	[tilespmem:s31+$0x280] =	vst v4;
	v4 =	vshll.u32 v0, $0x10  }
0x2c8: {  	v0 =	vand.u32 $0xFFFF0000, v0;
	v5 =	vshll.u32 v7, $0x10;
	v7 =	vand.u32 $0xFFFF0000, v7;
	v9 =	vld [tilespmem:s1+$0x90];
	[tilespmem:s31+$0xFFFFFFA0] =	vst v4  }
0x2c9: {  	v4 =	vshll.u32 v3, $0x10;
	v3 =	vand.u32 $0xFFFF0000, v3;
	[tilespmem:s31+$0x3A0] =	vst v0  }
0x2ca: {  	[tilespmem:s31+$0xFFFFFF00] =	vst v2;
	v0 =	vld [tilespmem:s1+$0x1B0]  }
0x2cb: {  	v2 =	vshll.u32 v1, $0x10;
	v1 =	vand.u32 $0xFFFF0000, v1;
	[tilespmem:s31+$0x300] =	vst v8  }
0x2cc: {  	[tilespmem:s31+$0xFFFFFC10] =	vst v5;
	v5 =	vld [tilespmem:s1+$0x110]  }
0x2cd: {  	[tilespmem:s31+$0x10] =	vst v7;
	v7 =	vshll.u32 v9, $0x10;
	v8 =	vand.u32 $0xFFFF0000, v9  }
0x2ce: {  	v9 =	vld [tilespmem:s1+$0xFFFFFE20];
	[tilespmem:s31+$0xFFFFFC90] =	vst v6  }
0x2cf: {  	[tilespmem:s31+$0x90] =	vst v10;
	v6 =	vshll.u32 v0, $0x10  }
0x2d0: {  	v0 =	vand.u32 $0xFFFF0000, v0;
	v10 =	vld [tilespmem:s1+$0xFFFFFEA0];
	[tilespmem:s31+$0xFFFFFFB0] =	vst v6  }
0x2d1: {  	v6 =	vshll.u32 v5, $0x10;
	v5 =	vand.u32 $0xFFFF0000, v5;
	[tilespmem:s31+$0x3B0] =	vst v0  }
0x2d2: {  	[tilespmem:s31+$0xFFFFFD10] =	vst v11;
	v0 =	vld [tilespmem:s1+$0x1C0]  }
0x2d3: {  	v11 =	vshll.u32 v9, $0x10;
	v9 =	vand.u32 $0xFFFF0000, v9;
	[tilespmem:s31+$0x110] =	vst v12  }
0x2d4: {  	v12 =	vld [tilespmem:s1+$0xFFFFFF20];
	[tilespmem:s31+$0xFFFFFD90] =	vst v4  }
0x2d5: {  	v4 =	vshll.u32 v10, $0x10;
	v10 =	vand.u32 $0xFFFF0000, v10;
	[tilespmem:s31+$0x190] =	vst v3  }
0x2d6: {  	v3 =	vld [tilespmem:s1+$0xFFFFFFA0];
	[tilespmem:s31+$0xFFFFFE10] =	vst v2  }
0x2d7: {  	[tilespmem:s31+$0x210] =	vst v1;
	v1 =	vshll.u32 v0, $0x10  }
0x2d8: {  	v0 =	vand.u32 $0xFFFF0000, v0;
	v2 =	vld [tilespmem:s1+$0x20];
	[tilespmem:s31+$0xFFFFFFC0] =	vst v1  }
0x2d9: {  	v1 =	vshll.u32 v12, $0x10;
	v12 =	vand.u32 $0xFFFF0000, v12;
	[tilespmem:s31+$0x3C0] =	vst v0  }
0x2da: {  	[tilespmem:s31+$0xFFFFFE90] =	vst v7;
	v0 =	vld [tilespmem:s1+$0x1D0]  }
0x2db: {  	v7 =	vshll.u32 v3, $0x10;
	v3 =	vand.u32 $0xFFFF0000, v3;
	[tilespmem:s31+$0x290] =	vst v8  }
0x2dc: {  	v8 =	vld [tilespmem:s1+$0xA0];
	[tilespmem:s31+$0xFFFFFF10] =	vst v6  }
0x2dd: {  	v6 =	vshll.u32 v2, $0x10;
	v2 =	vand.u32 $0xFFFF0000, v2;
	[tilespmem:s31+$0x310] =	vst v5  }
0x2de: {  	[tilespmem:s31+$0xFFFFFC20] =	vst v11;
	v5 =	vld [tilespmem:s1+$0x120]  }
0x2df: {  	[tilespmem:s31+$0x20] =	vst v9;
	v9 =	vshll.u32 v0, $0x10  }
0x2e0: {  	v0 =	vand.u32 $0xFFFF0000, v0;
	v11 =	vld [tilespmem:s1+$0xFFFFFE30];
	[tilespmem:s31+$0xFFFFFFD0] =	vst v9  }
0x2e1: {  	v9 =	vshll.u32 v8, $0x10;
	v8 =	vand.u32 $0xFFFF0000, v8;
	[tilespmem:s31+$0x3D0] =	vst v0  }
0x2e2: {  	[tilespmem:s31+$0xFFFFFCA0] =	vst v4;
	v0 =	vld [tilespmem:s1+$0x1E0]  }
0x2e3: {  	[tilespmem:s31+$0xA0] =	vst v10;
	v4 =	vshll.u32 v5, $0x10;
	v5 =	vand.u32 $0xFFFF0000, v5  }
0x2e4: {  	v10 =	vld [tilespmem:s1+$0xFFFFFEB0];
	[tilespmem:s31+$0xFFFFFD20] =	vst v1  }
0x2e5: {  	v1 =	vshll.u32 v11, $0x10;
	v11 =	vand.u32 $0xFFFF0000, v11;
	[tilespmem:s31+$0x120] =	vst v12  }
0x2e6: {  	v12 =	vld [tilespmem:s1+$0xFFFFFF30];
	[tilespmem:s31+$0xFFFFFDA0] =	vst v7  }
0x2e7: {  	[tilespmem:s31+$0x1A0] =	vst v3;
	v3 =	vshll.u32 v0, $0x10  }
0x2e8: {  	v0 =	vand.u32 $0xFFFF0000, v0;
	v7 =	vld [tilespmem:s1+$0xFFFFFFB0];
	[tilespmem:s31+$0xFFFFFFE0] =	vst v3  }
0x2e9: {  	v3 =	vshll.u32 v10, $0x10;
	v10 =	vand.u32 $0xFFFF0000, v10;
	[tilespmem:s31+$0x3E0] =	vst v0  }
0x2ea: {  	[tilespmem:s31+$0xFFFFFE20] =	vst v6;
	v6 =	vld [tilespmem:s1+$0x1F0]  }
0x2eb: {  	v13 =	vshll.u32 v12, $0x10;
	v12 =	vand.u32 $0xFFFF0000, v12;
	[tilespmem:s31+$0x220] =	vst v2  }
0x2ec: {  	v2 =	vld [tilespmem:s1+$0x30];
	[tilespmem:s31+$0xFFFFFEA0] =	vst v9  }
0x2ed: {  	v9 =	vshll.u32 v7, $0x10;
	v7 =	vand.u32 $0xFFFF0000, v7;
	[tilespmem:s31+$0x2A0] =	vst v8  }
0x2ee: {  	v8 =	vld [tilespmem:s1+$0xB0];
	[tilespmem:s31+$0xFFFFFF20] =	vst v4  }
0x2ef: {  	[tilespmem:s31+$0x320] =	vst v5;
	v0 =	vshll.u32 v6, $0x10;
	v4 =	vand.u32 $0xFFFF0000, v6  }
0x2f0: {  	v5 =	vld [tilespmem:s1+$0x130];
	[tilespmem:s31+$0x3F0] =	vst v4  }
0x2f1: {  	[tilespmem:s31+$0xFFFFFC30] =	vst v1;
	v1 =	vshll.u32 v2, $0x10;
	v2 =	vand.u32 $0xFFFF0000, v2  }
0x2f2: {  	[tilespmem:s31+$0x30] =	vst v11  }
0x2f3: {  	v4 =	vld [tilespmem:s1+$0xFFFFFE40];
	[tilespmem:s31+$0xFFFFFCB0] =	vst v3;
	v3 =	vshll.u32 v8, $0x10;
	v6 =	vand.u32 $0xFFFF0000, v8  }
0x2f4: {  	[tilespmem:s31+$0xB0] =	vst v10  }
0x2f5: {  	v8 =	vld [tilespmem:s1+$0xFFFFFEC0];
	[tilespmem:s31+$0xFFFFFD30] =	vst v13;
	v10 =	vshll.u32 v5, $0x10;
	v5 =	vand.u32 $0xFFFF0000, v5  }
0x2f6: {  	[tilespmem:s31+$0x130] =	vst v12  }
0x2f7: {  	v11 =	vld [tilespmem:s1+$0xFFFFFF40];
	[tilespmem:s31+$0xFFFFFDB0] =	vst v9  }
0x2f8: {  	v9 =	vshll.u32 v4, $0x10;
	v4 =	vand.u32 $0xFFFF0000, v4;
	[tilespmem:s31+$0x1B0] =	vst v7  }
0x2f9: {  	v7 =	vld [tilespmem:s1+$0xFFFFFFC0];
	[tilespmem:s31+$0xFFFFFE30] =	vst v1  }
0x2fa: {  	v1 =	vshll.u32 v8, $0x10;
	v8 =	vand.u32 $0xFFFF0000, v8;
	[tilespmem:s31+$0x230] =	vst v2  }
0x2fb: {  	v2 =	vld [tilespmem:s1+$0x40];
	[tilespmem:s31+$0xFFFFFEB0] =	vst v3  }
0x2fc: {  	v3 =	vshll.u32 v11, $0x10;
	v11 =	vand.u32 $0xFFFF0000, v11;
	[tilespmem:s31+$0x2B0] =	vst v6  }
0x2fd: {  	v6 =	vld [tilespmem:s1+$0xC0];
	[tilespmem:s31+$0xFFFFFF30] =	vst v10  }
0x2fe: {  	v10 =	vshll.u32 v7, $0x10;
	v7 =	vand.u32 $0xFFFF0000, v7;
	[tilespmem:s31+$0x330] =	vst v5  }
0x2ff: {  	[tilespmem:s31+$0xFFFFFC40] =	vst v9;
	v5 =	vld [tilespmem:s1+$0x140]  }
0x300: {  	[tilespmem:s31+$0x40] =	vst v4;
	v4 =	vshll.u32 v2, $0x10;
	v2 =	vand.u32 $0xFFFF0000, v2  }
0x301: {  	v9 =	vld [tilespmem:s1+$0xFFFFFE50];
	[tilespmem:s31+$0xFFFFFCC0] =	vst v1  }
0x302: {  	[tilespmem:s31+$0xC0] =	vst v8;
	v1 =	vshll.u32 v6, $0x10;
	v6 =	vand.u32 $0xFFFF0000, v6  }
0x303: {  	v8 =	vld [tilespmem:s1+$0xFFFFFED0];
	[tilespmem:s31+$0xFFFFFD40] =	vst v3  }
0x304: {  	[tilespmem:s31+$0x140] =	vst v11;
	v3 =	vshll.u32 v5, $0x10;
	v5 =	vand.u32 $0xFFFF0000, v5  }
0x305: {  	v11 =	vld [tilespmem:s1+$0xFFFFFF50];
	[tilespmem:s31+$0xFFFFFDC0] =	vst v10  }
0x306: {  	v10 =	vshll.u32 v9, $0x10;
	v9 =	vand.u32 $0xFFFF0000, v9;
	[tilespmem:s31+$0x1C0] =	vst v7  }
0x307: {  	v7 =	vld [tilespmem:s1+$0xFFFFFFD0];
	[tilespmem:s31+$0xFFFFFE40] =	vst v4  }
0x308: {  	v4 =	vshll.u32 v8, $0x10;
	v8 =	vand.u32 $0xFFFF0000, v8;
	[tilespmem:s31+$0x240] =	vst v2  }
0x309: {  	v2 =	vld [tilespmem:s1+$0x50];
	[tilespmem:s31+$0xFFFFFEC0] =	vst v1  }
0x30a: {  	v1 =	vshll.u32 v11, $0x10;
	v11 =	vand.u32 $0xFFFF0000, v11;
	[tilespmem:s31+$0x2C0] =	vst v6  }
0x30b: {  	v6 =	vld [tilespmem:s1+$0xD0];
	[tilespmem:s31+$0xFFFFFF40] =	vst v3  }
0x30c: {  	v3 =	vshll.u32 v7, $0x10;
	v7 =	vand.u32 $0xFFFF0000, v7;
	[tilespmem:s31+$0x340] =	vst v5  }
0x30d: {  	[tilespmem:s31+$0xFFFFFC50] =	vst v10;
	v5 =	vld [tilespmem:s1+$0x150]  }
0x30e: {  	[tilespmem:s31+$0x50] =	vst v9;
	v9 =	vshll.u32 v2, $0x10;
	v2 =	vand.u32 $0xFFFF0000, v2  }
0x30f: {  	v10 =	vld [tilespmem:s1+$0xFFFFFE60];
	[tilespmem:s31+$0xFFFFFCD0] =	vst v4  }
0x310: {  	[tilespmem:s31+$0xD0] =	vst v8;
	v4 =	vshll.u32 v6, $0x10;
	v6 =	vand.u32 $0xFFFF0000, v6  }
0x311: {  	v8 =	vld [tilespmem:s1+$0xFFFFFEE0];
	[tilespmem:s31+$0xFFFFFD50] =	vst v1  }
0x312: {  	[tilespmem:s31+$0x150] =	vst v11;
	v1 =	vshll.u32 v5, $0x10;
	v5 =	vand.u32 $0xFFFF0000, v5  }
0x313: {  	v11 =	vld [tilespmem:s1+$0xFFFFFF60];
	[tilespmem:s31+$0xFFFFFDD0] =	vst v3  }
0x314: {  	v3 =	vshll.u32 v10, $0x10;
	v10 =	vand.u32 $0xFFFF0000, v10;
	[tilespmem:s31+$0x1D0] =	vst v7  }
0x315: {  	v7 =	vld [tilespmem:s1+$0xFFFFFFE0];
	[tilespmem:s31+$0xFFFFFE50] =	vst v9  }
0x316: {  	v9 =	vshll.u32 v8, $0x10;
	v8 =	vand.u32 $0xFFFF0000, v8;
	[tilespmem:s31+$0x250] =	vst v2  }
0x317: {  	v2 =	vld [tilespmem:s1+$0x60];
	[tilespmem:s31+$0xFFFFFED0] =	vst v4  }
0x318: {  	v4 =	vshll.u32 v11, $0x10;
	v11 =	vand.u32 $0xFFFF0000, v11;
	[tilespmem:s31+$0x2D0] =	vst v6  }
0x319: {  	v6 =	vld [tilespmem:s1+$0xE0];
	[tilespmem:s31+$0xFFFFFF50] =	vst v1  }
0x31a: {  	v1 =	vshll.u32 v7, $0x10;
	v7 =	vand.u32 $0xFFFF0000, v7;
	[tilespmem:s31+$0x350] =	vst v5  }
0x31b: {  	[tilespmem:s31+$0xFFFFFC60] =	vst v3;
	v3 =	vld [tilespmem:s1+$0x160]  }
0x31c: {  	[tilespmem:s31+$0x60] =	vst v10;
	v5 =	vshll.u32 v2, $0x10;
	v2 =	vand.u32 $0xFFFF0000, v2  }
0x31d: {  	v10 =	vld [tilespmem:s1+$0xFFFFFE70];
	[tilespmem:s31+$0xFFFFFCE0] =	vst v9  }
0x31e: {  	[tilespmem:s31+$0xE0] =	vst v8;
	v8 =	vshll.u32 v6, $0x10;
	v6 =	vand.u32 $0xFFFF0000, v6  }
0x31f: {  	v9 =	vld [tilespmem:s1+$0xFFFFFEF0];
	[tilespmem:s31+$0xFFFFFD60] =	vst v4  }
0x320: {  	[tilespmem:s31+$0x160] =	vst v11;
	v4 =	vshll.u32 v3, $0x10;
	v3 =	vand.u32 $0xFFFF0000, v3  }
0x321: {  	v11 =	vld [tilespmem:s1+$0xFFFFFF70];
	[tilespmem:s31+$0xFFFFFDE0] =	vst v1  }
0x322: {  	v1 =	vshll.u32 v10, $0x10;
	v10 =	vand.u32 $0xFFFF0000, v10;
	[tilespmem:s31+$0x1E0] =	vst v7  }
0x323: {  	v7 =	vld [tilespmem:s1+$0xFFFFFFF0];
	[tilespmem:s31+$0xFFFFFE60] =	vst v5  }
0x324: {  	v5 =	vshll.u32 v9, $0x10;
	v9 =	vand.u32 $0xFFFF0000, v9;
	[tilespmem:s31+$0x260] =	vst v2  }
0x325: {  	v2 =	vld [tilespmem:s1+$0x70];
	[tilespmem:s31+$0xFFFFFEE0] =	vst v8  }
0x326: {  	v8 =	vshll.u32 v11, $0x10;
	v11 =	vand.u32 $0xFFFF0000, v11;
	[tilespmem:s31+$0x2E0] =	vst v6  }
0x327: {  	v6 =	vld [tilespmem:s1+$0xF0];
	[tilespmem:s31+$0xFFFFFF60] =	vst v4  }
0x328: {  	v12 =	vshll.u32 v7, $0x10;
	v7 =	vand.u32 $0xFFFF0000, v7;
	[tilespmem:s31+$0x360] =	vst v3  }
0x329: {  	[tilespmem:s31+$0xFFFFFC70] =	vst v1;
	v4 =	vld [tilespmem:s1+$0x170]  }
0x32a: {  	[tilespmem:s31+$0x70] =	vst v10;
	v10 =	vshll.u32 v2, $0x10;
	v1 =	vand.u32 $0xFFFF0000, v2  }
0x32b: {  	[tilespmem:s31+$0xFFFFFCF0] =	vst v5  }
0x32c: {  	[tilespmem:s31+$0xF0] =	vst v9;
	v2 =	vshll.u32 v6, $0x10;
	v3 =	vand.u32 $0xFFFF0000, v6  }
.Ltmp2:
0x32d: {  	[tilespmem:s31+$0xFFFFFD70] =	vst v8;
	(pc) =	sbr.rel @p0 .LBB2_6-.Ltmp2, $4  }
0x32e: {  	[tilespmem:s31+$0x170] =	vst v11;
	v5 =	vshll.u32 v4, $0x10;
	v4 =	vand.u32 $0xFFFF0000, v4  }
0x32f: {  	[tilespmem:s31+$0xFFFFFDF0] =	vst v12  }
0x330: {  	[tilespmem:s31+$0x1F0] =	vst v7  }
0x331: {  	s1 =	sadd.s32 $0x400, s1;
	[tilespmem:s31+$0xFFFFFE70] =	vst v10  }
0x332: {  	[tilespmem:s31+$0x270] =	vst v1  }
0x333: {  	[tilespmem:s31+$0xFFFFFEF0] =	vst v2  }
0x334: {  	[tilespmem:s31+$0x2F0] =	vst v3  }
0x335: {  	[tilespmem:s31+$0xFFFFFF70] =	vst v5  }
0x336: {  	[tilespmem:s31+$0x370] =	vst v4  }
0x337: {  	[tilespmem:s31+$0xFFFFFFF0] =	vst v0  }
0x338: {  	[hbm4b:s7+s2] =	stream.linear.scatter [tilespmem:s20], [sflag:$0x4], $0x8000, $0x38;
	[tilespmem:$0x1C200] =	vst v63  }
0x339: {  	_ = 	snop  }
0x33a: {  	[tilespmem:s18], [sflag:$0x3] =	stream.indirect.gather [hbm4b:s3+s13], $0x80, s28, s13, $0xb8;
	[tilespmem:$0x1C200] =	vst v63  }
0x33b: {  	_ =	swait.ge [sflag:s19], $0x4000  }
0x33c: {  	[sflag:s19] =	ssyncset.done $0x0  }
0x33d: {  	[sflag:s19] =	ssyncadd.s32 $0xFFFFC000  }
0x33e: {  	_ =	swait.ge [sflag:s29], $0x6000  }
0x33f: {  	[sflag:s29] =	ssyncset.done $0x0  }
0x340: {  	s0 =	simm.s32 $0x400;
	[sflag:s29] =	ssyncadd.s32 $0xFFFFA000  }
0x341: {  	v0 =	vld [tilespmem:s0+$0x180];
	_ =	sdelay $0x1  }
0x342: {  	v1 =	vld [tilespmem:s0+$0xFFFFFE80];
	_ =	sdelay $0x1  }
0x343: {  	v2 =	vld [tilespmem:s0+$0xFFFFFF00]  }
0x344: {  	s31 =	simm.s32 $0x14600;
	v3 =	vshll.u32 v0, $0x10  }
0x345: {  	v4 =	vld [tilespmem:s0+$0xFFFFFF80];
	v0 =	vand.u32 $0xFFFF0000, v0;
	[tilespmem:s31+$0xFFFFFF80] =	vst v3  }
0x346: {  	v5 =	vld [tilespmem:s0+$0xFFFFFE00];
	v3 =	vshll.u32 v1, $0x10;
	[tilespmem:s31+$0x380] =	vst v0  }
0x347: {  	v0 =	vand.u32 $0xFFFF0000, v1;
	[tilespmem:s31+$0xFFFFFC80] =	vst v3;
	v1 =	vld [tilespmem:s0+$0x190]  }
0x348: {  	v3 =	vshll.u32 v2, $0x10;
	[tilespmem:s31+$0x80] =	vst v0  }
0x349: {  	v0 =	vand.u32 $0xFFFF0000, v2;
	[tilespmem:s31+$0xFFFFFD00] =	vst v3  }
0x34a: {  	v2 =	vshll.u32 v4, $0x10;
	[tilespmem:s31+$0x100] =	vst v0  }
0x34b: {  	v0 =	vld [tilespmem:s0+$0x0];
	v3 =	vshll.u32 v5, $0x10;
	[tilespmem:s31+$0xFFFFFD80] =	vst v2  }
0x34c: {  	[tilespmem:s31+$0xFFFFFC00] =	vst v3;
	v2 =	vshll.u32 v1, $0x10  }
0x34d: {  	v3 =	vld [tilespmem:s0+$0x80];
	v1 =	vand.u32 $0xFFFF0000, v1;
	[tilespmem:s31+$0xFFFFFF90] =	vst v2  }
0x34e: {  	v2 =	vand.u32 $0xFFFF0000, v5;
	[tilespmem:s31+$0x390] =	vst v1  }
0x34f: {  	v1 =	vand.u32 $0xFFFF0000, v4;
	[tilespmem:s31+$0x0] =	vst v2;
	v2 =	vld [tilespmem:s0+$0x1A0]  }
0x350: {  	v4 =	vshll.u32 v0, $0x10;
	[tilespmem:s31+$0x180] =	vst v1  }
0x351: {  	v0 =	vand.u32 $0xFFFF0000, v0;
	v1 =	vld [tilespmem:s0+$0x100];
	[tilespmem:s31+$0xFFFFFE00] =	vst v4  }
0x352: {  	v4 =	vshll.u32 v3, $0x10;
	[tilespmem:s31+$0x200] =	vst v0  }
0x353: {  	v0 =	vand.u32 $0xFFFF0000, v3;
	v3 =	vld [tilespmem:s0+$0xFFFFFE10];
	[tilespmem:s31+$0xFFFFFE80] =	vst v4  }
0x354: {  	[tilespmem:s31+$0x280] =	vst v0;
	v0 =	vshll.u32 v2, $0x10  }
0x355: {  	v4 =	vld [tilespmem:s0+$0xFFFFFE90];
	[tilespmem:s31+$0xFFFFFFA0] =	vst v0;
	v0 =	vand.u32 $0xFFFF0000, v2  }
0x356: {  	v2 =	vshll.u32 v1, $0x10;
	[tilespmem:s31+$0x3A0] =	vst v0  }
0x357: {  	v0 =	vand.u32 $0xFFFF0000, v1;
	[tilespmem:s31+$0xFFFFFF00] =	vst v2;
	v1 =	vld [tilespmem:s0+$0x1B0]  }
0x358: {  	v2 =	vshll.u32 v3, $0x10;
	[tilespmem:s31+$0x300] =	vst v0  }
0x359: {  	v3 =	vand.u32 $0xFFFF0000, v3;
	v0 =	vld [tilespmem:s0+$0xFFFFFF10];
	[tilespmem:s31+$0xFFFFFC10] =	vst v2  }
0x35a: {  	v2 =	vshll.u32 v4, $0x10;
	[tilespmem:s31+$0x10] =	vst v3  }
0x35b: {  	v3 =	vand.u32 $0xFFFF0000, v4;
	v4 =	vld [tilespmem:s0+$0xFFFFFF90];
	[tilespmem:s31+$0xFFFFFC90] =	vst v2  }
0x35c: {  	[tilespmem:s31+$0x90] =	vst v3;
	v2 =	vshll.u32 v1, $0x10  }
0x35d: {  	v3 =	vld [tilespmem:s0+$0x10];
	v1 =	vand.u32 $0xFFFF0000, v1;
	[tilespmem:s31+$0xFFFFFFB0] =	vst v2  }
0x35e: {  	v2 =	vshll.u32 v0, $0x10;
	[tilespmem:s31+$0x3B0] =	vst v1  }
0x35f: {  	v0 =	vand.u32 $0xFFFF0000, v0;
	[tilespmem:s31+$0xFFFFFD10] =	vst v2;
	v1 =	vld [tilespmem:s0+$0x1C0]  }
0x360: {  	v2 =	vshll.u32 v4, $0x10;
	[tilespmem:s31+$0x110] =	vst v0  }
0x361: {  	v0 =	vld [tilespmem:s0+$0x90];
	v4 =	vand.u32 $0xFFFF0000, v4;
	[tilespmem:s31+$0xFFFFFD90] =	vst v2  }
0x362: {  	v2 =	vshll.u32 v3, $0x10;
	[tilespmem:s31+$0x190] =	vst v4  }
0x363: {  	v3 =	vand.u32 $0xFFFF0000, v3;
	v4 =	vld [tilespmem:s0+$0x110];
	[tilespmem:s31+$0xFFFFFE10] =	vst v2  }
0x364: {  	[tilespmem:s31+$0x210] =	vst v3;
	v2 =	vshll.u32 v1, $0x10  }
0x365: {  	v3 =	vld [tilespmem:s0+$0xFFFFFE20];
	v1 =	vand.u32 $0xFFFF0000, v1;
	[tilespmem:s31+$0xFFFFFFC0] =	vst v2  }
0x366: {  	v2 =	vshll.u32 v0, $0x10;
	[tilespmem:s31+$0x3C0] =	vst v1  }
0x367: {  	v0 =	vand.u32 $0xFFFF0000, v0;
	[tilespmem:s31+$0xFFFFFE90] =	vst v2;
	v1 =	vld [tilespmem:s0+$0x1D0]  }
0x368: {  	v2 =	vshll.u32 v4, $0x10;
	[tilespmem:s31+$0x290] =	vst v0  }
0x369: {  	v0 =	vld [tilespmem:s0+$0xFFFFFEA0];
	v4 =	vand.u32 $0xFFFF0000, v4;
	[tilespmem:s31+$0xFFFFFF10] =	vst v2  }
0x36a: {  	v2 =	vshll.u32 v3, $0x10;
	[tilespmem:s31+$0x310] =	vst v4  }
0x36b: {  	v3 =	vand.u32 $0xFFFF0000, v3;
	v4 =	vld [tilespmem:s0+$0xFFFFFF20];
	[tilespmem:s31+$0xFFFFFC20] =	vst v2  }
0x36c: {  	[tilespmem:s31+$0x20] =	vst v3;
	v2 =	vshll.u32 v1, $0x10  }
0x36d: {  	v3 =	vld [tilespmem:s0+$0xFFFFFFA0];
	v1 =	vand.u32 $0xFFFF0000, v1;
	[tilespmem:s31+$0xFFFFFFD0] =	vst v2  }
0x36e: {  	v2 =	vshll.u32 v0, $0x10;
	[tilespmem:s31+$0x3D0] =	vst v1  }
0x36f: {  	v0 =	vand.u32 $0xFFFF0000, v0;
	[tilespmem:s31+$0xFFFFFCA0] =	vst v2;
	v1 =	vld [tilespmem:s0+$0x1E0]  }
0x370: {  	v2 =	vshll.u32 v4, $0x10;
	[tilespmem:s31+$0xA0] =	vst v0  }
0x371: {  	v0 =	vld [tilespmem:s0+$0x20];
	v4 =	vand.u32 $0xFFFF0000, v4;
	[tilespmem:s31+$0xFFFFFD20] =	vst v2  }
0x372: {  	v2 =	vshll.u32 v3, $0x10;
	[tilespmem:s31+$0x120] =	vst v4  }
0x373: {  	v3 =	vand.u32 $0xFFFF0000, v3;
	v4 =	vld [tilespmem:s0+$0xA0];
	[tilespmem:s31+$0xFFFFFDA0] =	vst v2  }
0x374: {  	[tilespmem:s31+$0x1A0] =	vst v3;
	v2 =	vshll.u32 v1, $0x10  }
0x375: {  	v3 =	vld [tilespmem:s0+$0x120];
	v1 =	vand.u32 $0xFFFF0000, v1;
	[tilespmem:s31+$0xFFFFFFE0] =	vst v2  }
0x376: {  	v2 =	vshll.u32 v0, $0x10;
	[tilespmem:s31+$0x3E0] =	vst v1  }
0x377: {  	v1 =	vand.u32 $0xFFFF0000, v0;
	[tilespmem:s31+$0xFFFFFE20] =	vst v2;
	v0 =	vld [tilespmem:s0+$0x1F0]  }
0x378: {  	v5 =	vshll.u32 v4, $0x10;
	v2 =	vld [tilespmem:s0+$0xFFFFFE30];
	[tilespmem:s31+$0x220] =	vst v1  }
0x379: {  	v1 =	vand.u32 $0xFFFF0000, v4;
	[tilespmem:s31+$0xFFFFFEA0] =	vst v5  }
0x37a: {  	v4 =	vshll.u32 v3, $0x10;
	v5 =	vld [tilespmem:s0+$0xFFFFFEB0];
	[tilespmem:s31+$0x2A0] =	vst v1  }
0x37b: {  	v1 =	vand.u32 $0xFFFF0000, v3;
	[tilespmem:s31+$0xFFFFFF20] =	vst v4  }
0x37c: {  	v3 =	vld [tilespmem:s0+$0xFFFFFF30];
	[tilespmem:s31+$0x320] =	vst v1;
	v1 =	vand.u32 $0xFFFF0000, v0  }
0x37d: {  	v4 =	vshll.u32 v2, $0x10;
	[tilespmem:s31+$0x3F0] =	vst v1  }
0x37e: {  	v1 =	vand.u32 $0xFFFF0000, v2;
	v2 =	vld [tilespmem:s0+$0xFFFFFFB0];
	[tilespmem:s31+$0xFFFFFC30] =	vst v4  }
0x37f: {  	v4 =	vshll.u32 v5, $0x10;
	[tilespmem:s31+$0x30] =	vst v1  }
0x380: {  	v1 =	vand.u32 $0xFFFF0000, v5;
	v5 =	vld [tilespmem:s0+$0x30];
	[tilespmem:s31+$0xFFFFFCB0] =	vst v4  }
0x381: {  	v4 =	vshll.u32 v3, $0x10;
	[tilespmem:s31+$0xB0] =	vst v1  }
0x382: {  	v1 =	vand.u32 $0xFFFF0000, v3;
	v3 =	vld [tilespmem:s0+$0xB0];
	[tilespmem:s31+$0xFFFFFD30] =	vst v4  }
0x383: {  	[tilespmem:s31+$0x130] =	vst v1;
	v4 =	vshll.u32 v2, $0x10  }
0x384: {  	v1 =	vand.u32 $0xFFFF0000, v2;
	v2 =	vld [tilespmem:s0+$0x130];
	[tilespmem:s31+$0xFFFFFDB0] =	vst v4  }
0x385: {  	v4 =	vshll.u32 v5, $0x10;
	[tilespmem:s31+$0x1B0] =	vst v1  }
0x386: {  	v1 =	vand.u32 $0xFFFF0000, v5;
	v5 =	vld [tilespmem:s0+$0xFFFFFE40];
	[tilespmem:s31+$0xFFFFFE30] =	vst v4  }
0x387: {  	v4 =	vshll.u32 v3, $0x10;
	[tilespmem:s31+$0x230] =	vst v1  }
0x388: {  	v1 =	vand.u32 $0xFFFF0000, v3;
	v3 =	vld [tilespmem:s0+$0xFFFFFEC0];
	[tilespmem:s31+$0xFFFFFEB0] =	vst v4  }
0x389: {  	[tilespmem:s31+$0x2B0] =	vst v1;
	v4 =	vshll.u32 v2, $0x10  }
0x38a: {  	v1 =	vand.u32 $0xFFFF0000, v2;
	v2 =	vld [tilespmem:s0+$0xFFFFFF40];
	[tilespmem:s31+$0xFFFFFF30] =	vst v4  }
0x38b: {  	v4 =	vshll.u32 v5, $0x10;
	[tilespmem:s31+$0x330] =	vst v1  }
0x38c: {  	v1 =	vand.u32 $0xFFFF0000, v5;
	v5 =	vld [tilespmem:s0+$0xFFFFFFC0];
	[tilespmem:s31+$0xFFFFFC40] =	vst v4  }
0x38d: {  	v4 =	vshll.u32 v3, $0x10;
	[tilespmem:s31+$0x40] =	vst v1  }
0x38e: {  	v1 =	vand.u32 $0xFFFF0000, v3;
	v3 =	vld [tilespmem:s0+$0x40];
	[tilespmem:s31+$0xFFFFFCC0] =	vst v4  }
0x38f: {  	[tilespmem:s31+$0xC0] =	vst v1;
	v4 =	vshll.u32 v2, $0x10  }
0x390: {  	v1 =	vand.u32 $0xFFFF0000, v2;
	v2 =	vld [tilespmem:s0+$0xC0];
	[tilespmem:s31+$0xFFFFFD40] =	vst v4  }
0x391: {  	v4 =	vshll.u32 v5, $0x10;
	[tilespmem:s31+$0x140] =	vst v1  }
0x392: {  	v1 =	vand.u32 $0xFFFF0000, v5;
	v5 =	vld [tilespmem:s0+$0x140];
	[tilespmem:s31+$0xFFFFFDC0] =	vst v4  }
0x393: {  	v4 =	vshll.u32 v3, $0x10;
	[tilespmem:s31+$0x1C0] =	vst v1  }
0x394: {  	v1 =	vand.u32 $0xFFFF0000, v3;
	v3 =	vld [tilespmem:s0+$0xFFFFFE50];
	[tilespmem:s31+$0xFFFFFE40] =	vst v4  }
0x395: {  	[tilespmem:s31+$0x240] =	vst v1;
	v4 =	vshll.u32 v2, $0x10  }
0x396: {  	v1 =	vand.u32 $0xFFFF0000, v2;
	v2 =	vld [tilespmem:s0+$0xFFFFFED0];
	[tilespmem:s31+$0xFFFFFEC0] =	vst v4  }
0x397: {  	v4 =	vshll.u32 v5, $0x10;
	[tilespmem:s31+$0x2C0] =	vst v1  }
0x398: {  	v1 =	vand.u32 $0xFFFF0000, v5;
	v5 =	vld [tilespmem:s0+$0xFFFFFF50];
	[tilespmem:s31+$0xFFFFFF40] =	vst v4  }
0x399: {  	v4 =	vshll.u32 v3, $0x10;
	[tilespmem:s31+$0x340] =	vst v1  }
0x39a: {  	v1 =	vand.u32 $0xFFFF0000, v3;
	v3 =	vld [tilespmem:s0+$0xFFFFFFD0];
	[tilespmem:s31+$0xFFFFFC50] =	vst v4  }
0x39b: {  	[tilespmem:s31+$0x50] =	vst v1;
	v4 =	vshll.u32 v2, $0x10  }
0x39c: {  	v1 =	vand.u32 $0xFFFF0000, v2;
	v2 =	vld [tilespmem:s0+$0x50];
	[tilespmem:s31+$0xFFFFFCD0] =	vst v4  }
0x39d: {  	v4 =	vshll.u32 v5, $0x10;
	[tilespmem:s31+$0xD0] =	vst v1  }
0x39e: {  	v1 =	vand.u32 $0xFFFF0000, v5;
	v5 =	vld [tilespmem:s0+$0xD0];
	[tilespmem:s31+$0xFFFFFD50] =	vst v4  }
0x39f: {  	v4 =	vshll.u32 v3, $0x10;
	[tilespmem:s31+$0x150] =	vst v1  }
0x3a0: {  	v1 =	vand.u32 $0xFFFF0000, v3;
	v3 =	vld [tilespmem:s0+$0x150];
	[tilespmem:s31+$0xFFFFFDD0] =	vst v4  }
0x3a1: {  	[tilespmem:s31+$0x1D0] =	vst v1;
	v4 =	vshll.u32 v2, $0x10  }
0x3a2: {  	v1 =	vand.u32 $0xFFFF0000, v2;
	v2 =	vld [tilespmem:s0+$0xFFFFFE60];
	[tilespmem:s31+$0xFFFFFE50] =	vst v4  }
0x3a3: {  	v4 =	vshll.u32 v5, $0x10;
	[tilespmem:s31+$0x250] =	vst v1  }
0x3a4: {  	v1 =	vand.u32 $0xFFFF0000, v5;
	v5 =	vld [tilespmem:s0+$0xFFFFFEE0];
	[tilespmem:s31+$0xFFFFFED0] =	vst v4  }
0x3a5: {  	v4 =	vshll.u32 v3, $0x10;
	[tilespmem:s31+$0x2D0] =	vst v1  }
0x3a6: {  	v1 =	vand.u32 $0xFFFF0000, v3;
	v3 =	vld [tilespmem:s0+$0xFFFFFF60];
	[tilespmem:s31+$0xFFFFFF50] =	vst v4  }
0x3a7: {  	[tilespmem:s31+$0x350] =	vst v1;
	v4 =	vshll.u32 v2, $0x10  }
0x3a8: {  	v1 =	vand.u32 $0xFFFF0000, v2;
	v2 =	vld [tilespmem:s0+$0xFFFFFFE0];
	[tilespmem:s31+$0xFFFFFC60] =	vst v4  }
0x3a9: {  	v4 =	vshll.u32 v5, $0x10;
	[tilespmem:s31+$0x60] =	vst v1  }
0x3aa: {  	v1 =	vand.u32 $0xFFFF0000, v5;
	v5 =	vld [tilespmem:s0+$0x60];
	[tilespmem:s31+$0xFFFFFCE0] =	vst v4  }
0x3ab: {  	v4 =	vshll.u32 v3, $0x10;
	[tilespmem:s31+$0xE0] =	vst v1  }
0x3ac: {  	v1 =	vand.u32 $0xFFFF0000, v3;
	v3 =	vld [tilespmem:s0+$0xE0];
	[tilespmem:s31+$0xFFFFFD60] =	vst v4  }
0x3ad: {  	[tilespmem:s31+$0x160] =	vst v1;
	v4 =	vshll.u32 v2, $0x10  }
0x3ae: {  	v1 =	vand.u32 $0xFFFF0000, v2;
	v2 =	vld [tilespmem:s0+$0x160];
	[tilespmem:s31+$0xFFFFFDE0] =	vst v4  }
0x3af: {  	v4 =	vshll.u32 v5, $0x10;
	[tilespmem:s31+$0x1E0] =	vst v1  }
0x3b0: {  	v1 =	vand.u32 $0xFFFF0000, v5;
	v5 =	vld [tilespmem:s0+$0xFFFFFE70];
	[tilespmem:s31+$0xFFFFFE60] =	vst v4  }
0x3b1: {  	v4 =	vshll.u32 v3, $0x10;
	[tilespmem:s31+$0x260] =	vst v1  }
0x3b2: {  	v1 =	vand.u32 $0xFFFF0000, v3;
	v3 =	vld [tilespmem:s0+$0xFFFFFEF0];
	[tilespmem:s31+$0xFFFFFEE0] =	vst v4  }
0x3b3: {  	[tilespmem:s31+$0x2E0] =	vst v1;
	v4 =	vshll.u32 v2, $0x10  }
0x3b4: {  	v6 =	vld [tilespmem:s0+$0x70];
	v1 =	vand.u32 $0xFFFF0000, v2;
	[tilespmem:s31+$0xFFFFFF60] =	vst v4  }
0x3b5: {  	v2 =	vld [tilespmem:s0+$0xFFFFFF70];
	v4 =	vshll.u32 v5, $0x10;
	[tilespmem:s31+$0x360] =	vst v1  }
0x3b6: {  	v1 =	vand.u32 $0xFFFF0000, v5;
	[tilespmem:s31+$0xFFFFFC70] =	vst v4  }
0x3b7: {  	v5 =	vld [tilespmem:s0+$0xFFFFFFF0];
	v4 =	vshll.u32 v3, $0x10;
	[tilespmem:s31+$0x70] =	vst v1  }
0x3b8: {  	v1 =	vand.u32 $0xFFFF0000, v3;
	v3 =	vld [tilespmem:s0+$0xF0];
	[tilespmem:s31+$0xFFFFFCF0] =	vst v4  }
0x3b9: {  	v7 =	vld [tilespmem:s0+$0x170];
	[tilespmem:s31+$0xF0] =	vst v1;
	v8 =	vshll.u32 v6, $0x10  }
0x3ba: {  	[tilespmem:s31+$0xFFFFFE70] =	vst v8;
	v4 =	vshll.u32 v2, $0x10  }
0x3bb: {  	v1 =	vand.u32 $0xFFFF0000, v2;
	[tilespmem:s31+$0xFFFFFD70] =	vst v4  }
0x3bc: {  	v0 =	vshll.u32 v0, $0x10;
	v2 =	vshll.u32 v5, $0x10;
	[tilespmem:s31+$0x170] =	vst v1  }
0x3bd: {  	v4 =	vand.u32 $0xFFFF0000, v5;
	v1 =	vand.u32 $0xFFFF0000, v6;
	[tilespmem:s31+$0xFFFFFDF0] =	vst v2;
	v2 =	vshll.u32 v3, $0x10  }
0x3be: {  	s1 =	simm.s32 $0x800;
	s0 =	simm.s32 $0x0;
	[tilespmem:s31+$0x1F0] =	vst v4;
	v3 =	vand.u32 $0xFFFF0000, v3;
	v5 =	vshll.u32 v7, $0x10;
	v4 =	vand.u32 $0xFFFF0000, v7  }
.LBB2_8:
0x3bf: {  	v6 =	vld [tilespmem:s1+$0x180];
	[tilespmem:s31+$0x270] =	vst v1  }
0x3c0: {  	v1 =	vld [tilespmem:s1+$0xFFFFFE80];
	[tilespmem:s31+$0xFFFFFEF0] =	vst v2  }
0x3c1: {  	v2 =	vld [tilespmem:s1+$0xFFFFFF00];
	[tilespmem:s31+$0x2F0] =	vst v3  }
0x3c2: {  	v3 =	vld [tilespmem:s1+$0xFFFFFF80];
	[tilespmem:s31+$0xFFFFFF70] =	vst v5  }
0x3c3: {  	v5 =	vld [tilespmem:s1+$0x0];
	[tilespmem:s31+$0x370] =	vst v4  }
0x3c4: {  	v4 =	vld [tilespmem:s1+$0x80];
	v7 =	vshll.u32 v6, $0x10;
	[tilespmem:s31+$0xFFFFFFF0] =	vst v0;
	s31 =	sadd.s32 $0x800, s31  }
0x3c5: {  	v6 =	vand.u32 $0xFFFF0000, v6;
	v0 =	vshll.u32 v1, $0x10;
	v1 =	vand.u32 $0xFFFF0000, v1;
	v8 =	vld [tilespmem:s1+$0x100];
	[tilespmem:s31+$0xFFFFFF80] =	vst v7  }
0x3c6: {  	s0 =	sadd.s32 $0x8, s0;
	v7 =	vld [tilespmem:s1+$0xFFFFFE00];
	v9 =	vshll.u32 v2, $0x10;
	v2 =	vand.u32 $0xFFFF0000, v2;
	[tilespmem:s31+$0x380] =	vst v6  }
0x3c7: {  	p0 =	slt.u32 s0, $0x78;
	[tilespmem:s31+$0xFFFFFC80] =	vst v0;
	v0 =	vshll.u32 v3, $0x10;
	v3 =	vand.u32 $0xFFFF0000, v3;
	v6 =	vld [tilespmem:s1+$0x190]  }
0x3c8: {  	[tilespmem:s31+$0x80] =	vst v1;
	v1 =	vshll.u32 v5, $0x10;
	v5 =	vand.u32 $0xFFFF0000, v5  }
0x3c9: {  	v10 =	vld [tilespmem:s1+$0xFFFFFE90];
	[tilespmem:s31+$0xFFFFFD00] =	vst v9;
	v9 =	vshll.u32 v4, $0x10;
	v4 =	vand.u32 $0xFFFF0000, v4  }
0x3ca: {  	[tilespmem:s31+$0x100] =	vst v2;
	v2 =	vshll.u32 v8, $0x10;
	v8 =	vand.u32 $0xFFFF0000, v8  }
0x3cb: {  	v11 =	vshll.u32 v7, $0x10;
	v7 =	vand.u32 $0xFFFF0000, v7;
	v12 =	vld [tilespmem:s1+$0xFFFFFF10];
	[tilespmem:s31+$0xFFFFFD80] =	vst v0  }
0x3cc: {  	[tilespmem:s31+$0xFFFFFC00] =	vst v11;
	v0 =	vshll.u32 v6, $0x10  }
0x3cd: {  	[tilespmem:s31+$0xFFFFFF90] =	vst v0;
	v0 =	vand.u32 $0xFFFF0000, v6  }
0x3ce: {  	v6 =	vshll.u32 v10, $0x10;
	v10 =	vand.u32 $0xFFFF0000, v10;
	[tilespmem:s31+$0x390] =	vst v0  }
0x3cf: {  	[tilespmem:s31+$0x0] =	vst v7;
	v0 =	vld [tilespmem:s1+$0x1A0]  }
0x3d0: {  	v7 =	vld [tilespmem:s1+$0xFFFFFE10];
	v11 =	vshll.u32 v12, $0x10;
	v12 =	vand.u32 $0xFFFF0000, v12;
	[tilespmem:s31+$0x180] =	vst v3  }
0x3d1: {  	v3 =	vld [tilespmem:s1+$0xFFFFFF90];
	[tilespmem:s31+$0xFFFFFE00] =	vst v1  }
0x3d2: {  	[tilespmem:s31+$0x200] =	vst v5  }
0x3d3: {  	v1 =	vld [tilespmem:s1+$0x10];
	[tilespmem:s31+$0xFFFFFE80] =	vst v9  }
0x3d4: {  	[tilespmem:s31+$0x280] =	vst v4;
	v4 =	vshll.u32 v0, $0x10  }
0x3d5: {  	v0 =	vand.u32 $0xFFFF0000, v0;
	v5 =	vshll.u32 v7, $0x10;
	v7 =	vand.u32 $0xFFFF0000, v7;
	v9 =	vld [tilespmem:s1+$0x90];
	[tilespmem:s31+$0xFFFFFFA0] =	vst v4  }
0x3d6: {  	v4 =	vshll.u32 v3, $0x10;
	v3 =	vand.u32 $0xFFFF0000, v3;
	[tilespmem:s31+$0x3A0] =	vst v0  }
0x3d7: {  	[tilespmem:s31+$0xFFFFFF00] =	vst v2;
	v0 =	vld [tilespmem:s1+$0x1B0]  }
0x3d8: {  	v2 =	vshll.u32 v1, $0x10;
	v1 =	vand.u32 $0xFFFF0000, v1;
	[tilespmem:s31+$0x300] =	vst v8  }
0x3d9: {  	[tilespmem:s31+$0xFFFFFC10] =	vst v5;
	v5 =	vld [tilespmem:s1+$0x110]  }
0x3da: {  	[tilespmem:s31+$0x10] =	vst v7;
	v7 =	vshll.u32 v9, $0x10;
	v8 =	vand.u32 $0xFFFF0000, v9  }
0x3db: {  	v9 =	vld [tilespmem:s1+$0xFFFFFE20];
	[tilespmem:s31+$0xFFFFFC90] =	vst v6  }
0x3dc: {  	[tilespmem:s31+$0x90] =	vst v10;
	v6 =	vshll.u32 v0, $0x10  }
0x3dd: {  	v0 =	vand.u32 $0xFFFF0000, v0;
	v10 =	vld [tilespmem:s1+$0xFFFFFEA0];
	[tilespmem:s31+$0xFFFFFFB0] =	vst v6  }
0x3de: {  	v6 =	vshll.u32 v5, $0x10;
	v5 =	vand.u32 $0xFFFF0000, v5;
	[tilespmem:s31+$0x3B0] =	vst v0  }
0x3df: {  	[tilespmem:s31+$0xFFFFFD10] =	vst v11;
	v0 =	vld [tilespmem:s1+$0x1C0]  }
0x3e0: {  	v11 =	vshll.u32 v9, $0x10;
	v9 =	vand.u32 $0xFFFF0000, v9;
	[tilespmem:s31+$0x110] =	vst v12  }
0x3e1: {  	v12 =	vld [tilespmem:s1+$0xFFFFFF20];
	[tilespmem:s31+$0xFFFFFD90] =	vst v4  }
0x3e2: {  	v4 =	vshll.u32 v10, $0x10;
	v10 =	vand.u32 $0xFFFF0000, v10;
	[tilespmem:s31+$0x190] =	vst v3  }
0x3e3: {  	v3 =	vld [tilespmem:s1+$0xFFFFFFA0];
	[tilespmem:s31+$0xFFFFFE10] =	vst v2  }
0x3e4: {  	[tilespmem:s31+$0x210] =	vst v1;
	v1 =	vshll.u32 v0, $0x10  }
0x3e5: {  	v0 =	vand.u32 $0xFFFF0000, v0;
	v2 =	vld [tilespmem:s1+$0x20];
	[tilespmem:s31+$0xFFFFFFC0] =	vst v1  }
0x3e6: {  	v1 =	vshll.u32 v12, $0x10;
	v12 =	vand.u32 $0xFFFF0000, v12;
	[tilespmem:s31+$0x3C0] =	vst v0  }
0x3e7: {  	[tilespmem:s31+$0xFFFFFE90] =	vst v7;
	v0 =	vld [tilespmem:s1+$0x1D0]  }
0x3e8: {  	v7 =	vshll.u32 v3, $0x10;
	v3 =	vand.u32 $0xFFFF0000, v3;
	[tilespmem:s31+$0x290] =	vst v8  }
0x3e9: {  	v8 =	vld [tilespmem:s1+$0xA0];
	[tilespmem:s31+$0xFFFFFF10] =	vst v6  }
0x3ea: {  	v6 =	vshll.u32 v2, $0x10;
	v2 =	vand.u32 $0xFFFF0000, v2;
	[tilespmem:s31+$0x310] =	vst v5  }
0x3eb: {  	[tilespmem:s31+$0xFFFFFC20] =	vst v11;
	v5 =	vld [tilespmem:s1+$0x120]  }
0x3ec: {  	[tilespmem:s31+$0x20] =	vst v9;
	v9 =	vshll.u32 v0, $0x10  }
0x3ed: {  	v0 =	vand.u32 $0xFFFF0000, v0;
	v11 =	vld [tilespmem:s1+$0xFFFFFE30];
	[tilespmem:s31+$0xFFFFFFD0] =	vst v9  }
0x3ee: {  	v9 =	vshll.u32 v8, $0x10;
	v8 =	vand.u32 $0xFFFF0000, v8;
	[tilespmem:s31+$0x3D0] =	vst v0  }
0x3ef: {  	[tilespmem:s31+$0xFFFFFCA0] =	vst v4;
	v0 =	vld [tilespmem:s1+$0x1E0]  }
0x3f0: {  	[tilespmem:s31+$0xA0] =	vst v10;
	v4 =	vshll.u32 v5, $0x10;
	v5 =	vand.u32 $0xFFFF0000, v5  }
0x3f1: {  	v10 =	vld [tilespmem:s1+$0xFFFFFEB0];
	[tilespmem:s31+$0xFFFFFD20] =	vst v1  }
0x3f2: {  	v1 =	vshll.u32 v11, $0x10;
	v11 =	vand.u32 $0xFFFF0000, v11;
	[tilespmem:s31+$0x120] =	vst v12  }
0x3f3: {  	v12 =	vld [tilespmem:s1+$0xFFFFFF30];
	[tilespmem:s31+$0xFFFFFDA0] =	vst v7  }
0x3f4: {  	[tilespmem:s31+$0x1A0] =	vst v3;
	v3 =	vshll.u32 v0, $0x10  }
0x3f5: {  	v0 =	vand.u32 $0xFFFF0000, v0;
	v7 =	vld [tilespmem:s1+$0xFFFFFFB0];
	[tilespmem:s31+$0xFFFFFFE0] =	vst v3  }
0x3f6: {  	v3 =	vshll.u32 v10, $0x10;
	v10 =	vand.u32 $0xFFFF0000, v10;
	[tilespmem:s31+$0x3E0] =	vst v0  }
0x3f7: {  	[tilespmem:s31+$0xFFFFFE20] =	vst v6;
	v6 =	vld [tilespmem:s1+$0x1F0]  }
0x3f8: {  	v13 =	vshll.u32 v12, $0x10;
	v12 =	vand.u32 $0xFFFF0000, v12;
	[tilespmem:s31+$0x220] =	vst v2  }
0x3f9: {  	v2 =	vld [tilespmem:s1+$0x30];
	[tilespmem:s31+$0xFFFFFEA0] =	vst v9  }
0x3fa: {  	v9 =	vshll.u32 v7, $0x10;
	v7 =	vand.u32 $0xFFFF0000, v7;
	[tilespmem:s31+$0x2A0] =	vst v8  }
0x3fb: {  	v8 =	vld [tilespmem:s1+$0xB0];
	[tilespmem:s31+$0xFFFFFF20] =	vst v4  }
0x3fc: {  	[tilespmem:s31+$0x320] =	vst v5;
	v0 =	vshll.u32 v6, $0x10;
	v4 =	vand.u32 $0xFFFF0000, v6  }
0x3fd: {  	v5 =	vld [tilespmem:s1+$0x130];
	[tilespmem:s31+$0x3F0] =	vst v4  }
0x3fe: {  	[tilespmem:s31+$0xFFFFFC30] =	vst v1;
	v1 =	vshll.u32 v2, $0x10;
	v2 =	vand.u32 $0xFFFF0000, v2  }
0x3ff: {  	[tilespmem:s31+$0x30] =	vst v11  }
0x400: {  	v4 =	vld [tilespmem:s1+$0xFFFFFE40];
	[tilespmem:s31+$0xFFFFFCB0] =	vst v3;
	v3 =	vshll.u32 v8, $0x10;
	v6 =	vand.u32 $0xFFFF0000, v8  }
0x401: {  	[tilespmem:s31+$0xB0] =	vst v10  }
0x402: {  	v8 =	vld [tilespmem:s1+$0xFFFFFEC0];
	[tilespmem:s31+$0xFFFFFD30] =	vst v13;
	v10 =	vshll.u32 v5, $0x10;
	v5 =	vand.u32 $0xFFFF0000, v5  }
0x403: {  	[tilespmem:s31+$0x130] =	vst v12  }
0x404: {  	v11 =	vld [tilespmem:s1+$0xFFFFFF40];
	[tilespmem:s31+$0xFFFFFDB0] =	vst v9  }
0x405: {  	v9 =	vshll.u32 v4, $0x10;
	v4 =	vand.u32 $0xFFFF0000, v4;
	[tilespmem:s31+$0x1B0] =	vst v7  }
0x406: {  	v7 =	vld [tilespmem:s1+$0xFFFFFFC0];
	[tilespmem:s31+$0xFFFFFE30] =	vst v1  }
0x407: {  	v1 =	vshll.u32 v8, $0x10;
	v8 =	vand.u32 $0xFFFF0000, v8;
	[tilespmem:s31+$0x230] =	vst v2  }
0x408: {  	v2 =	vld [tilespmem:s1+$0x40];
	[tilespmem:s31+$0xFFFFFEB0] =	vst v3  }
0x409: {  	v3 =	vshll.u32 v11, $0x10;
	v11 =	vand.u32 $0xFFFF0000, v11;
	[tilespmem:s31+$0x2B0] =	vst v6  }
0x40a: {  	v6 =	vld [tilespmem:s1+$0xC0];
	[tilespmem:s31+$0xFFFFFF30] =	vst v10  }
0x40b: {  	v10 =	vshll.u32 v7, $0x10;
	v7 =	vand.u32 $0xFFFF0000, v7;
	[tilespmem:s31+$0x330] =	vst v5  }
0x40c: {  	[tilespmem:s31+$0xFFFFFC40] =	vst v9;
	v5 =	vld [tilespmem:s1+$0x140]  }
0x40d: {  	[tilespmem:s31+$0x40] =	vst v4;
	v4 =	vshll.u32 v2, $0x10;
	v2 =	vand.u32 $0xFFFF0000, v2  }
0x40e: {  	v9 =	vld [tilespmem:s1+$0xFFFFFE50];
	[tilespmem:s31+$0xFFFFFCC0] =	vst v1  }
0x40f: {  	[tilespmem:s31+$0xC0] =	vst v8;
	v1 =	vshll.u32 v6, $0x10;
	v6 =	vand.u32 $0xFFFF0000, v6  }
0x410: {  	v8 =	vld [tilespmem:s1+$0xFFFFFED0];
	[tilespmem:s31+$0xFFFFFD40] =	vst v3  }
0x411: {  	[tilespmem:s31+$0x140] =	vst v11;
	v3 =	vshll.u32 v5, $0x10;
	v5 =	vand.u32 $0xFFFF0000, v5  }
0x412: {  	v11 =	vld [tilespmem:s1+$0xFFFFFF50];
	[tilespmem:s31+$0xFFFFFDC0] =	vst v10  }
0x413: {  	v10 =	vshll.u32 v9, $0x10;
	v9 =	vand.u32 $0xFFFF0000, v9;
	[tilespmem:s31+$0x1C0] =	vst v7  }
0x414: {  	v7 =	vld [tilespmem:s1+$0xFFFFFFD0];
	[tilespmem:s31+$0xFFFFFE40] =	vst v4  }
0x415: {  	v4 =	vshll.u32 v8, $0x10;
	v8 =	vand.u32 $0xFFFF0000, v8;
	[tilespmem:s31+$0x240] =	vst v2  }
0x416: {  	v2 =	vld [tilespmem:s1+$0x50];
	[tilespmem:s31+$0xFFFFFEC0] =	vst v1  }
0x417: {  	v1 =	vshll.u32 v11, $0x10;
	v11 =	vand.u32 $0xFFFF0000, v11;
	[tilespmem:s31+$0x2C0] =	vst v6  }
0x418: {  	v6 =	vld [tilespmem:s1+$0xD0];
	[tilespmem:s31+$0xFFFFFF40] =	vst v3  }
0x419: {  	v3 =	vshll.u32 v7, $0x10;
	v7 =	vand.u32 $0xFFFF0000, v7;
	[tilespmem:s31+$0x340] =	vst v5  }
0x41a: {  	[tilespmem:s31+$0xFFFFFC50] =	vst v10;
	v5 =	vld [tilespmem:s1+$0x150]  }
0x41b: {  	[tilespmem:s31+$0x50] =	vst v9;
	v9 =	vshll.u32 v2, $0x10;
	v2 =	vand.u32 $0xFFFF0000, v2  }
0x41c: {  	v10 =	vld [tilespmem:s1+$0xFFFFFE60];
	[tilespmem:s31+$0xFFFFFCD0] =	vst v4  }
0x41d: {  	[tilespmem:s31+$0xD0] =	vst v8;
	v4 =	vshll.u32 v6, $0x10;
	v6 =	vand.u32 $0xFFFF0000, v6  }
0x41e: {  	v8 =	vld [tilespmem:s1+$0xFFFFFEE0];
	[tilespmem:s31+$0xFFFFFD50] =	vst v1  }
0x41f: {  	[tilespmem:s31+$0x150] =	vst v11;
	v1 =	vshll.u32 v5, $0x10;
	v5 =	vand.u32 $0xFFFF0000, v5  }
0x420: {  	v11 =	vld [tilespmem:s1+$0xFFFFFF60];
	[tilespmem:s31+$0xFFFFFDD0] =	vst v3  }
0x421: {  	v3 =	vshll.u32 v10, $0x10;
	v10 =	vand.u32 $0xFFFF0000, v10;
	[tilespmem:s31+$0x1D0] =	vst v7  }
0x422: {  	v7 =	vld [tilespmem:s1+$0xFFFFFFE0];
	[tilespmem:s31+$0xFFFFFE50] =	vst v9  }
0x423: {  	v9 =	vshll.u32 v8, $0x10;
	v8 =	vand.u32 $0xFFFF0000, v8;
	[tilespmem:s31+$0x250] =	vst v2  }
0x424: {  	v2 =	vld [tilespmem:s1+$0x60];
	[tilespmem:s31+$0xFFFFFED0] =	vst v4  }
0x425: {  	v4 =	vshll.u32 v11, $0x10;
	v11 =	vand.u32 $0xFFFF0000, v11;
	[tilespmem:s31+$0x2D0] =	vst v6  }
0x426: {  	v6 =	vld [tilespmem:s1+$0xE0];
	[tilespmem:s31+$0xFFFFFF50] =	vst v1  }
0x427: {  	v1 =	vshll.u32 v7, $0x10;
	v7 =	vand.u32 $0xFFFF0000, v7;
	[tilespmem:s31+$0x350] =	vst v5  }
0x428: {  	[tilespmem:s31+$0xFFFFFC60] =	vst v3;
	v3 =	vld [tilespmem:s1+$0x160]  }
0x429: {  	[tilespmem:s31+$0x60] =	vst v10;
	v5 =	vshll.u32 v2, $0x10;
	v2 =	vand.u32 $0xFFFF0000, v2  }
0x42a: {  	v10 =	vld [tilespmem:s1+$0xFFFFFE70];
	[tilespmem:s31+$0xFFFFFCE0] =	vst v9  }
0x42b: {  	[tilespmem:s31+$0xE0] =	vst v8;
	v8 =	vshll.u32 v6, $0x10;
	v6 =	vand.u32 $0xFFFF0000, v6  }
0x42c: {  	v9 =	vld [tilespmem:s1+$0xFFFFFEF0];
	[tilespmem:s31+$0xFFFFFD60] =	vst v4  }
0x42d: {  	[tilespmem:s31+$0x160] =	vst v11;
	v4 =	vshll.u32 v3, $0x10;
	v3 =	vand.u32 $0xFFFF0000, v3  }
0x42e: {  	v11 =	vld [tilespmem:s1+$0xFFFFFF70];
	[tilespmem:s31+$0xFFFFFDE0] =	vst v1  }
0x42f: {  	v1 =	vshll.u32 v10, $0x10;
	v10 =	vand.u32 $0xFFFF0000, v10;
	[tilespmem:s31+$0x1E0] =	vst v7  }
0x430: {  	v7 =	vld [tilespmem:s1+$0xFFFFFFF0];
	[tilespmem:s31+$0xFFFFFE60] =	vst v5  }
0x431: {  	v5 =	vshll.u32 v9, $0x10;
	v9 =	vand.u32 $0xFFFF0000, v9;
	[tilespmem:s31+$0x260] =	vst v2  }
0x432: {  	v2 =	vld [tilespmem:s1+$0x70];
	[tilespmem:s31+$0xFFFFFEE0] =	vst v8  }
0x433: {  	v8 =	vshll.u32 v11, $0x10;
	v11 =	vand.u32 $0xFFFF0000, v11;
	[tilespmem:s31+$0x2E0] =	vst v6  }
0x434: {  	v6 =	vld [tilespmem:s1+$0xF0];
	[tilespmem:s31+$0xFFFFFF60] =	vst v4  }
0x435: {  	v12 =	vshll.u32 v7, $0x10;
	v7 =	vand.u32 $0xFFFF0000, v7;
	[tilespmem:s31+$0x360] =	vst v3  }
0x436: {  	[tilespmem:s31+$0xFFFFFC70] =	vst v1;
	v4 =	vld [tilespmem:s1+$0x170]  }
0x437: {  	[tilespmem:s31+$0x70] =	vst v10;
	v10 =	vshll.u32 v2, $0x10;
	v1 =	vand.u32 $0xFFFF0000, v2  }
0x438: {  	[tilespmem:s31+$0xFFFFFCF0] =	vst v5  }
0x439: {  	[tilespmem:s31+$0xF0] =	vst v9;
	v2 =	vshll.u32 v6, $0x10;
	v3 =	vand.u32 $0xFFFF0000, v6  }
.Ltmp3:
0x43a: {  	[tilespmem:s31+$0xFFFFFD70] =	vst v8;
	(pc) =	sbr.rel @p0 .LBB2_8-.Ltmp3, $4  }
0x43b: {  	[tilespmem:s31+$0x170] =	vst v11;
	v5 =	vshll.u32 v4, $0x10;
	v4 =	vand.u32 $0xFFFF0000, v4  }
0x43c: {  	[tilespmem:s31+$0xFFFFFDF0] =	vst v12  }
0x43d: {  	[tilespmem:s31+$0x1F0] =	vst v7  }
0x43e: {  	s1 =	sadd.s32 $0x400, s1;
	[tilespmem:s31+$0xFFFFFE70] =	vst v10  }
0x43f: {  	[tilespmem:s31+$0x270] =	vst v1  }
0x440: {  	[tilespmem:s31+$0xFFFFFEF0] =	vst v2  }
0x441: {  	[tilespmem:s31+$0x2F0] =	vst v3  }
0x442: {  	[tilespmem:s31+$0xFFFFFF70] =	vst v5  }
0x443: {  	[tilespmem:s31+$0x370] =	vst v4  }
0x444: {  	[tilespmem:s31+$0xFFFFFFF0] =	vst v0  }
0x445: {  	[hbm4b:s8+s2] =	stream.linear.scatter [tilespmem:s23], [sflag:$0x5], $0x8000, $0x38;
	[tilespmem:$0x1C200] =	vst v63  }
0x446: {  	_ =	swait.ge [sflag:s22], $0x3000  }
0x447: {  	[sflag:s22] =	ssyncset.done $0x0  }
0x448: {  	[sflag:s22] =	ssyncadd.s32 $0xFFFFD000  }
0x449: {  	_ =	swait.ge [sflag:s26], $0x8000  }
0x44a: {  	[sflag:s26] =	ssyncset.done $0x0  }
0x44b: {  	s0 =	simm.s32 $0x4400;
	[sflag:s26] =	ssyncadd.s32 $0xFFFF8000  }
0x44c: {  	v0 =	vld [tilespmem:s0+$0x180];
	_ =	sdelay $0x1  }
0x44d: {  	v1 =	vld [tilespmem:s0+$0xFFFFFE80];
	_ =	sdelay $0x1  }
0x44e: {  	v2 =	vld [tilespmem:s0+$0xFFFFFF00]  }
0x44f: {  	s31 =	simm.s32 $0xC600;
	v3 =	vshll.u32 v0, $0x10  }
0x450: {  	v4 =	vld [tilespmem:s0+$0xFFFFFF80];
	v0 =	vand.u32 $0xFFFF0000, v0;
	[tilespmem:s31+$0xFFFFFF80] =	vst v3  }
0x451: {  	v5 =	vld [tilespmem:s0+$0xFFFFFE00];
	v3 =	vshll.u32 v1, $0x10;
	[tilespmem:s31+$0x380] =	vst v0  }
0x452: {  	v0 =	vand.u32 $0xFFFF0000, v1;
	[tilespmem:s31+$0xFFFFFC80] =	vst v3;
	v1 =	vld [tilespmem:s0+$0x190]  }
0x453: {  	v3 =	vshll.u32 v2, $0x10;
	[tilespmem:s31+$0x80] =	vst v0  }
0x454: {  	v0 =	vand.u32 $0xFFFF0000, v2;
	[tilespmem:s31+$0xFFFFFD00] =	vst v3  }
0x455: {  	v2 =	vshll.u32 v4, $0x10;
	[tilespmem:s31+$0x100] =	vst v0  }
0x456: {  	v0 =	vld [tilespmem:s0+$0x0];
	v3 =	vshll.u32 v5, $0x10;
	[tilespmem:s31+$0xFFFFFD80] =	vst v2  }
0x457: {  	[tilespmem:s31+$0xFFFFFC00] =	vst v3;
	v2 =	vshll.u32 v1, $0x10  }
0x458: {  	v3 =	vld [tilespmem:s0+$0x80];
	v1 =	vand.u32 $0xFFFF0000, v1;
	[tilespmem:s31+$0xFFFFFF90] =	vst v2  }
0x459: {  	v2 =	vand.u32 $0xFFFF0000, v5;
	[tilespmem:s31+$0x390] =	vst v1  }
0x45a: {  	v1 =	vand.u32 $0xFFFF0000, v4;
	[tilespmem:s31+$0x0] =	vst v2;
	v2 =	vld [tilespmem:s0+$0x1A0]  }
0x45b: {  	v4 =	vshll.u32 v0, $0x10;
	[tilespmem:s31+$0x180] =	vst v1  }
0x45c: {  	v0 =	vand.u32 $0xFFFF0000, v0;
	v1 =	vld [tilespmem:s0+$0x100];
	[tilespmem:s31+$0xFFFFFE00] =	vst v4  }
0x45d: {  	v4 =	vshll.u32 v3, $0x10;
	[tilespmem:s31+$0x200] =	vst v0  }
0x45e: {  	v0 =	vand.u32 $0xFFFF0000, v3;
	v3 =	vld [tilespmem:s0+$0xFFFFFE10];
	[tilespmem:s31+$0xFFFFFE80] =	vst v4  }
0x45f: {  	[tilespmem:s31+$0x280] =	vst v0;
	v0 =	vshll.u32 v2, $0x10  }
0x460: {  	v4 =	vld [tilespmem:s0+$0xFFFFFE90];
	[tilespmem:s31+$0xFFFFFFA0] =	vst v0;
	v0 =	vand.u32 $0xFFFF0000, v2  }
0x461: {  	v2 =	vshll.u32 v1, $0x10;
	[tilespmem:s31+$0x3A0] =	vst v0  }
0x462: {  	v0 =	vand.u32 $0xFFFF0000, v1;
	[tilespmem:s31+$0xFFFFFF00] =	vst v2;
	v1 =	vld [tilespmem:s0+$0x1B0]  }
0x463: {  	v2 =	vshll.u32 v3, $0x10;
	[tilespmem:s31+$0x300] =	vst v0  }
0x464: {  	v3 =	vand.u32 $0xFFFF0000, v3;
	v0 =	vld [tilespmem:s0+$0xFFFFFF10];
	[tilespmem:s31+$0xFFFFFC10] =	vst v2  }
0x465: {  	v2 =	vshll.u32 v4, $0x10;
	[tilespmem:s31+$0x10] =	vst v3  }
0x466: {  	v3 =	vand.u32 $0xFFFF0000, v4;
	v4 =	vld [tilespmem:s0+$0xFFFFFF90];
	[tilespmem:s31+$0xFFFFFC90] =	vst v2  }
0x467: {  	[tilespmem:s31+$0x90] =	vst v3;
	v2 =	vshll.u32 v1, $0x10  }
0x468: {  	v3 =	vld [tilespmem:s0+$0x10];
	v1 =	vand.u32 $0xFFFF0000, v1;
	[tilespmem:s31+$0xFFFFFFB0] =	vst v2  }
0x469: {  	v2 =	vshll.u32 v0, $0x10;
	[tilespmem:s31+$0x3B0] =	vst v1  }
0x46a: {  	v0 =	vand.u32 $0xFFFF0000, v0;
	[tilespmem:s31+$0xFFFFFD10] =	vst v2;
	v1 =	vld [tilespmem:s0+$0x1C0]  }
0x46b: {  	v2 =	vshll.u32 v4, $0x10;
	[tilespmem:s31+$0x110] =	vst v0  }
0x46c: {  	v0 =	vld [tilespmem:s0+$0x90];
	v4 =	vand.u32 $0xFFFF0000, v4;
	[tilespmem:s31+$0xFFFFFD90] =	vst v2  }
0x46d: {  	v2 =	vshll.u32 v3, $0x10;
	[tilespmem:s31+$0x190] =	vst v4  }
0x46e: {  	v3 =	vand.u32 $0xFFFF0000, v3;
	v4 =	vld [tilespmem:s0+$0x110];
	[tilespmem:s31+$0xFFFFFE10] =	vst v2  }
0x46f: {  	[tilespmem:s31+$0x210] =	vst v3;
	v2 =	vshll.u32 v1, $0x10  }
0x470: {  	v3 =	vld [tilespmem:s0+$0xFFFFFE20];
	v1 =	vand.u32 $0xFFFF0000, v1;
	[tilespmem:s31+$0xFFFFFFC0] =	vst v2  }
0x471: {  	v2 =	vshll.u32 v0, $0x10;
	[tilespmem:s31+$0x3C0] =	vst v1  }
0x472: {  	v0 =	vand.u32 $0xFFFF0000, v0;
	[tilespmem:s31+$0xFFFFFE90] =	vst v2;
	v1 =	vld [tilespmem:s0+$0x1D0]  }
0x473: {  	v2 =	vshll.u32 v4, $0x10;
	[tilespmem:s31+$0x290] =	vst v0  }
0x474: {  	v0 =	vld [tilespmem:s0+$0xFFFFFEA0];
	v4 =	vand.u32 $0xFFFF0000, v4;
	[tilespmem:s31+$0xFFFFFF10] =	vst v2  }
0x475: {  	v2 =	vshll.u32 v3, $0x10;
	[tilespmem:s31+$0x310] =	vst v4  }
0x476: {  	v3 =	vand.u32 $0xFFFF0000, v3;
	v4 =	vld [tilespmem:s0+$0xFFFFFF20];
	[tilespmem:s31+$0xFFFFFC20] =	vst v2  }
0x477: {  	[tilespmem:s31+$0x20] =	vst v3;
	v2 =	vshll.u32 v1, $0x10  }
0x478: {  	v3 =	vld [tilespmem:s0+$0xFFFFFFA0];
	v1 =	vand.u32 $0xFFFF0000, v1;
	[tilespmem:s31+$0xFFFFFFD0] =	vst v2  }
0x479: {  	v2 =	vshll.u32 v0, $0x10;
	[tilespmem:s31+$0x3D0] =	vst v1  }
0x47a: {  	v0 =	vand.u32 $0xFFFF0000, v0;
	[tilespmem:s31+$0xFFFFFCA0] =	vst v2;
	v1 =	vld [tilespmem:s0+$0x1E0]  }
0x47b: {  	v2 =	vshll.u32 v4, $0x10;
	[tilespmem:s31+$0xA0] =	vst v0  }
0x47c: {  	v0 =	vld [tilespmem:s0+$0x20];
	v4 =	vand.u32 $0xFFFF0000, v4;
	[tilespmem:s31+$0xFFFFFD20] =	vst v2  }
0x47d: {  	v2 =	vshll.u32 v3, $0x10;
	[tilespmem:s31+$0x120] =	vst v4  }
0x47e: {  	v3 =	vand.u32 $0xFFFF0000, v3;
	v4 =	vld [tilespmem:s0+$0xA0];
	[tilespmem:s31+$0xFFFFFDA0] =	vst v2  }
0x47f: {  	[tilespmem:s31+$0x1A0] =	vst v3;
	v2 =	vshll.u32 v1, $0x10  }
0x480: {  	v3 =	vld [tilespmem:s0+$0x120];
	v1 =	vand.u32 $0xFFFF0000, v1;
	[tilespmem:s31+$0xFFFFFFE0] =	vst v2  }
0x481: {  	v2 =	vshll.u32 v0, $0x10;
	[tilespmem:s31+$0x3E0] =	vst v1  }
0x482: {  	v1 =	vand.u32 $0xFFFF0000, v0;
	[tilespmem:s31+$0xFFFFFE20] =	vst v2;
	v0 =	vld [tilespmem:s0+$0x1F0]  }
0x483: {  	v5 =	vshll.u32 v4, $0x10;
	v2 =	vld [tilespmem:s0+$0xFFFFFE30];
	[tilespmem:s31+$0x220] =	vst v1  }
0x484: {  	v1 =	vand.u32 $0xFFFF0000, v4;
	[tilespmem:s31+$0xFFFFFEA0] =	vst v5  }
0x485: {  	v4 =	vshll.u32 v3, $0x10;
	v5 =	vld [tilespmem:s0+$0xFFFFFEB0];
	[tilespmem:s31+$0x2A0] =	vst v1  }
0x486: {  	v1 =	vand.u32 $0xFFFF0000, v3;
	[tilespmem:s31+$0xFFFFFF20] =	vst v4  }
0x487: {  	v3 =	vld [tilespmem:s0+$0xFFFFFF30];
	[tilespmem:s31+$0x320] =	vst v1;
	v1 =	vand.u32 $0xFFFF0000, v0  }
0x488: {  	v4 =	vshll.u32 v2, $0x10;
	[tilespmem:s31+$0x3F0] =	vst v1  }
0x489: {  	v1 =	vand.u32 $0xFFFF0000, v2;
	v2 =	vld [tilespmem:s0+$0xFFFFFFB0];
	[tilespmem:s31+$0xFFFFFC30] =	vst v4  }
0x48a: {  	v4 =	vshll.u32 v5, $0x10;
	[tilespmem:s31+$0x30] =	vst v1  }
0x48b: {  	v1 =	vand.u32 $0xFFFF0000, v5;
	v5 =	vld [tilespmem:s0+$0x30];
	[tilespmem:s31+$0xFFFFFCB0] =	vst v4  }
0x48c: {  	v4 =	vshll.u32 v3, $0x10;
	[tilespmem:s31+$0xB0] =	vst v1  }
0x48d: {  	v1 =	vand.u32 $0xFFFF0000, v3;
	v3 =	vld [tilespmem:s0+$0xB0];
	[tilespmem:s31+$0xFFFFFD30] =	vst v4  }
0x48e: {  	[tilespmem:s31+$0x130] =	vst v1;
	v4 =	vshll.u32 v2, $0x10  }
0x48f: {  	v1 =	vand.u32 $0xFFFF0000, v2;
	v2 =	vld [tilespmem:s0+$0x130];
	[tilespmem:s31+$0xFFFFFDB0] =	vst v4  }
0x490: {  	v4 =	vshll.u32 v5, $0x10;
	[tilespmem:s31+$0x1B0] =	vst v1  }
0x491: {  	v1 =	vand.u32 $0xFFFF0000, v5;
	v5 =	vld [tilespmem:s0+$0xFFFFFE40];
	[tilespmem:s31+$0xFFFFFE30] =	vst v4  }
0x492: {  	v4 =	vshll.u32 v3, $0x10;
	[tilespmem:s31+$0x230] =	vst v1  }
0x493: {  	v1 =	vand.u32 $0xFFFF0000, v3;
	v3 =	vld [tilespmem:s0+$0xFFFFFEC0];
	[tilespmem:s31+$0xFFFFFEB0] =	vst v4  }
0x494: {  	[tilespmem:s31+$0x2B0] =	vst v1;
	v4 =	vshll.u32 v2, $0x10  }
0x495: {  	v1 =	vand.u32 $0xFFFF0000, v2;
	v2 =	vld [tilespmem:s0+$0xFFFFFF40];
	[tilespmem:s31+$0xFFFFFF30] =	vst v4  }
0x496: {  	v4 =	vshll.u32 v5, $0x10;
	[tilespmem:s31+$0x330] =	vst v1  }
0x497: {  	v1 =	vand.u32 $0xFFFF0000, v5;
	v5 =	vld [tilespmem:s0+$0xFFFFFFC0];
	[tilespmem:s31+$0xFFFFFC40] =	vst v4  }
0x498: {  	v4 =	vshll.u32 v3, $0x10;
	[tilespmem:s31+$0x40] =	vst v1  }
0x499: {  	v1 =	vand.u32 $0xFFFF0000, v3;
	v3 =	vld [tilespmem:s0+$0x40];
	[tilespmem:s31+$0xFFFFFCC0] =	vst v4  }
0x49a: {  	[tilespmem:s31+$0xC0] =	vst v1;
	v4 =	vshll.u32 v2, $0x10  }
0x49b: {  	v1 =	vand.u32 $0xFFFF0000, v2;
	v2 =	vld [tilespmem:s0+$0xC0];
	[tilespmem:s31+$0xFFFFFD40] =	vst v4  }
0x49c: {  	v4 =	vshll.u32 v5, $0x10;
	[tilespmem:s31+$0x140] =	vst v1  }
0x49d: {  	v1 =	vand.u32 $0xFFFF0000, v5;
	v5 =	vld [tilespmem:s0+$0x140];
	[tilespmem:s31+$0xFFFFFDC0] =	vst v4  }
0x49e: {  	v4 =	vshll.u32 v3, $0x10;
	[tilespmem:s31+$0x1C0] =	vst v1  }
0x49f: {  	v1 =	vand.u32 $0xFFFF0000, v3;
	v3 =	vld [tilespmem:s0+$0xFFFFFE50];
	[tilespmem:s31+$0xFFFFFE40] =	vst v4  }
0x4a0: {  	[tilespmem:s31+$0x240] =	vst v1;
	v4 =	vshll.u32 v2, $0x10  }
0x4a1: {  	v1 =	vand.u32 $0xFFFF0000, v2;
	v2 =	vld [tilespmem:s0+$0xFFFFFED0];
	[tilespmem:s31+$0xFFFFFEC0] =	vst v4  }
0x4a2: {  	v4 =	vshll.u32 v5, $0x10;
	[tilespmem:s31+$0x2C0] =	vst v1  }
0x4a3: {  	v1 =	vand.u32 $0xFFFF0000, v5;
	v5 =	vld [tilespmem:s0+$0xFFFFFF50];
	[tilespmem:s31+$0xFFFFFF40] =	vst v4  }
0x4a4: {  	v4 =	vshll.u32 v3, $0x10;
	[tilespmem:s31+$0x340] =	vst v1  }
0x4a5: {  	v1 =	vand.u32 $0xFFFF0000, v3;
	v3 =	vld [tilespmem:s0+$0xFFFFFFD0];
	[tilespmem:s31+$0xFFFFFC50] =	vst v4  }
0x4a6: {  	[tilespmem:s31+$0x50] =	vst v1;
	v4 =	vshll.u32 v2, $0x10  }
0x4a7: {  	v1 =	vand.u32 $0xFFFF0000, v2;
	v2 =	vld [tilespmem:s0+$0x50];
	[tilespmem:s31+$0xFFFFFCD0] =	vst v4  }
0x4a8: {  	v4 =	vshll.u32 v5, $0x10;
	[tilespmem:s31+$0xD0] =	vst v1  }
0x4a9: {  	v1 =	vand.u32 $0xFFFF0000, v5;
	v5 =	vld [tilespmem:s0+$0xD0];
	[tilespmem:s31+$0xFFFFFD50] =	vst v4  }
0x4aa: {  	v4 =	vshll.u32 v3, $0x10;
	[tilespmem:s31+$0x150] =	vst v1  }
0x4ab: {  	v1 =	vand.u32 $0xFFFF0000, v3;
	v3 =	vld [tilespmem:s0+$0x150];
	[tilespmem:s31+$0xFFFFFDD0] =	vst v4  }
0x4ac: {  	[tilespmem:s31+$0x1D0] =	vst v1;
	v4 =	vshll.u32 v2, $0x10  }
0x4ad: {  	v1 =	vand.u32 $0xFFFF0000, v2;
	v2 =	vld [tilespmem:s0+$0xFFFFFE60];
	[tilespmem:s31+$0xFFFFFE50] =	vst v4  }
0x4ae: {  	v4 =	vshll.u32 v5, $0x10;
	[tilespmem:s31+$0x250] =	vst v1  }
0x4af: {  	v1 =	vand.u32 $0xFFFF0000, v5;
	v5 =	vld [tilespmem:s0+$0xFFFFFEE0];
	[tilespmem:s31+$0xFFFFFED0] =	vst v4  }
0x4b0: {  	v4 =	vshll.u32 v3, $0x10;
	[tilespmem:s31+$0x2D0] =	vst v1  }
0x4b1: {  	v1 =	vand.u32 $0xFFFF0000, v3;
	v3 =	vld [tilespmem:s0+$0xFFFFFF60];
	[tilespmem:s31+$0xFFFFFF50] =	vst v4  }
0x4b2: {  	[tilespmem:s31+$0x350] =	vst v1;
	v4 =	vshll.u32 v2, $0x10  }
0x4b3: {  	v1 =	vand.u32 $0xFFFF0000, v2;
	v2 =	vld [tilespmem:s0+$0xFFFFFFE0];
	[tilespmem:s31+$0xFFFFFC60] =	vst v4  }
0x4b4: {  	v4 =	vshll.u32 v5, $0x10;
	[tilespmem:s31+$0x60] =	vst v1  }
0x4b5: {  	v1 =	vand.u32 $0xFFFF0000, v5;
	v5 =	vld [tilespmem:s0+$0x60];
	[tilespmem:s31+$0xFFFFFCE0] =	vst v4  }
0x4b6: {  	v4 =	vshll.u32 v3, $0x10;
	[tilespmem:s31+$0xE0] =	vst v1  }
0x4b7: {  	v1 =	vand.u32 $0xFFFF0000, v3;
	v3 =	vld [tilespmem:s0+$0xE0];
	[tilespmem:s31+$0xFFFFFD60] =	vst v4  }
0x4b8: {  	[tilespmem:s31+$0x160] =	vst v1;
	v4 =	vshll.u32 v2, $0x10  }
0x4b9: {  	v1 =	vand.u32 $0xFFFF0000, v2;
	v2 =	vld [tilespmem:s0+$0x160];
	[tilespmem:s31+$0xFFFFFDE0] =	vst v4  }
0x4ba: {  	v4 =	vshll.u32 v5, $0x10;
	[tilespmem:s31+$0x1E0] =	vst v1  }
0x4bb: {  	v1 =	vand.u32 $0xFFFF0000, v5;
	v5 =	vld [tilespmem:s0+$0xFFFFFE70];
	[tilespmem:s31+$0xFFFFFE60] =	vst v4  }
0x4bc: {  	v4 =	vshll.u32 v3, $0x10;
	[tilespmem:s31+$0x260] =	vst v1  }
0x4bd: {  	v1 =	vand.u32 $0xFFFF0000, v3;
	v3 =	vld [tilespmem:s0+$0xFFFFFEF0];
	[tilespmem:s31+$0xFFFFFEE0] =	vst v4  }
0x4be: {  	[tilespmem:s31+$0x2E0] =	vst v1;
	v4 =	vshll.u32 v2, $0x10  }
0x4bf: {  	v6 =	vld [tilespmem:s0+$0x70];
	v1 =	vand.u32 $0xFFFF0000, v2;
	[tilespmem:s31+$0xFFFFFF60] =	vst v4  }
0x4c0: {  	v2 =	vld [tilespmem:s0+$0xFFFFFF70];
	v4 =	vshll.u32 v5, $0x10;
	[tilespmem:s31+$0x360] =	vst v1  }
0x4c1: {  	v1 =	vand.u32 $0xFFFF0000, v5;
	[tilespmem:s31+$0xFFFFFC70] =	vst v4  }
0x4c2: {  	v5 =	vld [tilespmem:s0+$0xFFFFFFF0];
	v4 =	vshll.u32 v3, $0x10;
	[tilespmem:s31+$0x70] =	vst v1  }
0x4c3: {  	v1 =	vand.u32 $0xFFFF0000, v3;
	v3 =	vld [tilespmem:s0+$0xF0];
	[tilespmem:s31+$0xFFFFFCF0] =	vst v4  }
0x4c4: {  	v7 =	vld [tilespmem:s0+$0x170];
	[tilespmem:s31+$0xF0] =	vst v1;
	v8 =	vshll.u32 v6, $0x10  }
0x4c5: {  	[tilespmem:s31+$0xFFFFFE70] =	vst v8;
	v4 =	vshll.u32 v2, $0x10  }
0x4c6: {  	v1 =	vand.u32 $0xFFFF0000, v2;
	[tilespmem:s31+$0xFFFFFD70] =	vst v4  }
0x4c7: {  	v0 =	vshll.u32 v0, $0x10;
	v2 =	vshll.u32 v5, $0x10;
	[tilespmem:s31+$0x170] =	vst v1  }
0x4c8: {  	v4 =	vand.u32 $0xFFFF0000, v5;
	v1 =	vand.u32 $0xFFFF0000, v6;
	[tilespmem:s31+$0xFFFFFDF0] =	vst v2;
	v2 =	vshll.u32 v3, $0x10  }
0x4c9: {  	s1 =	simm.s32 $0x4800;
	s0 =	simm.s32 $0x0;
	[tilespmem:s31+$0x1F0] =	vst v4;
	v3 =	vand.u32 $0xFFFF0000, v3;
	v5 =	vshll.u32 v7, $0x10;
	v4 =	vand.u32 $0xFFFF0000, v7  }
.LBB2_10:
0x4ca: {  	v6 =	vld [tilespmem:s1+$0x180];
	[tilespmem:s31+$0x270] =	vst v1  }
0x4cb: {  	v1 =	vld [tilespmem:s1+$0xFFFFFE80];
	[tilespmem:s31+$0xFFFFFEF0] =	vst v2  }
0x4cc: {  	v2 =	vld [tilespmem:s1+$0xFFFFFF00];
	[tilespmem:s31+$0x2F0] =	vst v3  }
0x4cd: {  	v3 =	vld [tilespmem:s1+$0xFFFFFF80];
	[tilespmem:s31+$0xFFFFFF70] =	vst v5  }
0x4ce: {  	v5 =	vld [tilespmem:s1+$0x0];
	[tilespmem:s31+$0x370] =	vst v4  }
0x4cf: {  	v4 =	vld [tilespmem:s1+$0x80];
	v7 =	vshll.u32 v6, $0x10;
	[tilespmem:s31+$0xFFFFFFF0] =	vst v0;
	s31 =	sadd.s32 $0x800, s31  }
0x4d0: {  	v6 =	vand.u32 $0xFFFF0000, v6;
	v0 =	vshll.u32 v1, $0x10;
	v1 =	vand.u32 $0xFFFF0000, v1;
	v8 =	vld [tilespmem:s1+$0x100];
	[tilespmem:s31+$0xFFFFFF80] =	vst v7  }
0x4d1: {  	s0 =	sadd.s32 $0x8, s0;
	v7 =	vld [tilespmem:s1+$0xFFFFFE00];
	v9 =	vshll.u32 v2, $0x10;
	v2 =	vand.u32 $0xFFFF0000, v2;
	[tilespmem:s31+$0x380] =	vst v6  }
0x4d2: {  	p0 =	slt.u32 s0, $0x58;
	[tilespmem:s31+$0xFFFFFC80] =	vst v0;
	v0 =	vshll.u32 v3, $0x10;
	v3 =	vand.u32 $0xFFFF0000, v3;
	v6 =	vld [tilespmem:s1+$0x190]  }
0x4d3: {  	[tilespmem:s31+$0x80] =	vst v1;
	v1 =	vshll.u32 v5, $0x10;
	v5 =	vand.u32 $0xFFFF0000, v5  }
0x4d4: {  	v10 =	vld [tilespmem:s1+$0xFFFFFE90];
	[tilespmem:s31+$0xFFFFFD00] =	vst v9;
	v9 =	vshll.u32 v4, $0x10;
	v4 =	vand.u32 $0xFFFF0000, v4  }
0x4d5: {  	[tilespmem:s31+$0x100] =	vst v2;
	v2 =	vshll.u32 v8, $0x10;
	v8 =	vand.u32 $0xFFFF0000, v8  }
0x4d6: {  	v11 =	vshll.u32 v7, $0x10;
	v7 =	vand.u32 $0xFFFF0000, v7;
	v12 =	vld [tilespmem:s1+$0xFFFFFF10];
	[tilespmem:s31+$0xFFFFFD80] =	vst v0  }
0x4d7: {  	[tilespmem:s31+$0xFFFFFC00] =	vst v11;
	v0 =	vshll.u32 v6, $0x10  }
0x4d8: {  	[tilespmem:s31+$0xFFFFFF90] =	vst v0;
	v0 =	vand.u32 $0xFFFF0000, v6  }
0x4d9: {  	v6 =	vshll.u32 v10, $0x10;
	v10 =	vand.u32 $0xFFFF0000, v10;
	[tilespmem:s31+$0x390] =	vst v0  }
0x4da: {  	[tilespmem:s31+$0x0] =	vst v7;
	v0 =	vld [tilespmem:s1+$0x1A0]  }
0x4db: {  	v7 =	vld [tilespmem:s1+$0xFFFFFE10];
	v11 =	vshll.u32 v12, $0x10;
	v12 =	vand.u32 $0xFFFF0000, v12;
	[tilespmem:s31+$0x180] =	vst v3  }
0x4dc: {  	v3 =	vld [tilespmem:s1+$0xFFFFFF90];
	[tilespmem:s31+$0xFFFFFE00] =	vst v1  }
0x4dd: {  	[tilespmem:s31+$0x200] =	vst v5  }
0x4de: {  	v1 =	vld [tilespmem:s1+$0x10];
	[tilespmem:s31+$0xFFFFFE80] =	vst v9  }
0x4df: {  	[tilespmem:s31+$0x280] =	vst v4;
	v4 =	vshll.u32 v0, $0x10  }
0x4e0: {  	v0 =	vand.u32 $0xFFFF0000, v0;
	v5 =	vshll.u32 v7, $0x10;
	v7 =	vand.u32 $0xFFFF0000, v7;
	v9 =	vld [tilespmem:s1+$0x90];
	[tilespmem:s31+$0xFFFFFFA0] =	vst v4  }
0x4e1: {  	v4 =	vshll.u32 v3, $0x10;
	v3 =	vand.u32 $0xFFFF0000, v3;
	[tilespmem:s31+$0x3A0] =	vst v0  }
0x4e2: {  	[tilespmem:s31+$0xFFFFFF00] =	vst v2;
	v0 =	vld [tilespmem:s1+$0x1B0]  }
0x4e3: {  	v2 =	vshll.u32 v1, $0x10;
	v1 =	vand.u32 $0xFFFF0000, v1;
	[tilespmem:s31+$0x300] =	vst v8  }
0x4e4: {  	[tilespmem:s31+$0xFFFFFC10] =	vst v5;
	v5 =	vld [tilespmem:s1+$0x110]  }
0x4e5: {  	[tilespmem:s31+$0x10] =	vst v7;
	v7 =	vshll.u32 v9, $0x10;
	v8 =	vand.u32 $0xFFFF0000, v9  }
0x4e6: {  	v9 =	vld [tilespmem:s1+$0xFFFFFE20];
	[tilespmem:s31+$0xFFFFFC90] =	vst v6  }
0x4e7: {  	[tilespmem:s31+$0x90] =	vst v10;
	v6 =	vshll.u32 v0, $0x10  }
0x4e8: {  	v0 =	vand.u32 $0xFFFF0000, v0;
	v10 =	vld [tilespmem:s1+$0xFFFFFEA0];
	[tilespmem:s31+$0xFFFFFFB0] =	vst v6  }
0x4e9: {  	v6 =	vshll.u32 v5, $0x10;
	v5 =	vand.u32 $0xFFFF0000, v5;
	[tilespmem:s31+$0x3B0] =	vst v0  }
0x4ea: {  	[tilespmem:s31+$0xFFFFFD10] =	vst v11;
	v0 =	vld [tilespmem:s1+$0x1C0]  }
0x4eb: {  	v11 =	vshll.u32 v9, $0x10;
	v9 =	vand.u32 $0xFFFF0000, v9;
	[tilespmem:s31+$0x110] =	vst v12  }
0x4ec: {  	v12 =	vld [tilespmem:s1+$0xFFFFFF20];
	[tilespmem:s31+$0xFFFFFD90] =	vst v4  }
0x4ed: {  	v4 =	vshll.u32 v10, $0x10;
	v10 =	vand.u32 $0xFFFF0000, v10;
	[tilespmem:s31+$0x190] =	vst v3  }
0x4ee: {  	v3 =	vld [tilespmem:s1+$0xFFFFFFA0];
	[tilespmem:s31+$0xFFFFFE10] =	vst v2  }
0x4ef: {  	[tilespmem:s31+$0x210] =	vst v1;
	v1 =	vshll.u32 v0, $0x10  }
0x4f0: {  	v0 =	vand.u32 $0xFFFF0000, v0;
	v2 =	vld [tilespmem:s1+$0x20];
	[tilespmem:s31+$0xFFFFFFC0] =	vst v1  }
0x4f1: {  	v1 =	vshll.u32 v12, $0x10;
	v12 =	vand.u32 $0xFFFF0000, v12;
	[tilespmem:s31+$0x3C0] =	vst v0  }
0x4f2: {  	[tilespmem:s31+$0xFFFFFE90] =	vst v7;
	v0 =	vld [tilespmem:s1+$0x1D0]  }
0x4f3: {  	v7 =	vshll.u32 v3, $0x10;
	v3 =	vand.u32 $0xFFFF0000, v3;
	[tilespmem:s31+$0x290] =	vst v8  }
0x4f4: {  	v8 =	vld [tilespmem:s1+$0xA0];
	[tilespmem:s31+$0xFFFFFF10] =	vst v6  }
0x4f5: {  	v6 =	vshll.u32 v2, $0x10;
	v2 =	vand.u32 $0xFFFF0000, v2;
	[tilespmem:s31+$0x310] =	vst v5  }
0x4f6: {  	[tilespmem:s31+$0xFFFFFC20] =	vst v11;
	v5 =	vld [tilespmem:s1+$0x120]  }
0x4f7: {  	[tilespmem:s31+$0x20] =	vst v9;
	v9 =	vshll.u32 v0, $0x10  }
0x4f8: {  	v0 =	vand.u32 $0xFFFF0000, v0;
	v11 =	vld [tilespmem:s1+$0xFFFFFE30];
	[tilespmem:s31+$0xFFFFFFD0] =	vst v9  }
0x4f9: {  	v9 =	vshll.u32 v8, $0x10;
	v8 =	vand.u32 $0xFFFF0000, v8;
	[tilespmem:s31+$0x3D0] =	vst v0  }
0x4fa: {  	[tilespmem:s31+$0xFFFFFCA0] =	vst v4;
	v0 =	vld [tilespmem:s1+$0x1E0]  }
0x4fb: {  	[tilespmem:s31+$0xA0] =	vst v10;
	v4 =	vshll.u32 v5, $0x10;
	v5 =	vand.u32 $0xFFFF0000, v5  }
0x4fc: {  	v10 =	vld [tilespmem:s1+$0xFFFFFEB0];
	[tilespmem:s31+$0xFFFFFD20] =	vst v1  }
0x4fd: {  	v1 =	vshll.u32 v11, $0x10;
	v11 =	vand.u32 $0xFFFF0000, v11;
	[tilespmem:s31+$0x120] =	vst v12  }
0x4fe: {  	v12 =	vld [tilespmem:s1+$0xFFFFFF30];
	[tilespmem:s31+$0xFFFFFDA0] =	vst v7  }
0x4ff: {  	[tilespmem:s31+$0x1A0] =	vst v3;
	v3 =	vshll.u32 v0, $0x10  }
0x500: {  	v0 =	vand.u32 $0xFFFF0000, v0;
	v7 =	vld [tilespmem:s1+$0xFFFFFFB0];
	[tilespmem:s31+$0xFFFFFFE0] =	vst v3  }
0x501: {  	v3 =	vshll.u32 v10, $0x10;
	v10 =	vand.u32 $0xFFFF0000, v10;
	[tilespmem:s31+$0x3E0] =	vst v0  }
0x502: {  	[tilespmem:s31+$0xFFFFFE20] =	vst v6;
	v6 =	vld [tilespmem:s1+$0x1F0]  }
0x503: {  	v13 =	vshll.u32 v12, $0x10;
	v12 =	vand.u32 $0xFFFF0000, v12;
	[tilespmem:s31+$0x220] =	vst v2  }
0x504: {  	v2 =	vld [tilespmem:s1+$0x30];
	[tilespmem:s31+$0xFFFFFEA0] =	vst v9  }
0x505: {  	v9 =	vshll.u32 v7, $0x10;
	v7 =	vand.u32 $0xFFFF0000, v7;
	[tilespmem:s31+$0x2A0] =	vst v8  }
0x506: {  	v8 =	vld [tilespmem:s1+$0xB0];
	[tilespmem:s31+$0xFFFFFF20] =	vst v4  }
0x507: {  	[tilespmem:s31+$0x320] =	vst v5;
	v0 =	vshll.u32 v6, $0x10;
	v4 =	vand.u32 $0xFFFF0000, v6  }
0x508: {  	v5 =	vld [tilespmem:s1+$0x130];
	[tilespmem:s31+$0x3F0] =	vst v4  }
0x509: {  	[tilespmem:s31+$0xFFFFFC30] =	vst v1;
	v1 =	vshll.u32 v2, $0x10;
	v2 =	vand.u32 $0xFFFF0000, v2  }
0x50a: {  	[tilespmem:s31+$0x30] =	vst v11  }
0x50b: {  	v4 =	vld [tilespmem:s1+$0xFFFFFE40];
	[tilespmem:s31+$0xFFFFFCB0] =	vst v3;
	v3 =	vshll.u32 v8, $0x10;
	v6 =	vand.u32 $0xFFFF0000, v8  }
0x50c: {  	[tilespmem:s31+$0xB0] =	vst v10  }
0x50d: {  	v8 =	vld [tilespmem:s1+$0xFFFFFEC0];
	[tilespmem:s31+$0xFFFFFD30] =	vst v13;
	v10 =	vshll.u32 v5, $0x10;
	v5 =	vand.u32 $0xFFFF0000, v5  }
0x50e: {  	[tilespmem:s31+$0x130] =	vst v12  }
0x50f: {  	v11 =	vld [tilespmem:s1+$0xFFFFFF40];
	[tilespmem:s31+$0xFFFFFDB0] =	vst v9  }
0x510: {  	v9 =	vshll.u32 v4, $0x10;
	v4 =	vand.u32 $0xFFFF0000, v4;
	[tilespmem:s31+$0x1B0] =	vst v7  }
0x511: {  	v7 =	vld [tilespmem:s1+$0xFFFFFFC0];
	[tilespmem:s31+$0xFFFFFE30] =	vst v1  }
0x512: {  	v1 =	vshll.u32 v8, $0x10;
	v8 =	vand.u32 $0xFFFF0000, v8;
	[tilespmem:s31+$0x230] =	vst v2  }
0x513: {  	v2 =	vld [tilespmem:s1+$0x40];
	[tilespmem:s31+$0xFFFFFEB0] =	vst v3  }
0x514: {  	v3 =	vshll.u32 v11, $0x10;
	v11 =	vand.u32 $0xFFFF0000, v11;
	[tilespmem:s31+$0x2B0] =	vst v6  }
0x515: {  	v6 =	vld [tilespmem:s1+$0xC0];
	[tilespmem:s31+$0xFFFFFF30] =	vst v10  }
0x516: {  	v10 =	vshll.u32 v7, $0x10;
	v7 =	vand.u32 $0xFFFF0000, v7;
	[tilespmem:s31+$0x330] =	vst v5  }
0x517: {  	[tilespmem:s31+$0xFFFFFC40] =	vst v9;
	v5 =	vld [tilespmem:s1+$0x140]  }
0x518: {  	[tilespmem:s31+$0x40] =	vst v4;
	v4 =	vshll.u32 v2, $0x10;
	v2 =	vand.u32 $0xFFFF0000, v2  }
0x519: {  	v9 =	vld [tilespmem:s1+$0xFFFFFE50];
	[tilespmem:s31+$0xFFFFFCC0] =	vst v1  }
0x51a: {  	[tilespmem:s31+$0xC0] =	vst v8;
	v1 =	vshll.u32 v6, $0x10;
	v6 =	vand.u32 $0xFFFF0000, v6  }
0x51b: {  	v8 =	vld [tilespmem:s1+$0xFFFFFED0];
	[tilespmem:s31+$0xFFFFFD40] =	vst v3  }
0x51c: {  	[tilespmem:s31+$0x140] =	vst v11;
	v3 =	vshll.u32 v5, $0x10;
	v5 =	vand.u32 $0xFFFF0000, v5  }
0x51d: {  	v11 =	vld [tilespmem:s1+$0xFFFFFF50];
	[tilespmem:s31+$0xFFFFFDC0] =	vst v10  }
0x51e: {  	v10 =	vshll.u32 v9, $0x10;
	v9 =	vand.u32 $0xFFFF0000, v9;
	[tilespmem:s31+$0x1C0] =	vst v7  }
0x51f: {  	v7 =	vld [tilespmem:s1+$0xFFFFFFD0];
	[tilespmem:s31+$0xFFFFFE40] =	vst v4  }
0x520: {  	v4 =	vshll.u32 v8, $0x10;
	v8 =	vand.u32 $0xFFFF0000, v8;
	[tilespmem:s31+$0x240] =	vst v2  }
0x521: {  	v2 =	vld [tilespmem:s1+$0x50];
	[tilespmem:s31+$0xFFFFFEC0] =	vst v1  }
0x522: {  	v1 =	vshll.u32 v11, $0x10;
	v11 =	vand.u32 $0xFFFF0000, v11;
	[tilespmem:s31+$0x2C0] =	vst v6  }
0x523: {  	v6 =	vld [tilespmem:s1+$0xD0];
	[tilespmem:s31+$0xFFFFFF40] =	vst v3  }
0x524: {  	v3 =	vshll.u32 v7, $0x10;
	v7 =	vand.u32 $0xFFFF0000, v7;
	[tilespmem:s31+$0x340] =	vst v5  }
0x525: {  	[tilespmem:s31+$0xFFFFFC50] =	vst v10;
	v5 =	vld [tilespmem:s1+$0x150]  }
0x526: {  	[tilespmem:s31+$0x50] =	vst v9;
	v9 =	vshll.u32 v2, $0x10;
	v2 =	vand.u32 $0xFFFF0000, v2  }
0x527: {  	v10 =	vld [tilespmem:s1+$0xFFFFFE60];
	[tilespmem:s31+$0xFFFFFCD0] =	vst v4  }
0x528: {  	[tilespmem:s31+$0xD0] =	vst v8;
	v4 =	vshll.u32 v6, $0x10;
	v6 =	vand.u32 $0xFFFF0000, v6  }
0x529: {  	v8 =	vld [tilespmem:s1+$0xFFFFFEE0];
	[tilespmem:s31+$0xFFFFFD50] =	vst v1  }
0x52a: {  	[tilespmem:s31+$0x150] =	vst v11;
	v1 =	vshll.u32 v5, $0x10;
	v5 =	vand.u32 $0xFFFF0000, v5  }
0x52b: {  	v11 =	vld [tilespmem:s1+$0xFFFFFF60];
	[tilespmem:s31+$0xFFFFFDD0] =	vst v3  }
0x52c: {  	v3 =	vshll.u32 v10, $0x10;
	v10 =	vand.u32 $0xFFFF0000, v10;
	[tilespmem:s31+$0x1D0] =	vst v7  }
0x52d: {  	v7 =	vld [tilespmem:s1+$0xFFFFFFE0];
	[tilespmem:s31+$0xFFFFFE50] =	vst v9  }
0x52e: {  	v9 =	vshll.u32 v8, $0x10;
	v8 =	vand.u32 $0xFFFF0000, v8;
	[tilespmem:s31+$0x250] =	vst v2  }
0x52f: {  	v2 =	vld [tilespmem:s1+$0x60];
	[tilespmem:s31+$0xFFFFFED0] =	vst v4  }
0x530: {  	v4 =	vshll.u32 v11, $0x10;
	v11 =	vand.u32 $0xFFFF0000, v11;
	[tilespmem:s31+$0x2D0] =	vst v6  }
0x531: {  	v6 =	vld [tilespmem:s1+$0xE0];
	[tilespmem:s31+$0xFFFFFF50] =	vst v1  }
0x532: {  	v1 =	vshll.u32 v7, $0x10;
	v7 =	vand.u32 $0xFFFF0000, v7;
	[tilespmem:s31+$0x350] =	vst v5  }
0x533: {  	[tilespmem:s31+$0xFFFFFC60] =	vst v3;
	v3 =	vld [tilespmem:s1+$0x160]  }
0x534: {  	[tilespmem:s31+$0x60] =	vst v10;
	v5 =	vshll.u32 v2, $0x10;
	v2 =	vand.u32 $0xFFFF0000, v2  }
0x535: {  	v10 =	vld [tilespmem:s1+$0xFFFFFE70];
	[tilespmem:s31+$0xFFFFFCE0] =	vst v9  }
0x536: {  	[tilespmem:s31+$0xE0] =	vst v8;
	v8 =	vshll.u32 v6, $0x10;
	v6 =	vand.u32 $0xFFFF0000, v6  }
0x537: {  	v9 =	vld [tilespmem:s1+$0xFFFFFEF0];
	[tilespmem:s31+$0xFFFFFD60] =	vst v4  }
0x538: {  	[tilespmem:s31+$0x160] =	vst v11;
	v4 =	vshll.u32 v3, $0x10;
	v3 =	vand.u32 $0xFFFF0000, v3  }
0x539: {  	v11 =	vld [tilespmem:s1+$0xFFFFFF70];
	[tilespmem:s31+$0xFFFFFDE0] =	vst v1  }
0x53a: {  	v1 =	vshll.u32 v10, $0x10;
	v10 =	vand.u32 $0xFFFF0000, v10;
	[tilespmem:s31+$0x1E0] =	vst v7  }
0x53b: {  	v7 =	vld [tilespmem:s1+$0xFFFFFFF0];
	[tilespmem:s31+$0xFFFFFE60] =	vst v5  }
0x53c: {  	v5 =	vshll.u32 v9, $0x10;
	v9 =	vand.u32 $0xFFFF0000, v9;
	[tilespmem:s31+$0x260] =	vst v2  }
0x53d: {  	v2 =	vld [tilespmem:s1+$0x70];
	[tilespmem:s31+$0xFFFFFEE0] =	vst v8  }
0x53e: {  	v8 =	vshll.u32 v11, $0x10;
	v11 =	vand.u32 $0xFFFF0000, v11;
	[tilespmem:s31+$0x2E0] =	vst v6  }
0x53f: {  	v6 =	vld [tilespmem:s1+$0xF0];
	[tilespmem:s31+$0xFFFFFF60] =	vst v4  }
0x540: {  	v12 =	vshll.u32 v7, $0x10;
	v7 =	vand.u32 $0xFFFF0000, v7;
	[tilespmem:s31+$0x360] =	vst v3  }
0x541: {  	[tilespmem:s31+$0xFFFFFC70] =	vst v1;
	v4 =	vld [tilespmem:s1+$0x170]  }
0x542: {  	[tilespmem:s31+$0x70] =	vst v10;
	v10 =	vshll.u32 v2, $0x10;
	v1 =	vand.u32 $0xFFFF0000, v2  }
0x543: {  	[tilespmem:s31+$0xFFFFFCF0] =	vst v5  }
0x544: {  	[tilespmem:s31+$0xF0] =	vst v9;
	v2 =	vshll.u32 v6, $0x10;
	v3 =	vand.u32 $0xFFFF0000, v6  }
.Ltmp4:
0x545: {  	[tilespmem:s31+$0xFFFFFD70] =	vst v8;
	(pc) =	sbr.rel @p0 .LBB2_10-.Ltmp4, $4  }
0x546: {  	[tilespmem:s31+$0x170] =	vst v11;
	v5 =	vshll.u32 v4, $0x10;
	v4 =	vand.u32 $0xFFFF0000, v4  }
0x547: {  	[tilespmem:s31+$0xFFFFFDF0] =	vst v12  }
0x548: {  	[tilespmem:s31+$0x1F0] =	vst v7  }
0x549: {  	s1 =	sadd.s32 $0x400, s1;
	[tilespmem:s31+$0xFFFFFE70] =	vst v10  }
0x54a: {  	[tilespmem:s31+$0x270] =	vst v1  }
0x54b: {  	[tilespmem:s31+$0xFFFFFEF0] =	vst v2  }
0x54c: {  	[tilespmem:s31+$0x2F0] =	vst v3  }
0x54d: {  	[tilespmem:s31+$0xFFFFFF70] =	vst v5  }
0x54e: {  	[tilespmem:s31+$0x370] =	vst v4  }
0x54f: {  	[tilespmem:s31+$0xFFFFFFF0] =	vst v0  }
0x550: {  	[hbm4b:s9+s2] =	stream.linear.scatter [tilespmem:s20], [sflag:$0x4], $0x6000, $0x38;
	[tilespmem:$0x1C200] =	vst v63  }
0x551: {  	_ =	swait.ge [sflag:s25], $0x1000  }
0x552: {  	[sflag:s25] =	ssyncset.done $0x0  }
0x553: {  	[sflag:s25] =	ssyncadd.s32 $0xFFFFF000  }
0x554: {  	_ =	swait.ge [sflag:s29], $0x8000  }
0x555: {  	[sflag:s29] =	ssyncset.done $0x0  }
0x556: {  	s0 =	simm.s32 $0x8400;
	[sflag:s29] =	ssyncadd.s32 $0xFFFF8000  }
0x557: {  	v0 =	vld [tilespmem:s0+$0x180];
	_ =	sdelay $0x1  }
0x558: {  	v1 =	vld [tilespmem:s0+$0xFFFFFE80];
	_ =	sdelay $0x1  }
0x559: {  	v2 =	vld [tilespmem:s0+$0xFFFFFF00]  }
0x55a: {  	s31 =	simm.s32 $0x14600;
	v3 =	vshll.u32 v0, $0x10  }
0x55b: {  	v4 =	vld [tilespmem:s0+$0xFFFFFF80];
	v0 =	vand.u32 $0xFFFF0000, v0;
	[tilespmem:s31+$0xFFFFFF80] =	vst v3  }
0x55c: {  	v5 =	vld [tilespmem:s0+$0xFFFFFE00];
	v3 =	vshll.u32 v1, $0x10;
	[tilespmem:s31+$0x380] =	vst v0  }
0x55d: {  	v0 =	vand.u32 $0xFFFF0000, v1;
	[tilespmem:s31+$0xFFFFFC80] =	vst v3;
	v1 =	vld [tilespmem:s0+$0x190]  }
0x55e: {  	v3 =	vshll.u32 v2, $0x10;
	[tilespmem:s31+$0x80] =	vst v0  }
0x55f: {  	v0 =	vand.u32 $0xFFFF0000, v2;
	[tilespmem:s31+$0xFFFFFD00] =	vst v3  }
0x560: {  	v2 =	vshll.u32 v4, $0x10;
	[tilespmem:s31+$0x100] =	vst v0  }
0x561: {  	v0 =	vld [tilespmem:s0+$0x0];
	v3 =	vshll.u32 v5, $0x10;
	[tilespmem:s31+$0xFFFFFD80] =	vst v2  }
0x562: {  	[tilespmem:s31+$0xFFFFFC00] =	vst v3;
	v2 =	vshll.u32 v1, $0x10  }
0x563: {  	v3 =	vld [tilespmem:s0+$0x80];
	v1 =	vand.u32 $0xFFFF0000, v1;
	[tilespmem:s31+$0xFFFFFF90] =	vst v2  }
0x564: {  	v2 =	vand.u32 $0xFFFF0000, v5;
	[tilespmem:s31+$0x390] =	vst v1  }
0x565: {  	v1 =	vand.u32 $0xFFFF0000, v4;
	[tilespmem:s31+$0x0] =	vst v2;
	v2 =	vld [tilespmem:s0+$0x1A0]  }
0x566: {  	v4 =	vshll.u32 v0, $0x10;
	[tilespmem:s31+$0x180] =	vst v1  }
0x567: {  	v0 =	vand.u32 $0xFFFF0000, v0;
	v1 =	vld [tilespmem:s0+$0x100];
	[tilespmem:s31+$0xFFFFFE00] =	vst v4  }
0x568: {  	v4 =	vshll.u32 v3, $0x10;
	[tilespmem:s31+$0x200] =	vst v0  }
0x569: {  	v0 =	vand.u32 $0xFFFF0000, v3;
	v3 =	vld [tilespmem:s0+$0xFFFFFE10];
	[tilespmem:s31+$0xFFFFFE80] =	vst v4  }
0x56a: {  	[tilespmem:s31+$0x280] =	vst v0;
	v0 =	vshll.u32 v2, $0x10  }
0x56b: {  	v4 =	vld [tilespmem:s0+$0xFFFFFE90];
	[tilespmem:s31+$0xFFFFFFA0] =	vst v0;
	v0 =	vand.u32 $0xFFFF0000, v2  }
0x56c: {  	v2 =	vshll.u32 v1, $0x10;
	[tilespmem:s31+$0x3A0] =	vst v0  }
0x56d: {  	v0 =	vand.u32 $0xFFFF0000, v1;
	[tilespmem:s31+$0xFFFFFF00] =	vst v2;
	v1 =	vld [tilespmem:s0+$0x1B0]  }
0x56e: {  	v2 =	vshll.u32 v3, $0x10;
	[tilespmem:s31+$0x300] =	vst v0  }
0x56f: {  	v3 =	vand.u32 $0xFFFF0000, v3;
	v0 =	vld [tilespmem:s0+$0xFFFFFF10];
	[tilespmem:s31+$0xFFFFFC10] =	vst v2  }
0x570: {  	v2 =	vshll.u32 v4, $0x10;
	[tilespmem:s31+$0x10] =	vst v3  }
0x571: {  	v3 =	vand.u32 $0xFFFF0000, v4;
	v4 =	vld [tilespmem:s0+$0xFFFFFF90];
	[tilespmem:s31+$0xFFFFFC90] =	vst v2  }
0x572: {  	[tilespmem:s31+$0x90] =	vst v3;
	v2 =	vshll.u32 v1, $0x10  }
0x573: {  	v3 =	vld [tilespmem:s0+$0x10];
	v1 =	vand.u32 $0xFFFF0000, v1;
	[tilespmem:s31+$0xFFFFFFB0] =	vst v2  }
0x574: {  	v2 =	vshll.u32 v0, $0x10;
	[tilespmem:s31+$0x3B0] =	vst v1  }
0x575: {  	v0 =	vand.u32 $0xFFFF0000, v0;
	[tilespmem:s31+$0xFFFFFD10] =	vst v2;
	v1 =	vld [tilespmem:s0+$0x1C0]  }
0x576: {  	v2 =	vshll.u32 v4, $0x10;
	[tilespmem:s31+$0x110] =	vst v0  }
0x577: {  	v0 =	vld [tilespmem:s0+$0x90];
	v4 =	vand.u32 $0xFFFF0000, v4;
	[tilespmem:s31+$0xFFFFFD90] =	vst v2  }
0x578: {  	v2 =	vshll.u32 v3, $0x10;
	[tilespmem:s31+$0x190] =	vst v4  }
0x579: {  	v3 =	vand.u32 $0xFFFF0000, v3;
	v4 =	vld [tilespmem:s0+$0x110];
	[tilespmem:s31+$0xFFFFFE10] =	vst v2  }
0x57a: {  	[tilespmem:s31+$0x210] =	vst v3;
	v2 =	vshll.u32 v1, $0x10  }
0x57b: {  	v3 =	vld [tilespmem:s0+$0xFFFFFE20];
	v1 =	vand.u32 $0xFFFF0000, v1;
	[tilespmem:s31+$0xFFFFFFC0] =	vst v2  }
0x57c: {  	v2 =	vshll.u32 v0, $0x10;
	[tilespmem:s31+$0x3C0] =	vst v1  }
0x57d: {  	v0 =	vand.u32 $0xFFFF0000, v0;
	[tilespmem:s31+$0xFFFFFE90] =	vst v2;
	v1 =	vld [tilespmem:s0+$0x1D0]  }
0x57e: {  	v2 =	vshll.u32 v4, $0x10;
	[tilespmem:s31+$0x290] =	vst v0  }
0x57f: {  	v0 =	vld [tilespmem:s0+$0xFFFFFEA0];
	v4 =	vand.u32 $0xFFFF0000, v4;
	[tilespmem:s31+$0xFFFFFF10] =	vst v2  }
0x580: {  	v2 =	vshll.u32 v3, $0x10;
	[tilespmem:s31+$0x310] =	vst v4  }
0x581: {  	v3 =	vand.u32 $0xFFFF0000, v3;
	v4 =	vld [tilespmem:s0+$0xFFFFFF20];
	[tilespmem:s31+$0xFFFFFC20] =	vst v2  }
0x582: {  	[tilespmem:s31+$0x20] =	vst v3;
	v2 =	vshll.u32 v1, $0x10  }
0x583: {  	v3 =	vld [tilespmem:s0+$0xFFFFFFA0];
	v1 =	vand.u32 $0xFFFF0000, v1;
	[tilespmem:s31+$0xFFFFFFD0] =	vst v2  }
0x584: {  	v2 =	vshll.u32 v0, $0x10;
	[tilespmem:s31+$0x3D0] =	vst v1  }
0x585: {  	v0 =	vand.u32 $0xFFFF0000, v0;
	[tilespmem:s31+$0xFFFFFCA0] =	vst v2;
	v1 =	vld [tilespmem:s0+$0x1E0]  }
0x586: {  	v2 =	vshll.u32 v4, $0x10;
	[tilespmem:s31+$0xA0] =	vst v0  }
0x587: {  	v0 =	vld [tilespmem:s0+$0x20];
	v4 =	vand.u32 $0xFFFF0000, v4;
	[tilespmem:s31+$0xFFFFFD20] =	vst v2  }
0x588: {  	v2 =	vshll.u32 v3, $0x10;
	[tilespmem:s31+$0x120] =	vst v4  }
0x589: {  	v3 =	vand.u32 $0xFFFF0000, v3;
	v4 =	vld [tilespmem:s0+$0xA0];
	[tilespmem:s31+$0xFFFFFDA0] =	vst v2  }
0x58a: {  	[tilespmem:s31+$0x1A0] =	vst v3;
	v2 =	vshll.u32 v1, $0x10  }
0x58b: {  	v3 =	vld [tilespmem:s0+$0x120];
	v1 =	vand.u32 $0xFFFF0000, v1;
	[tilespmem:s31+$0xFFFFFFE0] =	vst v2  }
0x58c: {  	v2 =	vshll.u32 v0, $0x10;
	[tilespmem:s31+$0x3E0] =	vst v1  }
0x58d: {  	v1 =	vand.u32 $0xFFFF0000, v0;
	[tilespmem:s31+$0xFFFFFE20] =	vst v2;
	v0 =	vld [tilespmem:s0+$0x1F0]  }
0x58e: {  	v5 =	vshll.u32 v4, $0x10;
	v2 =	vld [tilespmem:s0+$0xFFFFFE30];
	[tilespmem:s31+$0x220] =	vst v1  }
0x58f: {  	v1 =	vand.u32 $0xFFFF0000, v4;
	[tilespmem:s31+$0xFFFFFEA0] =	vst v5  }
0x590: {  	v4 =	vshll.u32 v3, $0x10;
	v5 =	vld [tilespmem:s0+$0xFFFFFEB0];
	[tilespmem:s31+$0x2A0] =	vst v1  }
0x591: {  	v1 =	vand.u32 $0xFFFF0000, v3;
	[tilespmem:s31+$0xFFFFFF20] =	vst v4  }
0x592: {  	v3 =	vld [tilespmem:s0+$0xFFFFFF30];
	[tilespmem:s31+$0x320] =	vst v1;
	v1 =	vand.u32 $0xFFFF0000, v0  }
0x593: {  	v4 =	vshll.u32 v2, $0x10;
	[tilespmem:s31+$0x3F0] =	vst v1  }
0x594: {  	v1 =	vand.u32 $0xFFFF0000, v2;
	v2 =	vld [tilespmem:s0+$0xFFFFFFB0];
	[tilespmem:s31+$0xFFFFFC30] =	vst v4  }
0x595: {  	v4 =	vshll.u32 v5, $0x10;
	[tilespmem:s31+$0x30] =	vst v1  }
0x596: {  	v1 =	vand.u32 $0xFFFF0000, v5;
	v5 =	vld [tilespmem:s0+$0x30];
	[tilespmem:s31+$0xFFFFFCB0] =	vst v4  }
0x597: {  	v4 =	vshll.u32 v3, $0x10;
	[tilespmem:s31+$0xB0] =	vst v1  }
0x598: {  	v1 =	vand.u32 $0xFFFF0000, v3;
	v3 =	vld [tilespmem:s0+$0xB0];
	[tilespmem:s31+$0xFFFFFD30] =	vst v4  }
0x599: {  	[tilespmem:s31+$0x130] =	vst v1;
	v4 =	vshll.u32 v2, $0x10  }
0x59a: {  	v1 =	vand.u32 $0xFFFF0000, v2;
	v2 =	vld [tilespmem:s0+$0x130];
	[tilespmem:s31+$0xFFFFFDB0] =	vst v4  }
0x59b: {  	v4 =	vshll.u32 v5, $0x10;
	[tilespmem:s31+$0x1B0] =	vst v1  }
0x59c: {  	v1 =	vand.u32 $0xFFFF0000, v5;
	v5 =	vld [tilespmem:s0+$0xFFFFFE40];
	[tilespmem:s31+$0xFFFFFE30] =	vst v4  }
0x59d: {  	v4 =	vshll.u32 v3, $0x10;
	[tilespmem:s31+$0x230] =	vst v1  }
0x59e: {  	v1 =	vand.u32 $0xFFFF0000, v3;
	v3 =	vld [tilespmem:s0+$0xFFFFFEC0];
	[tilespmem:s31+$0xFFFFFEB0] =	vst v4  }
0x59f: {  	[tilespmem:s31+$0x2B0] =	vst v1;
	v4 =	vshll.u32 v2, $0x10  }
0x5a0: {  	v1 =	vand.u32 $0xFFFF0000, v2;
	v2 =	vld [tilespmem:s0+$0xFFFFFF40];
	[tilespmem:s31+$0xFFFFFF30] =	vst v4  }
0x5a1: {  	v4 =	vshll.u32 v5, $0x10;
	[tilespmem:s31+$0x330] =	vst v1  }
0x5a2: {  	v1 =	vand.u32 $0xFFFF0000, v5;
	v5 =	vld [tilespmem:s0+$0xFFFFFFC0];
	[tilespmem:s31+$0xFFFFFC40] =	vst v4  }
0x5a3: {  	v4 =	vshll.u32 v3, $0x10;
	[tilespmem:s31+$0x40] =	vst v1  }
0x5a4: {  	v1 =	vand.u32 $0xFFFF0000, v3;
	v3 =	vld [tilespmem:s0+$0x40];
	[tilespmem:s31+$0xFFFFFCC0] =	vst v4  }
0x5a5: {  	[tilespmem:s31+$0xC0] =	vst v1;
	v4 =	vshll.u32 v2, $0x10  }
0x5a6: {  	v1 =	vand.u32 $0xFFFF0000, v2;
	v2 =	vld [tilespmem:s0+$0xC0];
	[tilespmem:s31+$0xFFFFFD40] =	vst v4  }
0x5a7: {  	v4 =	vshll.u32 v5, $0x10;
	[tilespmem:s31+$0x140] =	vst v1  }
0x5a8: {  	v1 =	vand.u32 $0xFFFF0000, v5;
	v5 =	vld [tilespmem:s0+$0x140];
	[tilespmem:s31+$0xFFFFFDC0] =	vst v4  }
0x5a9: {  	v4 =	vshll.u32 v3, $0x10;
	[tilespmem:s31+$0x1C0] =	vst v1  }
0x5aa: {  	v1 =	vand.u32 $0xFFFF0000, v3;
	v3 =	vld [tilespmem:s0+$0xFFFFFE50];
	[tilespmem:s31+$0xFFFFFE40] =	vst v4  }
0x5ab: {  	[tilespmem:s31+$0x240] =	vst v1;
	v4 =	vshll.u32 v2, $0x10  }
0x5ac: {  	v1 =	vand.u32 $0xFFFF0000, v2;
	v2 =	vld [tilespmem:s0+$0xFFFFFED0];
	[tilespmem:s31+$0xFFFFFEC0] =	vst v4  }
0x5ad: {  	v4 =	vshll.u32 v5, $0x10;
	[tilespmem:s31+$0x2C0] =	vst v1  }
0x5ae: {  	v1 =	vand.u32 $0xFFFF0000, v5;
	v5 =	vld [tilespmem:s0+$0xFFFFFF50];
	[tilespmem:s31+$0xFFFFFF40] =	vst v4  }
0x5af: {  	v4 =	vshll.u32 v3, $0x10;
	[tilespmem:s31+$0x340] =	vst v1  }
0x5b0: {  	v1 =	vand.u32 $0xFFFF0000, v3;
	v3 =	vld [tilespmem:s0+$0xFFFFFFD0];
	[tilespmem:s31+$0xFFFFFC50] =	vst v4  }
0x5b1: {  	[tilespmem:s31+$0x50] =	vst v1;
	v4 =	vshll.u32 v2, $0x10  }
0x5b2: {  	v1 =	vand.u32 $0xFFFF0000, v2;
	v2 =	vld [tilespmem:s0+$0x50];
	[tilespmem:s31+$0xFFFFFCD0] =	vst v4  }
0x5b3: {  	v4 =	vshll.u32 v5, $0x10;
	[tilespmem:s31+$0xD0] =	vst v1  }
0x5b4: {  	v1 =	vand.u32 $0xFFFF0000, v5;
	v5 =	vld [tilespmem:s0+$0xD0];
	[tilespmem:s31+$0xFFFFFD50] =	vst v4  }
0x5b5: {  	v4 =	vshll.u32 v3, $0x10;
	[tilespmem:s31+$0x150] =	vst v1  }
0x5b6: {  	v1 =	vand.u32 $0xFFFF0000, v3;
	v3 =	vld [tilespmem:s0+$0x150];
	[tilespmem:s31+$0xFFFFFDD0] =	vst v4  }
0x5b7: {  	[tilespmem:s31+$0x1D0] =	vst v1;
	v4 =	vshll.u32 v2, $0x10  }
0x5b8: {  	v1 =	vand.u32 $0xFFFF0000, v2;
	v2 =	vld [tilespmem:s0+$0xFFFFFE60];
	[tilespmem:s31+$0xFFFFFE50] =	vst v4  }
0x5b9: {  	v4 =	vshll.u32 v5, $0x10;
	[tilespmem:s31+$0x250] =	vst v1  }
0x5ba: {  	v1 =	vand.u32 $0xFFFF0000, v5;
	v5 =	vld [tilespmem:s0+$0xFFFFFEE0];
	[tilespmem:s31+$0xFFFFFED0] =	vst v4  }
0x5bb: {  	v4 =	vshll.u32 v3, $0x10;
	[tilespmem:s31+$0x2D0] =	vst v1  }
0x5bc: {  	v1 =	vand.u32 $0xFFFF0000, v3;
	v3 =	vld [tilespmem:s0+$0xFFFFFF60];
	[tilespmem:s31+$0xFFFFFF50] =	vst v4  }
0x5bd: {  	[tilespmem:s31+$0x350] =	vst v1;
	v4 =	vshll.u32 v2, $0x10  }
0x5be: {  	v1 =	vand.u32 $0xFFFF0000, v2;
	v2 =	vld [tilespmem:s0+$0xFFFFFFE0];
	[tilespmem:s31+$0xFFFFFC60] =	vst v4  }
0x5bf: {  	v4 =	vshll.u32 v5, $0x10;
	[tilespmem:s31+$0x60] =	vst v1  }
0x5c0: {  	v1 =	vand.u32 $0xFFFF0000, v5;
	v5 =	vld [tilespmem:s0+$0x60];
	[tilespmem:s31+$0xFFFFFCE0] =	vst v4  }
0x5c1: {  	v4 =	vshll.u32 v3, $0x10;
	[tilespmem:s31+$0xE0] =	vst v1  }
0x5c2: {  	v1 =	vand.u32 $0xFFFF0000, v3;
	v3 =	vld [tilespmem:s0+$0xE0];
	[tilespmem:s31+$0xFFFFFD60] =	vst v4  }
0x5c3: {  	[tilespmem:s31+$0x160] =	vst v1;
	v4 =	vshll.u32 v2, $0x10  }
0x5c4: {  	v1 =	vand.u32 $0xFFFF0000, v2;
	v2 =	vld [tilespmem:s0+$0x160];
	[tilespmem:s31+$0xFFFFFDE0] =	vst v4  }
0x5c5: {  	v4 =	vshll.u32 v5, $0x10;
	[tilespmem:s31+$0x1E0] =	vst v1  }
0x5c6: {  	v1 =	vand.u32 $0xFFFF0000, v5;
	v5 =	vld [tilespmem:s0+$0xFFFFFE70];
	[tilespmem:s31+$0xFFFFFE60] =	vst v4  }
0x5c7: {  	v4 =	vshll.u32 v3, $0x10;
	[tilespmem:s31+$0x260] =	vst v1  }
0x5c8: {  	v1 =	vand.u32 $0xFFFF0000, v3;
	v3 =	vld [tilespmem:s0+$0xFFFFFEF0];
	[tilespmem:s31+$0xFFFFFEE0] =	vst v4  }
0x5c9: {  	[tilespmem:s31+$0x2E0] =	vst v1;
	v4 =	vshll.u32 v2, $0x10  }
0x5ca: {  	v6 =	vld [tilespmem:s0+$0x70];
	v1 =	vand.u32 $0xFFFF0000, v2;
	[tilespmem:s31+$0xFFFFFF60] =	vst v4  }
0x5cb: {  	v2 =	vld [tilespmem:s0+$0xFFFFFF70];
	v4 =	vshll.u32 v5, $0x10;
	[tilespmem:s31+$0x360] =	vst v1  }
0x5cc: {  	v1 =	vand.u32 $0xFFFF0000, v5;
	[tilespmem:s31+$0xFFFFFC70] =	vst v4  }
0x5cd: {  	v5 =	vld [tilespmem:s0+$0xFFFFFFF0];
	v4 =	vshll.u32 v3, $0x10;
	[tilespmem:s31+$0x70] =	vst v1  }
0x5ce: {  	v1 =	vand.u32 $0xFFFF0000, v3;
	v3 =	vld [tilespmem:s0+$0xF0];
	[tilespmem:s31+$0xFFFFFCF0] =	vst v4  }
0x5cf: {  	v7 =	vld [tilespmem:s0+$0x170];
	[tilespmem:s31+$0xF0] =	vst v1;
	v8 =	vshll.u32 v6, $0x10  }
0x5d0: {  	[tilespmem:s31+$0xFFFFFE70] =	vst v8;
	v4 =	vshll.u32 v2, $0x10  }
0x5d1: {  	v1 =	vand.u32 $0xFFFF0000, v2;
	[tilespmem:s31+$0xFFFFFD70] =	vst v4  }
0x5d2: {  	v0 =	vshll.u32 v0, $0x10;
	v2 =	vshll.u32 v5, $0x10;
	[tilespmem:s31+$0x170] =	vst v1  }
0x5d3: {  	v4 =	vand.u32 $0xFFFF0000, v5;
	v1 =	vand.u32 $0xFFFF0000, v6;
	[tilespmem:s31+$0xFFFFFDF0] =	vst v2;
	v2 =	vshll.u32 v3, $0x10  }
0x5d4: {  	s1 =	simm.s32 $0x8800;
	s0 =	simm.s32 $0x0;
	[tilespmem:s31+$0x1F0] =	vst v4;
	v3 =	vand.u32 $0xFFFF0000, v3;
	v5 =	vshll.u32 v7, $0x10;
	v4 =	vand.u32 $0xFFFF0000, v7  }
.LBB2_12:
0x5d5: {  	v6 =	vld [tilespmem:s1+$0x180];
	[tilespmem:s31+$0x270] =	vst v1  }
0x5d6: {  	v1 =	vld [tilespmem:s1+$0xFFFFFE80];
	[tilespmem:s31+$0xFFFFFEF0] =	vst v2  }
0x5d7: {  	v2 =	vld [tilespmem:s1+$0xFFFFFF00];
	[tilespmem:s31+$0x2F0] =	vst v3  }
0x5d8: {  	v3 =	vld [tilespmem:s1+$0xFFFFFF80];
	[tilespmem:s31+$0xFFFFFF70] =	vst v5  }
0x5d9: {  	v5 =	vld [tilespmem:s1+$0x0];
	[tilespmem:s31+$0x370] =	vst v4  }
0x5da: {  	v4 =	vld [tilespmem:s1+$0x80];
	v7 =	vshll.u32 v6, $0x10;
	[tilespmem:s31+$0xFFFFFFF0] =	vst v0;
	s31 =	sadd.s32 $0x800, s31  }
0x5db: {  	v6 =	vand.u32 $0xFFFF0000, v6;
	v0 =	vshll.u32 v1, $0x10;
	v1 =	vand.u32 $0xFFFF0000, v1;
	v8 =	vld [tilespmem:s1+$0x100];
	[tilespmem:s31+$0xFFFFFF80] =	vst v7  }
0x5dc: {  	s0 =	sadd.s32 $0x8, s0;
	v7 =	vld [tilespmem:s1+$0xFFFFFE00];
	v9 =	vshll.u32 v2, $0x10;
	v2 =	vand.u32 $0xFFFF0000, v2;
	[tilespmem:s31+$0x380] =	vst v6  }
0x5dd: {  	p0 =	slt.u32 s0, $0x18;
	[tilespmem:s31+$0xFFFFFC80] =	vst v0;
	v0 =	vshll.u32 v3, $0x10;
	v3 =	vand.u32 $0xFFFF0000, v3;
	v6 =	vld [tilespmem:s1+$0x190]  }
0x5de: {  	[tilespmem:s31+$0x80] =	vst v1;
	v1 =	vshll.u32 v5, $0x10;
	v5 =	vand.u32 $0xFFFF0000, v5  }
0x5df: {  	v10 =	vld [tilespmem:s1+$0xFFFFFE90];
	[tilespmem:s31+$0xFFFFFD00] =	vst v9;
	v9 =	vshll.u32 v4, $0x10;
	v4 =	vand.u32 $0xFFFF0000, v4  }
0x5e0: {  	[tilespmem:s31+$0x100] =	vst v2;
	v2 =	vshll.u32 v8, $0x10;
	v8 =	vand.u32 $0xFFFF0000, v8  }
0x5e1: {  	v11 =	vshll.u32 v7, $0x10;
	v7 =	vand.u32 $0xFFFF0000, v7;
	v12 =	vld [tilespmem:s1+$0xFFFFFF10];
	[tilespmem:s31+$0xFFFFFD80] =	vst v0  }
0x5e2: {  	[tilespmem:s31+$0xFFFFFC00] =	vst v11;
	v0 =	vshll.u32 v6, $0x10  }
0x5e3: {  	[tilespmem:s31+$0xFFFFFF90] =	vst v0;
	v0 =	vand.u32 $0xFFFF0000, v6  }
0x5e4: {  	v6 =	vshll.u32 v10, $0x10;
	v10 =	vand.u32 $0xFFFF0000, v10;
	[tilespmem:s31+$0x390] =	vst v0  }
0x5e5: {  	[tilespmem:s31+$0x0] =	vst v7;
	v0 =	vld [tilespmem:s1+$0x1A0]  }
0x5e6: {  	v7 =	vld [tilespmem:s1+$0xFFFFFE10];
	v11 =	vshll.u32 v12, $0x10;
	v12 =	vand.u32 $0xFFFF0000, v12;
	[tilespmem:s31+$0x180] =	vst v3  }
0x5e7: {  	v3 =	vld [tilespmem:s1+$0xFFFFFF90];
	[tilespmem:s31+$0xFFFFFE00] =	vst v1  }
0x5e8: {  	[tilespmem:s31+$0x200] =	vst v5  }
0x5e9: {  	v1 =	vld [tilespmem:s1+$0x10];
	[tilespmem:s31+$0xFFFFFE80] =	vst v9  }
0x5ea: {  	[tilespmem:s31+$0x280] =	vst v4;
	v4 =	vshll.u32 v0, $0x10  }
0x5eb: {  	v0 =	vand.u32 $0xFFFF0000, v0;
	v5 =	vshll.u32 v7, $0x10;
	v7 =	vand.u32 $0xFFFF0000, v7;
	v9 =	vld [tilespmem:s1+$0x90];
	[tilespmem:s31+$0xFFFFFFA0] =	vst v4  }
0x5ec: {  	v4 =	vshll.u32 v3, $0x10;
	v3 =	vand.u32 $0xFFFF0000, v3;
	[tilespmem:s31+$0x3A0] =	vst v0  }
0x5ed: {  	[tilespmem:s31+$0xFFFFFF00] =	vst v2;
	v0 =	vld [tilespmem:s1+$0x1B0]  }
0x5ee: {  	v2 =	vshll.u32 v1, $0x10;
	v1 =	vand.u32 $0xFFFF0000, v1;
	[tilespmem:s31+$0x300] =	vst v8  }
0x5ef: {  	[tilespmem:s31+$0xFFFFFC10] =	vst v5;
	v5 =	vld [tilespmem:s1+$0x110]  }
0x5f0: {  	[tilespmem:s31+$0x10] =	vst v7;
	v7 =	vshll.u32 v9, $0x10;
	v8 =	vand.u32 $0xFFFF0000, v9  }
0x5f1: {  	v9 =	vld [tilespmem:s1+$0xFFFFFE20];
	[tilespmem:s31+$0xFFFFFC90] =	vst v6  }
0x5f2: {  	[tilespmem:s31+$0x90] =	vst v10;
	v6 =	vshll.u32 v0, $0x10  }
0x5f3: {  	v0 =	vand.u32 $0xFFFF0000, v0;
	v10 =	vld [tilespmem:s1+$0xFFFFFEA0];
	[tilespmem:s31+$0xFFFFFFB0] =	vst v6  }
0x5f4: {  	v6 =	vshll.u32 v5, $0x10;
	v5 =	vand.u32 $0xFFFF0000, v5;
	[tilespmem:s31+$0x3B0] =	vst v0  }
0x5f5: {  	[tilespmem:s31+$0xFFFFFD10] =	vst v11;
	v0 =	vld [tilespmem:s1+$0x1C0]  }
0x5f6: {  	v11 =	vshll.u32 v9, $0x10;
	v9 =	vand.u32 $0xFFFF0000, v9;
	[tilespmem:s31+$0x110] =	vst v12  }
0x5f7: {  	v12 =	vld [tilespmem:s1+$0xFFFFFF20];
	[tilespmem:s31+$0xFFFFFD90] =	vst v4  }
0x5f8: {  	v4 =	vshll.u32 v10, $0x10;
	v10 =	vand.u32 $0xFFFF0000, v10;
	[tilespmem:s31+$0x190] =	vst v3  }
0x5f9: {  	v3 =	vld [tilespmem:s1+$0xFFFFFFA0];
	[tilespmem:s31+$0xFFFFFE10] =	vst v2  }
0x5fa: {  	[tilespmem:s31+$0x210] =	vst v1;
	v1 =	vshll.u32 v0, $0x10  }
0x5fb: {  	v0 =	vand.u32 $0xFFFF0000, v0;
	v2 =	vld [tilespmem:s1+$0x20];
	[tilespmem:s31+$0xFFFFFFC0] =	vst v1  }
0x5fc: {  	v1 =	vshll.u32 v12, $0x10;
	v12 =	vand.u32 $0xFFFF0000, v12;
	[tilespmem:s31+$0x3C0] =	vst v0  }
0x5fd: {  	[tilespmem:s31+$0xFFFFFE90] =	vst v7;
	v0 =	vld [tilespmem:s1+$0x1D0]  }
0x5fe: {  	v7 =	vshll.u32 v3, $0x10;
	v3 =	vand.u32 $0xFFFF0000, v3;
	[tilespmem:s31+$0x290] =	vst v8  }
0x5ff: {  	v8 =	vld [tilespmem:s1+$0xA0];
	[tilespmem:s31+$0xFFFFFF10] =	vst v6  }
0x600: {  	v6 =	vshll.u32 v2, $0x10;
	v2 =	vand.u32 $0xFFFF0000, v2;
	[tilespmem:s31+$0x310] =	vst v5  }
0x601: {  	[tilespmem:s31+$0xFFFFFC20] =	vst v11;
	v5 =	vld [tilespmem:s1+$0x120]  }
0x602: {  	[tilespmem:s31+$0x20] =	vst v9;
	v9 =	vshll.u32 v0, $0x10  }
0x603: {  	v0 =	vand.u32 $0xFFFF0000, v0;
	v11 =	vld [tilespmem:s1+$0xFFFFFE30];
	[tilespmem:s31+$0xFFFFFFD0] =	vst v9  }
0x604: {  	v9 =	vshll.u32 v8, $0x10;
	v8 =	vand.u32 $0xFFFF0000, v8;
	[tilespmem:s31+$0x3D0] =	vst v0  }
0x605: {  	[tilespmem:s31+$0xFFFFFCA0] =	vst v4;
	v0 =	vld [tilespmem:s1+$0x1E0]  }
0x606: {  	[tilespmem:s31+$0xA0] =	vst v10;
	v4 =	vshll.u32 v5, $0x10;
	v5 =	vand.u32 $0xFFFF0000, v5  }
0x607: {  	v10 =	vld [tilespmem:s1+$0xFFFFFEB0];
	[tilespmem:s31+$0xFFFFFD20] =	vst v1  }
0x608: {  	v1 =	vshll.u32 v11, $0x10;
	v11 =	vand.u32 $0xFFFF0000, v11;
	[tilespmem:s31+$0x120] =	vst v12  }
0x609: {  	v12 =	vld [tilespmem:s1+$0xFFFFFF30];
	[tilespmem:s31+$0xFFFFFDA0] =	vst v7  }
0x60a: {  	[tilespmem:s31+$0x1A0] =	vst v3;
	v3 =	vshll.u32 v0, $0x10  }
0x60b: {  	v0 =	vand.u32 $0xFFFF0000, v0;
	v7 =	vld [tilespmem:s1+$0xFFFFFFB0];
	[tilespmem:s31+$0xFFFFFFE0] =	vst v3  }
0x60c: {  	v3 =	vshll.u32 v10, $0x10;
	v10 =	vand.u32 $0xFFFF0000, v10;
	[tilespmem:s31+$0x3E0] =	vst v0  }
0x60d: {  	[tilespmem:s31+$0xFFFFFE20] =	vst v6;
	v6 =	vld [tilespmem:s1+$0x1F0]  }
0x60e: {  	v13 =	vshll.u32 v12, $0x10;
	v12 =	vand.u32 $0xFFFF0000, v12;
	[tilespmem:s31+$0x220] =	vst v2  }
0x60f: {  	v2 =	vld [tilespmem:s1+$0x30];
	[tilespmem:s31+$0xFFFFFEA0] =	vst v9  }
0x610: {  	v9 =	vshll.u32 v7, $0x10;
	v7 =	vand.u32 $0xFFFF0000, v7;
	[tilespmem:s31+$0x2A0] =	vst v8  }
0x611: {  	v8 =	vld [tilespmem:s1+$0xB0];
	[tilespmem:s31+$0xFFFFFF20] =	vst v4  }
0x612: {  	[tilespmem:s31+$0x320] =	vst v5;
	v0 =	vshll.u32 v6, $0x10;
	v4 =	vand.u32 $0xFFFF0000, v6  }
0x613: {  	v5 =	vld [tilespmem:s1+$0x130];
	[tilespmem:s31+$0x3F0] =	vst v4  }
0x614: {  	[tilespmem:s31+$0xFFFFFC30] =	vst v1;
	v1 =	vshll.u32 v2, $0x10;
	v2 =	vand.u32 $0xFFFF0000, v2  }
0x615: {  	[tilespmem:s31+$0x30] =	vst v11  }
0x616: {  	v4 =	vld [tilespmem:s1+$0xFFFFFE40];
	[tilespmem:s31+$0xFFFFFCB0] =	vst v3;
	v3 =	vshll.u32 v8, $0x10;
	v6 =	vand.u32 $0xFFFF0000, v8  }
0x617: {  	[tilespmem:s31+$0xB0] =	vst v10  }
0x618: {  	v8 =	vld [tilespmem:s1+$0xFFFFFEC0];
	[tilespmem:s31+$0xFFFFFD30] =	vst v13;
	v10 =	vshll.u32 v5, $0x10;
	v5 =	vand.u32 $0xFFFF0000, v5  }
0x619: {  	[tilespmem:s31+$0x130] =	vst v12  }
0x61a: {  	v11 =	vld [tilespmem:s1+$0xFFFFFF40];
	[tilespmem:s31+$0xFFFFFDB0] =	vst v9  }
0x61b: {  	v9 =	vshll.u32 v4, $0x10;
	v4 =	vand.u32 $0xFFFF0000, v4;
	[tilespmem:s31+$0x1B0] =	vst v7  }
0x61c: {  	v7 =	vld [tilespmem:s1+$0xFFFFFFC0];
	[tilespmem:s31+$0xFFFFFE30] =	vst v1  }
0x61d: {  	v1 =	vshll.u32 v8, $0x10;
	v8 =	vand.u32 $0xFFFF0000, v8;
	[tilespmem:s31+$0x230] =	vst v2  }
0x61e: {  	v2 =	vld [tilespmem:s1+$0x40];
	[tilespmem:s31+$0xFFFFFEB0] =	vst v3  }
0x61f: {  	v3 =	vshll.u32 v11, $0x10;
	v11 =	vand.u32 $0xFFFF0000, v11;
	[tilespmem:s31+$0x2B0] =	vst v6  }
0x620: {  	v6 =	vld [tilespmem:s1+$0xC0];
	[tilespmem:s31+$0xFFFFFF30] =	vst v10  }
0x621: {  	v10 =	vshll.u32 v7, $0x10;
	v7 =	vand.u32 $0xFFFF0000, v7;
	[tilespmem:s31+$0x330] =	vst v5  }
0x622: {  	[tilespmem:s31+$0xFFFFFC40] =	vst v9;
	v5 =	vld [tilespmem:s1+$0x140]  }
0x623: {  	[tilespmem:s31+$0x40] =	vst v4;
	v4 =	vshll.u32 v2, $0x10;
	v2 =	vand.u32 $0xFFFF0000, v2  }
0x624: {  	v9 =	vld [tilespmem:s1+$0xFFFFFE50];
	[tilespmem:s31+$0xFFFFFCC0] =	vst v1  }
0x625: {  	[tilespmem:s31+$0xC0] =	vst v8;
	v1 =	vshll.u32 v6, $0x10;
	v6 =	vand.u32 $0xFFFF0000, v6  }
0x626: {  	v8 =	vld [tilespmem:s1+$0xFFFFFED0];
	[tilespmem:s31+$0xFFFFFD40] =	vst v3  }
0x627: {  	[tilespmem:s31+$0x140] =	vst v11;
	v3 =	vshll.u32 v5, $0x10;
	v5 =	vand.u32 $0xFFFF0000, v5  }
0x628: {  	v11 =	vld [tilespmem:s1+$0xFFFFFF50];
	[tilespmem:s31+$0xFFFFFDC0] =	vst v10  }
0x629: {  	v10 =	vshll.u32 v9, $0x10;
	v9 =	vand.u32 $0xFFFF0000, v9;
	[tilespmem:s31+$0x1C0] =	vst v7  }
0x62a: {  	v7 =	vld [tilespmem:s1+$0xFFFFFFD0];
	[tilespmem:s31+$0xFFFFFE40] =	vst v4  }
0x62b: {  	v4 =	vshll.u32 v8, $0x10;
	v8 =	vand.u32 $0xFFFF0000, v8;
	[tilespmem:s31+$0x240] =	vst v2  }
0x62c: {  	v2 =	vld [tilespmem:s1+$0x50];
	[tilespmem:s31+$0xFFFFFEC0] =	vst v1  }
0x62d: {  	v1 =	vshll.u32 v11, $0x10;
	v11 =	vand.u32 $0xFFFF0000, v11;
	[tilespmem:s31+$0x2C0] =	vst v6  }
0x62e: {  	v6 =	vld [tilespmem:s1+$0xD0];
	[tilespmem:s31+$0xFFFFFF40] =	vst v3  }
0x62f: {  	v3 =	vshll.u32 v7, $0x10;
	v7 =	vand.u32 $0xFFFF0000, v7;
	[tilespmem:s31+$0x340] =	vst v5  }
0x630: {  	[tilespmem:s31+$0xFFFFFC50] =	vst v10;
	v5 =	vld [tilespmem:s1+$0x150]  }
0x631: {  	[tilespmem:s31+$0x50] =	vst v9;
	v9 =	vshll.u32 v2, $0x10;
	v2 =	vand.u32 $0xFFFF0000, v2  }
0x632: {  	v10 =	vld [tilespmem:s1+$0xFFFFFE60];
	[tilespmem:s31+$0xFFFFFCD0] =	vst v4  }
0x633: {  	[tilespmem:s31+$0xD0] =	vst v8;
	v4 =	vshll.u32 v6, $0x10;
	v6 =	vand.u32 $0xFFFF0000, v6  }
0x634: {  	v8 =	vld [tilespmem:s1+$0xFFFFFEE0];
	[tilespmem:s31+$0xFFFFFD50] =	vst v1  }
0x635: {  	[tilespmem:s31+$0x150] =	vst v11;
	v1 =	vshll.u32 v5, $0x10;
	v5 =	vand.u32 $0xFFFF0000, v5  }
0x636: {  	v11 =	vld [tilespmem:s1+$0xFFFFFF60];
	[tilespmem:s31+$0xFFFFFDD0] =	vst v3  }
0x637: {  	v3 =	vshll.u32 v10, $0x10;
	v10 =	vand.u32 $0xFFFF0000, v10;
	[tilespmem:s31+$0x1D0] =	vst v7  }
0x638: {  	v7 =	vld [tilespmem:s1+$0xFFFFFFE0];
	[tilespmem:s31+$0xFFFFFE50] =	vst v9  }
0x639: {  	v9 =	vshll.u32 v8, $0x10;
	v8 =	vand.u32 $0xFFFF0000, v8;
	[tilespmem:s31+$0x250] =	vst v2  }
0x63a: {  	v2 =	vld [tilespmem:s1+$0x60];
	[tilespmem:s31+$0xFFFFFED0] =	vst v4  }
0x63b: {  	v4 =	vshll.u32 v11, $0x10;
	v11 =	vand.u32 $0xFFFF0000, v11;
	[tilespmem:s31+$0x2D0] =	vst v6  }
0x63c: {  	v6 =	vld [tilespmem:s1+$0xE0];
	[tilespmem:s31+$0xFFFFFF50] =	vst v1  }
0x63d: {  	v1 =	vshll.u32 v7, $0x10;
	v7 =	vand.u32 $0xFFFF0000, v7;
	[tilespmem:s31+$0x350] =	vst v5  }
0x63e: {  	[tilespmem:s31+$0xFFFFFC60] =	vst v3;
	v3 =	vld [tilespmem:s1+$0x160]  }
0x63f: {  	[tilespmem:s31+$0x60] =	vst v10;
	v5 =	vshll.u32 v2, $0x10;
	v2 =	vand.u32 $0xFFFF0000, v2  }
0x640: {  	v10 =	vld [tilespmem:s1+$0xFFFFFE70];
	[tilespmem:s31+$0xFFFFFCE0] =	vst v9  }
0x641: {  	[tilespmem:s31+$0xE0] =	vst v8;
	v8 =	vshll.u32 v6, $0x10;
	v6 =	vand.u32 $0xFFFF0000, v6  }
0x642: {  	v9 =	vld [tilespmem:s1+$0xFFFFFEF0];
	[tilespmem:s31+$0xFFFFFD60] =	vst v4  }
0x643: {  	[tilespmem:s31+$0x160] =	vst v11;
	v4 =	vshll.u32 v3, $0x10;
	v3 =	vand.u32 $0xFFFF0000, v3  }
0x644: {  	v11 =	vld [tilespmem:s1+$0xFFFFFF70];
	[tilespmem:s31+$0xFFFFFDE0] =	vst v1  }
0x645: {  	v1 =	vshll.u32 v10, $0x10;
	v10 =	vand.u32 $0xFFFF0000, v10;
	[tilespmem:s31+$0x1E0] =	vst v7  }
0x646: {  	v7 =	vld [tilespmem:s1+$0xFFFFFFF0];
	[tilespmem:s31+$0xFFFFFE60] =	vst v5  }
0x647: {  	v5 =	vshll.u32 v9, $0x10;
	v9 =	vand.u32 $0xFFFF0000, v9;
	[tilespmem:s31+$0x260] =	vst v2  }
0x648: {  	v2 =	vld [tilespmem:s1+$0x70];
	[tilespmem:s31+$0xFFFFFEE0] =	vst v8  }
0x649: {  	v8 =	vshll.u32 v11, $0x10;
	v11 =	vand.u32 $0xFFFF0000, v11;
	[tilespmem:s31+$0x2E0] =	vst v6  }
0x64a: {  	v6 =	vld [tilespmem:s1+$0xF0];
	[tilespmem:s31+$0xFFFFFF60] =	vst v4  }
0x64b: {  	v12 =	vshll.u32 v7, $0x10;
	v7 =	vand.u32 $0xFFFF0000, v7;
	[tilespmem:s31+$0x360] =	vst v3  }
0x64c: {  	[tilespmem:s31+$0xFFFFFC70] =	vst v1;
	v4 =	vld [tilespmem:s1+$0x170]  }
0x64d: {  	[tilespmem:s31+$0x70] =	vst v10;
	v10 =	vshll.u32 v2, $0x10;
	v1 =	vand.u32 $0xFFFF0000, v2  }
0x64e: {  	[tilespmem:s31+$0xFFFFFCF0] =	vst v5  }
0x64f: {  	[tilespmem:s31+$0xF0] =	vst v9;
	v2 =	vshll.u32 v6, $0x10;
	v3 =	vand.u32 $0xFFFF0000, v6  }
.Ltmp5:
0x650: {  	[tilespmem:s31+$0xFFFFFD70] =	vst v8;
	(pc) =	sbr.rel @p0 .LBB2_12-.Ltmp5, $4  }
0x651: {  	[tilespmem:s31+$0x170] =	vst v11;
	v5 =	vshll.u32 v4, $0x10;
	v4 =	vand.u32 $0xFFFF0000, v4  }
0x652: {  	[tilespmem:s31+$0xFFFFFDF0] =	vst v12  }
0x653: {  	[tilespmem:s31+$0x1F0] =	vst v7  }
0x654: {  	s1 =	sadd.s32 $0x400, s1;
	[tilespmem:s31+$0xFFFFFE70] =	vst v10  }
0x655: {  	[tilespmem:s31+$0x270] =	vst v1  }
0x656: {  	[tilespmem:s31+$0xFFFFFEF0] =	vst v2  }
0x657: {  	[tilespmem:s31+$0x2F0] =	vst v3  }
0x658: {  	[tilespmem:s31+$0xFFFFFF70] =	vst v5  }
0x659: {  	[tilespmem:s31+$0x370] =	vst v4  }
0x65a: {  	[tilespmem:s31+$0xFFFFFFF0] =	vst v0;
	s30 =	sadd.s32 $0x1, s30  }
0x65b: {  	[hbm4b:s10+s2] =	stream.linear.scatter [tilespmem:s23], [sflag:$0x5], $0x2000, $0x38;
	[tilespmem:$0x1C200] =	vst v63  }
0x65c: {  	p0 =	sne.s32 s30, s11;
	_ =	swait.ge [sflag:s26], $0x6000  }
.Ltmp6:
0x65d: {  	[sflag:s26] =	ssyncset.done $0x0;
	(pc) =	sbr.rel @p0 .LBB2_1-.Ltmp6, $4  }
0x65e: {  	[sflag:s26] =	ssyncadd.s32 $0xFFFFA000  }
0x65f: {  	_ =	swait.ge [sflag:s29], $0x2000  }
0x660: {  	[sflag:s29] =	ssyncset.done $0x0  }
0x661: {  	[sflag:s29] =	ssyncadd.s32 $0xFFFFE000  }
0x662: {  	_ =	sfence.sel $0x180000  }
0x663: {  	[bflag:$0x0] =	sbarrier.arrive $0xFFFF  }
0x664: {  	_ =	strace $0x90000047  }
0x665: {  	s0 =	stileid.u32;
	[bflag:$0x2] =	sbarrier.arrive $0xFFFF  }
0x666: {  	p0 =	sne.s32 s0, $0x0;
	s0 =	rddreg [dreg:$0x2]  }
0x667: {  	s0 =	sadd.s32 @!p0 $0x100000, s0  }
0x668: {  	[sflag:s0] =	ssyncadd.tile.s32 @!p0 $0x1;
	_ =	shalt  }
.Lfunc_end2:
_tile_overlayer_lowered:
.L_overlay_start_2:
0x669: {  	(tag) =	ssettag $0x2  }
0x66a: {  	s0 =	rddreg [dreg:$0x0];
	s2 =	stileid.u32  }
0x66b: {  	s1 =	rddreg [dreg:$0x1];
	p0 =	sne.s32 s2, $0x0  }
0x66c: {  	s3 =	rddreg [dreg:$0x2];
	[bflag:$0x3] =	sbarrier.arrive $0xFFFF;
	s2 =	simm.s32 @!p0 $0x1C06  }
0x66d: {  	[timem:s3], [sflag:s2] =	dma.local @!p0 [hbm:s0], s1  }
0x66e: {  	s0 =	simm.s32 @!p0 $0x6  }
0x66f: {  	_ =	swait.ge @!p0 [sflag:s0], s1  }
0x670: {  	s1 =	ssub.s32 @!p0 $0x0, s1;
	[sflag:s0] =	ssyncset.done @!p0 $0x0  }
0x671: {  	[sflag:s0] =	ssyncadd.s32 @!p0 s1  }
0x672: {  	[bflag:$0x3] =	sbarrier.arrive $0xFFFF  }
0x673: {  	_ =	shalt  }

</sc_bundles>
